<compile_context>
chip_gen: v7x
topology: tpu7x:2x2x1
jax: 0.10.2.dev20260603
libtpu: 0.0.44.dev20260713+nightly
codegen_flags: <defaults>
</compile_context>

<pallas_src>
import math

import jax
import jax.numpy as jnp
from jax import lax
from jax.experimental import pallas as pl
from jax.experimental.pallas import tpu as pltpu
from jax.experimental.pallas import tpu_sc as plsc

_NMOV = 500000
_NTERM = 10000
_NFIL = 190000
_NTOT = _NMOV + _NTERM + _NFIL
_NB = 512
_NBINS = _NB * _NB
_XL, _YL, _XH, _YH = 0.0, 0.0, 1000.0, 1000.0
_BS = (_XH - _XL) / _NB
_INV_BS = 1.0 / _BS
_TD = 0.9
_SQRT2 = math.sqrt(2.0)
_KS = _BS * _SQRT2
_BIN_AREA = _BS * _BS

_NC = 2
_NS = 16
_NW = _NC * _NS
_L = 16

_CH = 1024
_MV_CPW = 16
_MV_PER_W = _MV_CPW * _CH
_FIL_BASE = _NMOV + _NTERM
_FIL_CPW = 6
_FIL_PER_W = _FIL_CPW * _CH
_FX_BASE = _NMOV
_FX_PER_W = 320
_FXV = _FX_PER_W // _L

_SZ_PAD = _FIL_BASE + _NW * _FIL_PER_W
_POS_PAD = _NTOT + _SZ_PAD

_SLICE = _NBINS // _NS
_IGNORED = -1


def _axis_windows(p, size, n_k):
    pe = p + size
    bi = jnp.clip((p * _INV_BS).astype(jnp.int32), 0, _NB - 1)
    blo0 = bi.astype(jnp.float32) * _BS
    out = []
    for k in range(n_k):
        blo = blo0 + (k * _BS)
        ov = jnp.maximum(
            jnp.minimum(pe, blo + _BS) - jnp.maximum(p, blo), 0.0)
        out.append((ov, jnp.minimum(bi + k, _NB - 1)))
    return out


def _sc_body(pos, nsx, nsy, m10v, rh2v, zeros_hbm,
             out_maps,
             xb, yb, sxb, syb, vals0, idx0, vals1, idx1,
             fvals, fidx, m10b, rh2b,
             sem, fsem, dmap):
    cid = lax.axis_index("c")
    sid = lax.axis_index("s")
    wid = cid * _NS + sid
    lane = lax.iota(jnp.int32, _L)

    pltpu.sync_copy(zeros_hbm.at[pl.ds(sid * _SLICE, _SLICE)],
                    dmap.at[pl.ds(sid * _SLICE, _SLICE)])
    pltpu.sync_copy(m10v, m10b)
    pltpu.sync_copy(rh2v, rh2b)
    plsc.subcore_barrier()

    fbase = _FX_BASE + wid * _FX_PER_W
    pltpu.sync_copy(pos.at[pl.ds(fbase, _FX_PER_W)], xb.at[pl.ds(0, _FX_PER_W)])
    pltpu.sync_copy(pos.at[pl.ds(_NTOT + fbase, _FX_PER_W)],
                    yb.at[pl.ds(0, _FX_PER_W)])
    pltpu.sync_copy(nsx.at[pl.ds(fbase, _FX_PER_W)],
                    sxb.at[pl.ds(0, _FX_PER_W)])
    pltpu.sync_copy(nsy.at[pl.ds(fbase, _FX_PER_W)],
                    syb.at[pl.ds(0, _FX_PER_W)])

    def fvec_body(v, _):
        o = v * _L
        x = xb[pl.ds(o, _L)]
        y = yb[pl.ds(o, _L)]
        sx = sxb[pl.ds(o, _L)]
        sy = syb[pl.ds(o, _L)]
        w = jnp.where(lane < _FX_BASE + _NTERM - fbase - o, _TD, 0.0)
        pxs = [(px * w, bxc * _NB) for px, bxc in _axis_windows(x, sx, 8)]
        pys = _axis_windows(y, sy, 8)
        for i in range(8):
            pxw, bx5 = pxs[i]
            for j in range(8):
                py, byc = pys[j]
                p = (i * 8 + j) * _FX_PER_W + o
                val = pxw * py
                fvals[pl.ds(p, _L)] = val
                fidx[pl.ds(p, _L)] = jnp.where(val != 0.0, bx5 + byc,
                                               _IGNORED)
        return _

    lax.fori_loop(0, _FXV, fvec_body, None)
    pltpu.async_copy(fvals, dmap.at[plsc.Indices(fidx, ignored_value=_IGNORED)],
                     fsem, add=True)

    def mv_chunk(base, limit, with_macro, vals_b, idx_b):
        pltpu.sync_copy(pos.at[pl.ds(base, _CH)], xb)
        pltpu.sync_copy(pos.at[pl.ds(_NTOT + base, _CH)], yb)
        pltpu.sync_copy(nsx.at[pl.ds(base, _CH)], sxb)
        pltpu.sync_copy(nsy.at[pl.ds(base, _CH)], syb)
        m10 = m10b[pl.ds(0, _L)]
        rh2 = rh2b[pl.ds(0, _L)]

        def vec_body(v, _):
            o = v * _L
            x = xb[pl.ds(o, _L)]
            y = yb[pl.ds(o, _L)]
            nx = sxb[pl.ds(o, _L)]
            ny = syb[pl.ds(o, _L)]
            sxc = jnp.maximum(nx, _KS)
            syc = jnp.maximum(ny, _KS)
            xs = x + (nx - sxc) * 0.5
            ys = y + (ny - syc) * 0.5
            area = nx * ny
            w = area / (sxc * syc)
            if with_macro:
                w = jnp.where((area > m10) & (ny > rh2), _TD, w)
            w = jnp.where(lane < limit - base - o, w, 0.0)
            pxs = [(px * w, bxc * _NB)
                   for px, bxc in _axis_windows(xs, sxc, 3)]
            pys = _axis_windows(ys, syc, 3)
            for i in range(3):
                pxw, bx5 = pxs[i]
                for j in range(3):
                    py, byc = pys[j]
                    k9 = i * 3 + j
                    val = pxw * py
                    vals_b[pl.ds(k9 * _CH + o, _L)] = val
                    idx_b[pl.ds(k9 * _CH + o, _L)] = jnp.where(
                        val != 0.0, bx5 + byc, _IGNORED)
            return _

        lax.fori_loop(0, _CH // _L, vec_body, None)

    def run_phase(pair0, npairs, wbase, limit, with_macro):
        def pair_body(t, _):
            base = wbase + (2 * t) * _CH
            mv_chunk(base, limit, with_macro, vals0, idx0)

            @pl.when(t > pair0)
            def _drain_b():
                pltpu.make_async_copy(
                    vals1, dmap.at[plsc.Indices(idx1, ignored_value=_IGNORED)],
                    sem).wait()

            pltpu.async_copy(
                vals0, dmap.at[plsc.Indices(idx0, ignored_value=_IGNORED)],
                sem, add=True)
            mv_chunk(base + _CH, limit, with_macro, vals1, idx1)
            pltpu.make_async_copy(
                vals0, dmap.at[plsc.Indices(idx0, ignored_value=_IGNORED)],
                sem).wait()
            pltpu.async_copy(
                vals1, dmap.at[plsc.Indices(idx1, ignored_value=_IGNORED)],
                sem, add=True)
            return _

        lax.fori_loop(pair0, pair0 + npairs, pair_body, None)
        pltpu.make_async_copy(
            vals1, dmap.at[plsc.Indices(idx1, ignored_value=_IGNORED)],
            sem).wait()

    run_phase(0, _MV_CPW // 2, wid * _MV_PER_W, _NMOV, True)
    run_phase(0, _FIL_CPW // 2, _FIL_BASE + wid * _FIL_PER_W, _NTOT, False)
    pltpu.make_async_copy(
        fvals, dmap.at[plsc.Indices(fidx, ignored_value=_IGNORED)],
        fsem).wait()

    plsc.subcore_barrier()
    pltpu.sync_copy(dmap.at[pl.ds(sid * _SLICE, _SLICE)],
                    out_maps.at[cid, pl.ds(sid * _SLICE, _SLICE)])


def _sc_density_maps(pos, nsx, nsy, m10v, rh2v, zeros):
    mesh = plsc.VectorSubcoreMesh(core_axis_name="c", subcore_axis_name="s",
                                  num_cores=_NC, num_subcores=_NS)
    f = pl.kernel(
        _sc_body,
        out_type=jax.ShapeDtypeStruct((_NC, _NBINS), jnp.float32),
        mesh=mesh,
        scratch_types=[
            pltpu.VMEM((_CH,), jnp.float32),
            pltpu.VMEM((_CH,), jnp.float32),
            pltpu.VMEM((_CH,), jnp.float32),
            pltpu.VMEM((_CH,), jnp.float32),
            pltpu.VMEM((9 * _CH,), jnp.float32),
            pltpu.VMEM((9 * _CH,), jnp.int32),
            pltpu.VMEM((9 * _CH,), jnp.float32),
            pltpu.VMEM((9 * _CH,), jnp.int32),
            pltpu.VMEM((64 * _FX_PER_W,), jnp.float32),
            pltpu.VMEM((64 * _FX_PER_W,), jnp.int32),
            pltpu.VMEM((_L,), jnp.float32),
            pltpu.VMEM((_L,), jnp.float32),
            pltpu.SemaphoreType.DMA,
            pltpu.SemaphoreType.DMA,
            pltpu.VMEM_SHARED((_NBINS,), jnp.float32),
        ],
    )
    return f(pos, nsx, nsy, m10v, rh2v, zeros)


def _reduce_kernel(maps_ref, cost_ref, maxd_ref):
    a = maps_ref[:, :]
    d = a[:_NB, :] + a[_NB:, :]
    cost_ref[:, :] = jnp.sum(jnp.maximum(d - _TD * _BIN_AREA, 0.0),
                             keepdims=True)
    maxd_ref[:, :] = jnp.max(d, keepdims=True) / _BIN_AREA


def kernel(pos, node_size_x, node_size_y, bin_center_x, bin_center_y):
    area_mov = node_size_x[:_NMOV] * node_size_y[:_NMOV]
    m10 = jnp.mean(area_mov) * 10.0
    rh2 = jnp.min(node_size_y[:_NMOV]) * 2.0
    m10v = jnp.full((_L,), m10, jnp.float32)
    rh2v = jnp.full((_L,), rh2, jnp.float32)

    pos_pad = jnp.pad(pos, (0, _POS_PAD - 2 * _NTOT))
    nsx_pad = jnp.pad(node_size_x, (0, _SZ_PAD - _NTOT))
    nsy_pad = jnp.pad(node_size_y, (0, _SZ_PAD - _NTOT))
    zeros = jnp.zeros((_NBINS,), jnp.float32)

    maps = _sc_density_maps(pos_pad, nsx_pad, nsy_pad, m10v, rh2v, zeros)

    out_spec = pl.BlockSpec((1, 1), lambda: (0, 0))
    cost, maxd = pl.pallas_call(
        _reduce_kernel,
        in_specs=[pl.BlockSpec((_NC * _NB, _NB), lambda: (0, 0))],
        out_specs=[out_spec, out_spec],
        out_shape=[jax.ShapeDtypeStruct((1, 1), jnp.float32),
                   jax.ShapeDtypeStruct((1, 1), jnp.float32)],
    )(maps.reshape(_NC * _NB, _NB))
    return (cost.reshape(()), maxd.reshape(()))

# --- scband reference (transcript-rebuilt; emitter-appended) ---
"""Pipeline reference for scband-electric-overflow-27650999452253 (READ-ONLY COPY).

The authoritative reference and input builder live on the scoring server;
editing this copy changes nothing except your own understanding.
"""

import jax, jax.numpy as jnp
import numpy as np
import math

NUM_MOVABLE = 500000
NUM_TERMINALS = 10000
NUM_FILLER = 190000
N = NUM_MOVABLE + NUM_TERMINALS + NUM_FILLER
XL, YL, XH, YH = 0.0, 0.0, 1000.0, 1000.0
NUM_BINS_X = 512
NUM_BINS_Y = 512
BIN_SIZE_X = (XH - XL) / NUM_BINS_X
BIN_SIZE_Y = (YH - YL) / NUM_BINS_Y
TARGET_DENSITY = 0.9
SQRT2 = math.sqrt(2.0)
K_MOV = 3   # stretched std cells span <= 3 bins per dim
K_FIX = 8   # fixed macros (size <= 12um, bin 1.953um) span <= 8 bins per dim


def setup_inputs(seed: int = 0):
    key = jax.random.key(seed)
    k1, k2, k3, k4, k5 = jax.random.split(key, 5)
    sx_mov = jax.random.uniform(k1, (NUM_MOVABLE,), minval=0.5, maxval=2.5)
    sy_mov = jnp.full((NUM_MOVABLE,), 2.0)
    sx_fix = jax.random.uniform(k2, (NUM_TERMINALS,), minval=4.0, maxval=12.0)
    sy_fix = jax.random.uniform(k3, (NUM_TERMINALS,), minval=4.0, maxval=12.0)
    sx_fil = jnp.full((NUM_FILLER,), 1.5)
    sy_fil = jnp.full((NUM_FILLER,), 2.0)
    node_size_x = jnp.concatenate([sx_mov, sx_fix, sx_fil]).astype(jnp.float32)
    node_size_y = jnp.concatenate([sy_mov, sy_fix, sy_fil]).astype(jnp.float32)
    pos_x = jax.random.uniform(k4, (N,), minval=XL, maxval=XH - 12.0)
    pos_y = jax.random.uniform(k5, (N,), minval=YL, maxval=YH - 12.0)
    pos = jnp.concatenate([pos_x, pos_y]).astype(jnp.float32)
    bin_center_x = (XL + (jnp.arange(NUM_BINS_X) + 0.5) * BIN_SIZE_X).astype(jnp.float32)
    bin_center_y = (YL + (jnp.arange(NUM_BINS_Y) + 0.5) * BIN_SIZE_Y).astype(jnp.float32)
    return {"pos": pos, "node_size_x": node_size_x, "node_size_y": node_size_y,
            "bin_center_x": bin_center_x, "bin_center_y": bin_center_y}


def _density_map(x, y, sx, sy, w, bin_center_x, bin_center_y, k_win):
    bix = jnp.clip(jnp.floor((x - XL) / BIN_SIZE_X).astype(jnp.int32), 0, NUM_BINS_X - 1)
    biy = jnp.clip(jnp.floor((y - YL) / BIN_SIZE_Y).astype(jnp.int32), 0, NUM_BINS_Y - 1)
    dmap = jnp.zeros((NUM_BINS_X, NUM_BINS_Y), dtype=jnp.float32)
    for i in range(k_win):
        bx_raw = bix + i
        valid_x = bx_raw < NUM_BINS_X
        bx = jnp.minimum(bx_raw, NUM_BINS_X - 1)
        blo_x = bin_center_x[bx] - 0.5 * BIN_SIZE_X
        px = jnp.minimum(x + sx, blo_x + BIN_SIZE_X) - jnp.maximum(x, blo_x)
        px = jnp.where(valid_x, jnp.maximum(px, 0.0), 0.0)
        for j in range(k_win):
            by_raw = biy + j
            valid_y = by_raw < NUM_BINS_Y
            by = jnp.minimum(by_raw, NUM_BINS_Y - 1)
            blo_y = bin_center_y[by] - 0.5 * BIN_SIZE_Y
            py = jnp.minimum(y + sy, blo_y + BIN_SIZE_Y) - jnp.maximum(y, blo_y)
            py = jnp.where(valid_y, jnp.maximum(py, 0.0), 0.0)
            dmap = dmap.at[bx, by].add(px * py * w)
    return dmap


def reference(pos, node_size_x, node_size_y, bin_center_x, bin_center_y):
    pos_x = pos[:N]
    pos_y = pos[N:]
    # cell stretching as in ElectricOverflow.__init__
    sx_cl = jnp.maximum(node_size_x, BIN_SIZE_X * SQRT2)
    sy_cl = jnp.maximum(node_size_y, BIN_SIZE_Y * SQRT2)
    off_x = (node_size_x - sx_cl) * 0.5
    off_y = (node_size_y - sy_cl) * 0.5
    node_area = node_size_x * node_size_y
    ratio = node_area / (sx_cl * sy_cl)
    if TARGET_DENSITY < 1.0:
        mean_area = jnp.mean(node_area[:NUM_MOVABLE]) * 10.0
        row_h = jnp.min(node_size_y[:NUM_MOVABLE]) * 2.0
        macro = (node_area[:NUM_MOVABLE] > mean_area) & (node_size_y[:NUM_MOVABLE] > row_h)
        ratio = ratio.at[:NUM_MOVABLE].set(jnp.where(macro, TARGET_DENSITY, ratio[:NUM_MOVABLE]))
    # movable + filler density with stretched cells
    idx = jnp.concatenate([jnp.arange(NUM_MOVABLE), jnp.arange(N - NUM_FILLER, N)])
    x_s = pos_x[idx] + off_x[idx]
    y_s = pos_y[idx] + off_y[idx]
    dmap = _density_map(x_s, y_s, sx_cl[idx], sy_cl[idx], ratio[idx],
                        bin_center_x, bin_center_y, K_MOV)
    # fixed-cell initial density map (exact sizes), scaled by target density
    fx = slice(NUM_MOVABLE, NUM_MOVABLE + NUM_TERMINALS)
    init_map = _density_map(pos_x[fx], pos_y[fx], node_size_x[fx], node_size_y[fx],
                            jnp.ones((NUM_TERMINALS,), jnp.float32),
                            bin_center_x, bin_center_y, K_FIX)
    density_map = dmap + init_map * TARGET_DENSITY
    bin_area = BIN_SIZE_X * BIN_SIZE_Y
    density_cost = jnp.sum(jnp.maximum(density_map - TARGET_DENSITY * bin_area, 0.0))
    max_density = jnp.max(density_map) / bin_area
    return (density_cost, max_density)

if __name__ == "__main__":
    import jax
    _d = setup_inputs()
    print(jax.jit(kernel)(*tuple(_d.values())))

</pallas_src>

<mosaic_0001>
#map = affine_map<(d0, d1) -> (0)>
#map1 = affine_map<(d0, d1) -> (0, 0)>
module attributes {stable_mosaic.version = 14 : i64} {
  func.func @_sc_body(%arg0: i32, %arg1: i32, %arg2: memref<1406608xf32, #tpu.memory_space<hbm>>, %arg3: memref<706608xf32, #tpu.memory_space<hbm>>, %arg4: memref<706608xf32, #tpu.memory_space<hbm>>, %arg5: memref<16xf32, #tpu.memory_space<hbm>>, %arg6: memref<16xf32, #tpu.memory_space<hbm>>, %arg7: memref<262144xf32, #tpu.memory_space<hbm>>, %arg8: memref<2x262144xf32, #tpu.memory_space<hbm>>, %arg9: memref<1024xf32, #tpu.memory_space<vmem>>, %arg10: memref<1024xf32, #tpu.memory_space<vmem>>, %arg11: memref<1024xf32, #tpu.memory_space<vmem>>, %arg12: memref<1024xf32, #tpu.memory_space<vmem>>, %arg13: memref<9216xf32, #tpu.memory_space<vmem>>, %arg14: memref<9216xi32, #tpu.memory_space<vmem>>, %arg15: memref<9216xf32, #tpu.memory_space<vmem>>, %arg16: memref<9216xi32, #tpu.memory_space<vmem>>, %arg17: memref<20480xf32, #tpu.memory_space<vmem>>, %arg18: memref<20480xi32, #tpu.memory_space<vmem>>, %arg19: memref<16xf32, #tpu.memory_space<vmem>>, %arg20: memref<16xf32, #tpu.memory_space<vmem>>, %arg21: memref<!tpu.dma_semaphore, #tpu.memory_space<semaphore_mem>>, %arg22: memref<!tpu.dma_semaphore, #tpu.memory_space<semaphore_mem>>, %arg23: memref<262144xf32, #tpu.memory_space<vmem_shared>>) attributes {dimension_semantics = [#tpu.dimension_semantics<core_parallel>, #tpu.dimension_semantics<subcore_parallel>], iteration_bounds = array<i64: 2, 16>, scalar_prefetch = 0 : i64, scratch_operands = 15 : i64, tpu.core_type = #tpu.core_type<sc_vector_subcore>, window_params = [{transform_indices = #map}, {transform_indices = #map}, {transform_indices = #map}, {transform_indices = #map}, {transform_indices = #map}, {transform_indices = #map}, {transform_indices = #map1}]} {
    %mul3A = arith.constant 16 : i32
    %mul3A_0 = arith.muli %arg0, %mul3A : i32
    %add3A = arith.addi %mul3A_0, %arg1 : i32
    %iota3A = tpu.iota {dimensions = array<i32: 0>} : vector<16xi32>
    %mul3A_1 = arith.constant 16384 : i32
    %mul3A_2 = arith.muli %arg1, %mul3A_1 : i32
    %mul3A_3 = arith.constant 16384 : i32
    %mul3A_4 = arith.muli %arg1, %mul3A_3 : i32
    "tpu.region"() ({
      %run_scoped3A = tpu.sem_alloc : memref<!tpu.dma_semaphore, #tpu.memory_space<semaphore_mem>>
      %dma_start3A_43 = tpu.memref_slice %arg23[%mul3A_4] : memref<262144xf32, #tpu.memory_space<vmem_shared>> -> memref<16384xf32, #tpu.memory_space<vmem_shared>>
      %dma_start3A_44 = tpu.memref_slice %arg7[%mul3A_2] : memref<262144xf32, #tpu.memory_space<hbm>> -> memref<16384xf32, #tpu.memory_space<hbm>>
      tpu.enqueue_dma source(%dma_start3A_44 : memref<16384xf32, #tpu.memory_space<hbm>>) target(%dma_start3A_43 : memref<16384xf32, #tpu.memory_space<vmem_shared>>) target_semaphore(%run_scoped3A : memref<!tpu.dma_semaphore, #tpu.memory_space<semaphore_mem>>)
      %dma_wait3A_45 = tpu.memref_slice %arg23[%mul3A_4] : memref<262144xf32, #tpu.memory_space<vmem_shared>> -> memref<16384xf32, #tpu.memory_space<vmem_shared>>
      %dma_wait3A_46 = tpu.memref_slice %arg7[%mul3A_2] : memref<262144xf32, #tpu.memory_space<hbm>> -> memref<16384xf32, #tpu.memory_space<hbm>>
      tpu.wait_dma2 semaphore(%run_scoped3A : memref<!tpu.dma_semaphore, #tpu.memory_space<semaphore_mem>>) src(%dma_wait3A_46 : memref<16384xf32, #tpu.memory_space<hbm>>) dst(%dma_wait3A_45 : memref<16384xf32, #tpu.memory_space<vmem_shared>>)
      tpu.yield
    }) : () -> ()
    "tpu.region"() ({
      %run_scoped3A = tpu.sem_alloc : memref<!tpu.dma_semaphore, #tpu.memory_space<semaphore_mem>>
      tpu.enqueue_dma source(%arg5 : memref<16xf32, #tpu.memory_space<hbm>>) target(%arg19 : memref<16xf32, #tpu.memory_space<vmem>>) target_semaphore(%run_scoped3A : memref<!tpu.dma_semaphore, #tpu.memory_space<semaphore_mem>>)
      tpu.wait_dma2 semaphore(%run_scoped3A : memref<!tpu.dma_semaphore, #tpu.memory_space<semaphore_mem>>) src(%arg5 : memref<16xf32, #tpu.memory_space<hbm>>) dst(%arg19 : memref<16xf32, #tpu.memory_space<vmem>>)
      tpu.yield
    }) : () -> ()
    "tpu.region"() ({
      %run_scoped3A = tpu.sem_alloc : memref<!tpu.dma_semaphore, #tpu.memory_space<semaphore_mem>>
      tpu.enqueue_dma source(%arg6 : memref<16xf32, #tpu.memory_space<hbm>>) target(%arg20 : memref<16xf32, #tpu.memory_space<vmem>>) target_semaphore(%run_scoped3A : memref<!tpu.dma_semaphore, #tpu.memory_space<semaphore_mem>>)
      tpu.wait_dma2 semaphore(%run_scoped3A : memref<!tpu.dma_semaphore, #tpu.memory_space<semaphore_mem>>) src(%arg6 : memref<16xf32, #tpu.memory_space<hbm>>) dst(%arg20 : memref<16xf32, #tpu.memory_space<vmem>>)
      tpu.yield
    }) : () -> ()
    %barrier3A = arith.constant 0 : index
    tpu.barrier barrier_id(%barrier3A)
    %mul3A_5 = arith.constant 320 : i32
    %mul3A_6 = arith.muli %add3A, %mul3A_5 : i32
    %add3A_7 = arith.constant 500000 : i32
    %add3A_8 = arith.addi %add3A_7, %mul3A_6 : i32
    "tpu.region"() ({
      %run_scoped3A = tpu.sem_alloc : memref<!tpu.dma_semaphore, #tpu.memory_space<semaphore_mem>>
      %dma_start3A_43 = arith.constant 0 : i32
      %dma_start3A_44 = tpu.memref_slice %arg9[%dma_start3A_43] : memref<1024xf32, #tpu.memory_space<vmem>> -> memref<320xf32, #tpu.memory_space<vmem>>
      %dma_start3A_45 = tpu.memref_slice %arg2[%add3A_8] : memref<1406608xf32, #tpu.memory_space<hbm>> -> memref<320xf32, #tpu.memory_space<hbm>>
      %dma_start3A_46 = arith.constant 0 : i32
      %dma_start3A_47 = tpu.memref_slice %arg9[%dma_start3A_46] : memref<1024xf32, #tpu.memory_space<vmem>> -> memref<320xf32, #tpu.memory_space<vmem>>
      %dma_start3A_48 = tpu.memref_slice %arg2[%add3A_8] : memref<1406608xf32, #tpu.memory_space<hbm>> -> memref<320xf32, #tpu.memory_space<hbm>>
      tpu.enqueue_dma source(%dma_start3A_48 : memref<320xf32, #tpu.memory_space<hbm>>) target(%dma_start3A_47 : memref<320xf32, #tpu.memory_space<vmem>>) target_semaphore(%run_scoped3A : memref<!tpu.dma_semaphore, #tpu.memory_space<semaphore_mem>>)
      %dma_wait3A_49 = arith.constant 0 : i32
      %dma_wait3A_50 = tpu.memref_slice %arg9[%dma_wait3A_49] : memref<1024xf32, #tpu.memory_space<vmem>> -> memref<320xf32, #tpu.memory_space<vmem>>
      %dma_wait3A_51 = tpu.memref_slice %arg2[%add3A_8] : memref<1406608xf32, #tpu.memory_space<hbm>> -> memref<320xf32, #tpu.memory_space<hbm>>
      %dma_wait3A_52 = arith.constant 0 : i32
      %dma_wait3A_53 = tpu.memref_slice %arg9[%dma_wait3A_52] : memref<1024xf32, #tpu.memory_space<vmem>> -> memref<320xf32, #tpu.memory_space<vmem>>
      %dma_wait3A_54 = tpu.memref_slice %arg2[%add3A_8] : memref<1406608xf32, #tpu.memory_space<hbm>> -> memref<320xf32, #tpu.memory_space<hbm>>
      tpu.wait_dma2 semaphore(%run_scoped3A : memref<!tpu.dma_semaphore, #tpu.memory_space<semaphore_mem>>) src(%dma_wait3A_54 : memref<320xf32, #tpu.memory_space<hbm>>) dst(%dma_wait3A_53 : memref<320xf32, #tpu.memory_space<vmem>>)
      tpu.yield
    }) : () -> ()
    %add3A_9 = arith.constant 700000 : i32
    %add3A_10 = arith.addi %add3A_9, %add3A_8 : i32
    "tpu.region"() ({
      %run_scoped3A = tpu.sem_alloc : memref<!tpu.dma_semaphore, #tpu.memory_space<semaphore_mem>>
      %dma_start3A_43 = arith.constant 0 : i32
      %dma_start3A_44 = tpu.memref_slice %arg10[%dma_start3A_43] : memref<1024xf32, #tpu.memory_space<vmem>> -> memref<320xf32, #tpu.memory_space<vmem>>
      %dma_start3A_45 = tpu.memref_slice %arg2[%add3A_10] : memref<1406608xf32, #tpu.memory_space<hbm>> -> memref<320xf32, #tpu.memory_space<hbm>>
      %dma_start3A_46 = arith.constant 0 : i32
      %dma_start3A_47 = tpu.memref_slice %arg10[%dma_start3A_46] : memref<1024xf32, #tpu.memory_space<vmem>> -> memref<320xf32, #tpu.memory_space<vmem>>
      %dma_start3A_48 = tpu.memref_slice %arg2[%add3A_10] : memref<1406608xf32, #tpu.memory_space<hbm>> -> memref<320xf32, #tpu.memory_space<hbm>>
      tpu.enqueue_dma source(%dma_start3A_48 : memref<320xf32, #tpu.memory_space<hbm>>) target(%dma_start3A_47 : memref<320xf32, #tpu.memory_space<vmem>>) target_semaphore(%run_scoped3A : memref<!tpu.dma_semaphore, #tpu.memory_space<semaphore_mem>>)
      %dma_wait3A_49 = arith.constant 0 : i32
      %dma_wait3A_50 = tpu.memref_slice %arg10[%dma_wait3A_49] : memref<1024xf32, #tpu.memory_space<vmem>> -> memref<320xf32, #tpu.memory_space<vmem>>
      %dma_wait3A_51 = tpu.memref_slice %arg2[%add3A_10] : memref<1406608xf32, #tpu.memory_space<hbm>> -> memref<320xf32, #tpu.memory_space<hbm>>
      %dma_wait3A_52 = arith.constant 0 : i32
      %dma_wait3A_53 = tpu.memref_slice %arg10[%dma_wait3A_52] : memref<1024xf32, #tpu.memory_space<vmem>> -> memref<320xf32, #tpu.memory_space<vmem>>
      %dma_wait3A_54 = tpu.memref_slice %arg2[%add3A_10] : memref<1406608xf32, #tpu.memory_space<hbm>> -> memref<320xf32, #tpu.memory_space<hbm>>
      tpu.wait_dma2 semaphore(%run_scoped3A : memref<!tpu.dma_semaphore, #tpu.memory_space<semaphore_mem>>) src(%dma_wait3A_54 : memref<320xf32, #tpu.memory_space<hbm>>) dst(%dma_wait3A_53 : memref<320xf32, #tpu.memory_space<vmem>>)
      tpu.yield
    }) : () -> ()
    "tpu.region"() ({
      %run_scoped3A = tpu.sem_alloc : memref<!tpu.dma_semaphore, #tpu.memory_space<semaphore_mem>>
      %dma_start3A_43 = arith.constant 0 : i32
      %dma_start3A_44 = tpu.memref_slice %arg11[%dma_start3A_43] : memref<1024xf32, #tpu.memory_space<vmem>> -> memref<320xf32, #tpu.memory_space<vmem>>
      %dma_start3A_45 = tpu.memref_slice %arg3[%add3A_8] : memref<706608xf32, #tpu.memory_space<hbm>> -> memref<320xf32, #tpu.memory_space<hbm>>
      %dma_start3A_46 = arith.constant 0 : i32
      %dma_start3A_47 = tpu.memref_slice %arg11[%dma_start3A_46] : memref<1024xf32, #tpu.memory_space<vmem>> -> memref<320xf32, #tpu.memory_space<vmem>>
      %dma_start3A_48 = tpu.memref_slice %arg3[%add3A_8] : memref<706608xf32, #tpu.memory_space<hbm>> -> memref<320xf32, #tpu.memory_space<hbm>>
      tpu.enqueue_dma source(%dma_start3A_48 : memref<320xf32, #tpu.memory_space<hbm>>) target(%dma_start3A_47 : memref<320xf32, #tpu.memory_space<vmem>>) target_semaphore(%run_scoped3A : memref<!tpu.dma_semaphore, #tpu.memory_space<semaphore_mem>>)
      %dma_wait3A_49 = arith.constant 0 : i32
      %dma_wait3A_50 = tpu.memref_slice %arg11[%dma_wait3A_49] : memref<1024xf32, #tpu.memory_space<vmem>> -> memref<320xf32, #tpu.memory_space<vmem>>
      %dma_wait3A_51 = tpu.memref_slice %arg3[%add3A_8] : memref<706608xf32, #tpu.memory_space<hbm>> -> memref<320xf32, #tpu.memory_space<hbm>>
      %dma_wait3A_52 = arith.constant 0 : i32
      %dma_wait3A_53 = tpu.memref_slice %arg11[%dma_wait3A_52] : memref<1024xf32, #tpu.memory_space<vmem>> -> memref<320xf32, #tpu.memory_space<vmem>>
      %dma_wait3A_54 = tpu.memref_slice %arg3[%add3A_8] : memref<706608xf32, #tpu.memory_space<hbm>> -> memref<320xf32, #tpu.memory_space<hbm>>
      tpu.wait_dma2 semaphore(%run_scoped3A : memref<!tpu.dma_semaphore, #tpu.memory_space<semaphore_mem>>) src(%dma_wait3A_54 : memref<320xf32, #tpu.memory_space<hbm>>) dst(%dma_wait3A_53 : memref<320xf32, #tpu.memory_space<vmem>>)
      tpu.yield
    }) : () -> ()
    "tpu.region"() ({
      %run_scoped3A = tpu.sem_alloc : memref<!tpu.dma_semaphore, #tpu.memory_space<semaphore_mem>>
      %dma_start3A_43 = arith.constant 0 : i32
      %dma_start3A_44 = tpu.memref_slice %arg12[%dma_start3A_43] : memref<1024xf32, #tpu.memory_space<vmem>> -> memref<320xf32, #tpu.memory_space<vmem>>
      %dma_start3A_45 = tpu.memref_slice %arg4[%add3A_8] : memref<706608xf32, #tpu.memory_space<hbm>> -> memref<320xf32, #tpu.memory_space<hbm>>
      %dma_start3A_46 = arith.constant 0 : i32
      %dma_start3A_47 = tpu.memref_slice %arg12[%dma_start3A_46] : memref<1024xf32, #tpu.memory_space<vmem>> -> memref<320xf32, #tpu.memory_space<vmem>>
      %dma_start3A_48 = tpu.memref_slice %arg4[%add3A_8] : memref<706608xf32, #tpu.memory_space<hbm>> -> memref<320xf32, #tpu.memory_space<hbm>>
      tpu.enqueue_dma source(%dma_start3A_48 : memref<320xf32, #tpu.memory_space<hbm>>) target(%dma_start3A_47 : memref<320xf32, #tpu.memory_space<vmem>>) target_semaphore(%run_scoped3A : memref<!tpu.dma_semaphore, #tpu.memory_space<semaphore_mem>>)
      %dma_wait3A_49 = arith.constant 0 : i32
      %dma_wait3A_50 = tpu.memref_slice %arg12[%dma_wait3A_49] : memref<1024xf32, #tpu.memory_space<vmem>> -> memref<320xf32, #tpu.memory_space<vmem>>
      %dma_wait3A_51 = tpu.memref_slice %arg4[%add3A_8] : memref<706608xf32, #tpu.memory_space<hbm>> -> memref<320xf32, #tpu.memory_space<hbm>>
      %dma_wait3A_52 = arith.constant 0 : i32
      %dma_wait3A_53 = tpu.memref_slice %arg12[%dma_wait3A_52] : memref<1024xf32, #tpu.memory_space<vmem>> -> memref<320xf32, #tpu.memory_space<vmem>>
      %dma_wait3A_54 = tpu.memref_slice %arg4[%add3A_8] : memref<706608xf32, #tpu.memory_space<hbm>> -> memref<320xf32, #tpu.memory_space<hbm>>
      tpu.wait_dma2 semaphore(%run_scoped3A : memref<!tpu.dma_semaphore, #tpu.memory_space<semaphore_mem>>) src(%dma_wait3A_54 : memref<320xf32, #tpu.memory_space<hbm>>) dst(%dma_wait3A_53 : memref<320xf32, #tpu.memory_space<vmem>>)
      tpu.yield
    }) : () -> ()
    %scan3A = arith.constant 0 : i32
    %scan3A_11 = arith.constant 20 : i32
    %scan3A_12 = arith.addi %scan3A, %scan3A_11 : i32
    %scan3A_13 = arith.constant 1 : i32
    scf.for %scan3A_43 = %scan3A to %scan3A_12 step %scan3A_13  : i32 {
      %mul3A_44 = arith.constant 16 : i32
      %mul3A_45 = arith.muli %scan3A_43, %mul3A_44 : i32
      %get3A = arith.index_cast %mul3A_45 : i32 to index
      %get3A_46 = tpu.vector_load %arg9[%get3A] {strides = array<i32>} : memref<1024xf32, #tpu.memory_space<vmem>>, vector<16xf32>,
      %get3A_47 = vector.shape_cast %get3A_46 : vector<16xf32> to vector<16xf32>
      %get3A_48 = arith.index_cast %mul3A_45 : i32 to index
      %get3A_49 = tpu.vector_load %arg10[%get3A_48] {strides = array<i32>} : memref<1024xf32, #tpu.memory_space<vmem>>, vector<16xf32>,
      %get3A_50 = vector.shape_cast %get3A_49 : vector<16xf32> to vector<16xf32>
      %get3A_51 = arith.index_cast %mul3A_45 : i32 to index
      %get3A_52 = tpu.vector_load %arg11[%get3A_51] {strides = array<i32>} : memref<1024xf32, #tpu.memory_space<vmem>>, vector<16xf32>,
      %get3A_53 = vector.shape_cast %get3A_52 : vector<16xf32> to vector<16xf32>
      %get3A_54 = arith.index_cast %mul3A_45 : i32 to index
      %get3A_55 = tpu.vector_load %arg12[%get3A_54] {strides = array<i32>} : memref<1024xf32, #tpu.memory_space<vmem>>, vector<16xf32>,
      %get3A_56 = vector.shape_cast %get3A_55 : vector<16xf32> to vector<16xf32>
      %sub3A = arith.constant 510000 : i32
      %sub3A_57 = arith.subi %sub3A, %add3A_8 : i32
      %sub3A_58 = arith.subi %sub3A_57, %mul3A_45 : i32
      %lt3A = vector.broadcast %sub3A_58 : i32 to vector<16xi32>
      %lt3A_59 = arith.cmpi slt, %iota3A, %lt3A : vector<16xi32>
      %jit3A = arith.constant 0.899999976 : f32
      %jit3A_60 = arith.constant 0.000000e+00 : f32
      %broadcast_in_dim3A = vector.broadcast %jit3A : f32 to vector<16xf32>
      %broadcast_in_dim3A_61 = vector.broadcast %jit3A_60 : f32 to vector<16xf32>
      %select_n3A = arith.select %lt3A_59, %broadcast_in_dim3A, %broadcast_in_dim3A_61 : vector<16xi1>, vector<16xf32>
      %add3A_62 = arith.addf %get3A_47, %get3A_53 : vector<16xf32>
      %mul3A_63 = arith.constant 5.120000e-01 : f32
      %mul3A_64 = vector.broadcast %mul3A_63 : f32 to vector<16xf32>
      %mul3A_65 = arith.mulf %get3A_47, %mul3A_64 : vector<16xf32>
      %convert_element_type3A = arith.fptosi %mul3A_65 : vector<16xf32> to vector<16xi32>
      %jit3A_66 = arith.constant 0 : i32
      %jit3A_67 = arith.constant 511 : i32
      %max3A = vector.broadcast %jit3A_66 : i32 to vector<16xi32>
      %max3A_68 = arith.maxsi %max3A, %convert_element_type3A : vector<16xi32>
      %min3A = vector.broadcast %jit3A_67 : i32 to vector<16xi32>
      %min3A_69 = arith.minsi %min3A, %max3A_68 : vector<16xi32>
      %convert_element_type3A_70 = arith.sitofp %min3A_69 : vector<16xi32> to vector<16xf32>
      %mul3A_71 = arith.constant 1.953125 : f32
      %mul3A_72 = vector.broadcast %mul3A_71 : f32 to vector<16xf32>
      %mul3A_73 = arith.mulf %convert_element_type3A_70, %mul3A_72 : vector<16xf32>
      %add3A_74 = arith.constant 0.000000e+00 : f32
      %add3A_75 = vector.broadcast %add3A_74 : f32 to vector<16xf32>
      %add3A_76 = arith.addf %mul3A_73, %add3A_75 : vector<16xf32>
      %add3A_77 = arith.constant 1.953125 : f32
      %add3A_78 = vector.broadcast %add3A_77 : f32 to vector<16xf32>
      %add3A_79 = arith.addf %add3A_76, %add3A_78 : vector<16xf32>
      %min3A_80 = arith.minimumf %add3A_62, %add3A_79 : vector<16xf32>
      %max3A_81 = arith.maximumf %get3A_47, %add3A_76 : vector<16xf32>
      %sub3A_82 = arith.subf %min3A_80, %max3A_81 : vector<16xf32>
      %max3A_83 = arith.constant 0.000000e+00 : f32
      %max3A_84 = vector.broadcast %max3A_83 : f32 to vector<16xf32>
      %max3A_85 = arith.maximumf %sub3A_82, %max3A_84 : vector<16xf32>
      %add3A_86 = arith.constant 0 : i32
      %add3A_87 = vector.broadcast %add3A_86 : i32 to vector<16xi32>
      %add3A_88 = arith.addi %min3A_69, %add3A_87 : vector<16xi32>
      %min3A_89 = arith.constant 511 : i32
      %min3A_90 = vector.broadcast %min3A_89 : i32 to vector<16xi32>
      %min3A_91 = arith.minsi %add3A_88, %min3A_90 : vector<16xi32>
      %add3A_92 = arith.constant 1.953125 : f32
      %add3A_93 = vector.broadcast %add3A_92 : f32 to vector<16xf32>
      %add3A_94 = arith.addf %mul3A_73, %add3A_93 : vector<16xf32>
      %add3A_95 = arith.constant 1.953125 : f32
      %add3A_96 = vector.broadcast %add3A_95 : f32 to vector<16xf32>
      %add3A_97 = arith.addf %add3A_94, %add3A_96 : vector<16xf32>
      %min3A_98 = arith.minimumf %add3A_62, %add3A_97 : vector<16xf32>
      %max3A_99 = arith.maximumf %get3A_47, %add3A_94 : vector<16xf32>
      %sub3A_100 = arith.subf %min3A_98, %max3A_99 : vector<16xf32>
      %max3A_101 = arith.constant 0.000000e+00 : f32
      %max3A_102 = vector.broadcast %max3A_101 : f32 to vector<16xf32>
      %max3A_103 = arith.maximumf %sub3A_100, %max3A_102 : vector<16xf32>
      %add3A_104 = arith.constant 1 : i32
      %add3A_105 = vector.broadcast %add3A_104 : i32 to vector<16xi32>
      %add3A_106 = arith.addi %min3A_69, %add3A_105 : vector<16xi32>
      %min3A_107 = arith.constant 511 : i32
      %min3A_108 = vector.broadcast %min3A_107 : i32 to vector<16xi32>
      %min3A_109 = arith.minsi %add3A_106, %min3A_108 : vector<16xi32>
      %add3A_110 = arith.constant 3.906250e+00 : f32
      %add3A_111 = vector.broadcast %add3A_110 : f32 to vector<16xf32>
      %add3A_112 = arith.addf %mul3A_73, %add3A_111 : vector<16xf32>
      %add3A_113 = arith.constant 1.953125 : f32
      %add3A_114 = vector.broadcast %add3A_113 : f32 to vector<16xf32>
      %add3A_115 = arith.addf %add3A_112, %add3A_114 : vector<16xf32>
      %min3A_116 = arith.minimumf %add3A_62, %add3A_115 : vector<16xf32>
      %max3A_117 = arith.maximumf %get3A_47, %add3A_112 : vector<16xf32>
      %sub3A_118 = arith.subf %min3A_116, %max3A_117 : vector<16xf32>
      %max3A_119 = arith.constant 0.000000e+00 : f32
      %max3A_120 = vector.broadcast %max3A_119 : f32 to vector<16xf32>
      %max3A_121 = arith.maximumf %sub3A_118, %max3A_120 : vector<16xf32>
      %add3A_122 = arith.constant 2 : i32
      %add3A_123 = vector.broadcast %add3A_122 : i32 to vector<16xi32>
      %add3A_124 = arith.addi %min3A_69, %add3A_123 : vector<16xi32>
      %min3A_125 = arith.constant 511 : i32
      %min3A_126 = vector.broadcast %min3A_125 : i32 to vector<16xi32>
      %min3A_127 = arith.minsi %add3A_124, %min3A_126 : vector<16xi32>
      %add3A_128 = arith.constant 5.859375 : f32
      %add3A_129 = vector.broadcast %add3A_128 : f32 to vector<16xf32>
      %add3A_130 = arith.addf %mul3A_73, %add3A_129 : vector<16xf32>
      %add3A_131 = arith.constant 1.953125 : f32
      %add3A_132 = vector.broadcast %add3A_131 : f32 to vector<16xf32>
      %add3A_133 = arith.addf %add3A_130, %add3A_132 : vector<16xf32>
      %min3A_134 = arith.minimumf %add3A_62, %add3A_133 : vector<16xf32>
      %max3A_135 = arith.maximumf %get3A_47, %add3A_130 : vector<16xf32>
      %sub3A_136 = arith.subf %min3A_134, %max3A_135 : vector<16xf32>
      %max3A_137 = arith.constant 0.000000e+00 : f32
      %max3A_138 = vector.broadcast %max3A_137 : f32 to vector<16xf32>
      %max3A_139 = arith.maximumf %sub3A_136, %max3A_138 : vector<16xf32>
      %add3A_140 = arith.constant 3 : i32
      %add3A_141 = vector.broadcast %add3A_140 : i32 to vector<16xi32>
      %add3A_142 = arith.addi %min3A_69, %add3A_141 : vector<16xi32>
      %min3A_143 = arith.constant 511 : i32
      %min3A_144 = vector.broadcast %min3A_143 : i32 to vector<16xi32>
      %min3A_145 = arith.minsi %add3A_142, %min3A_144 : vector<16xi32>
      %add3A_146 = arith.constant 7.812500e+00 : f32
      %add3A_147 = vector.broadcast %add3A_146 : f32 to vector<16xf32>
      %add3A_148 = arith.addf %mul3A_73, %add3A_147 : vector<16xf32>
      %add3A_149 = arith.constant 1.953125 : f32
      %add3A_150 = vector.broadcast %add3A_149 : f32 to vector<16xf32>
      %add3A_151 = arith.addf %add3A_148, %add3A_150 : vector<16xf32>
      %min3A_152 = arith.minimumf %add3A_62, %add3A_151 : vector<16xf32>
      %max3A_153 = arith.maximumf %get3A_47, %add3A_148 : vector<16xf32>
      %sub3A_154 = arith.subf %min3A_152, %max3A_153 : vector<16xf32>
      %max3A_155 = arith.constant 0.000000e+00 : f32
      %max3A_156 = vector.broadcast %max3A_155 : f32 to vector<16xf32>
      %max3A_157 = arith.maximumf %sub3A_154, %max3A_156 : vector<16xf32>
      %add3A_158 = arith.constant 4 : i32
      %add3A_159 = vector.broadcast %add3A_158 : i32 to vector<16xi32>
      %add3A_160 = arith.addi %min3A_69, %add3A_159 : vector<16xi32>
      %min3A_161 = arith.constant 511 : i32
      %min3A_162 = vector.broadcast %min3A_161 : i32 to vector<16xi32>
      %min3A_163 = arith.minsi %add3A_160, %min3A_162 : vector<16xi32>
      %add3A_164 = arith.constant 9.765625 : f32
      %add3A_165 = vector.broadcast %add3A_164 : f32 to vector<16xf32>
      %add3A_166 = arith.addf %mul3A_73, %add3A_165 : vector<16xf32>
      %add3A_167 = arith.constant 1.953125 : f32
      %add3A_168 = vector.broadcast %add3A_167 : f32 to vector<16xf32>
      %add3A_169 = arith.addf %add3A_166, %add3A_168 : vector<16xf32>
      %min3A_170 = arith.minimumf %add3A_62, %add3A_169 : vector<16xf32>
      %max3A_171 = arith.maximumf %get3A_47, %add3A_166 : vector<16xf32>
      %sub3A_172 = arith.subf %min3A_170, %max3A_171 : vector<16xf32>
      %max3A_173 = arith.constant 0.000000e+00 : f32
      %max3A_174 = vector.broadcast %max3A_173 : f32 to vector<16xf32>
      %max3A_175 = arith.maximumf %sub3A_172, %max3A_174 : vector<16xf32>
      %add3A_176 = arith.constant 5 : i32
      %add3A_177 = vector.broadcast %add3A_176 : i32 to vector<16xi32>
      %add3A_178 = arith.addi %min3A_69, %add3A_177 : vector<16xi32>
      %min3A_179 = arith.constant 511 : i32
      %min3A_180 = vector.broadcast %min3A_179 : i32 to vector<16xi32>
      %min3A_181 = arith.minsi %add3A_178, %min3A_180 : vector<16xi32>
      %add3A_182 = arith.constant 11.71875 : f32
      %add3A_183 = vector.broadcast %add3A_182 : f32 to vector<16xf32>
      %add3A_184 = arith.addf %mul3A_73, %add3A_183 : vector<16xf32>
      %add3A_185 = arith.constant 1.953125 : f32
      %add3A_186 = vector.broadcast %add3A_185 : f32 to vector<16xf32>
      %add3A_187 = arith.addf %add3A_184, %add3A_186 : vector<16xf32>
      %min3A_188 = arith.minimumf %add3A_62, %add3A_187 : vector<16xf32>
      %max3A_189 = arith.maximumf %get3A_47, %add3A_184 : vector<16xf32>
      %sub3A_190 = arith.subf %min3A_188, %max3A_189 : vector<16xf32>
      %max3A_191 = arith.constant 0.000000e+00 : f32
      %max3A_192 = vector.broadcast %max3A_191 : f32 to vector<16xf32>
      %max3A_193 = arith.maximumf %sub3A_190, %max3A_192 : vector<16xf32>
      %add3A_194 = arith.constant 6 : i32
      %add3A_195 = vector.broadcast %add3A_194 : i32 to vector<16xi32>
      %add3A_196 = arith.addi %min3A_69, %add3A_195 : vector<16xi32>
      %min3A_197 = arith.constant 511 : i32
      %min3A_198 = vector.broadcast %min3A_197 : i32 to vector<16xi32>
      %min3A_199 = arith.minsi %add3A_196, %min3A_198 : vector<16xi32>
      %add3A_200 = arith.constant 13.671875 : f32
      %add3A_201 = vector.broadcast %add3A_200 : f32 to vector<16xf32>
      %add3A_202 = arith.addf %mul3A_73, %add3A_201 : vector<16xf32>
      %add3A_203 = arith.constant 1.953125 : f32
      %add3A_204 = vector.broadcast %add3A_203 : f32 to vector<16xf32>
      %add3A_205 = arith.addf %add3A_202, %add3A_204 : vector<16xf32>
      %min3A_206 = arith.minimumf %add3A_62, %add3A_205 : vector<16xf32>
      %max3A_207 = arith.maximumf %get3A_47, %add3A_202 : vector<16xf32>
      %sub3A_208 = arith.subf %min3A_206, %max3A_207 : vector<16xf32>
      %max3A_209 = arith.constant 0.000000e+00 : f32
      %max3A_210 = vector.broadcast %max3A_209 : f32 to vector<16xf32>
      %max3A_211 = arith.maximumf %sub3A_208, %max3A_210 : vector<16xf32>
      %add3A_212 = arith.constant 7 : i32
      %add3A_213 = vector.broadcast %add3A_212 : i32 to vector<16xi32>
      %add3A_214 = arith.addi %min3A_69, %add3A_213 : vector<16xi32>
      %min3A_215 = arith.constant 511 : i32
      %min3A_216 = vector.broadcast %min3A_215 : i32 to vector<16xi32>
      %min3A_217 = arith.minsi %add3A_214, %min3A_216 : vector<16xi32>
      %mul3A_218 = arith.mulf %max3A_85, %select_n3A : vector<16xf32>
      %mul3A_219 = arith.constant 512 : i32
      %mul3A_220 = vector.broadcast %mul3A_219 : i32 to vector<16xi32>
      %mul3A_221 = arith.muli %min3A_91, %mul3A_220 : vector<16xi32>
      %mul3A_222 = arith.mulf %max3A_103, %select_n3A : vector<16xf32>
      %mul3A_223 = arith.constant 512 : i32
      %mul3A_224 = vector.broadcast %mul3A_223 : i32 to vector<16xi32>
      %mul3A_225 = arith.muli %min3A_109, %mul3A_224 : vector<16xi32>
      %mul3A_226 = arith.mulf %max3A_121, %select_n3A : vector<16xf32>
      %mul3A_227 = arith.constant 512 : i32
      %mul3A_228 = vector.broadcast %mul3A_227 : i32 to vector<16xi32>
      %mul3A_229 = arith.muli %min3A_127, %mul3A_228 : vector<16xi32>
      %mul3A_230 = arith.mulf %max3A_139, %select_n3A : vector<16xf32>
      %mul3A_231 = arith.constant 512 : i32
      %mul3A_232 = vector.broadcast %mul3A_231 : i32 to vector<16xi32>
      %mul3A_233 = arith.muli %min3A_145, %mul3A_232 : vector<16xi32>
      %mul3A_234 = arith.mulf %max3A_157, %select_n3A : vector<16xf32>
      %mul3A_235 = arith.constant 512 : i32
      %mul3A_236 = vector.broadcast %mul3A_235 : i32 to vector<16xi32>
      %mul3A_237 = arith.muli %min3A_163, %mul3A_236 : vector<16xi32>
      %mul3A_238 = arith.mulf %max3A_175, %select_n3A : vector<16xf32>
      %mul3A_239 = arith.constant 512 : i32
      %mul3A_240 = vector.broadcast %mul3A_239 : i32 to vector<16xi32>
      %mul3A_241 = arith.muli %min3A_181, %mul3A_240 : vector<16xi32>
      %mul3A_242 = arith.mulf %max3A_193, %select_n3A : vector<16xf32>
      %mul3A_243 = arith.constant 512 : i32
      %mul3A_244 = vector.broadcast %mul3A_243 : i32 to vector<16xi32>
      %mul3A_245 = arith.muli %min3A_199, %mul3A_244 : vector<16xi32>
      %mul3A_246 = arith.mulf %max3A_211, %select_n3A : vector<16xf32>
      %mul3A_247 = arith.constant 512 : i32
      %mul3A_248 = vector.broadcast %mul3A_247 : i32 to vector<16xi32>
      %mul3A_249 = arith.muli %min3A_217, %mul3A_248 : vector<16xi32>
      %add3A_250 = arith.addf %get3A_50, %get3A_56 : vector<16xf32>
      %mul3A_251 = arith.constant 5.120000e-01 : f32
      %mul3A_252 = vector.broadcast %mul3A_251 : f32 to vector<16xf32>
      %mul3A_253 = arith.mulf %get3A_50, %mul3A_252 : vector<16xf32>
      %convert_element_type3A_254 = arith.fptosi %mul3A_253 : vector<16xf32> to vector<16xi32>
      %jit3A_255 = arith.constant 0 : i32
      %jit3A_256 = arith.constant 511 : i32
      %max3A_257 = vector.broadcast %jit3A_255 : i32 to vector<16xi32>
      %max3A_258 = arith.maxsi %max3A_257, %convert_element_type3A_254 : vector<16xi32>
      %min3A_259 = vector.broadcast %jit3A_256 : i32 to vector<16xi32>
      %min3A_260 = arith.minsi %min3A_259, %max3A_258 : vector<16xi32>
      %convert_element_type3A_261 = arith.sitofp %min3A_260 : vector<16xi32> to vector<16xf32>
      %mul3A_262 = arith.constant 1.953125 : f32
      %mul3A_263 = vector.broadcast %mul3A_262 : f32 to vector<16xf32>
      %mul3A_264 = arith.mulf %convert_element_type3A_261, %mul3A_263 : vector<16xf32>
      %add3A_265 = arith.constant 0.000000e+00 : f32
      %add3A_266 = vector.broadcast %add3A_265 : f32 to vector<16xf32>
      %add3A_267 = arith.addf %mul3A_264, %add3A_266 : vector<16xf32>
      %add3A_268 = arith.constant 1.953125 : f32
      %add3A_269 = vector.broadcast %add3A_268 : f32 to vector<16xf32>
      %add3A_270 = arith.addf %add3A_267, %add3A_269 : vector<16xf32>
      %min3A_271 = arith.minimumf %add3A_250, %add3A_270 : vector<16xf32>
      %max3A_272 = arith.maximumf %get3A_50, %add3A_267 : vector<16xf32>
      %sub3A_273 = arith.subf %min3A_271, %max3A_272 : vector<16xf32>
      %max3A_274 = arith.constant 0.000000e+00 : f32
      %max3A_275 = vector.broadcast %max3A_274 : f32 to vector<16xf32>
      %max3A_276 = arith.maximumf %sub3A_273, %max3A_275 : vector<16xf32>
      %add3A_277 = arith.constant 0 : i32
      %add3A_278 = vector.broadcast %add3A_277 : i32 to vector<16xi32>
      %add3A_279 = arith.addi %min3A_260, %add3A_278 : vector<16xi32>
      %min3A_280 = arith.constant 511 : i32
      %min3A_281 = vector.broadcast %min3A_280 : i32 to vector<16xi32>
      %min3A_282 = arith.minsi %add3A_279, %min3A_281 : vector<16xi32>
      %add3A_283 = arith.constant 1.953125 : f32
      %add3A_284 = vector.broadcast %add3A_283 : f32 to vector<16xf32>
      %add3A_285 = arith.addf %mul3A_264, %add3A_284 : vector<16xf32>
      %add3A_286 = arith.constant 1.953125 : f32
      %add3A_287 = vector.broadcast %add3A_286 : f32 to vector<16xf32>
      %add3A_288 = arith.addf %add3A_285, %add3A_287 : vector<16xf32>
      %min3A_289 = arith.minimumf %add3A_250, %add3A_288 : vector<16xf32>
      %max3A_290 = arith.maximumf %get3A_50, %add3A_285 : vector<16xf32>
      %sub3A_291 = arith.subf %min3A_289, %max3A_290 : vector<16xf32>
      %max3A_292 = arith.constant 0.000000e+00 : f32
      %max3A_293 = vector.broadcast %max3A_292 : f32 to vector<16xf32>
      %max3A_294 = arith.maximumf %sub3A_291, %max3A_293 : vector<16xf32>
      %add3A_295 = arith.constant 1 : i32
      %add3A_296 = vector.broadcast %add3A_295 : i32 to vector<16xi32>
      %add3A_297 = arith.addi %min3A_260, %add3A_296 : vector<16xi32>
      %min3A_298 = arith.constant 511 : i32
      %min3A_299 = vector.broadcast %min3A_298 : i32 to vector<16xi32>
      %min3A_300 = arith.minsi %add3A_297, %min3A_299 : vector<16xi32>
      %add3A_301 = arith.constant 3.906250e+00 : f32
      %add3A_302 = vector.broadcast %add3A_301 : f32 to vector<16xf32>
      %add3A_303 = arith.addf %mul3A_264, %add3A_302 : vector<16xf32>
      %add3A_304 = arith.constant 1.953125 : f32
      %add3A_305 = vector.broadcast %add3A_304 : f32 to vector<16xf32>
      %add3A_306 = arith.addf %add3A_303, %add3A_305 : vector<16xf32>
      %min3A_307 = arith.minimumf %add3A_250, %add3A_306 : vector<16xf32>
      %max3A_308 = arith.maximumf %get3A_50, %add3A_303 : vector<16xf32>
      %sub3A_309 = arith.subf %min3A_307, %max3A_308 : vector<16xf32>
      %max3A_310 = arith.constant 0.000000e+00 : f32
      %max3A_311 = vector.broadcast %max3A_310 : f32 to vector<16xf32>
      %max3A_312 = arith.maximumf %sub3A_309, %max3A_311 : vector<16xf32>
      %add3A_313 = arith.constant 2 : i32
      %add3A_314 = vector.broadcast %add3A_313 : i32 to vector<16xi32>
      %add3A_315 = arith.addi %min3A_260, %add3A_314 : vector<16xi32>
      %min3A_316 = arith.constant 511 : i32
      %min3A_317 = vector.broadcast %min3A_316 : i32 to vector<16xi32>
      %min3A_318 = arith.minsi %add3A_315, %min3A_317 : vector<16xi32>
      %add3A_319 = arith.constant 5.859375 : f32
      %add3A_320 = vector.broadcast %add3A_319 : f32 to vector<16xf32>
      %add3A_321 = arith.addf %mul3A_264, %add3A_320 : vector<16xf32>
      %add3A_322 = arith.constant 1.953125 : f32
      %add3A_323 = vector.broadcast %add3A_322 : f32 to vector<16xf32>
      %add3A_324 = arith.addf %add3A_321, %add3A_323 : vector<16xf32>
      %min3A_325 = arith.minimumf %add3A_250, %add3A_324 : vector<16xf32>
      %max3A_326 = arith.maximumf %get3A_50, %add3A_321 : vector<16xf32>
      %sub3A_327 = arith.subf %min3A_325, %max3A_326 : vector<16xf32>
      %max3A_328 = arith.constant 0.000000e+00 : f32
      %max3A_329 = vector.broadcast %max3A_328 : f32 to vector<16xf32>
      %max3A_330 = arith.maximumf %sub3A_327, %max3A_329 : vector<16xf32>
      %add3A_331 = arith.constant 3 : i32
      %add3A_332 = vector.broadcast %add3A_331 : i32 to vector<16xi32>
      %add3A_333 = arith.addi %min3A_260, %add3A_332 : vector<16xi32>
      %min3A_334 = arith.constant 511 : i32
      %min3A_335 = vector.broadcast %min3A_334 : i32 to vector<16xi32>
      %min3A_336 = arith.minsi %add3A_333, %min3A_335 : vector<16xi32>
      %add3A_337 = arith.constant 7.812500e+00 : f32
      %add3A_338 = vector.broadcast %add3A_337 : f32 to vector<16xf32>
      %add3A_339 = arith.addf %mul3A_264, %add3A_338 : vector<16xf32>
      %add3A_340 = arith.constant 1.953125 : f32
      %add3A_341 = vector.broadcast %add3A_340 : f32 to vector<16xf32>
      %add3A_342 = arith.addf %add3A_339, %add3A_341 : vector<16xf32>
      %min3A_343 = arith.minimumf %add3A_250, %add3A_342 : vector<16xf32>
      %max3A_344 = arith.maximumf %get3A_50, %add3A_339 : vector<16xf32>
      %sub3A_345 = arith.subf %min3A_343, %max3A_344 : vector<16xf32>
      %max3A_346 = arith.constant 0.000000e+00 : f32
      %max3A_347 = vector.broadcast %max3A_346 : f32 to vector<16xf32>
      %max3A_348 = arith.maximumf %sub3A_345, %max3A_347 : vector<16xf32>
      %add3A_349 = arith.constant 4 : i32
      %add3A_350 = vector.broadcast %add3A_349 : i32 to vector<16xi32>
      %add3A_351 = arith.addi %min3A_260, %add3A_350 : vector<16xi32>
      %min3A_352 = arith.constant 511 : i32
      %min3A_353 = vector.broadcast %min3A_352 : i32 to vector<16xi32>
      %min3A_354 = arith.minsi %add3A_351, %min3A_353 : vector<16xi32>
      %add3A_355 = arith.constant 9.765625 : f32
      %add3A_356 = vector.broadcast %add3A_355 : f32 to vector<16xf32>
      %add3A_357 = arith.addf %mul3A_264, %add3A_356 : vector<16xf32>
      %add3A_358 = arith.constant 1.953125 : f32
      %add3A_359 = vector.broadcast %add3A_358 : f32 to vector<16xf32>
      %add3A_360 = arith.addf %add3A_357, %add3A_359 : vector<16xf32>
      %min3A_361 = arith.minimumf %add3A_250, %add3A_360 : vector<16xf32>
      %max3A_362 = arith.maximumf %get3A_50, %add3A_357 : vector<16xf32>
      %sub3A_363 = arith.subf %min3A_361, %max3A_362 : vector<16xf32>
      %max3A_364 = arith.constant 0.000000e+00 : f32
      %max3A_365 = vector.broadcast %max3A_364 : f32 to vector<16xf32>
      %max3A_366 = arith.maximumf %sub3A_363, %max3A_365 : vector<16xf32>
      %add3A_367 = arith.constant 5 : i32
      %add3A_368 = vector.broadcast %add3A_367 : i32 to vector<16xi32>
      %add3A_369 = arith.addi %min3A_260, %add3A_368 : vector<16xi32>
      %min3A_370 = arith.constant 511 : i32
      %min3A_371 = vector.broadcast %min3A_370 : i32 to vector<16xi32>
      %min3A_372 = arith.minsi %add3A_369, %min3A_371 : vector<16xi32>
      %add3A_373 = arith.constant 11.71875 : f32
      %add3A_374 = vector.broadcast %add3A_373 : f32 to vector<16xf32>
      %add3A_375 = arith.addf %mul3A_264, %add3A_374 : vector<16xf32>
      %add3A_376 = arith.constant 1.953125 : f32
      %add3A_377 = vector.broadcast %add3A_376 : f32 to vector<16xf32>
      %add3A_378 = arith.addf %add3A_375, %add3A_377 : vector<16xf32>
      %min3A_379 = arith.minimumf %add3A_250, %add3A_378 : vector<16xf32>
      %max3A_380 = arith.maximumf %get3A_50, %add3A_375 : vector<16xf32>
      %sub3A_381 = arith.subf %min3A_379, %max3A_380 : vector<16xf32>
      %max3A_382 = arith.constant 0.000000e+00 : f32
      %max3A_383 = vector.broadcast %max3A_382 : f32 to vector<16xf32>
      %max3A_384 = arith.maximumf %sub3A_381, %max3A_383 : vector<16xf32>
      %add3A_385 = arith.constant 6 : i32
      %add3A_386 = vector.broadcast %add3A_385 : i32 to vector<16xi32>
      %add3A_387 = arith.addi %min3A_260, %add3A_386 : vector<16xi32>
      %min3A_388 = arith.constant 511 : i32
      %min3A_389 = vector.broadcast %min3A_388 : i32 to vector<16xi32>
      %min3A_390 = arith.minsi %add3A_387, %min3A_389 : vector<16xi32>
      %add3A_391 = arith.constant 13.671875 : f32
      %add3A_392 = vector.broadcast %add3A_391 : f32 to vector<16xf32>
      %add3A_393 = arith.addf %mul3A_264, %add3A_392 : vector<16xf32>
      %add3A_394 = arith.constant 1.953125 : f32
      %add3A_395 = vector.broadcast %add3A_394 : f32 to vector<16xf32>
      %add3A_396 = arith.addf %add3A_393, %add3A_395 : vector<16xf32>
      %min3A_397 = arith.minimumf %add3A_250, %add3A_396 : vector<16xf32>
      %max3A_398 = arith.maximumf %get3A_50, %add3A_393 : vector<16xf32>
      %sub3A_399 = arith.subf %min3A_397, %max3A_398 : vector<16xf32>
      %max3A_400 = arith.constant 0.000000e+00 : f32
      %max3A_401 = vector.broadcast %max3A_400 : f32 to vector<16xf32>
      %max3A_402 = arith.maximumf %sub3A_399, %max3A_401 : vector<16xf32>
      %add3A_403 = arith.constant 7 : i32
      %add3A_404 = vector.broadcast %add3A_403 : i32 to vector<16xi32>
      %add3A_405 = arith.addi %min3A_260, %add3A_404 : vector<16xi32>
      %min3A_406 = arith.constant 511 : i32
      %min3A_407 = vector.broadcast %min3A_406 : i32 to vector<16xi32>
      %min3A_408 = arith.minsi %add3A_405, %min3A_407 : vector<16xi32>
      %add3A_409 = arith.constant 0 : i32
      %add3A_410 = arith.addi %add3A_409, %mul3A_45 : i32
      %mul3A_411 = arith.mulf %mul3A_218, %max3A_276 : vector<16xf32>
      %swap3A = arith.index_cast %add3A_410 : i32 to index
      %swap3A_412 = tpu.vector_load %arg17[%swap3A] {strides = array<i32>} : memref<20480xf32, #tpu.memory_space<vmem>>, vector<16xf32>,
      %swap3A_413 = vector.shape_cast %swap3A_412 : vector<16xf32> to vector<16xf32>
      %swap3A_414 = vector.shape_cast %mul3A_411 : vector<16xf32> to vector<16xf32>
      tpu.vector_store %arg17[%swap3A], %swap3A_414 {strides = array<i32>} : memref<20480xf32, #tpu.memory_space<vmem>>, vector<16xf32>,
      %ne3A = arith.constant 0.000000e+00 : f32
      %ne3A_415 = vector.broadcast %ne3A : f32 to vector<16xf32>
      %ne3A_416 = arith.cmpf one, %mul3A_411, %ne3A_415 : vector<16xf32>
      %add3A_417 = arith.addi %mul3A_221, %min3A_282 : vector<16xi32>
      %jit3A_418 = arith.constant -1 : i32
      %broadcast_in_dim3A_419 = vector.broadcast %jit3A_418 : i32 to vector<16xi32>
      %select_n3A_420 = arith.select %ne3A_416, %add3A_417, %broadcast_in_dim3A_419 : vector<16xi1>, vector<16xi32>
      %swap3A_421 = arith.index_cast %add3A_410 : i32 to index
      %swap3A_422 = tpu.vector_load %arg18[%swap3A_421] {strides = array<i32>} : memref<20480xi32, #tpu.memory_space<vmem>>, vector<16xi32>,
      %swap3A_423 = vector.shape_cast %swap3A_422 : vector<16xi32> to vector<16xi32>
      %swap3A_424 = vector.shape_cast %select_n3A_420 : vector<16xi32> to vector<16xi32>
      tpu.vector_store %arg18[%swap3A_421], %swap3A_424 {strides = array<i32>} : memref<20480xi32, #tpu.memory_space<vmem>>, vector<16xi32>,
      %add3A_425 = arith.constant 320 : i32
      %add3A_426 = arith.addi %add3A_425, %mul3A_45 : i32
      %mul3A_427 = arith.mulf %mul3A_218, %max3A_294 : vector<16xf32>
      %swap3A_428 = arith.index_cast %add3A_426 : i32 to index
      %swap3A_429 = tpu.vector_load %arg17[%swap3A_428] {strides = array<i32>} : memref<20480xf32, #tpu.memory_space<vmem>>, vector<16xf32>,
      %swap3A_430 = vector.shape_cast %swap3A_429 : vector<16xf32> to vector<16xf32>
      %swap3A_431 = vector.shape_cast %mul3A_427 : vector<16xf32> to vector<16xf32>
      tpu.vector_store %arg17[%swap3A_428], %swap3A_431 {strides = array<i32>} : memref<20480xf32, #tpu.memory_space<vmem>>, vector<16xf32>,
      %ne3A_432 = arith.constant 0.000000e+00 : f32
      %ne3A_433 = vector.broadcast %ne3A_432 : f32 to vector<16xf32>
      %ne3A_434 = arith.cmpf one, %mul3A_427, %ne3A_433 : vector<16xf32>
      %add3A_435 = arith.addi %mul3A_221, %min3A_300 : vector<16xi32>
      %jit3A_436 = arith.constant -1 : i32
      %broadcast_in_dim3A_437 = vector.broadcast %jit3A_436 : i32 to vector<16xi32>
      %select_n3A_438 = arith.select %ne3A_434, %add3A_435, %broadcast_in_dim3A_437 : vector<16xi1>, vector<16xi32>
      %swap3A_439 = arith.index_cast %add3A_426 : i32 to index
      %swap3A_440 = tpu.vector_load %arg18[%swap3A_439] {strides = array<i32>} : memref<20480xi32, #tpu.memory_space<vmem>>, vector<16xi32>,
      %swap3A_441 = vector.shape_cast %swap3A_440 : vector<16xi32> to vector<16xi32>
      %swap3A_442 = vector.shape_cast %select_n3A_438 : vector<16xi32> to vector<16xi32>
      tpu.vector_store %arg18[%swap3A_439], %swap3A_442 {strides = array<i32>} : memref<20480xi32, #tpu.memory_space<vmem>>, vector<16xi32>,
      %add3A_443 = arith.constant 640 : i32
      %add3A_444 = arith.addi %add3A_443, %mul3A_45 : i32
      %mul3A_445 = arith.mulf %mul3A_218, %max3A_312 : vector<16xf32>
      %swap3A_446 = arith.index_cast %add3A_444 : i32 to index
      %swap3A_447 = tpu.vector_load %arg17[%swap3A_446] {strides = array<i32>} : memref<20480xf32, #tpu.memory_space<vmem>>, vector<16xf32>,
      %swap3A_448 = vector.shape_cast %swap3A_447 : vector<16xf32> to vector<16xf32>
      %swap3A_449 = vector.shape_cast %mul3A_445 : vector<16xf32> to vector<16xf32>
      tpu.vector_store %arg17[%swap3A_446], %swap3A_449 {strides = array<i32>} : memref<20480xf32, #tpu.memory_space<vmem>>, vector<16xf32>,
      %ne3A_450 = arith.constant 0.000000e+00 : f32
      %ne3A_451 = vector.broadcast %ne3A_450 : f32 to vector<16xf32>
      %ne3A_452 = arith.cmpf one, %mul3A_445, %ne3A_451 : vector<16xf32>
      %add3A_453 = arith.addi %mul3A_221, %min3A_318 : vector<16xi32>
      %jit3A_454 = arith.constant -1 : i32
      %broadcast_in_dim3A_455 = vector.broadcast %jit3A_454 : i32 to vector<16xi32>
      %select_n3A_456 = arith.select %ne3A_452, %add3A_453, %broadcast_in_dim3A_455 : vector<16xi1>, vector<16xi32>
      %swap3A_457 = arith.index_cast %add3A_444 : i32 to index
      %swap3A_458 = tpu.vector_load %arg18[%swap3A_457] {strides = array<i32>} : memref<20480xi32, #tpu.memory_space<vmem>>, vector<16xi32>,
      %swap3A_459 = vector.shape_cast %swap3A_458 : vector<16xi32> to vector<16xi32>
      %swap3A_460 = vector.shape_cast %select_n3A_456 : vector<16xi32> to vector<16xi32>
      tpu.vector_store %arg18[%swap3A_457], %swap3A_460 {strides = array<i32>} : memref<20480xi32, #tpu.memory_space<vmem>>, vector<16xi32>,
      %add3A_461 = arith.constant 960 : i32
      %add3A_462 = arith.addi %add3A_461, %mul3A_45 : i32
      %mul3A_463 = arith.mulf %mul3A_218, %max3A_330 : vector<16xf32>
      %swap3A_464 = arith.index_cast %add3A_462 : i32 to index
      %swap3A_465 = tpu.vector_load %arg17[%swap3A_464] {strides = array<i32>} : memref<20480xf32, #tpu.memory_space<vmem>>, vector<16xf32>,
      %swap3A_466 = vector.shape_cast %swap3A_465 : vector<16xf32> to vector<16xf32>
      %swap3A_467 = vector.shape_cast %mul3A_463 : vector<16xf32> to vector<16xf32>
      tpu.vector_store %arg17[%swap3A_464], %swap3A_467 {strides = array<i32>} : memref<20480xf32, #tpu.memory_space<vmem>>, vector<16xf32>,
      %ne3A_468 = arith.constant 0.000000e+00 : f32
      %ne3A_469 = vector.broadcast %ne3A_468 : f32 to vector<16xf32>
      %ne3A_470 = arith.cmpf one, %mul3A_463, %ne3A_469 : vector<16xf32>
      %add3A_471 = arith.addi %mul3A_221, %min3A_336 : vector<16xi32>
      %jit3A_472 = arith.constant -1 : i32
      %broadcast_in_dim3A_473 = vector.broadcast %jit3A_472 : i32 to vector<16xi32>
      %select_n3A_474 = arith.select %ne3A_470, %add3A_471, %broadcast_in_dim3A_473 : vector<16xi1>, vector<16xi32>
      %swap3A_475 = arith.index_cast %add3A_462 : i32 to index
      %swap3A_476 = tpu.vector_load %arg18[%swap3A_475] {strides = array<i32>} : memref<20480xi32, #tpu.memory_space<vmem>>, vector<16xi32>,
      %swap3A_477 = vector.shape_cast %swap3A_476 : vector<16xi32> to vector<16xi32>
      %swap3A_478 = vector.shape_cast %select_n3A_474 : vector<16xi32> to vector<16xi32>
      tpu.vector_store %arg18[%swap3A_475], %swap3A_478 {strides = array<i32>} : memref<20480xi32, #tpu.memory_space<vmem>>, vector<16xi32>,
      %add3A_479 = arith.constant 1280 : i32
      %add3A_480 = arith.addi %add3A_479, %mul3A_45 : i32
      %mul3A_481 = arith.mulf %mul3A_218, %max3A_348 : vector<16xf32>
      %swap3A_482 = arith.index_cast %add3A_480 : i32 to index
      %swap3A_483 = tpu.vector_load %arg17[%swap3A_482] {strides = array<i32>} : memref<20480xf32, #tpu.memory_space<vmem>>, vector<16xf32>,
      %swap3A_484 = vector.shape_cast %swap3A_483 : vector<16xf32> to vector<16xf32>
      %swap3A_485 = vector.shape_cast %mul3A_481 : vector<16xf32> to vector<16xf32>
      tpu.vector_store %arg17[%swap3A_482], %swap3A_485 {strides = array<i32>} : memref<20480xf32, #tpu.memory_space<vmem>>, vector<16xf32>,
      %ne3A_486 = arith.constant 0.000000e+00 : f32
      %ne3A_487 = vector.broadcast %ne3A_486 : f32 to vector<16xf32>
      %ne3A_488 = arith.cmpf one, %mul3A_481, %ne3A_487 : vector<16xf32>
      %add3A_489 = arith.addi %mul3A_221, %min3A_354 : vector<16xi32>
      %jit3A_490 = arith.constant -1 : i32
      %broadcast_in_dim3A_491 = vector.broadcast %jit3A_490 : i32 to vector<16xi32>
      %select_n3A_492 = arith.select %ne3A_488, %add3A_489, %broadcast_in_dim3A_491 : vector<16xi1>, vector<16xi32>
      %swap3A_493 = arith.index_cast %add3A_480 : i32 to index
      %swap3A_494 = tpu.vector_load %arg18[%swap3A_493] {strides = array<i32>} : memref<20480xi32, #tpu.memory_space<vmem>>, vector<16xi32>,
      %swap3A_495 = vector.shape_cast %swap3A_494 : vector<16xi32> to vector<16xi32>
      %swap3A_496 = vector.shape_cast %select_n3A_492 : vector<16xi32> to vector<16xi32>
      tpu.vector_store %arg18[%swap3A_493], %swap3A_496 {strides = array<i32>} : memref<20480xi32, #tpu.memory_space<vmem>>, vector<16xi32>,
      %add3A_497 = arith.constant 1600 : i32
      %add3A_498 = arith.addi %add3A_497, %mul3A_45 : i32
      %mul3A_499 = arith.mulf %mul3A_218, %max3A_366 : vector<16xf32>
      %swap3A_500 = arith.index_cast %add3A_498 : i32 to index
      %swap3A_501 = tpu.vector_load %arg17[%swap3A_500] {strides = array<i32>} : memref<20480xf32, #tpu.memory_space<vmem>>, vector<16xf32>,
      %swap3A_502 = vector.shape_cast %swap3A_501 : vector<16xf32> to vector<16xf32>
      %swap3A_503 = vector.shape_cast %mul3A_499 : vector<16xf32> to vector<16xf32>
      tpu.vector_store %arg17[%swap3A_500], %swap3A_503 {strides = array<i32>} : memref<20480xf32, #tpu.memory_space<vmem>>, vector<16xf32>,
      %ne3A_504 = arith.constant 0.000000e+00 : f32
      %ne3A_505 = vector.broadcast %ne3A_504 : f32 to vector<16xf32>
      %ne3A_506 = arith.cmpf one, %mul3A_499, %ne3A_505 : vector<16xf32>
      %add3A_507 = arith.addi %mul3A_221, %min3A_372 : vector<16xi32>
      %jit3A_508 = arith.constant -1 : i32
      %broadcast_in_dim3A_509 = vector.broadcast %jit3A_508 : i32 to vector<16xi32>
      %select_n3A_510 = arith.select %ne3A_506, %add3A_507, %broadcast_in_dim3A_509 : vector<16xi1>, vector<16xi32>
      %swap3A_511 = arith.index_cast %add3A_498 : i32 to index
      %swap3A_512 = tpu.vector_load %arg18[%swap3A_511] {strides = array<i32>} : memref<20480xi32, #tpu.memory_space<vmem>>, vector<16xi32>,
      %swap3A_513 = vector.shape_cast %swap3A_512 : vector<16xi32> to vector<16xi32>
      %swap3A_514 = vector.shape_cast %select_n3A_510 : vector<16xi32> to vector<16xi32>
      tpu.vector_store %arg18[%swap3A_511], %swap3A_514 {strides = array<i32>} : memref<20480xi32, #tpu.memory_space<vmem>>, vector<16xi32>,
      %add3A_515 = arith.constant 1920 : i32
      %add3A_516 = arith.addi %add3A_515, %mul3A_45 : i32
      %mul3A_517 = arith.mulf %mul3A_218, %max3A_384 : vector<16xf32>
      %swap3A_518 = arith.index_cast %add3A_516 : i32 to index
      %swap3A_519 = tpu.vector_load %arg17[%swap3A_518] {strides = array<i32>} : memref<20480xf32, #tpu.memory_space<vmem>>, vector<16xf32>,
      %swap3A_520 = vector.shape_cast %swap3A_519 : vector<16xf32> to vector<16xf32>
      %swap3A_521 = vector.shape_cast %mul3A_517 : vector<16xf32> to vector<16xf32>
      tpu.vector_store %arg17[%swap3A_518], %swap3A_521 {strides = array<i32>} : memref<20480xf32, #tpu.memory_space<vmem>>, vector<16xf32>,
      %ne3A_522 = arith.constant 0.000000e+00 : f32
      %ne3A_523 = vector.broadcast %ne3A_522 : f32 to vector<16xf32>
      %ne3A_524 = arith.cmpf one, %mul3A_517, %ne3A_523 : vector<16xf32>
      %add3A_525 = arith.addi %mul3A_221, %min3A_390 : vector<16xi32>
      %jit3A_526 = arith.constant -1 : i32
      %broadcast_in_dim3A_527 = vector.broadcast %jit3A_526 : i32 to vector<16xi32>
      %select_n3A_528 = arith.select %ne3A_524, %add3A_525, %broadcast_in_dim3A_527 : vector<16xi1>, vector<16xi32>
      %swap3A_529 = arith.index_cast %add3A_516 : i32 to index
      %swap3A_530 = tpu.vector_load %arg18[%swap3A_529] {strides = array<i32>} : memref<20480xi32, #tpu.memory_space<vmem>>, vector<16xi32>,
      %swap3A_531 = vector.shape_cast %swap3A_530 : vector<16xi32> to vector<16xi32>
      %swap3A_532 = vector.shape_cast %select_n3A_528 : vector<16xi32> to vector<16xi32>
      tpu.vector_store %arg18[%swap3A_529], %swap3A_532 {strides = array<i32>} : memref<20480xi32, #tpu.memory_space<vmem>>, vector<16xi32>,
      %add3A_533 = arith.constant 2240 : i32
      %add3A_534 = arith.addi %add3A_533, %mul3A_45 : i32
      %mul3A_535 = arith.mulf %mul3A_218, %max3A_402 : vector<16xf32>
      %swap3A_536 = arith.index_cast %add3A_534 : i32 to index
      %swap3A_537 = tpu.vector_load %arg17[%swap3A_536] {strides = array<i32>} : memref<20480xf32, #tpu.memory_space<vmem>>, vector<16xf32>,
      %swap3A_538 = vector.shape_cast %swap3A_537 : vector<16xf32> to vector<16xf32>
      %swap3A_539 = vector.shape_cast %mul3A_535 : vector<16xf32> to vector<16xf32>
      tpu.vector_store %arg17[%swap3A_536], %swap3A_539 {strides = array<i32>} : memref<20480xf32, #tpu.memory_space<vmem>>, vector<16xf32>,
      %ne3A_540 = arith.constant 0.000000e+00 : f32
      %ne3A_541 = vector.broadcast %ne3A_540 : f32 to vector<16xf32>
      %ne3A_542 = arith.cmpf one, %mul3A_535, %ne3A_541 : vector<16xf32>
      %add3A_543 = arith.addi %mul3A_221, %min3A_408 : vector<16xi32>
      %jit3A_544 = arith.constant -1 : i32
      %broadcast_in_dim3A_545 = vector.broadcast %jit3A_544 : i32 to vector<16xi32>
      %select_n3A_546 = arith.select %ne3A_542, %add3A_543, %broadcast_in_dim3A_545 : vector<16xi1>, vector<16xi32>
      %swap3A_547 = arith.index_cast %add3A_534 : i32 to index
      %swap3A_548 = tpu.vector_load %arg18[%swap3A_547] {strides = array<i32>} : memref<20480xi32, #tpu.memory_space<vmem>>, vector<16xi32>,
      %swap3A_549 = vector.shape_cast %swap3A_548 : vector<16xi32> to vector<16xi32>
      %swap3A_550 = vector.shape_cast %select_n3A_546 : vector<16xi32> to vector<16xi32>
      tpu.vector_store %arg18[%swap3A_547], %swap3A_550 {strides = array<i32>} : memref<20480xi32, #tpu.memory_space<vmem>>, vector<16xi32>,
      %add3A_551 = arith.constant 2560 : i32
      %add3A_552 = arith.addi %add3A_551, %mul3A_45 : i32
      %mul3A_553 = arith.mulf %mul3A_222, %max3A_276 : vector<16xf32>
      %swap3A_554 = arith.index_cast %add3A_552 : i32 to index
      %swap3A_555 = tpu.vector_load %arg17[%swap3A_554] {strides = array<i32>} : memref<20480xf32, #tpu.memory_space<vmem>>, vector<16xf32>,
      %swap3A_556 = vector.shape_cast %swap3A_555 : vector<16xf32> to vector<16xf32>
      %swap3A_557 = vector.shape_cast %mul3A_553 : vector<16xf32> to vector<16xf32>
      tpu.vector_store %arg17[%swap3A_554], %swap3A_557 {strides = array<i32>} : memref<20480xf32, #tpu.memory_space<vmem>>, vector<16xf32>,
      %ne3A_558 = arith.constant 0.000000e+00 : f32
      %ne3A_559 = vector.broadcast %ne3A_558 : f32 to vector<16xf32>
      %ne3A_560 = arith.cmpf one, %mul3A_553, %ne3A_559 : vector<16xf32>
      %add3A_561 = arith.addi %mul3A_225, %min3A_282 : vector<16xi32>
      %jit3A_562 = arith.constant -1 : i32
      %broadcast_in_dim3A_563 = vector.broadcast %jit3A_562 : i32 to vector<16xi32>
      %select_n3A_564 = arith.select %ne3A_560, %add3A_561, %broadcast_in_dim3A_563 : vector<16xi1>, vector<16xi32>
      %swap3A_565 = arith.index_cast %add3A_552 : i32 to index
      %swap3A_566 = tpu.vector_load %arg18[%swap3A_565] {strides = array<i32>} : memref<20480xi32, #tpu.memory_space<vmem>>, vector<16xi32>,
      %swap3A_567 = vector.shape_cast %swap3A_566 : vector<16xi32> to vector<16xi32>
      %swap3A_568 = vector.shape_cast %select_n3A_564 : vector<16xi32> to vector<16xi32>
      tpu.vector_store %arg18[%swap3A_565], %swap3A_568 {strides = array<i32>} : memref<20480xi32, #tpu.memory_space<vmem>>, vector<16xi32>,
      %add3A_569 = arith.constant 2880 : i32
      %add3A_570 = arith.addi %add3A_569, %mul3A_45 : i32
      %mul3A_571 = arith.mulf %mul3A_222, %max3A_294 : vector<16xf32>
      %swap3A_572 = arith.index_cast %add3A_570 : i32 to index
      %swap3A_573 = tpu.vector_load %arg17[%swap3A_572] {strides = array<i32>} : memref<20480xf32, #tpu.memory_space<vmem>>, vector<16xf32>,
      %swap3A_574 = vector.shape_cast %swap3A_573 : vector<16xf32> to vector<16xf32>
      %swap3A_575 = vector.shape_cast %mul3A_571 : vector<16xf32> to vector<16xf32>
      tpu.vector_store %arg17[%swap3A_572], %swap3A_575 {strides = array<i32>} : memref<20480xf32, #tpu.memory_space<vmem>>, vector<16xf32>,
      %ne3A_576 = arith.constant 0.000000e+00 : f32
      %ne3A_577 = vector.broadcast %ne3A_576 : f32 to vector<16xf32>
      %ne3A_578 = arith.cmpf one, %mul3A_571, %ne3A_577 : vector<16xf32>
      %add3A_579 = arith.addi %mul3A_225, %min3A_300 : vector<16xi32>
      %jit3A_580 = arith.constant -1 : i32
      %broadcast_in_dim3A_581 = vector.broadcast %jit3A_580 : i32 to vector<16xi32>
      %select_n3A_582 = arith.select %ne3A_578, %add3A_579, %broadcast_in_dim3A_581 : vector<16xi1>, vector<16xi32>
      %swap3A_583 = arith.index_cast %add3A_570 : i32 to index
      %swap3A_584 = tpu.vector_load %arg18[%swap3A_583] {strides = array<i32>} : memref<20480xi32, #tpu.memory_space<vmem>>, vector<16xi32>,
      %swap3A_585 = vector.shape_cast %swap3A_584 : vector<16xi32> to vector<16xi32>
      %swap3A_586 = vector.shape_cast %select_n3A_582 : vector<16xi32> to vector<16xi32>
      tpu.vector_store %arg18[%swap3A_583], %swap3A_586 {strides = array<i32>} : memref<20480xi32, #tpu.memory_space<vmem>>, vector<16xi32>,
      %add3A_587 = arith.constant 3200 : i32
      %add3A_588 = arith.addi %add3A_587, %mul3A_45 : i32
      %mul3A_589 = arith.mulf %mul3A_222, %max3A_312 : vector<16xf32>
      %swap3A_590 = arith.index_cast %add3A_588 : i32 to index
      %swap3A_591 = tpu.vector_load %arg17[%swap3A_590] {strides = array<i32>} : memref<20480xf32, #tpu.memory_space<vmem>>, vector<16xf32>,
      %swap3A_592 = vector.shape_cast %swap3A_591 : vector<16xf32> to vector<16xf32>
      %swap3A_593 = vector.shape_cast %mul3A_589 : vector<16xf32> to vector<16xf32>
      tpu.vector_store %arg17[%swap3A_590], %swap3A_593 {strides = array<i32>} : memref<20480xf32, #tpu.memory_space<vmem>>, vector<16xf32>,
      %ne3A_594 = arith.constant 0.000000e+00 : f32
      %ne3A_595 = vector.broadcast %ne3A_594 : f32 to vector<16xf32>
      %ne3A_596 = arith.cmpf one, %mul3A_589, %ne3A_595 : vector<16xf32>
      %add3A_597 = arith.addi %mul3A_225, %min3A_318 : vector<16xi32>
      %jit3A_598 = arith.constant -1 : i32
      %broadcast_in_dim3A_599 = vector.broadcast %jit3A_598 : i32 to vector<16xi32>
      %select_n3A_600 = arith.select %ne3A_596, %add3A_597, %broadcast_in_dim3A_599 : vector<16xi1>, vector<16xi32>
      %swap3A_601 = arith.index_cast %add3A_588 : i32 to index
      %swap3A_602 = tpu.vector_load %arg18[%swap3A_601] {strides = array<i32>} : memref<20480xi32, #tpu.memory_space<vmem>>, vector<16xi32>,
      %swap3A_603 = vector.shape_cast %swap3A_602 : vector<16xi32> to vector<16xi32>
      %swap3A_604 = vector.shape_cast %select_n3A_600 : vector<16xi32> to vector<16xi32>
      tpu.vector_store %arg18[%swap3A_601], %swap3A_604 {strides = array<i32>} : memref<20480xi32, #tpu.memory_space<vmem>>, vector<16xi32>,
      %add3A_605 = arith.constant 3520 : i32
      %add3A_606 = arith.addi %add3A_605, %mul3A_45 : i32
      %mul3A_607 = arith.mulf %mul3A_222, %max3A_330 : vector<16xf32>
      %swap3A_608 = arith.index_cast %add3A_606 : i32 to index
      %swap3A_609 = tpu.vector_load %arg17[%swap3A_608] {strides = array<i32>} : memref<20480xf32, #tpu.memory_space<vmem>>, vector<16xf32>,
      %swap3A_610 = vector.shape_cast %swap3A_609 : vector<16xf32> to vector<16xf32>
      %swap3A_611 = vector.shape_cast %mul3A_607 : vector<16xf32> to vector<16xf32>
      tpu.vector_store %arg17[%swap3A_608], %swap3A_611 {strides = array<i32>} : memref<20480xf32, #tpu.memory_space<vmem>>, vector<16xf32>,
      %ne3A_612 = arith.constant 0.000000e+00 : f32
      %ne3A_613 = vector.broadcast %ne3A_612 : f32 to vector<16xf32>
      %ne3A_614 = arith.cmpf one, %mul3A_607, %ne3A_613 : vector<16xf32>
      %add3A_615 = arith.addi %mul3A_225, %min3A_336 : vector<16xi32>
      %jit3A_616 = arith.constant -1 : i32
      %broadcast_in_dim3A_617 = vector.broadcast %jit3A_616 : i32 to vector<16xi32>
      %select_n3A_618 = arith.select %ne3A_614, %add3A_615, %broadcast_in_dim3A_617 : vector<16xi1>, vector<16xi32>
      %swap3A_619 = arith.index_cast %add3A_606 : i32 to index
      %swap3A_620 = tpu.vector_load %arg18[%swap3A_619] {strides = array<i32>} : memref<20480xi32, #tpu.memory_space<vmem>>, vector<16xi32>,
      %swap3A_621 = vector.shape_cast %swap3A_620 : vector<16xi32> to vector<16xi32>
      %swap3A_622 = vector.shape_cast %select_n3A_618 : vector<16xi32> to vector<16xi32>
      tpu.vector_store %arg18[%swap3A_619], %swap3A_622 {strides = array<i32>} : memref<20480xi32, #tpu.memory_space<vmem>>, vector<16xi32>,
      %add3A_623 = arith.constant 3840 : i32
      %add3A_624 = arith.addi %add3A_623, %mul3A_45 : i32
      %mul3A_625 = arith.mulf %mul3A_222, %max3A_348 : vector<16xf32>
      %swap3A_626 = arith.index_cast %add3A_624 : i32 to index
      %swap3A_627 = tpu.vector_load %arg17[%swap3A_626] {strides = array<i32>} : memref<20480xf32, #tpu.memory_space<vmem>>, vector<16xf32>,
      %swap3A_628 = vector.shape_cast %swap3A_627 : vector<16xf32> to vector<16xf32>
      %swap3A_629 = vector.shape_cast %mul3A_625 : vector<16xf32> to vector<16xf32>
      tpu.vector_store %arg17[%swap3A_626], %swap3A_629 {strides = array<i32>} : memref<20480xf32, #tpu.memory_space<vmem>>, vector<16xf32>,
      %ne3A_630 = arith.constant 0.000000e+00 : f32
      %ne3A_631 = vector.broadcast %ne3A_630 : f32 to vector<16xf32>
      %ne3A_632 = arith.cmpf one, %mul3A_625, %ne3A_631 : vector<16xf32>
      %add3A_633 = arith.addi %mul3A_225, %min3A_354 : vector<16xi32>
      %jit3A_634 = arith.constant -1 : i32
      %broadcast_in_dim3A_635 = vector.broadcast %jit3A_634 : i32 to vector<16xi32>
      %select_n3A_636 = arith.select %ne3A_632, %add3A_633, %broadcast_in_dim3A_635 : vector<16xi1>, vector<16xi32>
      %swap3A_637 = arith.index_cast %add3A_624 : i32 to index
      %swap3A_638 = tpu.vector_load %arg18[%swap3A_637] {strides = array<i32>} : memref<20480xi32, #tpu.memory_space<vmem>>, vector<16xi32>,
      %swap3A_639 = vector.shape_cast %swap3A_638 : vector<16xi32> to vector<16xi32>
      %swap3A_640 = vector.shape_cast %select_n3A_636 : vector<16xi32> to vector<16xi32>
      tpu.vector_store %arg18[%swap3A_637], %swap3A_640 {strides = array<i32>} : memref<20480xi32, #tpu.memory_space<vmem>>, vector<16xi32>,
      %add3A_641 = arith.constant 4160 : i32
      %add3A_642 = arith.addi %add3A_641, %mul3A_45 : i32
      %mul3A_643 = arith.mulf %mul3A_222, %max3A_366 : vector<16xf32>
      %swap3A_644 = arith.index_cast %add3A_642 : i32 to index
      %swap3A_645 = tpu.vector_load %arg17[%swap3A_644] {strides = array<i32>} : memref<20480xf32, #tpu.memory_space<vmem>>, vector<16xf32>,
      %swap3A_646 = vector.shape_cast %swap3A_645 : vector<16xf32> to vector<16xf32>
      %swap3A_647 = vector.shape_cast %mul3A_643 : vector<16xf32> to vector<16xf32>
      tpu.vector_store %arg17[%swap3A_644], %swap3A_647 {strides = array<i32>} : memref<20480xf32, #tpu.memory_space<vmem>>, vector<16xf32>,
      %ne3A_648 = arith.constant 0.000000e+00 : f32
      %ne3A_649 = vector.broadcast %ne3A_648 : f32 to vector<16xf32>
      %ne3A_650 = arith.cmpf one, %mul3A_643, %ne3A_649 : vector<16xf32>
      %add3A_651 = arith.addi %mul3A_225, %min3A_372 : vector<16xi32>
      %jit3A_652 = arith.constant -1 : i32
      %broadcast_in_dim3A_653 = vector.broadcast %jit3A_652 : i32 to vector<16xi32>
      %select_n3A_654 = arith.select %ne3A_650, %add3A_651, %broadcast_in_dim3A_653 : vector<16xi1>, vector<16xi32>
      %swap3A_655 = arith.index_cast %add3A_642 : i32 to index
      %swap3A_656 = tpu.vector_load %arg18[%swap3A_655] {strides = array<i32>} : memref<20480xi32, #tpu.memory_space<vmem>>, vector<16xi32>,
      %swap3A_657 = vector.shape_cast %swap3A_656 : vector<16xi32> to vector<16xi32>
      %swap3A_658 = vector.shape_cast %select_n3A_654 : vector<16xi32> to vector<16xi32>
      tpu.vector_store %arg18[%swap3A_655], %swap3A_658 {strides = array<i32>} : memref<20480xi32, #tpu.memory_space<vmem>>, vector<16xi32>,
      %add3A_659 = arith.constant 4480 : i32
      %add3A_660 = arith.addi %add3A_659, %mul3A_45 : i32
      %mul3A_661 = arith.mulf %mul3A_222, %max3A_384 : vector<16xf32>
      %swap3A_662 = arith.index_cast %add3A_660 : i32 to index
      %swap3A_663 = tpu.vector_load %arg17[%swap3A_662] {strides = array<i32>} : memref<20480xf32, #tpu.memory_space<vmem>>, vector<16xf32>,
      %swap3A_664 = vector.shape_cast %swap3A_663 : vector<16xf32> to vector<16xf32>
      %swap3A_665 = vector.shape_cast %mul3A_661 : vector<16xf32> to vector<16xf32>
      tpu.vector_store %arg17[%swap3A_662], %swap3A_665 {strides = array<i32>} : memref<20480xf32, #tpu.memory_space<vmem>>, vector<16xf32>,
      %ne3A_666 = arith.constant 0.000000e+00 : f32
      %ne3A_667 = vector.broadcast %ne3A_666 : f32 to vector<16xf32>
      %ne3A_668 = arith.cmpf one, %mul3A_661, %ne3A_667 : vector<16xf32>
      %add3A_669 = arith.addi %mul3A_225, %min3A_390 : vector<16xi32>
      %jit3A_670 = arith.constant -1 : i32
      %broadcast_in_dim3A_671 = vector.broadcast %jit3A_670 : i32 to vector<16xi32>
      %select_n3A_672 = arith.select %ne3A_668, %add3A_669, %broadcast_in_dim3A_671 : vector<16xi1>, vector<16xi32>
      %swap3A_673 = arith.index_cast %add3A_660 : i32 to index
      %swap3A_674 = tpu.vector_load %arg18[%swap3A_673] {strides = array<i32>} : memref<20480xi32, #tpu.memory_space<vmem>>, vector<16xi32>,
      %swap3A_675 = vector.shape_cast %swap3A_674 : vector<16xi32> to vector<16xi32>
      %swap3A_676 = vector.shape_cast %select_n3A_672 : vector<16xi32> to vector<16xi32>
      tpu.vector_store %arg18[%swap3A_673], %swap3A_676 {strides = array<i32>} : memref<20480xi32, #tpu.memory_space<vmem>>, vector<16xi32>,
      %add3A_677 = arith.constant 4800 : i32
      %add3A_678 = arith.addi %add3A_677, %mul3A_45 : i32
      %mul3A_679 = arith.mulf %mul3A_222, %max3A_402 : vector<16xf32>
      %swap3A_680 = arith.index_cast %add3A_678 : i32 to index
      %swap3A_681 = tpu.vector_load %arg17[%swap3A_680] {strides = array<i32>} : memref<20480xf32, #tpu.memory_space<vmem>>, vector<16xf32>,
      %swap3A_682 = vector.shape_cast %swap3A_681 : vector<16xf32> to vector<16xf32>
      %swap3A_683 = vector.shape_cast %mul3A_679 : vector<16xf32> to vector<16xf32>
      tpu.vector_store %arg17[%swap3A_680], %swap3A_683 {strides = array<i32>} : memref<20480xf32, #tpu.memory_space<vmem>>, vector<16xf32>,
      %ne3A_684 = arith.constant 0.000000e+00 : f32
      %ne3A_685 = vector.broadcast %ne3A_684 : f32 to vector<16xf32>
      %ne3A_686 = arith.cmpf one, %mul3A_679, %ne3A_685 : vector<16xf32>
      %add3A_687 = arith.addi %mul3A_225, %min3A_408 : vector<16xi32>
      %jit3A_688 = arith.constant -1 : i32
      %broadcast_in_dim3A_689 = vector.broadcast %jit3A_688 : i32 to vector<16xi32>
      %select_n3A_690 = arith.select %ne3A_686, %add3A_687, %broadcast_in_dim3A_689 : vector<16xi1>, vector<16xi32>
      %swap3A_691 = arith.index_cast %add3A_678 : i32 to index
      %swap3A_692 = tpu.vector_load %arg18[%swap3A_691] {strides = array<i32>} : memref<20480xi32, #tpu.memory_space<vmem>>, vector<16xi32>,
      %swap3A_693 = vector.shape_cast %swap3A_692 : vector<16xi32> to vector<16xi32>
      %swap3A_694 = vector.shape_cast %select_n3A_690 : vector<16xi32> to vector<16xi32>
      tpu.vector_store %arg18[%swap3A_691], %swap3A_694 {strides = array<i32>} : memref<20480xi32, #tpu.memory_space<vmem>>, vector<16xi32>,
      %add3A_695 = arith.constant 5120 : i32
      %add3A_696 = arith.addi %add3A_695, %mul3A_45 : i32
      %mul3A_697 = arith.mulf %mul3A_226, %max3A_276 : vector<16xf32>
      %swap3A_698 = arith.index_cast %add3A_696 : i32 to index
      %swap3A_699 = tpu.vector_load %arg17[%swap3A_698] {strides = array<i32>} : memref<20480xf32, #tpu.memory_space<vmem>>, vector<16xf32>,
      %swap3A_700 = vector.shape_cast %swap3A_699 : vector<16xf32> to vector<16xf32>
      %swap3A_701 = vector.shape_cast %mul3A_697 : vector<16xf32> to vector<16xf32>
      tpu.vector_store %arg17[%swap3A_698], %swap3A_701 {strides = array<i32>} : memref<20480xf32, #tpu.memory_space<vmem>>, vector<16xf32>,
      %ne3A_702 = arith.constant 0.000000e+00 : f32
      %ne3A_703 = vector.broadcast %ne3A_702 : f32 to vector<16xf32>
      %ne3A_704 = arith.cmpf one, %mul3A_697, %ne3A_703 : vector<16xf32>
      %add3A_705 = arith.addi %mul3A_229, %min3A_282 : vector<16xi32>
      %jit3A_706 = arith.constant -1 : i32
      %broadcast_in_dim3A_707 = vector.broadcast %jit3A_706 : i32 to vector<16xi32>
      %select_n3A_708 = arith.select %ne3A_704, %add3A_705, %broadcast_in_dim3A_707 : vector<16xi1>, vector<16xi32>
      %swap3A_709 = arith.index_cast %add3A_696 : i32 to index
      %swap3A_710 = tpu.vector_load %arg18[%swap3A_709] {strides = array<i32>} : memref<20480xi32, #tpu.memory_space<vmem>>, vector<16xi32>,
      %swap3A_711 = vector.shape_cast %swap3A_710 : vector<16xi32> to vector<16xi32>
      %swap3A_712 = vector.shape_cast %select_n3A_708 : vector<16xi32> to vector<16xi32>
      tpu.vector_store %arg18[%swap3A_709], %swap3A_712 {strides = array<i32>} : memref<20480xi32, #tpu.memory_space<vmem>>, vector<16xi32>,
      %add3A_713 = arith.constant 5440 : i32
      %add3A_714 = arith.addi %add3A_713, %mul3A_45 : i32
      %mul3A_715 = arith.mulf %mul3A_226, %max3A_294 : vector<16xf32>
      %swap3A_716 = arith.index_cast %add3A_714 : i32 to index
      %swap3A_717 = tpu.vector_load %arg17[%swap3A_716] {strides = array<i32>} : memref<20480xf32, #tpu.memory_space<vmem>>, vector<16xf32>,
      %swap3A_718 = vector.shape_cast %swap3A_717 : vector<16xf32> to vector<16xf32>
      %swap3A_719 = vector.shape_cast %mul3A_715 : vector<16xf32> to vector<16xf32>
      tpu.vector_store %arg17[%swap3A_716], %swap3A_719 {strides = array<i32>} : memref<20480xf32, #tpu.memory_space<vmem>>, vector<16xf32>,
      %ne3A_720 = arith.constant 0.000000e+00 : f32
      %ne3A_721 = vector.broadcast %ne3A_720 : f32 to vector<16xf32>
      %ne3A_722 = arith.cmpf one, %mul3A_715, %ne3A_721 : vector<16xf32>
      %add3A_723 = arith.addi %mul3A_229, %min3A_300 : vector<16xi32>
      %jit3A_724 = arith.constant -1 : i32
      %broadcast_in_dim3A_725 = vector.broadcast %jit3A_724 : i32 to vector<16xi32>
      %select_n3A_726 = arith.select %ne3A_722, %add3A_723, %broadcast_in_dim3A_725 : vector<16xi1>, vector<16xi32>
      %swap3A_727 = arith.index_cast %add3A_714 : i32 to index
      %swap3A_728 = tpu.vector_load %arg18[%swap3A_727] {strides = array<i32>} : memref<20480xi32, #tpu.memory_space<vmem>>, vector<16xi32>,
      %swap3A_729 = vector.shape_cast %swap3A_728 : vector<16xi32> to vector<16xi32>
      %swap3A_730 = vector.shape_cast %select_n3A_726 : vector<16xi32> to vector<16xi32>
      tpu.vector_store %arg18[%swap3A_727], %swap3A_730 {strides = array<i32>} : memref<20480xi32, #tpu.memory_space<vmem>>, vector<16xi32>,
      %add3A_731 = arith.constant 5760 : i32
      %add3A_732 = arith.addi %add3A_731, %mul3A_45 : i32
      %mul3A_733 = arith.mulf %mul3A_226, %max3A_312 : vector<16xf32>
      %swap3A_734 = arith.index_cast %add3A_732 : i32 to index
      %swap3A_735 = tpu.vector_load %arg17[%swap3A_734] {strides = array<i32>} : memref<20480xf32, #tpu.memory_space<vmem>>, vector<16xf32>,
      %swap3A_736 = vector.shape_cast %swap3A_735 : vector<16xf32> to vector<16xf32>
      %swap3A_737 = vector.shape_cast %mul3A_733 : vector<16xf32> to vector<16xf32>
      tpu.vector_store %arg17[%swap3A_734], %swap3A_737 {strides = array<i32>} : memref<20480xf32, #tpu.memory_space<vmem>>, vector<16xf32>,
      %ne3A_738 = arith.constant 0.000000e+00 : f32
      %ne3A_739 = vector.broadcast %ne3A_738 : f32 to vector<16xf32>
      %ne3A_740 = arith.cmpf one, %mul3A_733, %ne3A_739 : vector<16xf32>
      %add3A_741 = arith.addi %mul3A_229, %min3A_318 : vector<16xi32>
      %jit3A_742 = arith.constant -1 : i32
      %broadcast_in_dim3A_743 = vector.broadcast %jit3A_742 : i32 to vector<16xi32>
      %select_n3A_744 = arith.select %ne3A_740, %add3A_741, %broadcast_in_dim3A_743 : vector<16xi1>, vector<16xi32>
      %swap3A_745 = arith.index_cast %add3A_732 : i32 to index
      %swap3A_746 = tpu.vector_load %arg18[%swap3A_745] {strides = array<i32>} : memref<20480xi32, #tpu.memory_space<vmem>>, vector<16xi32>,
      %swap3A_747 = vector.shape_cast %swap3A_746 : vector<16xi32> to vector<16xi32>
      %swap3A_748 = vector.shape_cast %select_n3A_744 : vector<16xi32> to vector<16xi32>
      tpu.vector_store %arg18[%swap3A_745], %swap3A_748 {strides = array<i32>} : memref<20480xi32, #tpu.memory_space<vmem>>, vector<16xi32>,
      %add3A_749 = arith.constant 6080 : i32
      %add3A_750 = arith.addi %add3A_749, %mul3A_45 : i32
      %mul3A_751 = arith.mulf %mul3A_226, %max3A_330 : vector<16xf32>
      %swap3A_752 = arith.index_cast %add3A_750 : i32 to index
      %swap3A_753 = tpu.vector_load %arg17[%swap3A_752] {strides = array<i32>} : memref<20480xf32, #tpu.memory_space<vmem>>, vector<16xf32>,
      %swap3A_754 = vector.shape_cast %swap3A_753 : vector<16xf32> to vector<16xf32>
      %swap3A_755 = vector.shape_cast %mul3A_751 : vector<16xf32> to vector<16xf32>
      tpu.vector_store %arg17[%swap3A_752], %swap3A_755 {strides = array<i32>} : memref<20480xf32, #tpu.memory_space<vmem>>, vector<16xf32>,
      %ne3A_756 = arith.constant 0.000000e+00 : f32
      %ne3A_757 = vector.broadcast %ne3A_756 : f32 to vector<16xf32>
      %ne3A_758 = arith.cmpf one, %mul3A_751, %ne3A_757 : vector<16xf32>
      %add3A_759 = arith.addi %mul3A_229, %min3A_336 : vector<16xi32>
      %jit3A_760 = arith.constant -1 : i32
      %broadcast_in_dim3A_761 = vector.broadcast %jit3A_760 : i32 to vector<16xi32>
      %select_n3A_762 = arith.select %ne3A_758, %add3A_759, %broadcast_in_dim3A_761 : vector<16xi1>, vector<16xi32>
      %swap3A_763 = arith.index_cast %add3A_750 : i32 to index
      %swap3A_764 = tpu.vector_load %arg18[%swap3A_763] {strides = array<i32>} : memref<20480xi32, #tpu.memory_space<vmem>>, vector<16xi32>,
      %swap3A_765 = vector.shape_cast %swap3A_764 : vector<16xi32> to vector<16xi32>
      %swap3A_766 = vector.shape_cast %select_n3A_762 : vector<16xi32> to vector<16xi32>
      tpu.vector_store %arg18[%swap3A_763], %swap3A_766 {strides = array<i32>} : memref<20480xi32, #tpu.memory_space<vmem>>, vector<16xi32>,
      %add3A_767 = arith.constant 6400 : i32
      %add3A_768 = arith.addi %add3A_767, %mul3A_45 : i32
      %mul3A_769 = arith.mulf %mul3A_226, %max3A_348 : vector<16xf32>
      %swap3A_770 = arith.index_cast %add3A_768 : i32 to index
      %swap3A_771 = tpu.vector_load %arg17[%swap3A_770] {strides = array<i32>} : memref<20480xf32, #tpu.memory_space<vmem>>, vector<16xf32>,
      %swap3A_772 = vector.shape_cast %swap3A_771 : vector<16xf32> to vector<16xf32>
      %swap3A_773 = vector.shape_cast %mul3A_769 : vector<16xf32> to vector<16xf32>
      tpu.vector_store %arg17[%swap3A_770], %swap3A_773 {strides = array<i32>} : memref<20480xf32, #tpu.memory_space<vmem>>, vector<16xf32>,
      %ne3A_774 = arith.constant 0.000000e+00 : f32
      %ne3A_775 = vector.broadcast %ne3A_774 : f32 to vector<16xf32>
      %ne3A_776 = arith.cmpf one, %mul3A_769, %ne3A_775 : vector<16xf32>
      %add3A_777 = arith.addi %mul3A_229, %min3A_354 : vector<16xi32>
      %jit3A_778 = arith.constant -1 : i32
      %broadcast_in_dim3A_779 = vector.broadcast %jit3A_778 : i32 to vector<16xi32>
      %select_n3A_780 = arith.select %ne3A_776, %add3A_777, %broadcast_in_dim3A_779 : vector<16xi1>, vector<16xi32>
      %swap3A_781 = arith.index_cast %add3A_768 : i32 to index
      %swap3A_782 = tpu.vector_load %arg18[%swap3A_781] {strides = array<i32>} : memref<20480xi32, #tpu.memory_space<vmem>>, vector<16xi32>,
      %swap3A_783 = vector.shape_cast %swap3A_782 : vector<16xi32> to vector<16xi32>
      %swap3A_784 = vector.shape_cast %select_n3A_780 : vector<16xi32> to vector<16xi32>
      tpu.vector_store %arg18[%swap3A_781], %swap3A_784 {strides = array<i32>} : memref<20480xi32, #tpu.memory_space<vmem>>, vector<16xi32>,
      %add3A_785 = arith.constant 6720 : i32
      %add3A_786 = arith.addi %add3A_785, %mul3A_45 : i32
      %mul3A_787 = arith.mulf %mul3A_226, %max3A_366 : vector<16xf32>
      %swap3A_788 = arith.index_cast %add3A_786 : i32 to index
      %swap3A_789 = tpu.vector_load %arg17[%swap3A_788] {strides = array<i32>} : memref<20480xf32, #tpu.memory_space<vmem>>, vector<16xf32>,
      %swap3A_790 = vector.shape_cast %swap3A_789 : vector<16xf32> to vector<16xf32>
      %swap3A_791 = vector.shape_cast %mul3A_787 : vector<16xf32> to vector<16xf32>
      tpu.vector_store %arg17[%swap3A_788], %swap3A_791 {strides = array<i32>} : memref<20480xf32, #tpu.memory_space<vmem>>, vector<16xf32>,
      %ne3A_792 = arith.constant 0.000000e+00 : f32
      %ne3A_793 = vector.broadcast %ne3A_792 : f32 to vector<16xf32>
      %ne3A_794 = arith.cmpf one, %mul3A_787, %ne3A_793 : vector<16xf32>
      %add3A_795 = arith.addi %mul3A_229, %min3A_372 : vector<16xi32>
      %jit3A_796 = arith.constant -1 : i32
      %broadcast_in_dim3A_797 = vector.broadcast %jit3A_796 : i32 to vector<16xi32>
      %select_n3A_798 = arith.select %ne3A_794, %add3A_795, %broadcast_in_dim3A_797 : vector<16xi1>, vector<16xi32>
      %swap3A_799 = arith.index_cast %add3A_786 : i32 to index
      %swap3A_800 = tpu.vector_load %arg18[%swap3A_799] {strides = array<i32>} : memref<20480xi32, #tpu.memory_space<vmem>>, vector<16xi32>,
      %swap3A_801 = vector.shape_cast %swap3A_800 : vector<16xi32> to vector<16xi32>
      %swap3A_802 = vector.shape_cast %select_n3A_798 : vector<16xi32> to vector<16xi32>
      tpu.vector_store %arg18[%swap3A_799], %swap3A_802 {strides = array<i32>} : memref<20480xi32, #tpu.memory_space<vmem>>, vector<16xi32>,
      %add3A_803 = arith.constant 7040 : i32
      %add3A_804 = arith.addi %add3A_803, %mul3A_45 : i32
      %mul3A_805 = arith.mulf %mul3A_226, %max3A_384 : vector<16xf32>
      %swap3A_806 = arith.index_cast %add3A_804 : i32 to index
      %swap3A_807 = tpu.vector_load %arg17[%swap3A_806] {strides = array<i32>} : memref<20480xf32, #tpu.memory_space<vmem>>, vector<16xf32>,
      %swap3A_808 = vector.shape_cast %swap3A_807 : vector<16xf32> to vector<16xf32>
      %swap3A_809 = vector.shape_cast %mul3A_805 : vector<16xf32> to vector<16xf32>
      tpu.vector_store %arg17[%swap3A_806], %swap3A_809 {strides = array<i32>} : memref<20480xf32, #tpu.memory_space<vmem>>, vector<16xf32>,
      %ne3A_810 = arith.constant 0.000000e+00 : f32
      %ne3A_811 = vector.broadcast %ne3A_810 : f32 to vector<16xf32>
      %ne3A_812 = arith.cmpf one, %mul3A_805, %ne3A_811 : vector<16xf32>
      %add3A_813 = arith.addi %mul3A_229, %min3A_390 : vector<16xi32>
      %jit3A_814 = arith.constant -1 : i32
      %broadcast_in_dim3A_815 = vector.broadcast %jit3A_814 : i32 to vector<16xi32>
      %select_n3A_816 = arith.select %ne3A_812, %add3A_813, %broadcast_in_dim3A_815 : vector<16xi1>, vector<16xi32>
      %swap3A_817 = arith.index_cast %add3A_804 : i32 to index
      %swap3A_818 = tpu.vector_load %arg18[%swap3A_817] {strides = array<i32>} : memref<20480xi32, #tpu.memory_space<vmem>>, vector<16xi32>,
      %swap3A_819 = vector.shape_cast %swap3A_818 : vector<16xi32> to vector<16xi32>
      %swap3A_820 = vector.shape_cast %select_n3A_816 : vector<16xi32> to vector<16xi32>
      tpu.vector_store %arg18[%swap3A_817], %swap3A_820 {strides = array<i32>} : memref<20480xi32, #tpu.memory_space<vmem>>, vector<16xi32>,
      %add3A_821 = arith.constant 7360 : i32
      %add3A_822 = arith.addi %add3A_821, %mul3A_45 : i32
      %mul3A_823 = arith.mulf %mul3A_226, %max3A_402 : vector<16xf32>
      %swap3A_824 = arith.index_cast %add3A_822 : i32 to index
      %swap3A_825 = tpu.vector_load %arg17[%swap3A_824] {strides = array<i32>} : memref<20480xf32, #tpu.memory_space<vmem>>, vector<16xf32>,
      %swap3A_826 = vector.shape_cast %swap3A_825 : vector<16xf32> to vector<16xf32>
      %swap3A_827 = vector.shape_cast %mul3A_823 : vector<16xf32> to vector<16xf32>
      tpu.vector_store %arg17[%swap3A_824], %swap3A_827 {strides = array<i32>} : memref<20480xf32, #tpu.memory_space<vmem>>, vector<16xf32>,
      %ne3A_828 = arith.constant 0.000000e+00 : f32
      %ne3A_829 = vector.broadcast %ne3A_828 : f32 to vector<16xf32>
      %ne3A_830 = arith.cmpf one, %mul3A_823, %ne3A_829 : vector<16xf32>
      %add3A_831 = arith.addi %mul3A_229, %min3A_408 : vector<16xi32>
      %jit3A_832 = arith.constant -1 : i32
      %broadcast_in_dim3A_833 = vector.broadcast %jit3A_832 : i32 to vector<16xi32>
      %select_n3A_834 = arith.select %ne3A_830, %add3A_831, %broadcast_in_dim3A_833 : vector<16xi1>, vector<16xi32>
      %swap3A_835 = arith.index_cast %add3A_822 : i32 to index
      %swap3A_836 = tpu.vector_load %arg18[%swap3A_835] {strides = array<i32>} : memref<20480xi32, #tpu.memory_space<vmem>>, vector<16xi32>,
      %swap3A_837 = vector.shape_cast %swap3A_836 : vector<16xi32> to vector<16xi32>
      %swap3A_838 = vector.shape_cast %select_n3A_834 : vector<16xi32> to vector<16xi32>
      tpu.vector_store %arg18[%swap3A_835], %swap3A_838 {strides = array<i32>} : memref<20480xi32, #tpu.memory_space<vmem>>, vector<16xi32>,
      %add3A_839 = arith.constant 7680 : i32
      %add3A_840 = arith.addi %add3A_839, %mul3A_45 : i32
      %mul3A_841 = arith.mulf %mul3A_230, %max3A_276 : vector<16xf32>
      %swap3A_842 = arith.index_cast %add3A_840 : i32 to index
      %swap3A_843 = tpu.vector_load %arg17[%swap3A_842] {strides = array<i32>} : memref<20480xf32, #tpu.memory_space<vmem>>, vector<16xf32>,
      %swap3A_844 = vector.shape_cast %swap3A_843 : vector<16xf32> to vector<16xf32>
      %swap3A_845 = vector.shape_cast %mul3A_841 : vector<16xf32> to vector<16xf32>
      tpu.vector_store %arg17[%swap3A_842], %swap3A_845 {strides = array<i32>} : memref<20480xf32, #tpu.memory_space<vmem>>, vector<16xf32>,
      %ne3A_846 = arith.constant 0.000000e+00 : f32
      %ne3A_847 = vector.broadcast %ne3A_846 : f32 to vector<16xf32>
      %ne3A_848 = arith.cmpf one, %mul3A_841, %ne3A_847 : vector<16xf32>
      %add3A_849 = arith.addi %mul3A_233, %min3A_282 : vector<16xi32>
      %jit3A_850 = arith.constant -1 : i32
      %broadcast_in_dim3A_851 = vector.broadcast %jit3A_850 : i32 to vector<16xi32>
      %select_n3A_852 = arith.select %ne3A_848, %add3A_849, %broadcast_in_dim3A_851 : vector<16xi1>, vector<16xi32>
      %swap3A_853 = arith.index_cast %add3A_840 : i32 to index
      %swap3A_854 = tpu.vector_load %arg18[%swap3A_853] {strides = array<i32>} : memref<20480xi32, #tpu.memory_space<vmem>>, vector<16xi32>,
      %swap3A_855 = vector.shape_cast %swap3A_854 : vector<16xi32> to vector<16xi32>
      %swap3A_856 = vector.shape_cast %select_n3A_852 : vector<16xi32> to vector<16xi32>
      tpu.vector_store %arg18[%swap3A_853], %swap3A_856 {strides = array<i32>} : memref<20480xi32, #tpu.memory_space<vmem>>, vector<16xi32>,
      %add3A_857 = arith.constant 8000 : i32
      %add3A_858 = arith.addi %add3A_857, %mul3A_45 : i32
      %mul3A_859 = arith.mulf %mul3A_230, %max3A_294 : vector<16xf32>
      %swap3A_860 = arith.index_cast %add3A_858 : i32 to index
      %swap3A_861 = tpu.vector_load %arg17[%swap3A_860] {strides = array<i32>} : memref<20480xf32, #tpu.memory_space<vmem>>, vector<16xf32>,
      %swap3A_862 = vector.shape_cast %swap3A_861 : vector<16xf32> to vector<16xf32>
      %swap3A_863 = vector.shape_cast %mul3A_859 : vector<16xf32> to vector<16xf32>
      tpu.vector_store %arg17[%swap3A_860], %swap3A_863 {strides = array<i32>} : memref<20480xf32, #tpu.memory_space<vmem>>, vector<16xf32>,
      %ne3A_864 = arith.constant 0.000000e+00 : f32
      %ne3A_865 = vector.broadcast %ne3A_864 : f32 to vector<16xf32>
      %ne3A_866 = arith.cmpf one, %mul3A_859, %ne3A_865 : vector<16xf32>
      %add3A_867 = arith.addi %mul3A_233, %min3A_300 : vector<16xi32>
      %jit3A_868 = arith.constant -1 : i32
      %broadcast_in_dim3A_869 = vector.broadcast %jit3A_868 : i32 to vector<16xi32>
      %select_n3A_870 = arith.select %ne3A_866, %add3A_867, %broadcast_in_dim3A_869 : vector<16xi1>, vector<16xi32>
      %swap3A_871 = arith.index_cast %add3A_858 : i32 to index
      %swap3A_872 = tpu.vector_load %arg18[%swap3A_871] {strides = array<i32>} : memref<20480xi32, #tpu.memory_space<vmem>>, vector<16xi32>,
      %swap3A_873 = vector.shape_cast %swap3A_872 : vector<16xi32> to vector<16xi32>
      %swap3A_874 = vector.shape_cast %select_n3A_870 : vector<16xi32> to vector<16xi32>
      tpu.vector_store %arg18[%swap3A_871], %swap3A_874 {strides = array<i32>} : memref<20480xi32, #tpu.memory_space<vmem>>, vector<16xi32>,
      %add3A_875 = arith.constant 8320 : i32
      %add3A_876 = arith.addi %add3A_875, %mul3A_45 : i32
      %mul3A_877 = arith.mulf %mul3A_230, %max3A_312 : vector<16xf32>
      %swap3A_878 = arith.index_cast %add3A_876 : i32 to index
      %swap3A_879 = tpu.vector_load %arg17[%swap3A_878] {strides = array<i32>} : memref<20480xf32, #tpu.memory_space<vmem>>, vector<16xf32>,
      %swap3A_880 = vector.shape_cast %swap3A_879 : vector<16xf32> to vector<16xf32>
      %swap3A_881 = vector.shape_cast %mul3A_877 : vector<16xf32> to vector<16xf32>
      tpu.vector_store %arg17[%swap3A_878], %swap3A_881 {strides = array<i32>} : memref<20480xf32, #tpu.memory_space<vmem>>, vector<16xf32>,
      %ne3A_882 = arith.constant 0.000000e+00 : f32
      %ne3A_883 = vector.broadcast %ne3A_882 : f32 to vector<16xf32>
      %ne3A_884 = arith.cmpf one, %mul3A_877, %ne3A_883 : vector<16xf32>
      %add3A_885 = arith.addi %mul3A_233, %min3A_318 : vector<16xi32>
      %jit3A_886 = arith.constant -1 : i32
      %broadcast_in_dim3A_887 = vector.broadcast %jit3A_886 : i32 to vector<16xi32>
      %select_n3A_888 = arith.select %ne3A_884, %add3A_885, %broadcast_in_dim3A_887 : vector<16xi1>, vector<16xi32>
      %swap3A_889 = arith.index_cast %add3A_876 : i32 to index
      %swap3A_890 = tpu.vector_load %arg18[%swap3A_889] {strides = array<i32>} : memref<20480xi32, #tpu.memory_space<vmem>>, vector<16xi32>,
      %swap3A_891 = vector.shape_cast %swap3A_890 : vector<16xi32> to vector<16xi32>
      %swap3A_892 = vector.shape_cast %select_n3A_888 : vector<16xi32> to vector<16xi32>
      tpu.vector_store %arg18[%swap3A_889], %swap3A_892 {strides = array<i32>} : memref<20480xi32, #tpu.memory_space<vmem>>, vector<16xi32>,
      %add3A_893 = arith.constant 8640 : i32
      %add3A_894 = arith.addi %add3A_893, %mul3A_45 : i32
      %mul3A_895 = arith.mulf %mul3A_230, %max3A_330 : vector<16xf32>
      %swap3A_896 = arith.index_cast %add3A_894 : i32 to index
      %swap3A_897 = tpu.vector_load %arg17[%swap3A_896] {strides = array<i32>} : memref<20480xf32, #tpu.memory_space<vmem>>, vector<16xf32>,
      %swap3A_898 = vector.shape_cast %swap3A_897 : vector<16xf32> to vector<16xf32>
      %swap3A_899 = vector.shape_cast %mul3A_895 : vector<16xf32> to vector<16xf32>
      tpu.vector_store %arg17[%swap3A_896], %swap3A_899 {strides = array<i32>} : memref<20480xf32, #tpu.memory_space<vmem>>, vector<16xf32>,
      %ne3A_900 = arith.constant 0.000000e+00 : f32
      %ne3A_901 = vector.broadcast %ne3A_900 : f32 to vector<16xf32>
      %ne3A_902 = arith.cmpf one, %mul3A_895, %ne3A_901 : vector<16xf32>
      %add3A_903 = arith.addi %mul3A_233, %min3A_336 : vector<16xi32>
      %jit3A_904 = arith.constant -1 : i32
      %broadcast_in_dim3A_905 = vector.broadcast %jit3A_904 : i32 to vector<16xi32>
      %select_n3A_906 = arith.select %ne3A_902, %add3A_903, %broadcast_in_dim3A_905 : vector<16xi1>, vector<16xi32>
      %swap3A_907 = arith.index_cast %add3A_894 : i32 to index
      %swap3A_908 = tpu.vector_load %arg18[%swap3A_907] {strides = array<i32>} : memref<20480xi32, #tpu.memory_space<vmem>>, vector<16xi32>,
      %swap3A_909 = vector.shape_cast %swap3A_908 : vector<16xi32> to vector<16xi32>
      %swap3A_910 = vector.shape_cast %select_n3A_906 : vector<16xi32> to vector<16xi32>
      tpu.vector_store %arg18[%swap3A_907], %swap3A_910 {strides = array<i32>} : memref<20480xi32, #tpu.memory_space<vmem>>, vector<16xi32>,
      %add3A_911 = arith.constant 8960 : i32
      %add3A_912 = arith.addi %add3A_911, %mul3A_45 : i32
      %mul3A_913 = arith.mulf %mul3A_230, %max3A_348 : vector<16xf32>
      %swap3A_914 = arith.index_cast %add3A_912 : i32 to index
      %swap3A_915 = tpu.vector_load %arg17[%swap3A_914] {strides = array<i32>} : memref<20480xf32, #tpu.memory_space<vmem>>, vector<16xf32>,
      %swap3A_916 = vector.shape_cast %swap3A_915 : vector<16xf32> to vector<16xf32>
      %swap3A_917 = vector.shape_cast %mul3A_913 : vector<16xf32> to vector<16xf32>
      tpu.vector_store %arg17[%swap3A_914], %swap3A_917 {strides = array<i32>} : memref<20480xf32, #tpu.memory_space<vmem>>, vector<16xf32>,
      %ne3A_918 = arith.constant 0.000000e+00 : f32
      %ne3A_919 = vector.broadcast %ne3A_918 : f32 to vector<16xf32>
      %ne3A_920 = arith.cmpf one, %mul3A_913, %ne3A_919 : vector<16xf32>
      %add3A_921 = arith.addi %mul3A_233, %min3A_354 : vector<16xi32>
      %jit3A_922 = arith.constant -1 : i32
      %broadcast_in_dim3A_923 = vector.broadcast %jit3A_922 : i32 to vector<16xi32>
      %select_n3A_924 = arith.select %ne3A_920, %add3A_921, %broadcast_in_dim3A_923 : vector<16xi1>, vector<16xi32>
      %swap3A_925 = arith.index_cast %add3A_912 : i32 to index
      %swap3A_926 = tpu.vector_load %arg18[%swap3A_925] {strides = array<i32>} : memref<20480xi32, #tpu.memory_space<vmem>>, vector<16xi32>,
      %swap3A_927 = vector.shape_cast %swap3A_926 : vector<16xi32> to vector<16xi32>
      %swap3A_928 = vector.shape_cast %select_n3A_924 : vector<16xi32> to vector<16xi32>
      tpu.vector_store %arg18[%swap3A_925], %swap3A_928 {strides = array<i32>} : memref<20480xi32, #tpu.memory_space<vmem>>, vector<16xi32>,
      %add3A_929 = arith.constant 9280 : i32
      %add3A_930 = arith.addi %add3A_929, %mul3A_45 : i32
      %mul3A_931 = arith.mulf %mul3A_230, %max3A_366 : vector<16xf32>
      %swap3A_932 = arith.index_cast %add3A_930 : i32 to index
      %swap3A_933 = tpu.vector_load %arg17[%swap3A_932] {strides = array<i32>} : memref<20480xf32, #tpu.memory_space<vmem>>, vector<16xf32>,
      %swap3A_934 = vector.shape_cast %swap3A_933 : vector<16xf32> to vector<16xf32>
      %swap3A_935 = vector.shape_cast %mul3A_931 : vector<16xf32> to vector<16xf32>
      tpu.vector_store %arg17[%swap3A_932], %swap3A_935 {strides = array<i32>} : memref<20480xf32, #tpu.memory_space<vmem>>, vector<16xf32>,
      %ne3A_936 = arith.constant 0.000000e+00 : f32
      %ne3A_937 = vector.broadcast %ne3A_936 : f32 to vector<16xf32>
      %ne3A_938 = arith.cmpf one, %mul3A_931, %ne3A_937 : vector<16xf32>
      %add3A_939 = arith.addi %mul3A_233, %min3A_372 : vector<16xi32>
      %jit3A_940 = arith.constant -1 : i32
      %broadcast_in_dim3A_941 = vector.broadcast %jit3A_940 : i32 to vector<16xi32>
      %select_n3A_942 = arith.select %ne3A_938, %add3A_939, %broadcast_in_dim3A_941 : vector<16xi1>, vector<16xi32>
      %swap3A_943 = arith.index_cast %add3A_930 : i32 to index
      %swap3A_944 = tpu.vector_load %arg18[%swap3A_943] {strides = array<i32>} : memref<20480xi32, #tpu.memory_space<vmem>>, vector<16xi32>,
      %swap3A_945 = vector.shape_cast %swap3A_944 : vector<16xi32> to vector<16xi32>
      %swap3A_946 = vector.shape_cast %select_n3A_942 : vector<16xi32> to vector<16xi32>
      tpu.vector_store %arg18[%swap3A_943], %swap3A_946 {strides = array<i32>} : memref<20480xi32, #tpu.memory_space<vmem>>, vector<16xi32>,
      %add3A_947 = arith.constant 9600 : i32
      %add3A_948 = arith.addi %add3A_947, %mul3A_45 : i32
      %mul3A_949 = arith.mulf %mul3A_230, %max3A_384 : vector<16xf32>
      %swap3A_950 = arith.index_cast %add3A_948 : i32 to index
      %swap3A_951 = tpu.vector_load %arg17[%swap3A_950] {strides = array<i32>} : memref<20480xf32, #tpu.memory_space<vmem>>, vector<16xf32>,
      %swap3A_952 = vector.shape_cast %swap3A_951 : vector<16xf32> to vector<16xf32>
      %swap3A_953 = vector.shape_cast %mul3A_949 : vector<16xf32> to vector<16xf32>
      tpu.vector_store %arg17[%swap3A_950], %swap3A_953 {strides = array<i32>} : memref<20480xf32, #tpu.memory_space<vmem>>, vector<16xf32>,
      %ne3A_954 = arith.constant 0.000000e+00 : f32
      %ne3A_955 = vector.broadcast %ne3A_954 : f32 to vector<16xf32>
      %ne3A_956 = arith.cmpf one, %mul3A_949, %ne3A_955 : vector<16xf32>
      %add3A_957 = arith.addi %mul3A_233, %min3A_390 : vector<16xi32>
      %jit3A_958 = arith.constant -1 : i32
      %broadcast_in_dim3A_959 = vector.broadcast %jit3A_958 : i32 to vector<16xi32>
      %select_n3A_960 = arith.select %ne3A_956, %add3A_957, %broadcast_in_dim3A_959 : vector<16xi1>, vector<16xi32>
      %swap3A_961 = arith.index_cast %add3A_948 : i32 to index
      %swap3A_962 = tpu.vector_load %arg18[%swap3A_961] {strides = array<i32>} : memref<20480xi32, #tpu.memory_space<vmem>>, vector<16xi32>,
      %swap3A_963 = vector.shape_cast %swap3A_962 : vector<16xi32> to vector<16xi32>
      %swap3A_964 = vector.shape_cast %select_n3A_960 : vector<16xi32> to vector<16xi32>
      tpu.vector_store %arg18[%swap3A_961], %swap3A_964 {strides = array<i32>} : memref<20480xi32, #tpu.memory_space<vmem>>, vector<16xi32>,
      %add3A_965 = arith.constant 9920 : i32
      %add3A_966 = arith.addi %add3A_965, %mul3A_45 : i32
      %mul3A_967 = arith.mulf %mul3A_230, %max3A_402 : vector<16xf32>
      %swap3A_968 = arith.index_cast %add3A_966 : i32 to index
      %swap3A_969 = tpu.vector_load %arg17[%swap3A_968] {strides = array<i32>} : memref<20480xf32, #tpu.memory_space<vmem>>, vector<16xf32>,
      %swap3A_970 = vector.shape_cast %swap3A_969 : vector<16xf32> to vector<16xf32>
      %swap3A_971 = vector.shape_cast %mul3A_967 : vector<16xf32> to vector<16xf32>
      tpu.vector_store %arg17[%swap3A_968], %swap3A_971 {strides = array<i32>} : memref<20480xf32, #tpu.memory_space<vmem>>, vector<16xf32>,
      %ne3A_972 = arith.constant 0.000000e+00 : f32
      %ne3A_973 = vector.broadcast %ne3A_972 : f32 to vector<16xf32>
      %ne3A_974 = arith.cmpf one, %mul3A_967, %ne3A_973 : vector<16xf32>
      %add3A_975 = arith.addi %mul3A_233, %min3A_408 : vector<16xi32>
      %jit3A_976 = arith.constant -1 : i32
      %broadcast_in_dim3A_977 = vector.broadcast %jit3A_976 : i32 to vector<16xi32>
      %select_n3A_978 = arith.select %ne3A_974, %add3A_975, %broadcast_in_dim3A_977 : vector<16xi1>, vector<16xi32>
      %swap3A_979 = arith.index_cast %add3A_966 : i32 to index
      %swap3A_980 = tpu.vector_load %arg18[%swap3A_979] {strides = array<i32>} : memref<20480xi32, #tpu.memory_space<vmem>>, vector<16xi32>,
      %swap3A_981 = vector.shape_cast %swap3A_980 : vector<16xi32> to vector<16xi32>
      %swap3A_982 = vector.shape_cast %select_n3A_978 : vector<16xi32> to vector<16xi32>
      tpu.vector_store %arg18[%swap3A_979], %swap3A_982 {strides = array<i32>} : memref<20480xi32, #tpu.memory_space<vmem>>, vector<16xi32>,
      %add3A_983 = arith.constant 10240 : i32
      %add3A_984 = arith.addi %add3A_983, %mul3A_45 : i32
      %mul3A_985 = arith.mulf %mul3A_234, %max3A_276 : vector<16xf32>
      %swap3A_986 = arith.index_cast %add3A_984 : i32 to index
      %swap3A_987 = tpu.vector_load %arg17[%swap3A_986] {strides = array<i32>} : memref<20480xf32, #tpu.memory_space<vmem>>, vector<16xf32>,
      %swap3A_988 = vector.shape_cast %swap3A_987 : vector<16xf32> to vector<16xf32>
      %swap3A_989 = vector.shape_cast %mul3A_985 : vector<16xf32> to vector<16xf32>
      tpu.vector_store %arg17[%swap3A_986], %swap3A_989 {strides = array<i32>} : memref<20480xf32, #tpu.memory_space<vmem>>, vector<16xf32>,
      %ne3A_990 = arith.constant 0.000000e+00 : f32
      %ne3A_991 = vector.broadcast %ne3A_990 : f32 to vector<16xf32>
      %ne3A_992 = arith.cmpf one, %mul3A_985, %ne3A_991 : vector<16xf32>
      %add3A_993 = arith.addi %mul3A_237, %min3A_282 : vector<16xi32>
      %jit3A_994 = arith.constant -1 : i32
      %broadcast_in_dim3A_995 = vector.broadcast %jit3A_994 : i32 to vector<16xi32>
      %select_n3A_996 = arith.select %ne3A_992, %add3A_993, %broadcast_in_dim3A_995 : vector<16xi1>, vector<16xi32>
      %swap3A_997 = arith.index_cast %add3A_984 : i32 to index
      %swap3A_998 = tpu.vector_load %arg18[%swap3A_997] {strides = array<i32>} : memref<20480xi32, #tpu.memory_space<vmem>>, vector<16xi32>,
      %swap3A_999 = vector.shape_cast %swap3A_998 : vector<16xi32> to vector<16xi32>
      %swap3A_1000 = vector.shape_cast %select_n3A_996 : vector<16xi32> to vector<16xi32>
      tpu.vector_store %arg18[%swap3A_997], %swap3A_1000 {strides = array<i32>} : memref<20480xi32, #tpu.memory_space<vmem>>, vector<16xi32>,
      %add3A_1001 = arith.constant 10560 : i32
      %add3A_1002 = arith.addi %add3A_1001, %mul3A_45 : i32
      %mul3A_1003 = arith.mulf %mul3A_234, %max3A_294 : vector<16xf32>
      %swap3A_1004 = arith.index_cast %add3A_1002 : i32 to index
      %swap3A_1005 = tpu.vector_load %arg17[%swap3A_1004] {strides = array<i32>} : memref<20480xf32, #tpu.memory_space<vmem>>, vector<16xf32>,
      %swap3A_1006 = vector.shape_cast %swap3A_1005 : vector<16xf32> to vector<16xf32>
      %swap3A_1007 = vector.shape_cast %mul3A_1003 : vector<16xf32> to vector<16xf32>
      tpu.vector_store %arg17[%swap3A_1004], %swap3A_1007 {strides = array<i32>} : memref<20480xf32, #tpu.memory_space<vmem>>, vector<16xf32>,
      %ne3A_1008 = arith.constant 0.000000e+00 : f32
      %ne3A_1009 = vector.broadcast %ne3A_1008 : f32 to vector<16xf32>
      %ne3A_1010 = arith.cmpf one, %mul3A_1003, %ne3A_1009 : vector<16xf32>
      %add3A_1011 = arith.addi %mul3A_237, %min3A_300 : vector<16xi32>
      %jit3A_1012 = arith.constant -1 : i32
      %broadcast_in_dim3A_1013 = vector.broadcast %jit3A_1012 : i32 to vector<16xi32>
      %select_n3A_1014 = arith.select %ne3A_1010, %add3A_1011, %broadcast_in_dim3A_1013 : vector<16xi1>, vector<16xi32>
      %swap3A_1015 = arith.index_cast %add3A_1002 : i32 to index
      %swap3A_1016 = tpu.vector_load %arg18[%swap3A_1015] {strides = array<i32>} : memref<20480xi32, #tpu.memory_space<vmem>>, vector<16xi32>,
      %swap3A_1017 = vector.shape_cast %swap3A_1016 : vector<16xi32> to vector<16xi32>
      %swap3A_1018 = vector.shape_cast %select_n3A_1014 : vector<16xi32> to vector<16xi32>
      tpu.vector_store %arg18[%swap3A_1015], %swap3A_1018 {strides = array<i32>} : memref<20480xi32, #tpu.memory_space<vmem>>, vector<16xi32>,
      %add3A_1019 = arith.constant 10880 : i32
      %add3A_1020 = arith.addi %add3A_1019, %mul3A_45 : i32
      %mul3A_1021 = arith.mulf %mul3A_234, %max3A_312 : vector<16xf32>
      %swap3A_1022 = arith.index_cast %add3A_1020 : i32 to index
      %swap3A_1023 = tpu.vector_load %arg17[%swap3A_1022] {strides = array<i32>} : memref<20480xf32, #tpu.memory_space<vmem>>, vector<16xf32>,
      %swap3A_1024 = vector.shape_cast %swap3A_1023 : vector<16xf32> to vector<16xf32>
      %swap3A_1025 = vector.shape_cast %mul3A_1021 : vector<16xf32> to vector<16xf32>
      tpu.vector_store %arg17[%swap3A_1022], %swap3A_1025 {strides = array<i32>} : memref<20480xf32, #tpu.memory_space<vmem>>, vector<16xf32>,
      %ne3A_1026 = arith.constant 0.000000e+00 : f32
      %ne3A_1027 = vector.broadcast %ne3A_1026 : f32 to vector<16xf32>
      %ne3A_1028 = arith.cmpf one, %mul3A_1021, %ne3A_1027 : vector<16xf32>
      %add3A_1029 = arith.addi %mul3A_237, %min3A_318 : vector<16xi32>
      %jit3A_1030 = arith.constant -1 : i32
      %broadcast_in_dim3A_1031 = vector.broadcast %jit3A_1030 : i32 to vector<16xi32>
      %select_n3A_1032 = arith.select %ne3A_1028, %add3A_1029, %broadcast_in_dim3A_1031 : vector<16xi1>, vector<16xi32>
      %swap3A_1033 = arith.index_cast %add3A_1020 : i32 to index
      %swap3A_1034 = tpu.vector_load %arg18[%swap3A_1033] {strides = array<i32>} : memref<20480xi32, #tpu.memory_space<vmem>>, vector<16xi32>,
      %swap3A_1035 = vector.shape_cast %swap3A_1034 : vector<16xi32> to vector<16xi32>
      %swap3A_1036 = vector.shape_cast %select_n3A_1032 : vector<16xi32> to vector<16xi32>
      tpu.vector_store %arg18[%swap3A_1033], %swap3A_1036 {strides = array<i32>} : memref<20480xi32, #tpu.memory_space<vmem>>, vector<16xi32>,
      %add3A_1037 = arith.constant 11200 : i32
      %add3A_1038 = arith.addi %add3A_1037, %mul3A_45 : i32
      %mul3A_1039 = arith.mulf %mul3A_234, %max3A_330 : vector<16xf32>
      %swap3A_1040 = arith.index_cast %add3A_1038 : i32 to index
      %swap3A_1041 = tpu.vector_load %arg17[%swap3A_1040] {strides = array<i32>} : memref<20480xf32, #tpu.memory_space<vmem>>, vector<16xf32>,
      %swap3A_1042 = vector.shape_cast %swap3A_1041 : vector<16xf32> to vector<16xf32>
      %swap3A_1043 = vector.shape_cast %mul3A_1039 : vector<16xf32> to vector<16xf32>
      tpu.vector_store %arg17[%swap3A_1040], %swap3A_1043 {strides = array<i32>} : memref<20480xf32, #tpu.memory_space<vmem>>, vector<16xf32>,
      %ne3A_1044 = arith.constant 0.000000e+00 : f32
      %ne3A_1045 = vector.broadcast %ne3A_1044 : f32 to vector<16xf32>
      %ne3A_1046 = arith.cmpf one, %mul3A_1039, %ne3A_1045 : vector<16xf32>
      %add3A_1047 = arith.addi %mul3A_237, %min3A_336 : vector<16xi32>
      %jit3A_1048 = arith.constant -1 : i32
      %broadcast_in_dim3A_1049 = vector.broadcast %jit3A_1048 : i32 to vector<16xi32>
      %select_n3A_1050 = arith.select %ne3A_1046, %add3A_1047, %broadcast_in_dim3A_1049 : vector<16xi1>, vector<16xi32>
      %swap3A_1051 = arith.index_cast %add3A_1038 : i32 to index
      %swap3A_1052 = tpu.vector_load %arg18[%swap3A_1051] {strides = array<i32>} : memref<20480xi32, #tpu.memory_space<vmem>>, vector<16xi32>,
      %swap3A_1053 = vector.shape_cast %swap3A_1052 : vector<16xi32> to vector<16xi32>
      %swap3A_1054 = vector.shape_cast %select_n3A_1050 : vector<16xi32> to vector<16xi32>
      tpu.vector_store %arg18[%swap3A_1051], %swap3A_1054 {strides = array<i32>} : memref<20480xi32, #tpu.memory_space<vmem>>, vector<16xi32>,
      %add3A_1055 = arith.constant 11520 : i32
      %add3A_1056 = arith.addi %add3A_1055, %mul3A_45 : i32
      %mul3A_1057 = arith.mulf %mul3A_234, %max3A_348 : vector<16xf32>
      %swap3A_1058 = arith.index_cast %add3A_1056 : i32 to index
      %swap3A_1059 = tpu.vector_load %arg17[%swap3A_1058] {strides = array<i32>} : memref<20480xf32, #tpu.memory_space<vmem>>, vector<16xf32>,
      %swap3A_1060 = vector.shape_cast %swap3A_1059 : vector<16xf32> to vector<16xf32>
      %swap3A_1061 = vector.shape_cast %mul3A_1057 : vector<16xf32> to vector<16xf32>
      tpu.vector_store %arg17[%swap3A_1058], %swap3A_1061 {strides = array<i32>} : memref<20480xf32, #tpu.memory_space<vmem>>, vector<16xf32>,
      %ne3A_1062 = arith.constant 0.000000e+00 : f32
      %ne3A_1063 = vector.broadcast %ne3A_1062 : f32 to vector<16xf32>
      %ne3A_1064 = arith.cmpf one, %mul3A_1057, %ne3A_1063 : vector<16xf32>
      %add3A_1065 = arith.addi %mul3A_237, %min3A_354 : vector<16xi32>
      %jit3A_1066 = arith.constant -1 : i32
      %broadcast_in_dim3A_1067 = vector.broadcast %jit3A_1066 : i32 to vector<16xi32>
      %select_n3A_1068 = arith.select %ne3A_1064, %add3A_1065, %broadcast_in_dim3A_1067 : vector<16xi1>, vector<16xi32>
      %swap3A_1069 = arith.index_cast %add3A_1056 : i32 to index
      %swap3A_1070 = tpu.vector_load %arg18[%swap3A_1069] {strides = array<i32>} : memref<20480xi32, #tpu.memory_space<vmem>>, vector<16xi32>,
      %swap3A_1071 = vector.shape_cast %swap3A_1070 : vector<16xi32> to vector<16xi32>
      %swap3A_1072 = vector.shape_cast %select_n3A_1068 : vector<16xi32> to vector<16xi32>
      tpu.vector_store %arg18[%swap3A_1069], %swap3A_1072 {strides = array<i32>} : memref<20480xi32, #tpu.memory_space<vmem>>, vector<16xi32>,
      %add3A_1073 = arith.constant 11840 : i32
      %add3A_1074 = arith.addi %add3A_1073, %mul3A_45 : i32
      %mul3A_1075 = arith.mulf %mul3A_234, %max3A_366 : vector<16xf32>
      %swap3A_1076 = arith.index_cast %add3A_1074 : i32 to index
      %swap3A_1077 = tpu.vector_load %arg17[%swap3A_1076] {strides = array<i32>} : memref<20480xf32, #tpu.memory_space<vmem>>, vector<16xf32>,
      %swap3A_1078 = vector.shape_cast %swap3A_1077 : vector<16xf32> to vector<16xf32>
      %swap3A_1079 = vector.shape_cast %mul3A_1075 : vector<16xf32> to vector<16xf32>
      tpu.vector_store %arg17[%swap3A_1076], %swap3A_1079 {strides = array<i32>} : memref<20480xf32, #tpu.memory_space<vmem>>, vector<16xf32>,
      %ne3A_1080 = arith.constant 0.000000e+00 : f32
      %ne3A_1081 = vector.broadcast %ne3A_1080 : f32 to vector<16xf32>
      %ne3A_1082 = arith.cmpf one, %mul3A_1075, %ne3A_1081 : vector<16xf32>
      %add3A_1083 = arith.addi %mul3A_237, %min3A_372 : vector<16xi32>
      %jit3A_1084 = arith.constant -1 : i32
      %broadcast_in_dim3A_1085 = vector.broadcast %jit3A_1084 : i32 to vector<16xi32>
      %select_n3A_1086 = arith.select %ne3A_1082, %add3A_1083, %broadcast_in_dim3A_1085 : vector<16xi1>, vector<16xi32>
      %swap3A_1087 = arith.index_cast %add3A_1074 : i32 to index
      %swap3A_1088 = tpu.vector_load %arg18[%swap3A_1087] {strides = array<i32>} : memref<20480xi32, #tpu.memory_space<vmem>>, vector<16xi32>,
      %swap3A_1089 = vector.shape_cast %swap3A_1088 : vector<16xi32> to vector<16xi32>
      %swap3A_1090 = vector.shape_cast %select_n3A_1086 : vector<16xi32> to vector<16xi32>
      tpu.vector_store %arg18[%swap3A_1087], %swap3A_1090 {strides = array<i32>} : memref<20480xi32, #tpu.memory_space<vmem>>, vector<16xi32>,
      %add3A_1091 = arith.constant 12160 : i32
      %add3A_1092 = arith.addi %add3A_1091, %mul3A_45 : i32
      %mul3A_1093 = arith.mulf %mul3A_234, %max3A_384 : vector<16xf32>
      %swap3A_1094 = arith.index_cast %add3A_1092 : i32 to index
      %swap3A_1095 = tpu.vector_load %arg17[%swap3A_1094] {strides = array<i32>} : memref<20480xf32, #tpu.memory_space<vmem>>, vector<16xf32>,
      %swap3A_1096 = vector.shape_cast %swap3A_1095 : vector<16xf32> to vector<16xf32>
      %swap3A_1097 = vector.shape_cast %mul3A_1093 : vector<16xf32> to vector<16xf32>
      tpu.vector_store %arg17[%swap3A_1094], %swap3A_1097 {strides = array<i32>} : memref<20480xf32, #tpu.memory_space<vmem>>, vector<16xf32>,
      %ne3A_1098 = arith.constant 0.000000e+00 : f32
      %ne3A_1099 = vector.broadcast %ne3A_1098 : f32 to vector<16xf32>
      %ne3A_1100 = arith.cmpf one, %mul3A_1093, %ne3A_1099 : vector<16xf32>
      %add3A_1101 = arith.addi %mul3A_237, %min3A_390 : vector<16xi32>
      %jit3A_1102 = arith.constant -1 : i32
      %broadcast_in_dim3A_1103 = vector.broadcast %jit3A_1102 : i32 to vector<16xi32>
      %select_n3A_1104 = arith.select %ne3A_1100, %add3A_1101, %broadcast_in_dim3A_1103 : vector<16xi1>, vector<16xi32>
      %swap3A_1105 = arith.index_cast %add3A_1092 : i32 to index
      %swap3A_1106 = tpu.vector_load %arg18[%swap3A_1105] {strides = array<i32>} : memref<20480xi32, #tpu.memory_space<vmem>>, vector<16xi32>,
      %swap3A_1107 = vector.shape_cast %swap3A_1106 : vector<16xi32> to vector<16xi32>
      %swap3A_1108 = vector.shape_cast %select_n3A_1104 : vector<16xi32> to vector<16xi32>
      tpu.vector_store %arg18[%swap3A_1105], %swap3A_1108 {strides = array<i32>} : memref<20480xi32, #tpu.memory_space<vmem>>, vector<16xi32>,
      %add3A_1109 = arith.constant 12480 : i32
      %add3A_1110 = arith.addi %add3A_1109, %mul3A_45 : i32
      %mul3A_1111 = arith.mulf %mul3A_234, %max3A_402 : vector<16xf32>
      %swap3A_1112 = arith.index_cast %add3A_1110 : i32 to index
      %swap3A_1113 = tpu.vector_load %arg17[%swap3A_1112] {strides = array<i32>} : memref<20480xf32, #tpu.memory_space<vmem>>, vector<16xf32>,
      %swap3A_1114 = vector.shape_cast %swap3A_1113 : vector<16xf32> to vector<16xf32>
      %swap3A_1115 = vector.shape_cast %mul3A_1111 : vector<16xf32> to vector<16xf32>
      tpu.vector_store %arg17[%swap3A_1112], %swap3A_1115 {strides = array<i32>} : memref<20480xf32, #tpu.memory_space<vmem>>, vector<16xf32>,
      %ne3A_1116 = arith.constant 0.000000e+00 : f32
      %ne3A_1117 = vector.broadcast %ne3A_1116 : f32 to vector<16xf32>
      %ne3A_1118 = arith.cmpf one, %mul3A_1111, %ne3A_1117 : vector<16xf32>
      %add3A_1119 = arith.addi %mul3A_237, %min3A_408 : vector<16xi32>
      %jit3A_1120 = arith.constant -1 : i32
      %broadcast_in_dim3A_1121 = vector.broadcast %jit3A_1120 : i32 to vector<16xi32>
      %select_n3A_1122 = arith.select %ne3A_1118, %add3A_1119, %broadcast_in_dim3A_1121 : vector<16xi1>, vector<16xi32>
      %swap3A_1123 = arith.index_cast %add3A_1110 : i32 to index
      %swap3A_1124 = tpu.vector_load %arg18[%swap3A_1123] {strides = array<i32>} : memref<20480xi32, #tpu.memory_space<vmem>>, vector<16xi32>,
      %swap3A_1125 = vector.shape_cast %swap3A_1124 : vector<16xi32> to vector<16xi32>
      %swap3A_1126 = vector.shape_cast %select_n3A_1122 : vector<16xi32> to vector<16xi32>
      tpu.vector_store %arg18[%swap3A_1123], %swap3A_1126 {strides = array<i32>} : memref<20480xi32, #tpu.memory_space<vmem>>, vector<16xi32>,
      %add3A_1127 = arith.constant 12800 : i32
      %add3A_1128 = arith.addi %add3A_1127, %mul3A_45 : i32
      %mul3A_1129 = arith.mulf %mul3A_238, %max3A_276 : vector<16xf32>
      %swap3A_1130 = arith.index_cast %add3A_1128 : i32 to index
      %swap3A_1131 = tpu.vector_load %arg17[%swap3A_1130] {strides = array<i32>} : memref<20480xf32, #tpu.memory_space<vmem>>, vector<16xf32>,
      %swap3A_1132 = vector.shape_cast %swap3A_1131 : vector<16xf32> to vector<16xf32>
      %swap3A_1133 = vector.shape_cast %mul3A_1129 : vector<16xf32> to vector<16xf32>
      tpu.vector_store %arg17[%swap3A_1130], %swap3A_1133 {strides = array<i32>} : memref<20480xf32, #tpu.memory_space<vmem>>, vector<16xf32>,
      %ne3A_1134 = arith.constant 0.000000e+00 : f32
      %ne3A_1135 = vector.broadcast %ne3A_1134 : f32 to vector<16xf32>
      %ne3A_1136 = arith.cmpf one, %mul3A_1129, %ne3A_1135 : vector<16xf32>
      %add3A_1137 = arith.addi %mul3A_241, %min3A_282 : vector<16xi32>
      %jit3A_1138 = arith.constant -1 : i32
      %broadcast_in_dim3A_1139 = vector.broadcast %jit3A_1138 : i32 to vector<16xi32>
      %select_n3A_1140 = arith.select %ne3A_1136, %add3A_1137, %broadcast_in_dim3A_1139 : vector<16xi1>, vector<16xi32>
      %swap3A_1141 = arith.index_cast %add3A_1128 : i32 to index
      %swap3A_1142 = tpu.vector_load %arg18[%swap3A_1141] {strides = array<i32>} : memref<20480xi32, #tpu.memory_space<vmem>>, vector<16xi32>,
      %swap3A_1143 = vector.shape_cast %swap3A_1142 : vector<16xi32> to vector<16xi32>
      %swap3A_1144 = vector.shape_cast %select_n3A_1140 : vector<16xi32> to vector<16xi32>
      tpu.vector_store %arg18[%swap3A_1141], %swap3A_1144 {strides = array<i32>} : memref<20480xi32, #tpu.memory_space<vmem>>, vector<16xi32>,
      %add3A_1145 = arith.constant 13120 : i32
      %add3A_1146 = arith.addi %add3A_1145, %mul3A_45 : i32
      %mul3A_1147 = arith.mulf %mul3A_238, %max3A_294 : vector<16xf32>
      %swap3A_1148 = arith.index_cast %add3A_1146 : i32 to index
      %swap3A_1149 = tpu.vector_load %arg17[%swap3A_1148] {strides = array<i32>} : memref<20480xf32, #tpu.memory_space<vmem>>, vector<16xf32>,
      %swap3A_1150 = vector.shape_cast %swap3A_1149 : vector<16xf32> to vector<16xf32>
      %swap3A_1151 = vector.shape_cast %mul3A_1147 : vector<16xf32> to vector<16xf32>
      tpu.vector_store %arg17[%swap3A_1148], %swap3A_1151 {strides = array<i32>} : memref<20480xf32, #tpu.memory_space<vmem>>, vector<16xf32>,
      %ne3A_1152 = arith.constant 0.000000e+00 : f32
      %ne3A_1153 = vector.broadcast %ne3A_1152 : f32 to vector<16xf32>
      %ne3A_1154 = arith.cmpf one, %mul3A_1147, %ne3A_1153 : vector<16xf32>
      %add3A_1155 = arith.addi %mul3A_241, %min3A_300 : vector<16xi32>
      %jit3A_1156 = arith.constant -1 : i32
      %broadcast_in_dim3A_1157 = vector.broadcast %jit3A_1156 : i32 to vector<16xi32>
      %select_n3A_1158 = arith.select %ne3A_1154, %add3A_1155, %broadcast_in_dim3A_1157 : vector<16xi1>, vector<16xi32>
      %swap3A_1159 = arith.index_cast %add3A_1146 : i32 to index
      %swap3A_1160 = tpu.vector_load %arg18[%swap3A_1159] {strides = array<i32>} : memref<20480xi32, #tpu.memory_space<vmem>>, vector<16xi32>,
      %swap3A_1161 = vector.shape_cast %swap3A_1160 : vector<16xi32> to vector<16xi32>
      %swap3A_1162 = vector.shape_cast %select_n3A_1158 : vector<16xi32> to vector<16xi32>
      tpu.vector_store %arg18[%swap3A_1159], %swap3A_1162 {strides = array<i32>} : memref<20480xi32, #tpu.memory_space<vmem>>, vector<16xi32>,
      %add3A_1163 = arith.constant 13440 : i32
      %add3A_1164 = arith.addi %add3A_1163, %mul3A_45 : i32
      %mul3A_1165 = arith.mulf %mul3A_238, %max3A_312 : vector<16xf32>
      %swap3A_1166 = arith.index_cast %add3A_1164 : i32 to index
      %swap3A_1167 = tpu.vector_load %arg17[%swap3A_1166] {strides = array<i32>} : memref<20480xf32, #tpu.memory_space<vmem>>, vector<16xf32>,
      %swap3A_1168 = vector.shape_cast %swap3A_1167 : vector<16xf32> to vector<16xf32>
      %swap3A_1169 = vector.shape_cast %mul3A_1165 : vector<16xf32> to vector<16xf32>
      tpu.vector_store %arg17[%swap3A_1166], %swap3A_1169 {strides = array<i32>} : memref<20480xf32, #tpu.memory_space<vmem>>, vector<16xf32>,
      %ne3A_1170 = arith.constant 0.000000e+00 : f32
      %ne3A_1171 = vector.broadcast %ne3A_1170 : f32 to vector<16xf32>
      %ne3A_1172 = arith.cmpf one, %mul3A_1165, %ne3A_1171 : vector<16xf32>
      %add3A_1173 = arith.addi %mul3A_241, %min3A_318 : vector<16xi32>
      %jit3A_1174 = arith.constant -1 : i32
      %broadcast_in_dim3A_1175 = vector.broadcast %jit3A_1174 : i32 to vector<16xi32>
      %select_n3A_1176 = arith.select %ne3A_1172, %add3A_1173, %broadcast_in_dim3A_1175 : vector<16xi1>, vector<16xi32>
      %swap3A_1177 = arith.index_cast %add3A_1164 : i32 to index
      %swap3A_1178 = tpu.vector_load %arg18[%swap3A_1177] {strides = array<i32>} : memref<20480xi32, #tpu.memory_space<vmem>>, vector<16xi32>,
      %swap3A_1179 = vector.shape_cast %swap3A_1178 : vector<16xi32> to vector<16xi32>
      %swap3A_1180 = vector.shape_cast %select_n3A_1176 : vector<16xi32> to vector<16xi32>
      tpu.vector_store %arg18[%swap3A_1177], %swap3A_1180 {strides = array<i32>} : memref<20480xi32, #tpu.memory_space<vmem>>, vector<16xi32>,
      %add3A_1181 = arith.constant 13760 : i32
      %add3A_1182 = arith.addi %add3A_1181, %mul3A_45 : i32
      %mul3A_1183 = arith.mulf %mul3A_238, %max3A_330 : vector<16xf32>
      %swap3A_1184 = arith.index_cast %add3A_1182 : i32 to index
      %swap3A_1185 = tpu.vector_load %arg17[%swap3A_1184] {strides = array<i32>} : memref<20480xf32, #tpu.memory_space<vmem>>, vector<16xf32>,
      %swap3A_1186 = vector.shape_cast %swap3A_1185 : vector<16xf32> to vector<16xf32>
      %swap3A_1187 = vector.shape_cast %mul3A_1183 : vector<16xf32> to vector<16xf32>
      tpu.vector_store %arg17[%swap3A_1184], %swap3A_1187 {strides = array<i32>} : memref<20480xf32, #tpu.memory_space<vmem>>, vector<16xf32>,
      %ne3A_1188 = arith.constant 0.000000e+00 : f32
      %ne3A_1189 = vector.broadcast %ne3A_1188 : f32 to vector<16xf32>
      %ne3A_1190 = arith.cmpf one, %mul3A_1183, %ne3A_1189 : vector<16xf32>
      %add3A_1191 = arith.addi %mul3A_241, %min3A_336 : vector<16xi32>
      %jit3A_1192 = arith.constant -1 : i32
      %broadcast_in_dim3A_1193 = vector.broadcast %jit3A_1192 : i32 to vector<16xi32>
      %select_n3A_1194 = arith.select %ne3A_1190, %add3A_1191, %broadcast_in_dim3A_1193 : vector<16xi1>, vector<16xi32>
      %swap3A_1195 = arith.index_cast %add3A_1182 : i32 to index
      %swap3A_1196 = tpu.vector_load %arg18[%swap3A_1195] {strides = array<i32>} : memref<20480xi32, #tpu.memory_space<vmem>>, vector<16xi32>,
      %swap3A_1197 = vector.shape_cast %swap3A_1196 : vector<16xi32> to vector<16xi32>
      %swap3A_1198 = vector.shape_cast %select_n3A_1194 : vector<16xi32> to vector<16xi32>
      tpu.vector_store %arg18[%swap3A_1195], %swap3A_1198 {strides = array<i32>} : memref<20480xi32, #tpu.memory_space<vmem>>, vector<16xi32>,
      %add3A_1199 = arith.constant 14080 : i32
      %add3A_1200 = arith.addi %add3A_1199, %mul3A_45 : i32
      %mul3A_1201 = arith.mulf %mul3A_238, %max3A_348 : vector<16xf32>
      %swap3A_1202 = arith.index_cast %add3A_1200 : i32 to index
      %swap3A_1203 = tpu.vector_load %arg17[%swap3A_1202] {strides = array<i32>} : memref<20480xf32, #tpu.memory_space<vmem>>, vector<16xf32>,
      %swap3A_1204 = vector.shape_cast %swap3A_1203 : vector<16xf32> to vector<16xf32>
      %swap3A_1205 = vector.shape_cast %mul3A_1201 : vector<16xf32> to vector<16xf32>
      tpu.vector_store %arg17[%swap3A_1202], %swap3A_1205 {strides = array<i32>} : memref<20480xf32, #tpu.memory_space<vmem>>, vector<16xf32>,
      %ne3A_1206 = arith.constant 0.000000e+00 : f32
      %ne3A_1207 = vector.broadcast %ne3A_1206 : f32 to vector<16xf32>
      %ne3A_1208 = arith.cmpf one, %mul3A_1201, %ne3A_1207 : vector<16xf32>
      %add3A_1209 = arith.addi %mul3A_241, %min3A_354 : vector<16xi32>
      %jit3A_1210 = arith.constant -1 : i32
      %broadcast_in_dim3A_1211 = vector.broadcast %jit3A_1210 : i32 to vector<16xi32>
      %select_n3A_1212 = arith.select %ne3A_1208, %add3A_1209, %broadcast_in_dim3A_1211 : vector<16xi1>, vector<16xi32>
      %swap3A_1213 = arith.index_cast %add3A_1200 : i32 to index
      %swap3A_1214 = tpu.vector_load %arg18[%swap3A_1213] {strides = array<i32>} : memref<20480xi32, #tpu.memory_space<vmem>>, vector<16xi32>,
      %swap3A_1215 = vector.shape_cast %swap3A_1214 : vector<16xi32> to vector<16xi32>
      %swap3A_1216 = vector.shape_cast %select_n3A_1212 : vector<16xi32> to vector<16xi32>
      tpu.vector_store %arg18[%swap3A_1213], %swap3A_1216 {strides = array<i32>} : memref<20480xi32, #tpu.memory_space<vmem>>, vector<16xi32>,
      %add3A_1217 = arith.constant 14400 : i32
      %add3A_1218 = arith.addi %add3A_1217, %mul3A_45 : i32
      %mul3A_1219 = arith.mulf %mul3A_238, %max3A_366 : vector<16xf32>
      %swap3A_1220 = arith.index_cast %add3A_1218 : i32 to index
      %swap3A_1221 = tpu.vector_load %arg17[%swap3A_1220] {strides = array<i32>} : memref<20480xf32, #tpu.memory_space<vmem>>, vector<16xf32>,
      %swap3A_1222 = vector.shape_cast %swap3A_1221 : vector<16xf32> to vector<16xf32>
      %swap3A_1223 = vector.shape_cast %mul3A_1219 : vector<16xf32> to vector<16xf32>
      tpu.vector_store %arg17[%swap3A_1220], %swap3A_1223 {strides = array<i32>} : memref<20480xf32, #tpu.memory_space<vmem>>, vector<16xf32>,
      %ne3A_1224 = arith.constant 0.000000e+00 : f32
      %ne3A_1225 = vector.broadcast %ne3A_1224 : f32 to vector<16xf32>
      %ne3A_1226 = arith.cmpf one, %mul3A_1219, %ne3A_1225 : vector<16xf32>
      %add3A_1227 = arith.addi %mul3A_241, %min3A_372 : vector<16xi32>
      %jit3A_1228 = arith.constant -1 : i32
      %broadcast_in_dim3A_1229 = vector.broadcast %jit3A_1228 : i32 to vector<16xi32>
      %select_n3A_1230 = arith.select %ne3A_1226, %add3A_1227, %broadcast_in_dim3A_1229 : vector<16xi1>, vector<16xi32>
      %swap3A_1231 = arith.index_cast %add3A_1218 : i32 to index
      %swap3A_1232 = tpu.vector_load %arg18[%swap3A_1231] {strides = array<i32>} : memref<20480xi32, #tpu.memory_space<vmem>>, vector<16xi32>,
      %swap3A_1233 = vector.shape_cast %swap3A_1232 : vector<16xi32> to vector<16xi32>
      %swap3A_1234 = vector.shape_cast %select_n3A_1230 : vector<16xi32> to vector<16xi32>
      tpu.vector_store %arg18[%swap3A_1231], %swap3A_1234 {strides = array<i32>} : memref<20480xi32, #tpu.memory_space<vmem>>, vector<16xi32>,
      %add3A_1235 = arith.constant 14720 : i32
      %add3A_1236 = arith.addi %add3A_1235, %mul3A_45 : i32
      %mul3A_1237 = arith.mulf %mul3A_238, %max3A_384 : vector<16xf32>
      %swap3A_1238 = arith.index_cast %add3A_1236 : i32 to index
      %swap3A_1239 = tpu.vector_load %arg17[%swap3A_1238] {strides = array<i32>} : memref<20480xf32, #tpu.memory_space<vmem>>, vector<16xf32>,
      %swap3A_1240 = vector.shape_cast %swap3A_1239 : vector<16xf32> to vector<16xf32>
      %swap3A_1241 = vector.shape_cast %mul3A_1237 : vector<16xf32> to vector<16xf32>
      tpu.vector_store %arg17[%swap3A_1238], %swap3A_1241 {strides = array<i32>} : memref<20480xf32, #tpu.memory_space<vmem>>, vector<16xf32>,
      %ne3A_1242 = arith.constant 0.000000e+00 : f32
      %ne3A_1243 = vector.broadcast %ne3A_1242 : f32 to vector<16xf32>
      %ne3A_1244 = arith.cmpf one, %mul3A_1237, %ne3A_1243 : vector<16xf32>
      %add3A_1245 = arith.addi %mul3A_241, %min3A_390 : vector<16xi32>
      %jit3A_1246 = arith.constant -1 : i32
      %broadcast_in_dim3A_1247 = vector.broadcast %jit3A_1246 : i32 to vector<16xi32>
      %select_n3A_1248 = arith.select %ne3A_1244, %add3A_1245, %broadcast_in_dim3A_1247 : vector<16xi1>, vector<16xi32>
      %swap3A_1249 = arith.index_cast %add3A_1236 : i32 to index
      %swap3A_1250 = tpu.vector_load %arg18[%swap3A_1249] {strides = array<i32>} : memref<20480xi32, #tpu.memory_space<vmem>>, vector<16xi32>,
      %swap3A_1251 = vector.shape_cast %swap3A_1250 : vector<16xi32> to vector<16xi32>
      %swap3A_1252 = vector.shape_cast %select_n3A_1248 : vector<16xi32> to vector<16xi32>
      tpu.vector_store %arg18[%swap3A_1249], %swap3A_1252 {strides = array<i32>} : memref<20480xi32, #tpu.memory_space<vmem>>, vector<16xi32>,
      %add3A_1253 = arith.constant 15040 : i32
      %add3A_1254 = arith.addi %add3A_1253, %mul3A_45 : i32
      %mul3A_1255 = arith.mulf %mul3A_238, %max3A_402 : vector<16xf32>
      %swap3A_1256 = arith.index_cast %add3A_1254 : i32 to index
      %swap3A_1257 = tpu.vector_load %arg17[%swap3A_1256] {strides = array<i32>} : memref<20480xf32, #tpu.memory_space<vmem>>, vector<16xf32>,
      %swap3A_1258 = vector.shape_cast %swap3A_1257 : vector<16xf32> to vector<16xf32>
      %swap3A_1259 = vector.shape_cast %mul3A_1255 : vector<16xf32> to vector<16xf32>
      tpu.vector_store %arg17[%swap3A_1256], %swap3A_1259 {strides = array<i32>} : memref<20480xf32, #tpu.memory_space<vmem>>, vector<16xf32>,
      %ne3A_1260 = arith.constant 0.000000e+00 : f32
      %ne3A_1261 = vector.broadcast %ne3A_1260 : f32 to vector<16xf32>
      %ne3A_1262 = arith.cmpf one, %mul3A_1255, %ne3A_1261 : vector<16xf32>
      %add3A_1263 = arith.addi %mul3A_241, %min3A_408 : vector<16xi32>
      %jit3A_1264 = arith.constant -1 : i32
      %broadcast_in_dim3A_1265 = vector.broadcast %jit3A_1264 : i32 to vector<16xi32>
      %select_n3A_1266 = arith.select %ne3A_1262, %add3A_1263, %broadcast_in_dim3A_1265 : vector<16xi1>, vector<16xi32>
      %swap3A_1267 = arith.index_cast %add3A_1254 : i32 to index
      %swap3A_1268 = tpu.vector_load %arg18[%swap3A_1267] {strides = array<i32>} : memref<20480xi32, #tpu.memory_space<vmem>>, vector<16xi32>,
      %swap3A_1269 = vector.shape_cast %swap3A_1268 : vector<16xi32> to vector<16xi32>
      %swap3A_1270 = vector.shape_cast %select_n3A_1266 : vector<16xi32> to vector<16xi32>
      tpu.vector_store %arg18[%swap3A_1267], %swap3A_1270 {strides = array<i32>} : memref<20480xi32, #tpu.memory_space<vmem>>, vector<16xi32>,
      %add3A_1271 = arith.constant 15360 : i32
      %add3A_1272 = arith.addi %add3A_1271, %mul3A_45 : i32
      %mul3A_1273 = arith.mulf %mul3A_242, %max3A_276 : vector<16xf32>
      %swap3A_1274 = arith.index_cast %add3A_1272 : i32 to index
      %swap3A_1275 = tpu.vector_load %arg17[%swap3A_1274] {strides = array<i32>} : memref<20480xf32, #tpu.memory_space<vmem>>, vector<16xf32>,
      %swap3A_1276 = vector.shape_cast %swap3A_1275 : vector<16xf32> to vector<16xf32>
      %swap3A_1277 = vector.shape_cast %mul3A_1273 : vector<16xf32> to vector<16xf32>
      tpu.vector_store %arg17[%swap3A_1274], %swap3A_1277 {strides = array<i32>} : memref<20480xf32, #tpu.memory_space<vmem>>, vector<16xf32>,
      %ne3A_1278 = arith.constant 0.000000e+00 : f32
      %ne3A_1279 = vector.broadcast %ne3A_1278 : f32 to vector<16xf32>
      %ne3A_1280 = arith.cmpf one, %mul3A_1273, %ne3A_1279 : vector<16xf32>
      %add3A_1281 = arith.addi %mul3A_245, %min3A_282 : vector<16xi32>
      %jit3A_1282 = arith.constant -1 : i32
      %broadcast_in_dim3A_1283 = vector.broadcast %jit3A_1282 : i32 to vector<16xi32>
      %select_n3A_1284 = arith.select %ne3A_1280, %add3A_1281, %broadcast_in_dim3A_1283 : vector<16xi1>, vector<16xi32>
      %swap3A_1285 = arith.index_cast %add3A_1272 : i32 to index
      %swap3A_1286 = tpu.vector_load %arg18[%swap3A_1285] {strides = array<i32>} : memref<20480xi32, #tpu.memory_space<vmem>>, vector<16xi32>,
      %swap3A_1287 = vector.shape_cast %swap3A_1286 : vector<16xi32> to vector<16xi32>
      %swap3A_1288 = vector.shape_cast %select_n3A_1284 : vector<16xi32> to vector<16xi32>
      tpu.vector_store %arg18[%swap3A_1285], %swap3A_1288 {strides = array<i32>} : memref<20480xi32, #tpu.memory_space<vmem>>, vector<16xi32>,
      %add3A_1289 = arith.constant 15680 : i32
      %add3A_1290 = arith.addi %add3A_1289, %mul3A_45 : i32
      %mul3A_1291 = arith.mulf %mul3A_242, %max3A_294 : vector<16xf32>
      %swap3A_1292 = arith.index_cast %add3A_1290 : i32 to index
      %swap3A_1293 = tpu.vector_load %arg17[%swap3A_1292] {strides = array<i32>} : memref<20480xf32, #tpu.memory_space<vmem>>, vector<16xf32>,
      %swap3A_1294 = vector.shape_cast %swap3A_1293 : vector<16xf32> to vector<16xf32>
      %swap3A_1295 = vector.shape_cast %mul3A_1291 : vector<16xf32> to vector<16xf32>
      tpu.vector_store %arg17[%swap3A_1292], %swap3A_1295 {strides = array<i32>} : memref<20480xf32, #tpu.memory_space<vmem>>, vector<16xf32>,
      %ne3A_1296 = arith.constant 0.000000e+00 : f32
      %ne3A_1297 = vector.broadcast %ne3A_1296 : f32 to vector<16xf32>
      %ne3A_1298 = arith.cmpf one, %mul3A_1291, %ne3A_1297 : vector<16xf32>
      %add3A_1299 = arith.addi %mul3A_245, %min3A_300 : vector<16xi32>
      %jit3A_1300 = arith.constant -1 : i32
      %broadcast_in_dim3A_1301 = vector.broadcast %jit3A_1300 : i32 to vector<16xi32>
      %select_n3A_1302 = arith.select %ne3A_1298, %add3A_1299, %broadcast_in_dim3A_1301 : vector<16xi1>, vector<16xi32>
      %swap3A_1303 = arith.index_cast %add3A_1290 : i32 to index
      %swap3A_1304 = tpu.vector_load %arg18[%swap3A_1303] {strides = array<i32>} : memref<20480xi32, #tpu.memory_space<vmem>>, vector<16xi32>,
      %swap3A_1305 = vector.shape_cast %swap3A_1304 : vector<16xi32> to vector<16xi32>
      %swap3A_1306 = vector.shape_cast %select_n3A_1302 : vector<16xi32> to vector<16xi32>
      tpu.vector_store %arg18[%swap3A_1303], %swap3A_1306 {strides = array<i32>} : memref<20480xi32, #tpu.memory_space<vmem>>, vector<16xi32>,
      %add3A_1307 = arith.constant 16000 : i32
      %add3A_1308 = arith.addi %add3A_1307, %mul3A_45 : i32
      %mul3A_1309 = arith.mulf %mul3A_242, %max3A_312 : vector<16xf32>
      %swap3A_1310 = arith.index_cast %add3A_1308 : i32 to index
      %swap3A_1311 = tpu.vector_load %arg17[%swap3A_1310] {strides = array<i32>} : memref<20480xf32, #tpu.memory_space<vmem>>, vector<16xf32>,
      %swap3A_1312 = vector.shape_cast %swap3A_1311 : vector<16xf32> to vector<16xf32>
      %swap3A_1313 = vector.shape_cast %mul3A_1309 : vector<16xf32> to vector<16xf32>
      tpu.vector_store %arg17[%swap3A_1310], %swap3A_1313 {strides = array<i32>} : memref<20480xf32, #tpu.memory_space<vmem>>, vector<16xf32>,
      %ne3A_1314 = arith.constant 0.000000e+00 : f32
      %ne3A_1315 = vector.broadcast %ne3A_1314 : f32 to vector<16xf32>
      %ne3A_1316 = arith.cmpf one, %mul3A_1309, %ne3A_1315 : vector<16xf32>
      %add3A_1317 = arith.addi %mul3A_245, %min3A_318 : vector<16xi32>
      %jit3A_1318 = arith.constant -1 : i32
      %broadcast_in_dim3A_1319 = vector.broadcast %jit3A_1318 : i32 to vector<16xi32>
      %select_n3A_1320 = arith.select %ne3A_1316, %add3A_1317, %broadcast_in_dim3A_1319 : vector<16xi1>, vector<16xi32>
      %swap3A_1321 = arith.index_cast %add3A_1308 : i32 to index
      %swap3A_1322 = tpu.vector_load %arg18[%swap3A_1321] {strides = array<i32>} : memref<20480xi32, #tpu.memory_space<vmem>>, vector<16xi32>,
      %swap3A_1323 = vector.shape_cast %swap3A_1322 : vector<16xi32> to vector<16xi32>
      %swap3A_1324 = vector.shape_cast %select_n3A_1320 : vector<16xi32> to vector<16xi32>
      tpu.vector_store %arg18[%swap3A_1321], %swap3A_1324 {strides = array<i32>} : memref<20480xi32, #tpu.memory_space<vmem>>, vector<16xi32>,
      %add3A_1325 = arith.constant 16320 : i32
      %add3A_1326 = arith.addi %add3A_1325, %mul3A_45 : i32
      %mul3A_1327 = arith.mulf %mul3A_242, %max3A_330 : vector<16xf32>
      %swap3A_1328 = arith.index_cast %add3A_1326 : i32 to index
      %swap3A_1329 = tpu.vector_load %arg17[%swap3A_1328] {strides = array<i32>} : memref<20480xf32, #tpu.memory_space<vmem>>, vector<16xf32>,
      %swap3A_1330 = vector.shape_cast %swap3A_1329 : vector<16xf32> to vector<16xf32>
      %swap3A_1331 = vector.shape_cast %mul3A_1327 : vector<16xf32> to vector<16xf32>
      tpu.vector_store %arg17[%swap3A_1328], %swap3A_1331 {strides = array<i32>} : memref<20480xf32, #tpu.memory_space<vmem>>, vector<16xf32>,
      %ne3A_1332 = arith.constant 0.000000e+00 : f32
      %ne3A_1333 = vector.broadcast %ne3A_1332 : f32 to vector<16xf32>
      %ne3A_1334 = arith.cmpf one, %mul3A_1327, %ne3A_1333 : vector<16xf32>
      %add3A_1335 = arith.addi %mul3A_245, %min3A_336 : vector<16xi32>
      %jit3A_1336 = arith.constant -1 : i32
      %broadcast_in_dim3A_1337 = vector.broadcast %jit3A_1336 : i32 to vector<16xi32>
      %select_n3A_1338 = arith.select %ne3A_1334, %add3A_1335, %broadcast_in_dim3A_1337 : vector<16xi1>, vector<16xi32>
      %swap3A_1339 = arith.index_cast %add3A_1326 : i32 to index
      %swap3A_1340 = tpu.vector_load %arg18[%swap3A_1339] {strides = array<i32>} : memref<20480xi32, #tpu.memory_space<vmem>>, vector<16xi32>,
      %swap3A_1341 = vector.shape_cast %swap3A_1340 : vector<16xi32> to vector<16xi32>
      %swap3A_1342 = vector.shape_cast %select_n3A_1338 : vector<16xi32> to vector<16xi32>
      tpu.vector_store %arg18[%swap3A_1339], %swap3A_1342 {strides = array<i32>} : memref<20480xi32, #tpu.memory_space<vmem>>, vector<16xi32>,
      %add3A_1343 = arith.constant 16640 : i32
      %add3A_1344 = arith.addi %add3A_1343, %mul3A_45 : i32
      %mul3A_1345 = arith.mulf %mul3A_242, %max3A_348 : vector<16xf32>
      %swap3A_1346 = arith.index_cast %add3A_1344 : i32 to index
      %swap3A_1347 = tpu.vector_load %arg17[%swap3A_1346] {strides = array<i32>} : memref<20480xf32, #tpu.memory_space<vmem>>, vector<16xf32>,
      %swap3A_1348 = vector.shape_cast %swap3A_1347 : vector<16xf32> to vector<16xf32>
      %swap3A_1349 = vector.shape_cast %mul3A_1345 : vector<16xf32> to vector<16xf32>
      tpu.vector_store %arg17[%swap3A_1346], %swap3A_1349 {strides = array<i32>} : memref<20480xf32, #tpu.memory_space<vmem>>, vector<16xf32>,
      %ne3A_1350 = arith.constant 0.000000e+00 : f32
      %ne3A_1351 = vector.broadcast %ne3A_1350 : f32 to vector<16xf32>
      %ne3A_1352 = arith.cmpf one, %mul3A_1345, %ne3A_1351 : vector<16xf32>
      %add3A_1353 = arith.addi %mul3A_245, %min3A_354 : vector<16xi32>
      %jit3A_1354 = arith.constant -1 : i32
      %broadcast_in_dim3A_1355 = vector.broadcast %jit3A_1354 : i32 to vector<16xi32>
      %select_n3A_1356 = arith.select %ne3A_1352, %add3A_1353, %broadcast_in_dim3A_1355 : vector<16xi1>, vector<16xi32>
      %swap3A_1357 = arith.index_cast %add3A_1344 : i32 to index
      %swap3A_1358 = tpu.vector_load %arg18[%swap3A_1357] {strides = array<i32>} : memref<20480xi32, #tpu.memory_space<vmem>>, vector<16xi32>,
      %swap3A_1359 = vector.shape_cast %swap3A_1358 : vector<16xi32> to vector<16xi32>
      %swap3A_1360 = vector.shape_cast %select_n3A_1356 : vector<16xi32> to vector<16xi32>
      tpu.vector_store %arg18[%swap3A_1357], %swap3A_1360 {strides = array<i32>} : memref<20480xi32, #tpu.memory_space<vmem>>, vector<16xi32>,
      %add3A_1361 = arith.constant 16960 : i32
      %add3A_1362 = arith.addi %add3A_1361, %mul3A_45 : i32
      %mul3A_1363 = arith.mulf %mul3A_242, %max3A_366 : vector<16xf32>
      %swap3A_1364 = arith.index_cast %add3A_1362 : i32 to index
      %swap3A_1365 = tpu.vector_load %arg17[%swap3A_1364] {strides = array<i32>} : memref<20480xf32, #tpu.memory_space<vmem>>, vector<16xf32>,
      %swap3A_1366 = vector.shape_cast %swap3A_1365 : vector<16xf32> to vector<16xf32>
      %swap3A_1367 = vector.shape_cast %mul3A_1363 : vector<16xf32> to vector<16xf32>
      tpu.vector_store %arg17[%swap3A_1364], %swap3A_1367 {strides = array<i32>} : memref<20480xf32, #tpu.memory_space<vmem>>, vector<16xf32>,
      %ne3A_1368 = arith.constant 0.000000e+00 : f32
      %ne3A_1369 = vector.broadcast %ne3A_1368 : f32 to vector<16xf32>
      %ne3A_1370 = arith.cmpf one, %mul3A_1363, %ne3A_1369 : vector<16xf32>
      %add3A_1371 = arith.addi %mul3A_245, %min3A_372 : vector<16xi32>
      %jit3A_1372 = arith.constant -1 : i32
      %broadcast_in_dim3A_1373 = vector.broadcast %jit3A_1372 : i32 to vector<16xi32>
      %select_n3A_1374 = arith.select %ne3A_1370, %add3A_1371, %broadcast_in_dim3A_1373 : vector<16xi1>, vector<16xi32>
      %swap3A_1375 = arith.index_cast %add3A_1362 : i32 to index
      %swap3A_1376 = tpu.vector_load %arg18[%swap3A_1375] {strides = array<i32>} : memref<20480xi32, #tpu.memory_space<vmem>>, vector<16xi32>,
      %swap3A_1377 = vector.shape_cast %swap3A_1376 : vector<16xi32> to vector<16xi32>
      %swap3A_1378 = vector.shape_cast %select_n3A_1374 : vector<16xi32> to vector<16xi32>
      tpu.vector_store %arg18[%swap3A_1375], %swap3A_1378 {strides = array<i32>} : memref<20480xi32, #tpu.memory_space<vmem>>, vector<16xi32>,
      %add3A_1379 = arith.constant 17280 : i32
      %add3A_1380 = arith.addi %add3A_1379, %mul3A_45 : i32
      %mul3A_1381 = arith.mulf %mul3A_242, %max3A_384 : vector<16xf32>
      %swap3A_1382 = arith.index_cast %add3A_1380 : i32 to index
      %swap3A_1383 = tpu.vector_load %arg17[%swap3A_1382] {strides = array<i32>} : memref<20480xf32, #tpu.memory_space<vmem>>, vector<16xf32>,
      %swap3A_1384 = vector.shape_cast %swap3A_1383 : vector<16xf32> to vector<16xf32>
      %swap3A_1385 = vector.shape_cast %mul3A_1381 : vector<16xf32> to vector<16xf32>
      tpu.vector_store %arg17[%swap3A_1382], %swap3A_1385 {strides = array<i32>} : memref<20480xf32, #tpu.memory_space<vmem>>, vector<16xf32>,
      %ne3A_1386 = arith.constant 0.000000e+00 : f32
      %ne3A_1387 = vector.broadcast %ne3A_1386 : f32 to vector<16xf32>
      %ne3A_1388 = arith.cmpf one, %mul3A_1381, %ne3A_1387 : vector<16xf32>
      %add3A_1389 = arith.addi %mul3A_245, %min3A_390 : vector<16xi32>
      %jit3A_1390 = arith.constant -1 : i32
      %broadcast_in_dim3A_1391 = vector.broadcast %jit3A_1390 : i32 to vector<16xi32>
      %select_n3A_1392 = arith.select %ne3A_1388, %add3A_1389, %broadcast_in_dim3A_1391 : vector<16xi1>, vector<16xi32>
      %swap3A_1393 = arith.index_cast %add3A_1380 : i32 to index
      %swap3A_1394 = tpu.vector_load %arg18[%swap3A_1393] {strides = array<i32>} : memref<20480xi32, #tpu.memory_space<vmem>>, vector<16xi32>,
      %swap3A_1395 = vector.shape_cast %swap3A_1394 : vector<16xi32> to vector<16xi32>
      %swap3A_1396 = vector.shape_cast %select_n3A_1392 : vector<16xi32> to vector<16xi32>
      tpu.vector_store %arg18[%swap3A_1393], %swap3A_1396 {strides = array<i32>} : memref<20480xi32, #tpu.memory_space<vmem>>, vector<16xi32>,
      %add3A_1397 = arith.constant 17600 : i32
      %add3A_1398 = arith.addi %add3A_1397, %mul3A_45 : i32
      %mul3A_1399 = arith.mulf %mul3A_242, %max3A_402 : vector<16xf32>
      %swap3A_1400 = arith.index_cast %add3A_1398 : i32 to index
      %swap3A_1401 = tpu.vector_load %arg17[%swap3A_1400] {strides = array<i32>} : memref<20480xf32, #tpu.memory_space<vmem>>, vector<16xf32>,
      %swap3A_1402 = vector.shape_cast %swap3A_1401 : vector<16xf32> to vector<16xf32>
      %swap3A_1403 = vector.shape_cast %mul3A_1399 : vector<16xf32> to vector<16xf32>
      tpu.vector_store %arg17[%swap3A_1400], %swap3A_1403 {strides = array<i32>} : memref<20480xf32, #tpu.memory_space<vmem>>, vector<16xf32>,
      %ne3A_1404 = arith.constant 0.000000e+00 : f32
      %ne3A_1405 = vector.broadcast %ne3A_1404 : f32 to vector<16xf32>
      %ne3A_1406 = arith.cmpf one, %mul3A_1399, %ne3A_1405 : vector<16xf32>
      %add3A_1407 = arith.addi %mul3A_245, %min3A_408 : vector<16xi32>
      %jit3A_1408 = arith.constant -1 : i32
      %broadcast_in_dim3A_1409 = vector.broadcast %jit3A_1408 : i32 to vector<16xi32>
      %select_n3A_1410 = arith.select %ne3A_1406, %add3A_1407, %broadcast_in_dim3A_1409 : vector<16xi1>, vector<16xi32>
      %swap3A_1411 = arith.index_cast %add3A_1398 : i32 to index
      %swap3A_1412 = tpu.vector_load %arg18[%swap3A_1411] {strides = array<i32>} : memref<20480xi32, #tpu.memory_space<vmem>>, vector<16xi32>,
      %swap3A_1413 = vector.shape_cast %swap3A_1412 : vector<16xi32> to vector<16xi32>
      %swap3A_1414 = vector.shape_cast %select_n3A_1410 : vector<16xi32> to vector<16xi32>
      tpu.vector_store %arg18[%swap3A_1411], %swap3A_1414 {strides = array<i32>} : memref<20480xi32, #tpu.memory_space<vmem>>, vector<16xi32>,
      %add3A_1415 = arith.constant 17920 : i32
      %add3A_1416 = arith.addi %add3A_1415, %mul3A_45 : i32
      %mul3A_1417 = arith.mulf %mul3A_246, %max3A_276 : vector<16xf32>
      %swap3A_1418 = arith.index_cast %add3A_1416 : i32 to index
      %swap3A_1419 = tpu.vector_load %arg17[%swap3A_1418] {strides = array<i32>} : memref<20480xf32, #tpu.memory_space<vmem>>, vector<16xf32>,
      %swap3A_1420 = vector.shape_cast %swap3A_1419 : vector<16xf32> to vector<16xf32>
      %swap3A_1421 = vector.shape_cast %mul3A_1417 : vector<16xf32> to vector<16xf32>
      tpu.vector_store %arg17[%swap3A_1418], %swap3A_1421 {strides = array<i32>} : memref<20480xf32, #tpu.memory_space<vmem>>, vector<16xf32>,
      %ne3A_1422 = arith.constant 0.000000e+00 : f32
      %ne3A_1423 = vector.broadcast %ne3A_1422 : f32 to vector<16xf32>
      %ne3A_1424 = arith.cmpf one, %mul3A_1417, %ne3A_1423 : vector<16xf32>
      %add3A_1425 = arith.addi %mul3A_249, %min3A_282 : vector<16xi32>
      %jit3A_1426 = arith.constant -1 : i32
      %broadcast_in_dim3A_1427 = vector.broadcast %jit3A_1426 : i32 to vector<16xi32>
      %select_n3A_1428 = arith.select %ne3A_1424, %add3A_1425, %broadcast_in_dim3A_1427 : vector<16xi1>, vector<16xi32>
      %swap3A_1429 = arith.index_cast %add3A_1416 : i32 to index
      %swap3A_1430 = tpu.vector_load %arg18[%swap3A_1429] {strides = array<i32>} : memref<20480xi32, #tpu.memory_space<vmem>>, vector<16xi32>,
      %swap3A_1431 = vector.shape_cast %swap3A_1430 : vector<16xi32> to vector<16xi32>
      %swap3A_1432 = vector.shape_cast %select_n3A_1428 : vector<16xi32> to vector<16xi32>
      tpu.vector_store %arg18[%swap3A_1429], %swap3A_1432 {strides = array<i32>} : memref<20480xi32, #tpu.memory_space<vmem>>, vector<16xi32>,
      %add3A_1433 = arith.constant 18240 : i32
      %add3A_1434 = arith.addi %add3A_1433, %mul3A_45 : i32
      %mul3A_1435 = arith.mulf %mul3A_246, %max3A_294 : vector<16xf32>
      %swap3A_1436 = arith.index_cast %add3A_1434 : i32 to index
      %swap3A_1437 = tpu.vector_load %arg17[%swap3A_1436] {strides = array<i32>} : memref<20480xf32, #tpu.memory_space<vmem>>, vector<16xf32>,
      %swap3A_1438 = vector.shape_cast %swap3A_1437 : vector<16xf32> to vector<16xf32>
      %swap3A_1439 = vector.shape_cast %mul3A_1435 : vector<16xf32> to vector<16xf32>
      tpu.vector_store %arg17[%swap3A_1436], %swap3A_1439 {strides = array<i32>} : memref<20480xf32, #tpu.memory_space<vmem>>, vector<16xf32>,
      %ne3A_1440 = arith.constant 0.000000e+00 : f32
      %ne3A_1441 = vector.broadcast %ne3A_1440 : f32 to vector<16xf32>
      %ne3A_1442 = arith.cmpf one, %mul3A_1435, %ne3A_1441 : vector<16xf32>
      %add3A_1443 = arith.addi %mul3A_249, %min3A_300 : vector<16xi32>
      %jit3A_1444 = arith.constant -1 : i32
      %broadcast_in_dim3A_1445 = vector.broadcast %jit3A_1444 : i32 to vector<16xi32>
      %select_n3A_1446 = arith.select %ne3A_1442, %add3A_1443, %broadcast_in_dim3A_1445 : vector<16xi1>, vector<16xi32>
      %swap3A_1447 = arith.index_cast %add3A_1434 : i32 to index
      %swap3A_1448 = tpu.vector_load %arg18[%swap3A_1447] {strides = array<i32>} : memref<20480xi32, #tpu.memory_space<vmem>>, vector<16xi32>,
      %swap3A_1449 = vector.shape_cast %swap3A_1448 : vector<16xi32> to vector<16xi32>
      %swap3A_1450 = vector.shape_cast %select_n3A_1446 : vector<16xi32> to vector<16xi32>
      tpu.vector_store %arg18[%swap3A_1447], %swap3A_1450 {strides = array<i32>} : memref<20480xi32, #tpu.memory_space<vmem>>, vector<16xi32>,
      %add3A_1451 = arith.constant 18560 : i32
      %add3A_1452 = arith.addi %add3A_1451, %mul3A_45 : i32
      %mul3A_1453 = arith.mulf %mul3A_246, %max3A_312 : vector<16xf32>
      %swap3A_1454 = arith.index_cast %add3A_1452 : i32 to index
      %swap3A_1455 = tpu.vector_load %arg17[%swap3A_1454] {strides = array<i32>} : memref<20480xf32, #tpu.memory_space<vmem>>, vector<16xf32>,
      %swap3A_1456 = vector.shape_cast %swap3A_1455 : vector<16xf32> to vector<16xf32>
      %swap3A_1457 = vector.shape_cast %mul3A_1453 : vector<16xf32> to vector<16xf32>
      tpu.vector_store %arg17[%swap3A_1454], %swap3A_1457 {strides = array<i32>} : memref<20480xf32, #tpu.memory_space<vmem>>, vector<16xf32>,
      %ne3A_1458 = arith.constant 0.000000e+00 : f32
      %ne3A_1459 = vector.broadcast %ne3A_1458 : f32 to vector<16xf32>
      %ne3A_1460 = arith.cmpf one, %mul3A_1453, %ne3A_1459 : vector<16xf32>
      %add3A_1461 = arith.addi %mul3A_249, %min3A_318 : vector<16xi32>
      %jit3A_1462 = arith.constant -1 : i32
      %broadcast_in_dim3A_1463 = vector.broadcast %jit3A_1462 : i32 to vector<16xi32>
      %select_n3A_1464 = arith.select %ne3A_1460, %add3A_1461, %broadcast_in_dim3A_1463 : vector<16xi1>, vector<16xi32>
      %swap3A_1465 = arith.index_cast %add3A_1452 : i32 to index
      %swap3A_1466 = tpu.vector_load %arg18[%swap3A_1465] {strides = array<i32>} : memref<20480xi32, #tpu.memory_space<vmem>>, vector<16xi32>,
      %swap3A_1467 = vector.shape_cast %swap3A_1466 : vector<16xi32> to vector<16xi32>
      %swap3A_1468 = vector.shape_cast %select_n3A_1464 : vector<16xi32> to vector<16xi32>
      tpu.vector_store %arg18[%swap3A_1465], %swap3A_1468 {strides = array<i32>} : memref<20480xi32, #tpu.memory_space<vmem>>, vector<16xi32>,
      %add3A_1469 = arith.constant 18880 : i32
      %add3A_1470 = arith.addi %add3A_1469, %mul3A_45 : i32
      %mul3A_1471 = arith.mulf %mul3A_246, %max3A_330 : vector<16xf32>
      %swap3A_1472 = arith.index_cast %add3A_1470 : i32 to index
      %swap3A_1473 = tpu.vector_load %arg17[%swap3A_1472] {strides = array<i32>} : memref<20480xf32, #tpu.memory_space<vmem>>, vector<16xf32>,
      %swap3A_1474 = vector.shape_cast %swap3A_1473 : vector<16xf32> to vector<16xf32>
      %swap3A_1475 = vector.shape_cast %mul3A_1471 : vector<16xf32> to vector<16xf32>
      tpu.vector_store %arg17[%swap3A_1472], %swap3A_1475 {strides = array<i32>} : memref<20480xf32, #tpu.memory_space<vmem>>, vector<16xf32>,
      %ne3A_1476 = arith.constant 0.000000e+00 : f32
      %ne3A_1477 = vector.broadcast %ne3A_1476 : f32 to vector<16xf32>
      %ne3A_1478 = arith.cmpf one, %mul3A_1471, %ne3A_1477 : vector<16xf32>
      %add3A_1479 = arith.addi %mul3A_249, %min3A_336 : vector<16xi32>
      %jit3A_1480 = arith.constant -1 : i32
      %broadcast_in_dim3A_1481 = vector.broadcast %jit3A_1480 : i32 to vector<16xi32>
      %select_n3A_1482 = arith.select %ne3A_1478, %add3A_1479, %broadcast_in_dim3A_1481 : vector<16xi1>, vector<16xi32>
      %swap3A_1483 = arith.index_cast %add3A_1470 : i32 to index
      %swap3A_1484 = tpu.vector_load %arg18[%swap3A_1483] {strides = array<i32>} : memref<20480xi32, #tpu.memory_space<vmem>>, vector<16xi32>,
      %swap3A_1485 = vector.shape_cast %swap3A_1484 : vector<16xi32> to vector<16xi32>
      %swap3A_1486 = vector.shape_cast %select_n3A_1482 : vector<16xi32> to vector<16xi32>
      tpu.vector_store %arg18[%swap3A_1483], %swap3A_1486 {strides = array<i32>} : memref<20480xi32, #tpu.memory_space<vmem>>, vector<16xi32>,
      %add3A_1487 = arith.constant 19200 : i32
      %add3A_1488 = arith.addi %add3A_1487, %mul3A_45 : i32
      %mul3A_1489 = arith.mulf %mul3A_246, %max3A_348 : vector<16xf32>
      %swap3A_1490 = arith.index_cast %add3A_1488 : i32 to index
      %swap3A_1491 = tpu.vector_load %arg17[%swap3A_1490] {strides = array<i32>} : memref<20480xf32, #tpu.memory_space<vmem>>, vector<16xf32>,
      %swap3A_1492 = vector.shape_cast %swap3A_1491 : vector<16xf32> to vector<16xf32>
      %swap3A_1493 = vector.shape_cast %mul3A_1489 : vector<16xf32> to vector<16xf32>
      tpu.vector_store %arg17[%swap3A_1490], %swap3A_1493 {strides = array<i32>} : memref<20480xf32, #tpu.memory_space<vmem>>, vector<16xf32>,
      %ne3A_1494 = arith.constant 0.000000e+00 : f32
      %ne3A_1495 = vector.broadcast %ne3A_1494 : f32 to vector<16xf32>
      %ne3A_1496 = arith.cmpf one, %mul3A_1489, %ne3A_1495 : vector<16xf32>
      %add3A_1497 = arith.addi %mul3A_249, %min3A_354 : vector<16xi32>
      %jit3A_1498 = arith.constant -1 : i32
      %broadcast_in_dim3A_1499 = vector.broadcast %jit3A_1498 : i32 to vector<16xi32>
      %select_n3A_1500 = arith.select %ne3A_1496, %add3A_1497, %broadcast_in_dim3A_1499 : vector<16xi1>, vector<16xi32>
      %swap3A_1501 = arith.index_cast %add3A_1488 : i32 to index
      %swap3A_1502 = tpu.vector_load %arg18[%swap3A_1501] {strides = array<i32>} : memref<20480xi32, #tpu.memory_space<vmem>>, vector<16xi32>,
      %swap3A_1503 = vector.shape_cast %swap3A_1502 : vector<16xi32> to vector<16xi32>
      %swap3A_1504 = vector.shape_cast %select_n3A_1500 : vector<16xi32> to vector<16xi32>
      tpu.vector_store %arg18[%swap3A_1501], %swap3A_1504 {strides = array<i32>} : memref<20480xi32, #tpu.memory_space<vmem>>, vector<16xi32>,
      %add3A_1505 = arith.constant 19520 : i32
      %add3A_1506 = arith.addi %add3A_1505, %mul3A_45 : i32
      %mul3A_1507 = arith.mulf %mul3A_246, %max3A_366 : vector<16xf32>
      %swap3A_1508 = arith.index_cast %add3A_1506 : i32 to index
      %swap3A_1509 = tpu.vector_load %arg17[%swap3A_1508] {strides = array<i32>} : memref<20480xf32, #tpu.memory_space<vmem>>, vector<16xf32>,
      %swap3A_1510 = vector.shape_cast %swap3A_1509 : vector<16xf32> to vector<16xf32>
      %swap3A_1511 = vector.shape_cast %mul3A_1507 : vector<16xf32> to vector<16xf32>
      tpu.vector_store %arg17[%swap3A_1508], %swap3A_1511 {strides = array<i32>} : memref<20480xf32, #tpu.memory_space<vmem>>, vector<16xf32>,
      %ne3A_1512 = arith.constant 0.000000e+00 : f32
      %ne3A_1513 = vector.broadcast %ne3A_1512 : f32 to vector<16xf32>
      %ne3A_1514 = arith.cmpf one, %mul3A_1507, %ne3A_1513 : vector<16xf32>
      %add3A_1515 = arith.addi %mul3A_249, %min3A_372 : vector<16xi32>
      %jit3A_1516 = arith.constant -1 : i32
      %broadcast_in_dim3A_1517 = vector.broadcast %jit3A_1516 : i32 to vector<16xi32>
      %select_n3A_1518 = arith.select %ne3A_1514, %add3A_1515, %broadcast_in_dim3A_1517 : vector<16xi1>, vector<16xi32>
      %swap3A_1519 = arith.index_cast %add3A_1506 : i32 to index
      %swap3A_1520 = tpu.vector_load %arg18[%swap3A_1519] {strides = array<i32>} : memref<20480xi32, #tpu.memory_space<vmem>>, vector<16xi32>,
      %swap3A_1521 = vector.shape_cast %swap3A_1520 : vector<16xi32> to vector<16xi32>
      %swap3A_1522 = vector.shape_cast %select_n3A_1518 : vector<16xi32> to vector<16xi32>
      tpu.vector_store %arg18[%swap3A_1519], %swap3A_1522 {strides = array<i32>} : memref<20480xi32, #tpu.memory_space<vmem>>, vector<16xi32>,
      %add3A_1523 = arith.constant 19840 : i32
      %add3A_1524 = arith.addi %add3A_1523, %mul3A_45 : i32
      %mul3A_1525 = arith.mulf %mul3A_246, %max3A_384 : vector<16xf32>
      %swap3A_1526 = arith.index_cast %add3A_1524 : i32 to index
      %swap3A_1527 = tpu.vector_load %arg17[%swap3A_1526] {strides = array<i32>} : memref<20480xf32, #tpu.memory_space<vmem>>, vector<16xf32>,
      %swap3A_1528 = vector.shape_cast %swap3A_1527 : vector<16xf32> to vector<16xf32>
      %swap3A_1529 = vector.shape_cast %mul3A_1525 : vector<16xf32> to vector<16xf32>
      tpu.vector_store %arg17[%swap3A_1526], %swap3A_1529 {strides = array<i32>} : memref<20480xf32, #tpu.memory_space<vmem>>, vector<16xf32>,
      %ne3A_1530 = arith.constant 0.000000e+00 : f32
      %ne3A_1531 = vector.broadcast %ne3A_1530 : f32 to vector<16xf32>
      %ne3A_1532 = arith.cmpf one, %mul3A_1525, %ne3A_1531 : vector<16xf32>
      %add3A_1533 = arith.addi %mul3A_249, %min3A_390 : vector<16xi32>
      %jit3A_1534 = arith.constant -1 : i32
      %broadcast_in_dim3A_1535 = vector.broadcast %jit3A_1534 : i32 to vector<16xi32>
      %select_n3A_1536 = arith.select %ne3A_1532, %add3A_1533, %broadcast_in_dim3A_1535 : vector<16xi1>, vector<16xi32>
      %swap3A_1537 = arith.index_cast %add3A_1524 : i32 to index
      %swap3A_1538 = tpu.vector_load %arg18[%swap3A_1537] {strides = array<i32>} : memref<20480xi32, #tpu.memory_space<vmem>>, vector<16xi32>,
      %swap3A_1539 = vector.shape_cast %swap3A_1538 : vector<16xi32> to vector<16xi32>
      %swap3A_1540 = vector.shape_cast %select_n3A_1536 : vector<16xi32> to vector<16xi32>
      tpu.vector_store %arg18[%swap3A_1537], %swap3A_1540 {strides = array<i32>} : memref<20480xi32, #tpu.memory_space<vmem>>, vector<16xi32>,
      %add3A_1541 = arith.constant 20160 : i32
      %add3A_1542 = arith.addi %add3A_1541, %mul3A_45 : i32
      %mul3A_1543 = arith.mulf %mul3A_246, %max3A_402 : vector<16xf32>
      %swap3A_1544 = arith.index_cast %add3A_1542 : i32 to index
      %swap3A_1545 = tpu.vector_load %arg17[%swap3A_1544] {strides = array<i32>} : memref<20480xf32, #tpu.memory_space<vmem>>, vector<16xf32>,
      %swap3A_1546 = vector.shape_cast %swap3A_1545 : vector<16xf32> to vector<16xf32>
      %swap3A_1547 = vector.shape_cast %mul3A_1543 : vector<16xf32> to vector<16xf32>
      tpu.vector_store %arg17[%swap3A_1544], %swap3A_1547 {strides = array<i32>} : memref<20480xf32, #tpu.memory_space<vmem>>, vector<16xf32>,
      %ne3A_1548 = arith.constant 0.000000e+00 : f32
      %ne3A_1549 = vector.broadcast %ne3A_1548 : f32 to vector<16xf32>
      %ne3A_1550 = arith.cmpf one, %mul3A_1543, %ne3A_1549 : vector<16xf32>
      %add3A_1551 = arith.addi %mul3A_249, %min3A_408 : vector<16xi32>
      %jit3A_1552 = arith.constant -1 : i32
      %broadcast_in_dim3A_1553 = vector.broadcast %jit3A_1552 : i32 to vector<16xi32>
      %select_n3A_1554 = arith.select %ne3A_1550, %add3A_1551, %broadcast_in_dim3A_1553 : vector<16xi1>, vector<16xi32>
      %swap3A_1555 = arith.index_cast %add3A_1542 : i32 to index
      %swap3A_1556 = tpu.vector_load %arg18[%swap3A_1555] {strides = array<i32>} : memref<20480xi32, #tpu.memory_space<vmem>>, vector<16xi32>,
      %swap3A_1557 = vector.shape_cast %swap3A_1556 : vector<16xi32> to vector<16xi32>
      %swap3A_1558 = vector.shape_cast %select_n3A_1554 : vector<16xi32> to vector<16xi32>
      tpu.vector_store %arg18[%swap3A_1555], %swap3A_1558 {strides = array<i32>} : memref<20480xi32, #tpu.memory_space<vmem>>, vector<16xi32>,
    }
    %scan3A_14 = arith.constant 20 : i32
    %dma_start3A = arith.constant 0 : i32
    %dma_start3A_15 = tpu.memref_slice %arg23[%dma_start3A] : memref<262144xf32, #tpu.memory_space<vmem_shared>> -> memref<262144xf32, #tpu.memory_space<vmem_shared>>
    %dma_start3A_16 = arith.constant -1 : i32
    tpu.enqueue_indirect_dma source(%arg17 : memref<20480xf32, #tpu.memory_space<vmem>>) target(%dma_start3A_15 : memref<262144xf32, #tpu.memory_space<vmem_shared>>) offsets(%arg18 : memref<20480xi32, #tpu.memory_space<vmem>>) offset_filter(%dma_start3A_16) semaphore(%arg22 : memref<!tpu.dma_semaphore, #tpu.memory_space<semaphore_mem>>) {add = true}
    %mul3A_17 = arith.constant 16384 : i32
    %mul3A_18 = arith.muli %add3A, %mul3A_17 : i32
    %scan3A_19 = arith.constant 0 : i32
    %scan3A_20 = arith.constant 8 : i32
    %scan3A_21 = arith.addi %scan3A_19, %scan3A_20 : i32
    %scan3A_22 = arith.constant 1 : i32
    scf.for %scan3A_43 = %scan3A_19 to %scan3A_21 step %scan3A_22  : i32 {
      %mul3A_44 = arith.constant 2 : i32
      %mul3A_45 = arith.muli %mul3A_44, %scan3A_43 : i32
      %mul3A_46 = arith.constant 1024 : i32
      %mul3A_47 = arith.muli %mul3A_45, %mul3A_46 : i32
      %add3A_48 = arith.addi %mul3A_18, %mul3A_47 : i32
      "tpu.region"() ({
        %run_scoped3A = tpu.sem_alloc : memref<!tpu.dma_semaphore, #tpu.memory_space<semaphore_mem>>
        %dma_start3A_86 = tpu.memref_slice %arg2[%add3A_48] : memref<1406608xf32, #tpu.memory_space<hbm>> -> memref<1024xf32, #tpu.memory_space<hbm>>
        %dma_start3A_87 = tpu.memref_slice %arg2[%add3A_48] : memref<1406608xf32, #tpu.memory_space<hbm>> -> memref<1024xf32, #tpu.memory_space<hbm>>
        tpu.enqueue_dma source(%dma_start3A_87 : memref<1024xf32, #tpu.memory_space<hbm>>) target(%arg9 : memref<1024xf32, #tpu.memory_space<vmem>>) target_semaphore(%run_scoped3A : memref<!tpu.dma_semaphore, #tpu.memory_space<semaphore_mem>>)
        %dma_wait3A_88 = tpu.memref_slice %arg2[%add3A_48] : memref<1406608xf32, #tpu.memory_space<hbm>> -> memref<1024xf32, #tpu.memory_space<hbm>>
        %dma_wait3A_89 = tpu.memref_slice %arg2[%add3A_48] : memref<1406608xf32, #tpu.memory_space<hbm>> -> memref<1024xf32, #tpu.memory_space<hbm>>
        tpu.wait_dma2 semaphore(%run_scoped3A : memref<!tpu.dma_semaphore, #tpu.memory_space<semaphore_mem>>) src(%dma_wait3A_89 : memref<1024xf32, #tpu.memory_space<hbm>>) dst(%arg9 : memref<1024xf32, #tpu.memory_space<vmem>>)
        tpu.yield
      }) : () -> ()
      %add3A_49 = arith.constant 700000 : i32
      %add3A_50 = arith.addi %add3A_49, %add3A_48 : i32
      "tpu.region"() ({
        %run_scoped3A = tpu.sem_alloc : memref<!tpu.dma_semaphore, #tpu.memory_space<semaphore_mem>>
        %dma_start3A_86 = tpu.memref_slice %arg2[%add3A_50] : memref<1406608xf32, #tpu.memory_space<hbm>> -> memref<1024xf32, #tpu.memory_space<hbm>>
        %dma_start3A_87 = tpu.memref_slice %arg2[%add3A_50] : memref<1406608xf32, #tpu.memory_space<hbm>> -> memref<1024xf32, #tpu.memory_space<hbm>>
        tpu.enqueue_dma source(%dma_start3A_87 : memref<1024xf32, #tpu.memory_space<hbm>>) target(%arg10 : memref<1024xf32, #tpu.memory_space<vmem>>) target_semaphore(%run_scoped3A : memref<!tpu.dma_semaphore, #tpu.memory_space<semaphore_mem>>)
        %dma_wait3A_88 = tpu.memref_slice %arg2[%add3A_50] : memref<1406608xf32, #tpu.memory_space<hbm>> -> memref<1024xf32, #tpu.memory_space<hbm>>
        %dma_wait3A_89 = tpu.memref_slice %arg2[%add3A_50] : memref<1406608xf32, #tpu.memory_space<hbm>> -> memref<1024xf32, #tpu.memory_space<hbm>>
        tpu.wait_dma2 semaphore(%run_scoped3A : memref<!tpu.dma_semaphore, #tpu.memory_space<semaphore_mem>>) src(%dma_wait3A_89 : memref<1024xf32, #tpu.memory_space<hbm>>) dst(%arg10 : memref<1024xf32, #tpu.memory_space<vmem>>)
        tpu.yield
      }) : () -> ()
      "tpu.region"() ({
        %run_scoped3A = tpu.sem_alloc : memref<!tpu.dma_semaphore, #tpu.memory_space<semaphore_mem>>
        %dma_start3A_86 = tpu.memref_slice %arg3[%add3A_48] : memref<706608xf32, #tpu.memory_space<hbm>> -> memref<1024xf32, #tpu.memory_space<hbm>>
        %dma_start3A_87 = tpu.memref_slice %arg3[%add3A_48] : memref<706608xf32, #tpu.memory_space<hbm>> -> memref<1024xf32, #tpu.memory_space<hbm>>
        tpu.enqueue_dma source(%dma_start3A_87 : memref<1024xf32, #tpu.memory_space<hbm>>) target(%arg11 : memref<1024xf32, #tpu.memory_space<vmem>>) target_semaphore(%run_scoped3A : memref<!tpu.dma_semaphore, #tpu.memory_space<semaphore_mem>>)
        %dma_wait3A_88 = tpu.memref_slice %arg3[%add3A_48] : memref<706608xf32, #tpu.memory_space<hbm>> -> memref<1024xf32, #tpu.memory_space<hbm>>
        %dma_wait3A_89 = tpu.memref_slice %arg3[%add3A_48] : memref<706608xf32, #tpu.memory_space<hbm>> -> memref<1024xf32, #tpu.memory_space<hbm>>
        tpu.wait_dma2 semaphore(%run_scoped3A : memref<!tpu.dma_semaphore, #tpu.memory_space<semaphore_mem>>) src(%dma_wait3A_89 : memref<1024xf32, #tpu.memory_space<hbm>>) dst(%arg11 : memref<1024xf32, #tpu.memory_space<vmem>>)
        tpu.yield
      }) : () -> ()
      "tpu.region"() ({
        %run_scoped3A = tpu.sem_alloc : memref<!tpu.dma_semaphore, #tpu.memory_space<semaphore_mem>>
        %dma_start3A_86 = tpu.memref_slice %arg4[%add3A_48] : memref<706608xf32, #tpu.memory_space<hbm>> -> memref<1024xf32, #tpu.memory_space<hbm>>
        %dma_start3A_87 = tpu.memref_slice %arg4[%add3A_48] : memref<706608xf32, #tpu.memory_space<hbm>> -> memref<1024xf32, #tpu.memory_space<hbm>>
        tpu.enqueue_dma source(%dma_start3A_87 : memref<1024xf32, #tpu.memory_space<hbm>>) target(%arg12 : memref<1024xf32, #tpu.memory_space<vmem>>) target_semaphore(%run_scoped3A : memref<!tpu.dma_semaphore, #tpu.memory_space<semaphore_mem>>)
        %dma_wait3A_88 = tpu.memref_slice %arg4[%add3A_48] : memref<706608xf32, #tpu.memory_space<hbm>> -> memref<1024xf32, #tpu.memory_space<hbm>>
        %dma_wait3A_89 = tpu.memref_slice %arg4[%add3A_48] : memref<706608xf32, #tpu.memory_space<hbm>> -> memref<1024xf32, #tpu.memory_space<hbm>>
        tpu.wait_dma2 semaphore(%run_scoped3A : memref<!tpu.dma_semaphore, #tpu.memory_space<semaphore_mem>>) src(%dma_wait3A_89 : memref<1024xf32, #tpu.memory_space<hbm>>) dst(%arg12 : memref<1024xf32, #tpu.memory_space<vmem>>)
        tpu.yield
      }) : () -> ()
      %get3A = arith.constant 0 : index
      %get3A_51 = tpu.vector_load %arg19[%get3A] {strides = array<i32>} : memref<16xf32, #tpu.memory_space<vmem>>, vector<16xf32>,
      %get3A_52 = vector.shape_cast %get3A_51 : vector<16xf32> to vector<16xf32>
      %get3A_53 = arith.constant 0 : index
      %get3A_54 = tpu.vector_load %arg20[%get3A_53] {strides = array<i32>} : memref<16xf32, #tpu.memory_space<vmem>>, vector<16xf32>,
      %get3A_55 = vector.shape_cast %get3A_54 : vector<16xf32> to vector<16xf32>
      %scan3A_56 = arith.constant 0 : i32
      %scan3A_57 = arith.constant 64 : i32
      %scan3A_58 = arith.addi %scan3A_56, %scan3A_57 : i32
      %scan3A_59 = arith.constant 1 : i32
      scf.for %scan3A_86 = %scan3A_56 to %scan3A_58 step %scan3A_59  : i32 {
        %mul3A_87 = arith.constant 16 : i32
        %mul3A_88 = arith.muli %scan3A_86, %mul3A_87 : i32
        %get3A_89 = arith.index_cast %mul3A_88 : i32 to index
        %get3A_90 = tpu.vector_load %arg9[%get3A_89] {strides = array<i32>} : memref<1024xf32, #tpu.memory_space<vmem>>, vector<16xf32>,
        %get3A_91 = vector.shape_cast %get3A_90 : vector<16xf32> to vector<16xf32>
        %get3A_92 = arith.index_cast %mul3A_88 : i32 to index
        %get3A_93 = tpu.vector_load %arg10[%get3A_92] {strides = array<i32>} : memref<1024xf32, #tpu.memory_space<vmem>>, vector<16xf32>,
        %get3A_94 = vector.shape_cast %get3A_93 : vector<16xf32> to vector<16xf32>
        %get3A_95 = arith.index_cast %mul3A_88 : i32 to index
        %get3A_96 = tpu.vector_load %arg11[%get3A_95] {strides = array<i32>} : memref<1024xf32, #tpu.memory_space<vmem>>, vector<16xf32>,
        %get3A_97 = vector.shape_cast %get3A_96 : vector<16xf32> to vector<16xf32>
        %get3A_98 = arith.index_cast %mul3A_88 : i32 to index
        %get3A_99 = tpu.vector_load %arg12[%get3A_98] {strides = array<i32>} : memref<1024xf32, #tpu.memory_space<vmem>>, vector<16xf32>,
        %get3A_100 = vector.shape_cast %get3A_99 : vector<16xf32> to vector<16xf32>
        %max3A = arith.constant 2.76213598 : f32
        %max3A_101 = vector.broadcast %max3A : f32 to vector<16xf32>
        %max3A_102 = arith.maximumf %get3A_97, %max3A_101 : vector<16xf32>
        %max3A_103 = arith.constant 2.76213598 : f32
        %max3A_104 = vector.broadcast %max3A_103 : f32 to vector<16xf32>
        %max3A_105 = arith.maximumf %get3A_100, %max3A_104 : vector<16xf32>
        %sub3A = arith.subf %get3A_97, %max3A_102 : vector<16xf32>
        %mul3A_106 = arith.constant 5.000000e-01 : f32
        %mul3A_107 = vector.broadcast %mul3A_106 : f32 to vector<16xf32>
        %mul3A_108 = arith.mulf %sub3A, %mul3A_107 : vector<16xf32>
        %add3A_109 = arith.addf %get3A_91, %mul3A_108 : vector<16xf32>
        %sub3A_110 = arith.subf %get3A_100, %max3A_105 : vector<16xf32>
        %mul3A_111 = arith.constant 5.000000e-01 : f32
        %mul3A_112 = vector.broadcast %mul3A_111 : f32 to vector<16xf32>
        %mul3A_113 = arith.mulf %sub3A_110, %mul3A_112 : vector<16xf32>
        %add3A_114 = arith.addf %get3A_94, %mul3A_113 : vector<16xf32>
        %mul3A_115 = arith.mulf %get3A_97, %get3A_100 : vector<16xf32>
        %mul3A_116 = arith.mulf %max3A_102, %max3A_105 : vector<16xf32>
        %div3A = arith.divf %mul3A_115, %mul3A_116 : vector<16xf32>
        %gt3A_117 = arith.cmpf ogt, %mul3A_115, %get3A_52 : vector<16xf32>
        %gt3A_118 = arith.cmpf ogt, %get3A_100, %get3A_55 : vector<16xf32>
        %and3A = arith.andi %gt3A_117, %gt3A_118 : vector<16xi1>
        %jit3A = arith.constant 0.899999976 : f32
        %broadcast_in_dim3A = vector.broadcast %jit3A : f32 to vector<16xf32>
        %select_n3A = arith.select %and3A, %broadcast_in_dim3A, %div3A : vector<16xi1>, vector<16xf32>
        %sub3A_119 = arith.constant 500000 : i32
        %sub3A_120 = arith.subi %sub3A_119, %add3A_48 : i32
        %sub3A_121 = arith.subi %sub3A_120, %mul3A_88 : i32
        %lt3A = vector.broadcast %sub3A_121 : i32 to vector<16xi32>
        %lt3A_122 = arith.cmpi slt, %iota3A, %lt3A : vector<16xi32>
        %jit3A_123 = arith.constant 0.000000e+00 : f32
        %broadcast_in_dim3A_124 = vector.broadcast %jit3A_123 : f32 to vector<16xf32>
        %select_n3A_125 = arith.select %lt3A_122, %select_n3A, %broadcast_in_dim3A_124 : vector<16xi1>, vector<16xf32>
        %add3A_126 = arith.addf %add3A_109, %max3A_102 : vector<16xf32>
        %mul3A_127 = arith.constant 5.120000e-01 : f32
        %mul3A_128 = vector.broadcast %mul3A_127 : f32 to vector<16xf32>
        %mul3A_129 = arith.mulf %add3A_109, %mul3A_128 : vector<16xf32>
        %convert_element_type3A_130 = arith.fptosi %mul3A_129 : vector<16xf32> to vector<16xi32>
        %jit3A_131 = arith.constant 0 : i32
        %jit3A_132 = arith.constant 511 : i32
        %max3A_133 = vector.broadcast %jit3A_131 : i32 to vector<16xi32>
        %max3A_134 = arith.maxsi %max3A_133, %convert_element_type3A_130 : vector<16xi32>
        %min3A = vector.broadcast %jit3A_132 : i32 to vector<16xi32>
        %min3A_135 = arith.minsi %min3A, %max3A_134 : vector<16xi32>
        %convert_element_type3A_136 = arith.sitofp %min3A_135 : vector<16xi32> to vector<16xf32>
        %mul3A_137 = arith.constant 1.953125 : f32
        %mul3A_138 = vector.broadcast %mul3A_137 : f32 to vector<16xf32>
        %mul3A_139 = arith.mulf %convert_element_type3A_136, %mul3A_138 : vector<16xf32>
        %add3A_140 = arith.constant 0.000000e+00 : f32
        %add3A_141 = vector.broadcast %add3A_140 : f32 to vector<16xf32>
        %add3A_142 = arith.addf %mul3A_139, %add3A_141 : vector<16xf32>
        %add3A_143 = arith.constant 1.953125 : f32
        %add3A_144 = vector.broadcast %add3A_143 : f32 to vector<16xf32>
        %add3A_145 = arith.addf %add3A_142, %add3A_144 : vector<16xf32>
        %min3A_146 = arith.minimumf %add3A_126, %add3A_145 : vector<16xf32>
        %max3A_147 = arith.maximumf %add3A_109, %add3A_142 : vector<16xf32>
        %sub3A_148 = arith.subf %min3A_146, %max3A_147 : vector<16xf32>
        %max3A_149 = arith.constant 0.000000e+00 : f32
        %max3A_150 = vector.broadcast %max3A_149 : f32 to vector<16xf32>
        %max3A_151 = arith.maximumf %sub3A_148, %max3A_150 : vector<16xf32>
        %add3A_152 = arith.constant 0 : i32
        %add3A_153 = vector.broadcast %add3A_152 : i32 to vector<16xi32>
        %add3A_154 = arith.addi %min3A_135, %add3A_153 : vector<16xi32>
        %min3A_155 = arith.constant 511 : i32
        %min3A_156 = vector.broadcast %min3A_155 : i32 to vector<16xi32>
        %min3A_157 = arith.minsi %add3A_154, %min3A_156 : vector<16xi32>
        %add3A_158 = arith.constant 1.953125 : f32
        %add3A_159 = vector.broadcast %add3A_158 : f32 to vector<16xf32>
        %add3A_160 = arith.addf %mul3A_139, %add3A_159 : vector<16xf32>
        %add3A_161 = arith.constant 1.953125 : f32
        %add3A_162 = vector.broadcast %add3A_161 : f32 to vector<16xf32>
        %add3A_163 = arith.addf %add3A_160, %add3A_162 : vector<16xf32>
        %min3A_164 = arith.minimumf %add3A_126, %add3A_163 : vector<16xf32>
        %max3A_165 = arith.maximumf %add3A_109, %add3A_160 : vector<16xf32>
        %sub3A_166 = arith.subf %min3A_164, %max3A_165 : vector<16xf32>
        %max3A_167 = arith.constant 0.000000e+00 : f32
        %max3A_168 = vector.broadcast %max3A_167 : f32 to vector<16xf32>
        %max3A_169 = arith.maximumf %sub3A_166, %max3A_168 : vector<16xf32>
        %add3A_170 = arith.constant 1 : i32
        %add3A_171 = vector.broadcast %add3A_170 : i32 to vector<16xi32>
        %add3A_172 = arith.addi %min3A_135, %add3A_171 : vector<16xi32>
        %min3A_173 = arith.constant 511 : i32
        %min3A_174 = vector.broadcast %min3A_173 : i32 to vector<16xi32>
        %min3A_175 = arith.minsi %add3A_172, %min3A_174 : vector<16xi32>
        %add3A_176 = arith.constant 3.906250e+00 : f32
        %add3A_177 = vector.broadcast %add3A_176 : f32 to vector<16xf32>
        %add3A_178 = arith.addf %mul3A_139, %add3A_177 : vector<16xf32>
        %add3A_179 = arith.constant 1.953125 : f32
        %add3A_180 = vector.broadcast %add3A_179 : f32 to vector<16xf32>
        %add3A_181 = arith.addf %add3A_178, %add3A_180 : vector<16xf32>
        %min3A_182 = arith.minimumf %add3A_126, %add3A_181 : vector<16xf32>
        %max3A_183 = arith.maximumf %add3A_109, %add3A_178 : vector<16xf32>
        %sub3A_184 = arith.subf %min3A_182, %max3A_183 : vector<16xf32>
        %max3A_185 = arith.constant 0.000000e+00 : f32
        %max3A_186 = vector.broadcast %max3A_185 : f32 to vector<16xf32>
        %max3A_187 = arith.maximumf %sub3A_184, %max3A_186 : vector<16xf32>
        %add3A_188 = arith.constant 2 : i32
        %add3A_189 = vector.broadcast %add3A_188 : i32 to vector<16xi32>
        %add3A_190 = arith.addi %min3A_135, %add3A_189 : vector<16xi32>
        %min3A_191 = arith.constant 511 : i32
        %min3A_192 = vector.broadcast %min3A_191 : i32 to vector<16xi32>
        %min3A_193 = arith.minsi %add3A_190, %min3A_192 : vector<16xi32>
        %mul3A_194 = arith.mulf %max3A_151, %select_n3A_125 : vector<16xf32>
        %mul3A_195 = arith.constant 512 : i32
        %mul3A_196 = vector.broadcast %mul3A_195 : i32 to vector<16xi32>
        %mul3A_197 = arith.muli %min3A_157, %mul3A_196 : vector<16xi32>
        %mul3A_198 = arith.mulf %max3A_169, %select_n3A_125 : vector<16xf32>
        %mul3A_199 = arith.constant 512 : i32
        %mul3A_200 = vector.broadcast %mul3A_199 : i32 to vector<16xi32>
        %mul3A_201 = arith.muli %min3A_175, %mul3A_200 : vector<16xi32>
        %mul3A_202 = arith.mulf %max3A_187, %select_n3A_125 : vector<16xf32>
        %mul3A_203 = arith.constant 512 : i32
        %mul3A_204 = vector.broadcast %mul3A_203 : i32 to vector<16xi32>
        %mul3A_205 = arith.muli %min3A_193, %mul3A_204 : vector<16xi32>
        %add3A_206 = arith.addf %add3A_114, %max3A_105 : vector<16xf32>
        %mul3A_207 = arith.constant 5.120000e-01 : f32
        %mul3A_208 = vector.broadcast %mul3A_207 : f32 to vector<16xf32>
        %mul3A_209 = arith.mulf %add3A_114, %mul3A_208 : vector<16xf32>
        %convert_element_type3A_210 = arith.fptosi %mul3A_209 : vector<16xf32> to vector<16xi32>
        %jit3A_211 = arith.constant 0 : i32
        %jit3A_212 = arith.constant 511 : i32
        %max3A_213 = vector.broadcast %jit3A_211 : i32 to vector<16xi32>
        %max3A_214 = arith.maxsi %max3A_213, %convert_element_type3A_210 : vector<16xi32>
        %min3A_215 = vector.broadcast %jit3A_212 : i32 to vector<16xi32>
        %min3A_216 = arith.minsi %min3A_215, %max3A_214 : vector<16xi32>
        %convert_element_type3A_217 = arith.sitofp %min3A_216 : vector<16xi32> to vector<16xf32>
        %mul3A_218 = arith.constant 1.953125 : f32
        %mul3A_219 = vector.broadcast %mul3A_218 : f32 to vector<16xf32>
        %mul3A_220 = arith.mulf %convert_element_type3A_217, %mul3A_219 : vector<16xf32>
        %add3A_221 = arith.constant 0.000000e+00 : f32
        %add3A_222 = vector.broadcast %add3A_221 : f32 to vector<16xf32>
        %add3A_223 = arith.addf %mul3A_220, %add3A_222 : vector<16xf32>
        %add3A_224 = arith.constant 1.953125 : f32
        %add3A_225 = vector.broadcast %add3A_224 : f32 to vector<16xf32>
        %add3A_226 = arith.addf %add3A_223, %add3A_225 : vector<16xf32>
        %min3A_227 = arith.minimumf %add3A_206, %add3A_226 : vector<16xf32>
        %max3A_228 = arith.maximumf %add3A_114, %add3A_223 : vector<16xf32>
        %sub3A_229 = arith.subf %min3A_227, %max3A_228 : vector<16xf32>
        %max3A_230 = arith.constant 0.000000e+00 : f32
        %max3A_231 = vector.broadcast %max3A_230 : f32 to vector<16xf32>
        %max3A_232 = arith.maximumf %sub3A_229, %max3A_231 : vector<16xf32>
        %add3A_233 = arith.constant 0 : i32
        %add3A_234 = vector.broadcast %add3A_233 : i32 to vector<16xi32>
        %add3A_235 = arith.addi %min3A_216, %add3A_234 : vector<16xi32>
        %min3A_236 = arith.constant 511 : i32
        %min3A_237 = vector.broadcast %min3A_236 : i32 to vector<16xi32>
        %min3A_238 = arith.minsi %add3A_235, %min3A_237 : vector<16xi32>
        %add3A_239 = arith.constant 1.953125 : f32
        %add3A_240 = vector.broadcast %add3A_239 : f32 to vector<16xf32>
        %add3A_241 = arith.addf %mul3A_220, %add3A_240 : vector<16xf32>
        %add3A_242 = arith.constant 1.953125 : f32
        %add3A_243 = vector.broadcast %add3A_242 : f32 to vector<16xf32>
        %add3A_244 = arith.addf %add3A_241, %add3A_243 : vector<16xf32>
        %min3A_245 = arith.minimumf %add3A_206, %add3A_244 : vector<16xf32>
        %max3A_246 = arith.maximumf %add3A_114, %add3A_241 : vector<16xf32>
        %sub3A_247 = arith.subf %min3A_245, %max3A_246 : vector<16xf32>
        %max3A_248 = arith.constant 0.000000e+00 : f32
        %max3A_249 = vector.broadcast %max3A_248 : f32 to vector<16xf32>
        %max3A_250 = arith.maximumf %sub3A_247, %max3A_249 : vector<16xf32>
        %add3A_251 = arith.constant 1 : i32
        %add3A_252 = vector.broadcast %add3A_251 : i32 to vector<16xi32>
        %add3A_253 = arith.addi %min3A_216, %add3A_252 : vector<16xi32>
        %min3A_254 = arith.constant 511 : i32
        %min3A_255 = vector.broadcast %min3A_254 : i32 to vector<16xi32>
        %min3A_256 = arith.minsi %add3A_253, %min3A_255 : vector<16xi32>
        %add3A_257 = arith.constant 3.906250e+00 : f32
        %add3A_258 = vector.broadcast %add3A_257 : f32 to vector<16xf32>
        %add3A_259 = arith.addf %mul3A_220, %add3A_258 : vector<16xf32>
        %add3A_260 = arith.constant 1.953125 : f32
        %add3A_261 = vector.broadcast %add3A_260 : f32 to vector<16xf32>
        %add3A_262 = arith.addf %add3A_259, %add3A_261 : vector<16xf32>
        %min3A_263 = arith.minimumf %add3A_206, %add3A_262 : vector<16xf32>
        %max3A_264 = arith.maximumf %add3A_114, %add3A_259 : vector<16xf32>
        %sub3A_265 = arith.subf %min3A_263, %max3A_264 : vector<16xf32>
        %max3A_266 = arith.constant 0.000000e+00 : f32
        %max3A_267 = vector.broadcast %max3A_266 : f32 to vector<16xf32>
        %max3A_268 = arith.maximumf %sub3A_265, %max3A_267 : vector<16xf32>
        %add3A_269 = arith.constant 2 : i32
        %add3A_270 = vector.broadcast %add3A_269 : i32 to vector<16xi32>
        %add3A_271 = arith.addi %min3A_216, %add3A_270 : vector<16xi32>
        %min3A_272 = arith.constant 511 : i32
        %min3A_273 = vector.broadcast %min3A_272 : i32 to vector<16xi32>
        %min3A_274 = arith.minsi %add3A_271, %min3A_273 : vector<16xi32>
        %mul3A_275 = arith.mulf %mul3A_194, %max3A_232 : vector<16xf32>
        %add3A_276 = arith.constant 0 : i32
        %add3A_277 = arith.addi %add3A_276, %mul3A_88 : i32
        %swap3A = arith.index_cast %add3A_277 : i32 to index
        %swap3A_278 = tpu.vector_load %arg13[%swap3A] {strides = array<i32>} : memref<9216xf32, #tpu.memory_space<vmem>>, vector<16xf32>,
        %swap3A_279 = vector.shape_cast %swap3A_278 : vector<16xf32> to vector<16xf32>
        %swap3A_280 = vector.shape_cast %mul3A_275 : vector<16xf32> to vector<16xf32>
        tpu.vector_store %arg13[%swap3A], %swap3A_280 {strides = array<i32>} : memref<9216xf32, #tpu.memory_space<vmem>>, vector<16xf32>,
        %ne3A = arith.constant 0.000000e+00 : f32
        %ne3A_281 = vector.broadcast %ne3A : f32 to vector<16xf32>
        %ne3A_282 = arith.cmpf one, %mul3A_275, %ne3A_281 : vector<16xf32>
        %add3A_283 = arith.addi %mul3A_197, %min3A_238 : vector<16xi32>
        %jit3A_284 = arith.constant -1 : i32
        %broadcast_in_dim3A_285 = vector.broadcast %jit3A_284 : i32 to vector<16xi32>
        %select_n3A_286 = arith.select %ne3A_282, %add3A_283, %broadcast_in_dim3A_285 : vector<16xi1>, vector<16xi32>
        %add3A_287 = arith.constant 0 : i32
        %add3A_288 = arith.addi %add3A_287, %mul3A_88 : i32
        %swap3A_289 = arith.index_cast %add3A_288 : i32 to index
        %swap3A_290 = tpu.vector_load %arg14[%swap3A_289] {strides = array<i32>} : memref<9216xi32, #tpu.memory_space<vmem>>, vector<16xi32>,
        %swap3A_291 = vector.shape_cast %swap3A_290 : vector<16xi32> to vector<16xi32>
        %swap3A_292 = vector.shape_cast %select_n3A_286 : vector<16xi32> to vector<16xi32>
        tpu.vector_store %arg14[%swap3A_289], %swap3A_292 {strides = array<i32>} : memref<9216xi32, #tpu.memory_space<vmem>>, vector<16xi32>,
        %mul3A_293 = arith.mulf %mul3A_194, %max3A_250 : vector<16xf32>
        %add3A_294 = arith.constant 1024 : i32
        %add3A_295 = arith.addi %add3A_294, %mul3A_88 : i32
        %swap3A_296 = arith.index_cast %add3A_295 : i32 to index
        %swap3A_297 = tpu.vector_load %arg13[%swap3A_296] {strides = array<i32>} : memref<9216xf32, #tpu.memory_space<vmem>>, vector<16xf32>,
        %swap3A_298 = vector.shape_cast %swap3A_297 : vector<16xf32> to vector<16xf32>
        %swap3A_299 = vector.shape_cast %mul3A_293 : vector<16xf32> to vector<16xf32>
        tpu.vector_store %arg13[%swap3A_296], %swap3A_299 {strides = array<i32>} : memref<9216xf32, #tpu.memory_space<vmem>>, vector<16xf32>,
        %ne3A_300 = arith.constant 0.000000e+00 : f32
        %ne3A_301 = vector.broadcast %ne3A_300 : f32 to vector<16xf32>
        %ne3A_302 = arith.cmpf one, %mul3A_293, %ne3A_301 : vector<16xf32>
        %add3A_303 = arith.addi %mul3A_197, %min3A_256 : vector<16xi32>
        %jit3A_304 = arith.constant -1 : i32
        %broadcast_in_dim3A_305 = vector.broadcast %jit3A_304 : i32 to vector<16xi32>
        %select_n3A_306 = arith.select %ne3A_302, %add3A_303, %broadcast_in_dim3A_305 : vector<16xi1>, vector<16xi32>
        %add3A_307 = arith.constant 1024 : i32
        %add3A_308 = arith.addi %add3A_307, %mul3A_88 : i32
        %swap3A_309 = arith.index_cast %add3A_308 : i32 to index
        %swap3A_310 = tpu.vector_load %arg14[%swap3A_309] {strides = array<i32>} : memref<9216xi32, #tpu.memory_space<vmem>>, vector<16xi32>,
        %swap3A_311 = vector.shape_cast %swap3A_310 : vector<16xi32> to vector<16xi32>
        %swap3A_312 = vector.shape_cast %select_n3A_306 : vector<16xi32> to vector<16xi32>
        tpu.vector_store %arg14[%swap3A_309], %swap3A_312 {strides = array<i32>} : memref<9216xi32, #tpu.memory_space<vmem>>, vector<16xi32>,
        %mul3A_313 = arith.mulf %mul3A_194, %max3A_268 : vector<16xf32>
        %add3A_314 = arith.constant 2048 : i32
        %add3A_315 = arith.addi %add3A_314, %mul3A_88 : i32
        %swap3A_316 = arith.index_cast %add3A_315 : i32 to index
        %swap3A_317 = tpu.vector_load %arg13[%swap3A_316] {strides = array<i32>} : memref<9216xf32, #tpu.memory_space<vmem>>, vector<16xf32>,
        %swap3A_318 = vector.shape_cast %swap3A_317 : vector<16xf32> to vector<16xf32>
        %swap3A_319 = vector.shape_cast %mul3A_313 : vector<16xf32> to vector<16xf32>
        tpu.vector_store %arg13[%swap3A_316], %swap3A_319 {strides = array<i32>} : memref<9216xf32, #tpu.memory_space<vmem>>, vector<16xf32>,
        %ne3A_320 = arith.constant 0.000000e+00 : f32
        %ne3A_321 = vector.broadcast %ne3A_320 : f32 to vector<16xf32>
        %ne3A_322 = arith.cmpf one, %mul3A_313, %ne3A_321 : vector<16xf32>
        %add3A_323 = arith.addi %mul3A_197, %min3A_274 : vector<16xi32>
        %jit3A_324 = arith.constant -1 : i32
        %broadcast_in_dim3A_325 = vector.broadcast %jit3A_324 : i32 to vector<16xi32>
        %select_n3A_326 = arith.select %ne3A_322, %add3A_323, %broadcast_in_dim3A_325 : vector<16xi1>, vector<16xi32>
        %add3A_327 = arith.constant 2048 : i32
        %add3A_328 = arith.addi %add3A_327, %mul3A_88 : i32
        %swap3A_329 = arith.index_cast %add3A_328 : i32 to index
        %swap3A_330 = tpu.vector_load %arg14[%swap3A_329] {strides = array<i32>} : memref<9216xi32, #tpu.memory_space<vmem>>, vector<16xi32>,
        %swap3A_331 = vector.shape_cast %swap3A_330 : vector<16xi32> to vector<16xi32>
        %swap3A_332 = vector.shape_cast %select_n3A_326 : vector<16xi32> to vector<16xi32>
        tpu.vector_store %arg14[%swap3A_329], %swap3A_332 {strides = array<i32>} : memref<9216xi32, #tpu.memory_space<vmem>>, vector<16xi32>,
        %mul3A_333 = arith.mulf %mul3A_198, %max3A_232 : vector<16xf32>
        %add3A_334 = arith.constant 3072 : i32
        %add3A_335 = arith.addi %add3A_334, %mul3A_88 : i32
        %swap3A_336 = arith.index_cast %add3A_335 : i32 to index
        %swap3A_337 = tpu.vector_load %arg13[%swap3A_336] {strides = array<i32>} : memref<9216xf32, #tpu.memory_space<vmem>>, vector<16xf32>,
        %swap3A_338 = vector.shape_cast %swap3A_337 : vector<16xf32> to vector<16xf32>
        %swap3A_339 = vector.shape_cast %mul3A_333 : vector<16xf32> to vector<16xf32>
        tpu.vector_store %arg13[%swap3A_336], %swap3A_339 {strides = array<i32>} : memref<9216xf32, #tpu.memory_space<vmem>>, vector<16xf32>,
        %ne3A_340 = arith.constant 0.000000e+00 : f32
        %ne3A_341 = vector.broadcast %ne3A_340 : f32 to vector<16xf32>
        %ne3A_342 = arith.cmpf one, %mul3A_333, %ne3A_341 : vector<16xf32>
        %add3A_343 = arith.addi %mul3A_201, %min3A_238 : vector<16xi32>
        %jit3A_344 = arith.constant -1 : i32
        %broadcast_in_dim3A_345 = vector.broadcast %jit3A_344 : i32 to vector<16xi32>
        %select_n3A_346 = arith.select %ne3A_342, %add3A_343, %broadcast_in_dim3A_345 : vector<16xi1>, vector<16xi32>
        %add3A_347 = arith.constant 3072 : i32
        %add3A_348 = arith.addi %add3A_347, %mul3A_88 : i32
        %swap3A_349 = arith.index_cast %add3A_348 : i32 to index
        %swap3A_350 = tpu.vector_load %arg14[%swap3A_349] {strides = array<i32>} : memref<9216xi32, #tpu.memory_space<vmem>>, vector<16xi32>,
        %swap3A_351 = vector.shape_cast %swap3A_350 : vector<16xi32> to vector<16xi32>
        %swap3A_352 = vector.shape_cast %select_n3A_346 : vector<16xi32> to vector<16xi32>
        tpu.vector_store %arg14[%swap3A_349], %swap3A_352 {strides = array<i32>} : memref<9216xi32, #tpu.memory_space<vmem>>, vector<16xi32>,
        %mul3A_353 = arith.mulf %mul3A_198, %max3A_250 : vector<16xf32>
        %add3A_354 = arith.constant 4096 : i32
        %add3A_355 = arith.addi %add3A_354, %mul3A_88 : i32
        %swap3A_356 = arith.index_cast %add3A_355 : i32 to index
        %swap3A_357 = tpu.vector_load %arg13[%swap3A_356] {strides = array<i32>} : memref<9216xf32, #tpu.memory_space<vmem>>, vector<16xf32>,
        %swap3A_358 = vector.shape_cast %swap3A_357 : vector<16xf32> to vector<16xf32>
        %swap3A_359 = vector.shape_cast %mul3A_353 : vector<16xf32> to vector<16xf32>
        tpu.vector_store %arg13[%swap3A_356], %swap3A_359 {strides = array<i32>} : memref<9216xf32, #tpu.memory_space<vmem>>, vector<16xf32>,
        %ne3A_360 = arith.constant 0.000000e+00 : f32
        %ne3A_361 = vector.broadcast %ne3A_360 : f32 to vector<16xf32>
        %ne3A_362 = arith.cmpf one, %mul3A_353, %ne3A_361 : vector<16xf32>
        %add3A_363 = arith.addi %mul3A_201, %min3A_256 : vector<16xi32>
        %jit3A_364 = arith.constant -1 : i32
        %broadcast_in_dim3A_365 = vector.broadcast %jit3A_364 : i32 to vector<16xi32>
        %select_n3A_366 = arith.select %ne3A_362, %add3A_363, %broadcast_in_dim3A_365 : vector<16xi1>, vector<16xi32>
        %add3A_367 = arith.constant 4096 : i32
        %add3A_368 = arith.addi %add3A_367, %mul3A_88 : i32
        %swap3A_369 = arith.index_cast %add3A_368 : i32 to index
        %swap3A_370 = tpu.vector_load %arg14[%swap3A_369] {strides = array<i32>} : memref<9216xi32, #tpu.memory_space<vmem>>, vector<16xi32>,
        %swap3A_371 = vector.shape_cast %swap3A_370 : vector<16xi32> to vector<16xi32>
        %swap3A_372 = vector.shape_cast %select_n3A_366 : vector<16xi32> to vector<16xi32>
        tpu.vector_store %arg14[%swap3A_369], %swap3A_372 {strides = array<i32>} : memref<9216xi32, #tpu.memory_space<vmem>>, vector<16xi32>,
        %mul3A_373 = arith.mulf %mul3A_198, %max3A_268 : vector<16xf32>
        %add3A_374 = arith.constant 5120 : i32
        %add3A_375 = arith.addi %add3A_374, %mul3A_88 : i32
        %swap3A_376 = arith.index_cast %add3A_375 : i32 to index
        %swap3A_377 = tpu.vector_load %arg13[%swap3A_376] {strides = array<i32>} : memref<9216xf32, #tpu.memory_space<vmem>>, vector<16xf32>,
        %swap3A_378 = vector.shape_cast %swap3A_377 : vector<16xf32> to vector<16xf32>
        %swap3A_379 = vector.shape_cast %mul3A_373 : vector<16xf32> to vector<16xf32>
        tpu.vector_store %arg13[%swap3A_376], %swap3A_379 {strides = array<i32>} : memref<9216xf32, #tpu.memory_space<vmem>>, vector<16xf32>,
        %ne3A_380 = arith.constant 0.000000e+00 : f32
        %ne3A_381 = vector.broadcast %ne3A_380 : f32 to vector<16xf32>
        %ne3A_382 = arith.cmpf one, %mul3A_373, %ne3A_381 : vector<16xf32>
        %add3A_383 = arith.addi %mul3A_201, %min3A_274 : vector<16xi32>
        %jit3A_384 = arith.constant -1 : i32
        %broadcast_in_dim3A_385 = vector.broadcast %jit3A_384 : i32 to vector<16xi32>
        %select_n3A_386 = arith.select %ne3A_382, %add3A_383, %broadcast_in_dim3A_385 : vector<16xi1>, vector<16xi32>
        %add3A_387 = arith.constant 5120 : i32
        %add3A_388 = arith.addi %add3A_387, %mul3A_88 : i32
        %swap3A_389 = arith.index_cast %add3A_388 : i32 to index
        %swap3A_390 = tpu.vector_load %arg14[%swap3A_389] {strides = array<i32>} : memref<9216xi32, #tpu.memory_space<vmem>>, vector<16xi32>,
        %swap3A_391 = vector.shape_cast %swap3A_390 : vector<16xi32> to vector<16xi32>
        %swap3A_392 = vector.shape_cast %select_n3A_386 : vector<16xi32> to vector<16xi32>
        tpu.vector_store %arg14[%swap3A_389], %swap3A_392 {strides = array<i32>} : memref<9216xi32, #tpu.memory_space<vmem>>, vector<16xi32>,
        %mul3A_393 = arith.mulf %mul3A_202, %max3A_232 : vector<16xf32>
        %add3A_394 = arith.constant 6144 : i32
        %add3A_395 = arith.addi %add3A_394, %mul3A_88 : i32
        %swap3A_396 = arith.index_cast %add3A_395 : i32 to index
        %swap3A_397 = tpu.vector_load %arg13[%swap3A_396] {strides = array<i32>} : memref<9216xf32, #tpu.memory_space<vmem>>, vector<16xf32>,
        %swap3A_398 = vector.shape_cast %swap3A_397 : vector<16xf32> to vector<16xf32>
        %swap3A_399 = vector.shape_cast %mul3A_393 : vector<16xf32> to vector<16xf32>
        tpu.vector_store %arg13[%swap3A_396], %swap3A_399 {strides = array<i32>} : memref<9216xf32, #tpu.memory_space<vmem>>, vector<16xf32>,
        %ne3A_400 = arith.constant 0.000000e+00 : f32
        %ne3A_401 = vector.broadcast %ne3A_400 : f32 to vector<16xf32>
        %ne3A_402 = arith.cmpf one, %mul3A_393, %ne3A_401 : vector<16xf32>
        %add3A_403 = arith.addi %mul3A_205, %min3A_238 : vector<16xi32>
        %jit3A_404 = arith.constant -1 : i32
        %broadcast_in_dim3A_405 = vector.broadcast %jit3A_404 : i32 to vector<16xi32>
        %select_n3A_406 = arith.select %ne3A_402, %add3A_403, %broadcast_in_dim3A_405 : vector<16xi1>, vector<16xi32>
        %add3A_407 = arith.constant 6144 : i32
        %add3A_408 = arith.addi %add3A_407, %mul3A_88 : i32
        %swap3A_409 = arith.index_cast %add3A_408 : i32 to index
        %swap3A_410 = tpu.vector_load %arg14[%swap3A_409] {strides = array<i32>} : memref<9216xi32, #tpu.memory_space<vmem>>, vector<16xi32>,
        %swap3A_411 = vector.shape_cast %swap3A_410 : vector<16xi32> to vector<16xi32>
        %swap3A_412 = vector.shape_cast %select_n3A_406 : vector<16xi32> to vector<16xi32>
        tpu.vector_store %arg14[%swap3A_409], %swap3A_412 {strides = array<i32>} : memref<9216xi32, #tpu.memory_space<vmem>>, vector<16xi32>,
        %mul3A_413 = arith.mulf %mul3A_202, %max3A_250 : vector<16xf32>
        %add3A_414 = arith.constant 7168 : i32
        %add3A_415 = arith.addi %add3A_414, %mul3A_88 : i32
        %swap3A_416 = arith.index_cast %add3A_415 : i32 to index
        %swap3A_417 = tpu.vector_load %arg13[%swap3A_416] {strides = array<i32>} : memref<9216xf32, #tpu.memory_space<vmem>>, vector<16xf32>,
        %swap3A_418 = vector.shape_cast %swap3A_417 : vector<16xf32> to vector<16xf32>
        %swap3A_419 = vector.shape_cast %mul3A_413 : vector<16xf32> to vector<16xf32>
        tpu.vector_store %arg13[%swap3A_416], %swap3A_419 {strides = array<i32>} : memref<9216xf32, #tpu.memory_space<vmem>>, vector<16xf32>,
        %ne3A_420 = arith.constant 0.000000e+00 : f32
        %ne3A_421 = vector.broadcast %ne3A_420 : f32 to vector<16xf32>
        %ne3A_422 = arith.cmpf one, %mul3A_413, %ne3A_421 : vector<16xf32>
        %add3A_423 = arith.addi %mul3A_205, %min3A_256 : vector<16xi32>
        %jit3A_424 = arith.constant -1 : i32
        %broadcast_in_dim3A_425 = vector.broadcast %jit3A_424 : i32 to vector<16xi32>
        %select_n3A_426 = arith.select %ne3A_422, %add3A_423, %broadcast_in_dim3A_425 : vector<16xi1>, vector<16xi32>
        %add3A_427 = arith.constant 7168 : i32
        %add3A_428 = arith.addi %add3A_427, %mul3A_88 : i32
        %swap3A_429 = arith.index_cast %add3A_428 : i32 to index
        %swap3A_430 = tpu.vector_load %arg14[%swap3A_429] {strides = array<i32>} : memref<9216xi32, #tpu.memory_space<vmem>>, vector<16xi32>,
        %swap3A_431 = vector.shape_cast %swap3A_430 : vector<16xi32> to vector<16xi32>
        %swap3A_432 = vector.shape_cast %select_n3A_426 : vector<16xi32> to vector<16xi32>
        tpu.vector_store %arg14[%swap3A_429], %swap3A_432 {strides = array<i32>} : memref<9216xi32, #tpu.memory_space<vmem>>, vector<16xi32>,
        %mul3A_433 = arith.mulf %mul3A_202, %max3A_268 : vector<16xf32>
        %add3A_434 = arith.constant 8192 : i32
        %add3A_435 = arith.addi %add3A_434, %mul3A_88 : i32
        %swap3A_436 = arith.index_cast %add3A_435 : i32 to index
        %swap3A_437 = tpu.vector_load %arg13[%swap3A_436] {strides = array<i32>} : memref<9216xf32, #tpu.memory_space<vmem>>, vector<16xf32>,
        %swap3A_438 = vector.shape_cast %swap3A_437 : vector<16xf32> to vector<16xf32>
        %swap3A_439 = vector.shape_cast %mul3A_433 : vector<16xf32> to vector<16xf32>
        tpu.vector_store %arg13[%swap3A_436], %swap3A_439 {strides = array<i32>} : memref<9216xf32, #tpu.memory_space<vmem>>, vector<16xf32>,
        %ne3A_440 = arith.constant 0.000000e+00 : f32
        %ne3A_441 = vector.broadcast %ne3A_440 : f32 to vector<16xf32>
        %ne3A_442 = arith.cmpf one, %mul3A_433, %ne3A_441 : vector<16xf32>
        %add3A_443 = arith.addi %mul3A_205, %min3A_274 : vector<16xi32>
        %jit3A_444 = arith.constant -1 : i32
        %broadcast_in_dim3A_445 = vector.broadcast %jit3A_444 : i32 to vector<16xi32>
        %select_n3A_446 = arith.select %ne3A_442, %add3A_443, %broadcast_in_dim3A_445 : vector<16xi1>, vector<16xi32>
        %add3A_447 = arith.constant 8192 : i32
        %add3A_448 = arith.addi %add3A_447, %mul3A_88 : i32
        %swap3A_449 = arith.index_cast %add3A_448 : i32 to index
        %swap3A_450 = tpu.vector_load %arg14[%swap3A_449] {strides = array<i32>} : memref<9216xi32, #tpu.memory_space<vmem>>, vector<16xi32>,
        %swap3A_451 = vector.shape_cast %swap3A_450 : vector<16xi32> to vector<16xi32>
        %swap3A_452 = vector.shape_cast %select_n3A_446 : vector<16xi32> to vector<16xi32>
        tpu.vector_store %arg14[%swap3A_449], %swap3A_452 {strides = array<i32>} : memref<9216xi32, #tpu.memory_space<vmem>>, vector<16xi32>,
      }
      %scan3A_60 = arith.constant 64 : i32
      %gt3A = arith.constant 0 : i32
      %gt3A_61 = arith.cmpi sgt, %scan3A_43, %gt3A : i32
      %convert_element_type3A = arith.extui %gt3A_61 : i1 to i32
      %cond3A = arith.constant 0 : i32
      %cond3A_62 = arith.cmpi ne, %convert_element_type3A, %cond3A : i32
      scf.if %cond3A_62 {
        %dma_wait3A_86 = arith.constant 0 : i32
        %dma_wait3A_87 = tpu.memref_slice %arg23[%dma_wait3A_86] : memref<262144xf32, #tpu.memory_space<vmem_shared>> -> memref<262144xf32, #tpu.memory_space<vmem_shared>>
        tpu.wait_indirect_dma semaphore(%arg21 : memref<!tpu.dma_semaphore, #tpu.memory_space<semaphore_mem>>) src(%arg15 : memref<9216xf32, #tpu.memory_space<vmem>>) dst(%dma_wait3A_87 : memref<262144xf32, #tpu.memory_space<vmem_shared>>)
      } else {
      }
      %dma_start3A_63 = arith.constant 0 : i32
      %dma_start3A_64 = tpu.memref_slice %arg23[%dma_start3A_63] : memref<262144xf32, #tpu.memory_space<vmem_shared>> -> memref<262144xf32, #tpu.memory_space<vmem_shared>>
      %dma_start3A_65 = arith.constant -1 : i32
      tpu.enqueue_indirect_dma source(%arg13 : memref<9216xf32, #tpu.memory_space<vmem>>) target(%dma_start3A_64 : memref<262144xf32, #tpu.memory_space<vmem_shared>>) offsets(%arg14 : memref<9216xi32, #tpu.memory_space<vmem>>) offset_filter(%dma_start3A_65) semaphore(%arg21 : memref<!tpu.dma_semaphore, #tpu.memory_space<semaphore_mem>>) {add = true}
      %add3A_66 = arith.constant 1024 : i32
      %add3A_67 = arith.addi %add3A_48, %add3A_66 : i32
      "tpu.region"() ({
        %run_scoped3A = tpu.sem_alloc : memref<!tpu.dma_semaphore, #tpu.memory_space<semaphore_mem>>
        %dma_start3A_86 = tpu.memref_slice %arg2[%add3A_67] : memref<1406608xf32, #tpu.memory_space<hbm>> -> memref<1024xf32, #tpu.memory_space<hbm>>
        %dma_start3A_87 = tpu.memref_slice %arg2[%add3A_67] : memref<1406608xf32, #tpu.memory_space<hbm>> -> memref<1024xf32, #tpu.memory_space<hbm>>
        tpu.enqueue_dma source(%dma_start3A_87 : memref<1024xf32, #tpu.memory_space<hbm>>) target(%arg9 : memref<1024xf32, #tpu.memory_space<vmem>>) target_semaphore(%run_scoped3A : memref<!tpu.dma_semaphore, #tpu.memory_space<semaphore_mem>>)
        %dma_wait3A_88 = tpu.memref_slice %arg2[%add3A_67] : memref<1406608xf32, #tpu.memory_space<hbm>> -> memref<1024xf32, #tpu.memory_space<hbm>>
        %dma_wait3A_89 = tpu.memref_slice %arg2[%add3A_67] : memref<1406608xf32, #tpu.memory_space<hbm>> -> memref<1024xf32, #tpu.memory_space<hbm>>
        tpu.wait_dma2 semaphore(%run_scoped3A : memref<!tpu.dma_semaphore, #tpu.memory_space<semaphore_mem>>) src(%dma_wait3A_89 : memref<1024xf32, #tpu.memory_space<hbm>>) dst(%arg9 : memref<1024xf32, #tpu.memory_space<vmem>>)
        tpu.yield
      }) : () -> ()
      %add3A_68 = arith.constant 700000 : i32
      %add3A_69 = arith.addi %add3A_68, %add3A_67 : i32
      "tpu.region"() ({
        %run_scoped3A = tpu.sem_alloc : memref<!tpu.dma_semaphore, #tpu.memory_space<semaphore_mem>>
        %dma_start3A_86 = tpu.memref_slice %arg2[%add3A_69] : memref<1406608xf32, #tpu.memory_space<hbm>> -> memref<1024xf32, #tpu.memory_space<hbm>>
        %dma_start3A_87 = tpu.memref_slice %arg2[%add3A_69] : memref<1406608xf32, #tpu.memory_space<hbm>> -> memref<1024xf32, #tpu.memory_space<hbm>>
        tpu.enqueue_dma source(%dma_start3A_87 : memref<1024xf32, #tpu.memory_space<hbm>>) target(%arg10 : memref<1024xf32, #tpu.memory_space<vmem>>) target_semaphore(%run_scoped3A : memref<!tpu.dma_semaphore, #tpu.memory_space<semaphore_mem>>)
        %dma_wait3A_88 = tpu.memref_slice %arg2[%add3A_69] : memref<1406608xf32, #tpu.memory_space<hbm>> -> memref<1024xf32, #tpu.memory_space<hbm>>
        %dma_wait3A_89 = tpu.memref_slice %arg2[%add3A_69] : memref<1406608xf32, #tpu.memory_space<hbm>> -> memref<1024xf32, #tpu.memory_space<hbm>>
        tpu.wait_dma2 semaphore(%run_scoped3A : memref<!tpu.dma_semaphore, #tpu.memory_space<semaphore_mem>>) src(%dma_wait3A_89 : memref<1024xf32, #tpu.memory_space<hbm>>) dst(%arg10 : memref<1024xf32, #tpu.memory_space<vmem>>)
        tpu.yield
      }) : () -> ()
      "tpu.region"() ({
        %run_scoped3A = tpu.sem_alloc : memref<!tpu.dma_semaphore, #tpu.memory_space<semaphore_mem>>
        %dma_start3A_86 = tpu.memref_slice %arg3[%add3A_67] : memref<706608xf32, #tpu.memory_space<hbm>> -> memref<1024xf32, #tpu.memory_space<hbm>>
        %dma_start3A_87 = tpu.memref_slice %arg3[%add3A_67] : memref<706608xf32, #tpu.memory_space<hbm>> -> memref<1024xf32, #tpu.memory_space<hbm>>
        tpu.enqueue_dma source(%dma_start3A_87 : memref<1024xf32, #tpu.memory_space<hbm>>) target(%arg11 : memref<1024xf32, #tpu.memory_space<vmem>>) target_semaphore(%run_scoped3A : memref<!tpu.dma_semaphore, #tpu.memory_space<semaphore_mem>>)
        %dma_wait3A_88 = tpu.memref_slice %arg3[%add3A_67] : memref<706608xf32, #tpu.memory_space<hbm>> -> memref<1024xf32, #tpu.memory_space<hbm>>
        %dma_wait3A_89 = tpu.memref_slice %arg3[%add3A_67] : memref<706608xf32, #tpu.memory_space<hbm>> -> memref<1024xf32, #tpu.memory_space<hbm>>
        tpu.wait_dma2 semaphore(%run_scoped3A : memref<!tpu.dma_semaphore, #tpu.memory_space<semaphore_mem>>) src(%dma_wait3A_89 : memref<1024xf32, #tpu.memory_space<hbm>>) dst(%arg11 : memref<1024xf32, #tpu.memory_space<vmem>>)
        tpu.yield
      }) : () -> ()
      "tpu.region"() ({
        %run_scoped3A = tpu.sem_alloc : memref<!tpu.dma_semaphore, #tpu.memory_space<semaphore_mem>>
        %dma_start3A_86 = tpu.memref_slice %arg4[%add3A_67] : memref<706608xf32, #tpu.memory_space<hbm>> -> memref<1024xf32, #tpu.memory_space<hbm>>
        %dma_start3A_87 = tpu.memref_slice %arg4[%add3A_67] : memref<706608xf32, #tpu.memory_space<hbm>> -> memref<1024xf32, #tpu.memory_space<hbm>>
        tpu.enqueue_dma source(%dma_start3A_87 : memref<1024xf32, #tpu.memory_space<hbm>>) target(%arg12 : memref<1024xf32, #tpu.memory_space<vmem>>) target_semaphore(%run_scoped3A : memref<!tpu.dma_semaphore, #tpu.memory_space<semaphore_mem>>)
        %dma_wait3A_88 = tpu.memref_slice %arg4[%add3A_67] : memref<706608xf32, #tpu.memory_space<hbm>> -> memref<1024xf32, #tpu.memory_space<hbm>>
        %dma_wait3A_89 = tpu.memref_slice %arg4[%add3A_67] : memref<706608xf32, #tpu.memory_space<hbm>> -> memref<1024xf32, #tpu.memory_space<hbm>>
        tpu.wait_dma2 semaphore(%run_scoped3A : memref<!tpu.dma_semaphore, #tpu.memory_space<semaphore_mem>>) src(%dma_wait3A_89 : memref<1024xf32, #tpu.memory_space<hbm>>) dst(%arg12 : memref<1024xf32, #tpu.memory_space<vmem>>)
        tpu.yield
      }) : () -> ()
      %get3A_70 = arith.constant 0 : index
      %get3A_71 = tpu.vector_load %arg19[%get3A_70] {strides = array<i32>} : memref<16xf32, #tpu.memory_space<vmem>>, vector<16xf32>,
      %get3A_72 = vector.shape_cast %get3A_71 : vector<16xf32> to vector<16xf32>
      %get3A_73 = arith.constant 0 : index
      %get3A_74 = tpu.vector_load %arg20[%get3A_73] {strides = array<i32>} : memref<16xf32, #tpu.memory_space<vmem>>, vector<16xf32>,
      %get3A_75 = vector.shape_cast %get3A_74 : vector<16xf32> to vector<16xf32>
      %scan3A_76 = arith.constant 0 : i32
      %scan3A_77 = arith.constant 64 : i32
      %scan3A_78 = arith.addi %scan3A_76, %scan3A_77 : i32
      %scan3A_79 = arith.constant 1 : i32
      scf.for %scan3A_86 = %scan3A_76 to %scan3A_78 step %scan3A_79  : i32 {
        %mul3A_87 = arith.constant 16 : i32
        %mul3A_88 = arith.muli %scan3A_86, %mul3A_87 : i32
        %get3A_89 = arith.index_cast %mul3A_88 : i32 to index
        %get3A_90 = tpu.vector_load %arg9[%get3A_89] {strides = array<i32>} : memref<1024xf32, #tpu.memory_space<vmem>>, vector<16xf32>,
        %get3A_91 = vector.shape_cast %get3A_90 : vector<16xf32> to vector<16xf32>
        %get3A_92 = arith.index_cast %mul3A_88 : i32 to index
        %get3A_93 = tpu.vector_load %arg10[%get3A_92] {strides = array<i32>} : memref<1024xf32, #tpu.memory_space<vmem>>, vector<16xf32>,
        %get3A_94 = vector.shape_cast %get3A_93 : vector<16xf32> to vector<16xf32>
        %get3A_95 = arith.index_cast %mul3A_88 : i32 to index
        %get3A_96 = tpu.vector_load %arg11[%get3A_95] {strides = array<i32>} : memref<1024xf32, #tpu.memory_space<vmem>>, vector<16xf32>,
        %get3A_97 = vector.shape_cast %get3A_96 : vector<16xf32> to vector<16xf32>
        %get3A_98 = arith.index_cast %mul3A_88 : i32 to index
        %get3A_99 = tpu.vector_load %arg12[%get3A_98] {strides = array<i32>} : memref<1024xf32, #tpu.memory_space<vmem>>, vector<16xf32>,
        %get3A_100 = vector.shape_cast %get3A_99 : vector<16xf32> to vector<16xf32>
        %max3A = arith.constant 2.76213598 : f32
        %max3A_101 = vector.broadcast %max3A : f32 to vector<16xf32>
        %max3A_102 = arith.maximumf %get3A_97, %max3A_101 : vector<16xf32>
        %max3A_103 = arith.constant 2.76213598 : f32
        %max3A_104 = vector.broadcast %max3A_103 : f32 to vector<16xf32>
        %max3A_105 = arith.maximumf %get3A_100, %max3A_104 : vector<16xf32>
        %sub3A = arith.subf %get3A_97, %max3A_102 : vector<16xf32>
        %mul3A_106 = arith.constant 5.000000e-01 : f32
        %mul3A_107 = vector.broadcast %mul3A_106 : f32 to vector<16xf32>
        %mul3A_108 = arith.mulf %sub3A, %mul3A_107 : vector<16xf32>
        %add3A_109 = arith.addf %get3A_91, %mul3A_108 : vector<16xf32>
        %sub3A_110 = arith.subf %get3A_100, %max3A_105 : vector<16xf32>
        %mul3A_111 = arith.constant 5.000000e-01 : f32
        %mul3A_112 = vector.broadcast %mul3A_111 : f32 to vector<16xf32>
        %mul3A_113 = arith.mulf %sub3A_110, %mul3A_112 : vector<16xf32>
        %add3A_114 = arith.addf %get3A_94, %mul3A_113 : vector<16xf32>
        %mul3A_115 = arith.mulf %get3A_97, %get3A_100 : vector<16xf32>
        %mul3A_116 = arith.mulf %max3A_102, %max3A_105 : vector<16xf32>
        %div3A = arith.divf %mul3A_115, %mul3A_116 : vector<16xf32>
        %gt3A_117 = arith.cmpf ogt, %mul3A_115, %get3A_72 : vector<16xf32>
        %gt3A_118 = arith.cmpf ogt, %get3A_100, %get3A_75 : vector<16xf32>
        %and3A = arith.andi %gt3A_117, %gt3A_118 : vector<16xi1>
        %jit3A = arith.constant 0.899999976 : f32
        %broadcast_in_dim3A = vector.broadcast %jit3A : f32 to vector<16xf32>
        %select_n3A = arith.select %and3A, %broadcast_in_dim3A, %div3A : vector<16xi1>, vector<16xf32>
        %sub3A_119 = arith.constant 500000 : i32
        %sub3A_120 = arith.subi %sub3A_119, %add3A_67 : i32
        %sub3A_121 = arith.subi %sub3A_120, %mul3A_88 : i32
        %lt3A = vector.broadcast %sub3A_121 : i32 to vector<16xi32>
        %lt3A_122 = arith.cmpi slt, %iota3A, %lt3A : vector<16xi32>
        %jit3A_123 = arith.constant 0.000000e+00 : f32
        %broadcast_in_dim3A_124 = vector.broadcast %jit3A_123 : f32 to vector<16xf32>
        %select_n3A_125 = arith.select %lt3A_122, %select_n3A, %broadcast_in_dim3A_124 : vector<16xi1>, vector<16xf32>
        %add3A_126 = arith.addf %add3A_109, %max3A_102 : vector<16xf32>
        %mul3A_127 = arith.constant 5.120000e-01 : f32
        %mul3A_128 = vector.broadcast %mul3A_127 : f32 to vector<16xf32>
        %mul3A_129 = arith.mulf %add3A_109, %mul3A_128 : vector<16xf32>
        %convert_element_type3A_130 = arith.fptosi %mul3A_129 : vector<16xf32> to vector<16xi32>
        %jit3A_131 = arith.constant 0 : i32
        %jit3A_132 = arith.constant 511 : i32
        %max3A_133 = vector.broadcast %jit3A_131 : i32 to vector<16xi32>
        %max3A_134 = arith.maxsi %max3A_133, %convert_element_type3A_130 : vector<16xi32>
        %min3A = vector.broadcast %jit3A_132 : i32 to vector<16xi32>
        %min3A_135 = arith.minsi %min3A, %max3A_134 : vector<16xi32>
        %convert_element_type3A_136 = arith.sitofp %min3A_135 : vector<16xi32> to vector<16xf32>
        %mul3A_137 = arith.constant 1.953125 : f32
        %mul3A_138 = vector.broadcast %mul3A_137 : f32 to vector<16xf32>
        %mul3A_139 = arith.mulf %convert_element_type3A_136, %mul3A_138 : vector<16xf32>
        %add3A_140 = arith.constant 0.000000e+00 : f32
        %add3A_141 = vector.broadcast %add3A_140 : f32 to vector<16xf32>
        %add3A_142 = arith.addf %mul3A_139, %add3A_141 : vector<16xf32>
        %add3A_143 = arith.constant 1.953125 : f32
        %add3A_144 = vector.broadcast %add3A_143 : f32 to vector<16xf32>
        %add3A_145 = arith.addf %add3A_142, %add3A_144 : vector<16xf32>
        %min3A_146 = arith.minimumf %add3A_126, %add3A_145 : vector<16xf32>
        %max3A_147 = arith.maximumf %add3A_109, %add3A_142 : vector<16xf32>
        %sub3A_148 = arith.subf %min3A_146, %max3A_147 : vector<16xf32>
        %max3A_149 = arith.constant 0.000000e+00 : f32
        %max3A_150 = vector.broadcast %max3A_149 : f32 to vector<16xf32>
        %max3A_151 = arith.maximumf %sub3A_148, %max3A_150 : vector<16xf32>
        %add3A_152 = arith.constant 0 : i32
        %add3A_153 = vector.broadcast %add3A_152 : i32 to vector<16xi32>
        %add3A_154 = arith.addi %min3A_135, %add3A_153 : vector<16xi32>
        %min3A_155 = arith.constant 511 : i32
        %min3A_156 = vector.broadcast %min3A_155 : i32 to vector<16xi32>
        %min3A_157 = arith.minsi %add3A_154, %min3A_156 : vector<16xi32>
        %add3A_158 = arith.constant 1.953125 : f32
        %add3A_159 = vector.broadcast %add3A_158 : f32 to vector<16xf32>
        %add3A_160 = arith.addf %mul3A_139, %add3A_159 : vector<16xf32>
        %add3A_161 = arith.constant 1.953125 : f32
        %add3A_162 = vector.broadcast %add3A_161 : f32 to vector<16xf32>
        %add3A_163 = arith.addf %add3A_160, %add3A_162 : vector<16xf32>
        %min3A_164 = arith.minimumf %add3A_126, %add3A_163 : vector<16xf32>
        %max3A_165 = arith.maximumf %add3A_109, %add3A_160 : vector<16xf32>
        %sub3A_166 = arith.subf %min3A_164, %max3A_165 : vector<16xf32>
        %max3A_167 = arith.constant 0.000000e+00 : f32
        %max3A_168 = vector.broadcast %max3A_167 : f32 to vector<16xf32>
        %max3A_169 = arith.maximumf %sub3A_166, %max3A_168 : vector<16xf32>
        %add3A_170 = arith.constant 1 : i32
        %add3A_171 = vector.broadcast %add3A_170 : i32 to vector<16xi32>
        %add3A_172 = arith.addi %min3A_135, %add3A_171 : vector<16xi32>
        %min3A_173 = arith.constant 511 : i32
        %min3A_174 = vector.broadcast %min3A_173 : i32 to vector<16xi32>
        %min3A_175 = arith.minsi %add3A_172, %min3A_174 : vector<16xi32>
        %add3A_176 = arith.constant 3.906250e+00 : f32
        %add3A_177 = vector.broadcast %add3A_176 : f32 to vector<16xf32>
        %add3A_178 = arith.addf %mul3A_139, %add3A_177 : vector<16xf32>
        %add3A_179 = arith.constant 1.953125 : f32
        %add3A_180 = vector.broadcast %add3A_179 : f32 to vector<16xf32>
        %add3A_181 = arith.addf %add3A_178, %add3A_180 : vector<16xf32>
        %min3A_182 = arith.minimumf %add3A_126, %add3A_181 : vector<16xf32>
        %max3A_183 = arith.maximumf %add3A_109, %add3A_178 : vector<16xf32>
        %sub3A_184 = arith.subf %min3A_182, %max3A_183 : vector<16xf32>
        %max3A_185 = arith.constant 0.000000e+00 : f32
        %max3A_186 = vector.broadcast %max3A_185 : f32 to vector<16xf32>
        %max3A_187 = arith.maximumf %sub3A_184, %max3A_186 : vector<16xf32>
        %add3A_188 = arith.constant 2 : i32
        %add3A_189 = vector.broadcast %add3A_188 : i32 to vector<16xi32>
        %add3A_190 = arith.addi %min3A_135, %add3A_189 : vector<16xi32>
        %min3A_191 = arith.constant 511 : i32
        %min3A_192 = vector.broadcast %min3A_191 : i32 to vector<16xi32>
        %min3A_193 = arith.minsi %add3A_190, %min3A_192 : vector<16xi32>
        %mul3A_194 = arith.mulf %max3A_151, %select_n3A_125 : vector<16xf32>
        %mul3A_195 = arith.constant 512 : i32
        %mul3A_196 = vector.broadcast %mul3A_195 : i32 to vector<16xi32>
        %mul3A_197 = arith.muli %min3A_157, %mul3A_196 : vector<16xi32>
        %mul3A_198 = arith.mulf %max3A_169, %select_n3A_125 : vector<16xf32>
        %mul3A_199 = arith.constant 512 : i32
        %mul3A_200 = vector.broadcast %mul3A_199 : i32 to vector<16xi32>
        %mul3A_201 = arith.muli %min3A_175, %mul3A_200 : vector<16xi32>
        %mul3A_202 = arith.mulf %max3A_187, %select_n3A_125 : vector<16xf32>
        %mul3A_203 = arith.constant 512 : i32
        %mul3A_204 = vector.broadcast %mul3A_203 : i32 to vector<16xi32>
        %mul3A_205 = arith.muli %min3A_193, %mul3A_204 : vector<16xi32>
        %add3A_206 = arith.addf %add3A_114, %max3A_105 : vector<16xf32>
        %mul3A_207 = arith.constant 5.120000e-01 : f32
        %mul3A_208 = vector.broadcast %mul3A_207 : f32 to vector<16xf32>
        %mul3A_209 = arith.mulf %add3A_114, %mul3A_208 : vector<16xf32>
        %convert_element_type3A_210 = arith.fptosi %mul3A_209 : vector<16xf32> to vector<16xi32>
        %jit3A_211 = arith.constant 0 : i32
        %jit3A_212 = arith.constant 511 : i32
        %max3A_213 = vector.broadcast %jit3A_211 : i32 to vector<16xi32>
        %max3A_214 = arith.maxsi %max3A_213, %convert_element_type3A_210 : vector<16xi32>
        %min3A_215 = vector.broadcast %jit3A_212 : i32 to vector<16xi32>
        %min3A_216 = arith.minsi %min3A_215, %max3A_214 : vector<16xi32>
        %convert_element_type3A_217 = arith.sitofp %min3A_216 : vector<16xi32> to vector<16xf32>
        %mul3A_218 = arith.constant 1.953125 : f32
        %mul3A_219 = vector.broadcast %mul3A_218 : f32 to vector<16xf32>
        %mul3A_220 = arith.mulf %convert_element_type3A_217, %mul3A_219 : vector<16xf32>
        %add3A_221 = arith.constant 0.000000e+00 : f32
        %add3A_222 = vector.broadcast %add3A_221 : f32 to vector<16xf32>
        %add3A_223 = arith.addf %mul3A_220, %add3A_222 : vector<16xf32>
        %add3A_224 = arith.constant 1.953125 : f32
        %add3A_225 = vector.broadcast %add3A_224 : f32 to vector<16xf32>
        %add3A_226 = arith.addf %add3A_223, %add3A_225 : vector<16xf32>
        %min3A_227 = arith.minimumf %add3A_206, %add3A_226 : vector<16xf32>
        %max3A_228 = arith.maximumf %add3A_114, %add3A_223 : vector<16xf32>
        %sub3A_229 = arith.subf %min3A_227, %max3A_228 : vector<16xf32>
        %max3A_230 = arith.constant 0.000000e+00 : f32
        %max3A_231 = vector.broadcast %max3A_230 : f32 to vector<16xf32>
        %max3A_232 = arith.maximumf %sub3A_229, %max3A_231 : vector<16xf32>
        %add3A_233 = arith.constant 0 : i32
        %add3A_234 = vector.broadcast %add3A_233 : i32 to vector<16xi32>
        %add3A_235 = arith.addi %min3A_216, %add3A_234 : vector<16xi32>
        %min3A_236 = arith.constant 511 : i32
        %min3A_237 = vector.broadcast %min3A_236 : i32 to vector<16xi32>
        %min3A_238 = arith.minsi %add3A_235, %min3A_237 : vector<16xi32>
        %add3A_239 = arith.constant 1.953125 : f32
        %add3A_240 = vector.broadcast %add3A_239 : f32 to vector<16xf32>
        %add3A_241 = arith.addf %mul3A_220, %add3A_240 : vector<16xf32>
        %add3A_242 = arith.constant 1.953125 : f32
        %add3A_243 = vector.broadcast %add3A_242 : f32 to vector<16xf32>
        %add3A_244 = arith.addf %add3A_241, %add3A_243 : vector<16xf32>
        %min3A_245 = arith.minimumf %add3A_206, %add3A_244 : vector<16xf32>
        %max3A_246 = arith.maximumf %add3A_114, %add3A_241 : vector<16xf32>
        %sub3A_247 = arith.subf %min3A_245, %max3A_246 : vector<16xf32>
        %max3A_248 = arith.constant 0.000000e+00 : f32
        %max3A_249 = vector.broadcast %max3A_248 : f32 to vector<16xf32>
        %max3A_250 = arith.maximumf %sub3A_247, %max3A_249 : vector<16xf32>
        %add3A_251 = arith.constant 1 : i32
        %add3A_252 = vector.broadcast %add3A_251 : i32 to vector<16xi32>
        %add3A_253 = arith.addi %min3A_216, %add3A_252 : vector<16xi32>
        %min3A_254 = arith.constant 511 : i32
        %min3A_255 = vector.broadcast %min3A_254 : i32 to vector<16xi32>
        %min3A_256 = arith.minsi %add3A_253, %min3A_255 : vector<16xi32>
        %add3A_257 = arith.constant 3.906250e+00 : f32
        %add3A_258 = vector.broadcast %add3A_257 : f32 to vector<16xf32>
        %add3A_259 = arith.addf %mul3A_220, %add3A_258 : vector<16xf32>
        %add3A_260 = arith.constant 1.953125 : f32
        %add3A_261 = vector.broadcast %add3A_260 : f32 to vector<16xf32>
        %add3A_262 = arith.addf %add3A_259, %add3A_261 : vector<16xf32>
        %min3A_263 = arith.minimumf %add3A_206, %add3A_262 : vector<16xf32>
        %max3A_264 = arith.maximumf %add3A_114, %add3A_259 : vector<16xf32>
        %sub3A_265 = arith.subf %min3A_263, %max3A_264 : vector<16xf32>
        %max3A_266 = arith.constant 0.000000e+00 : f32
        %max3A_267 = vector.broadcast %max3A_266 : f32 to vector<16xf32>
        %max3A_268 = arith.maximumf %sub3A_265, %max3A_267 : vector<16xf32>
        %add3A_269 = arith.constant 2 : i32
        %add3A_270 = vector.broadcast %add3A_269 : i32 to vector<16xi32>
        %add3A_271 = arith.addi %min3A_216, %add3A_270 : vector<16xi32>
        %min3A_272 = arith.constant 511 : i32
        %min3A_273 = vector.broadcast %min3A_272 : i32 to vector<16xi32>
        %min3A_274 = arith.minsi %add3A_271, %min3A_273 : vector<16xi32>
        %mul3A_275 = arith.mulf %mul3A_194, %max3A_232 : vector<16xf32>
        %add3A_276 = arith.constant 0 : i32
        %add3A_277 = arith.addi %add3A_276, %mul3A_88 : i32
        %swap3A = arith.index_cast %add3A_277 : i32 to index
        %swap3A_278 = tpu.vector_load %arg15[%swap3A] {strides = array<i32>} : memref<9216xf32, #tpu.memory_space<vmem>>, vector<16xf32>,
        %swap3A_279 = vector.shape_cast %swap3A_278 : vector<16xf32> to vector<16xf32>
        %swap3A_280 = vector.shape_cast %mul3A_275 : vector<16xf32> to vector<16xf32>
        tpu.vector_store %arg15[%swap3A], %swap3A_280 {strides = array<i32>} : memref<9216xf32, #tpu.memory_space<vmem>>, vector<16xf32>,
        %ne3A = arith.constant 0.000000e+00 : f32
        %ne3A_281 = vector.broadcast %ne3A : f32 to vector<16xf32>
        %ne3A_282 = arith.cmpf one, %mul3A_275, %ne3A_281 : vector<16xf32>
        %add3A_283 = arith.addi %mul3A_197, %min3A_238 : vector<16xi32>
        %jit3A_284 = arith.constant -1 : i32
        %broadcast_in_dim3A_285 = vector.broadcast %jit3A_284 : i32 to vector<16xi32>
        %select_n3A_286 = arith.select %ne3A_282, %add3A_283, %broadcast_in_dim3A_285 : vector<16xi1>, vector<16xi32>
        %add3A_287 = arith.constant 0 : i32
        %add3A_288 = arith.addi %add3A_287, %mul3A_88 : i32
        %swap3A_289 = arith.index_cast %add3A_288 : i32 to index
        %swap3A_290 = tpu.vector_load %arg16[%swap3A_289] {strides = array<i32>} : memref<9216xi32, #tpu.memory_space<vmem>>, vector<16xi32>,
        %swap3A_291 = vector.shape_cast %swap3A_290 : vector<16xi32> to vector<16xi32>
        %swap3A_292 = vector.shape_cast %select_n3A_286 : vector<16xi32> to vector<16xi32>
        tpu.vector_store %arg16[%swap3A_289], %swap3A_292 {strides = array<i32>} : memref<9216xi32, #tpu.memory_space<vmem>>, vector<16xi32>,
        %mul3A_293 = arith.mulf %mul3A_194, %max3A_250 : vector<16xf32>
        %add3A_294 = arith.constant 1024 : i32
        %add3A_295 = arith.addi %add3A_294, %mul3A_88 : i32
        %swap3A_296 = arith.index_cast %add3A_295 : i32 to index
        %swap3A_297 = tpu.vector_load %arg15[%swap3A_296] {strides = array<i32>} : memref<9216xf32, #tpu.memory_space<vmem>>, vector<16xf32>,
        %swap3A_298 = vector.shape_cast %swap3A_297 : vector<16xf32> to vector<16xf32>
        %swap3A_299 = vector.shape_cast %mul3A_293 : vector<16xf32> to vector<16xf32>
        tpu.vector_store %arg15[%swap3A_296], %swap3A_299 {strides = array<i32>} : memref<9216xf32, #tpu.memory_space<vmem>>, vector<16xf32>,
        %ne3A_300 = arith.constant 0.000000e+00 : f32
        %ne3A_301 = vector.broadcast %ne3A_300 : f32 to vector<16xf32>
        %ne3A_302 = arith.cmpf one, %mul3A_293, %ne3A_301 : vector<16xf32>
        %add3A_303 = arith.addi %mul3A_197, %min3A_256 : vector<16xi32>
        %jit3A_304 = arith.constant -1 : i32
        %broadcast_in_dim3A_305 = vector.broadcast %jit3A_304 : i32 to vector<16xi32>
        %select_n3A_306 = arith.select %ne3A_302, %add3A_303, %broadcast_in_dim3A_305 : vector<16xi1>, vector<16xi32>
        %add3A_307 = arith.constant 1024 : i32
        %add3A_308 = arith.addi %add3A_307, %mul3A_88 : i32
        %swap3A_309 = arith.index_cast %add3A_308 : i32 to index
        %swap3A_310 = tpu.vector_load %arg16[%swap3A_309] {strides = array<i32>} : memref<9216xi32, #tpu.memory_space<vmem>>, vector<16xi32>,
        %swap3A_311 = vector.shape_cast %swap3A_310 : vector<16xi32> to vector<16xi32>
        %swap3A_312 = vector.shape_cast %select_n3A_306 : vector<16xi32> to vector<16xi32>
        tpu.vector_store %arg16[%swap3A_309], %swap3A_312 {strides = array<i32>} : memref<9216xi32, #tpu.memory_space<vmem>>, vector<16xi32>,
        %mul3A_313 = arith.mulf %mul3A_194, %max3A_268 : vector<16xf32>
        %add3A_314 = arith.constant 2048 : i32
        %add3A_315 = arith.addi %add3A_314, %mul3A_88 : i32
        %swap3A_316 = arith.index_cast %add3A_315 : i32 to index
        %swap3A_317 = tpu.vector_load %arg15[%swap3A_316] {strides = array<i32>} : memref<9216xf32, #tpu.memory_space<vmem>>, vector<16xf32>,
        %swap3A_318 = vector.shape_cast %swap3A_317 : vector<16xf32> to vector<16xf32>
        %swap3A_319 = vector.shape_cast %mul3A_313 : vector<16xf32> to vector<16xf32>
        tpu.vector_store %arg15[%swap3A_316], %swap3A_319 {strides = array<i32>} : memref<9216xf32, #tpu.memory_space<vmem>>, vector<16xf32>,
        %ne3A_320 = arith.constant 0.000000e+00 : f32
        %ne3A_321 = vector.broadcast %ne3A_320 : f32 to vector<16xf32>
        %ne3A_322 = arith.cmpf one, %mul3A_313, %ne3A_321 : vector<16xf32>
        %add3A_323 = arith.addi %mul3A_197, %min3A_274 : vector<16xi32>
        %jit3A_324 = arith.constant -1 : i32
        %broadcast_in_dim3A_325 = vector.broadcast %jit3A_324 : i32 to vector<16xi32>
        %select_n3A_326 = arith.select %ne3A_322, %add3A_323, %broadcast_in_dim3A_325 : vector<16xi1>, vector<16xi32>
        %add3A_327 = arith.constant 2048 : i32
        %add3A_328 = arith.addi %add3A_327, %mul3A_88 : i32
        %swap3A_329 = arith.index_cast %add3A_328 : i32 to index
        %swap3A_330 = tpu.vector_load %arg16[%swap3A_329] {strides = array<i32>} : memref<9216xi32, #tpu.memory_space<vmem>>, vector<16xi32>,
        %swap3A_331 = vector.shape_cast %swap3A_330 : vector<16xi32> to vector<16xi32>
        %swap3A_332 = vector.shape_cast %select_n3A_326 : vector<16xi32> to vector<16xi32>
        tpu.vector_store %arg16[%swap3A_329], %swap3A_332 {strides = array<i32>} : memref<9216xi32, #tpu.memory_space<vmem>>, vector<16xi32>,
        %mul3A_333 = arith.mulf %mul3A_198, %max3A_232 : vector<16xf32>
        %add3A_334 = arith.constant 3072 : i32
        %add3A_335 = arith.addi %add3A_334, %mul3A_88 : i32
        %swap3A_336 = arith.index_cast %add3A_335 : i32 to index
        %swap3A_337 = tpu.vector_load %arg15[%swap3A_336] {strides = array<i32>} : memref<9216xf32, #tpu.memory_space<vmem>>, vector<16xf32>,
        %swap3A_338 = vector.shape_cast %swap3A_337 : vector<16xf32> to vector<16xf32>
        %swap3A_339 = vector.shape_cast %mul3A_333 : vector<16xf32> to vector<16xf32>
        tpu.vector_store %arg15[%swap3A_336], %swap3A_339 {strides = array<i32>} : memref<9216xf32, #tpu.memory_space<vmem>>, vector<16xf32>,
        %ne3A_340 = arith.constant 0.000000e+00 : f32
        %ne3A_341 = vector.broadcast %ne3A_340 : f32 to vector<16xf32>
        %ne3A_342 = arith.cmpf one, %mul3A_333, %ne3A_341 : vector<16xf32>
        %add3A_343 = arith.addi %mul3A_201, %min3A_238 : vector<16xi32>
        %jit3A_344 = arith.constant -1 : i32
        %broadcast_in_dim3A_345 = vector.broadcast %jit3A_344 : i32 to vector<16xi32>
        %select_n3A_346 = arith.select %ne3A_342, %add3A_343, %broadcast_in_dim3A_345 : vector<16xi1>, vector<16xi32>
        %add3A_347 = arith.constant 3072 : i32
        %add3A_348 = arith.addi %add3A_347, %mul3A_88 : i32
        %swap3A_349 = arith.index_cast %add3A_348 : i32 to index
        %swap3A_350 = tpu.vector_load %arg16[%swap3A_349] {strides = array<i32>} : memref<9216xi32, #tpu.memory_space<vmem>>, vector<16xi32>,
        %swap3A_351 = vector.shape_cast %swap3A_350 : vector<16xi32> to vector<16xi32>
        %swap3A_352 = vector.shape_cast %select_n3A_346 : vector<16xi32> to vector<16xi32>
        tpu.vector_store %arg16[%swap3A_349], %swap3A_352 {strides = array<i32>} : memref<9216xi32, #tpu.memory_space<vmem>>, vector<16xi32>,
        %mul3A_353 = arith.mulf %mul3A_198, %max3A_250 : vector<16xf32>
        %add3A_354 = arith.constant 4096 : i32
        %add3A_355 = arith.addi %add3A_354, %mul3A_88 : i32
        %swap3A_356 = arith.index_cast %add3A_355 : i32 to index
        %swap3A_357 = tpu.vector_load %arg15[%swap3A_356] {strides = array<i32>} : memref<9216xf32, #tpu.memory_space<vmem>>, vector<16xf32>,
        %swap3A_358 = vector.shape_cast %swap3A_357 : vector<16xf32> to vector<16xf32>
        %swap3A_359 = vector.shape_cast %mul3A_353 : vector<16xf32> to vector<16xf32>
        tpu.vector_store %arg15[%swap3A_356], %swap3A_359 {strides = array<i32>} : memref<9216xf32, #tpu.memory_space<vmem>>, vector<16xf32>,
        %ne3A_360 = arith.constant 0.000000e+00 : f32
        %ne3A_361 = vector.broadcast %ne3A_360 : f32 to vector<16xf32>
        %ne3A_362 = arith.cmpf one, %mul3A_353, %ne3A_361 : vector<16xf32>
        %add3A_363 = arith.addi %mul3A_201, %min3A_256 : vector<16xi32>
        %jit3A_364 = arith.constant -1 : i32
        %broadcast_in_dim3A_365 = vector.broadcast %jit3A_364 : i32 to vector<16xi32>
        %select_n3A_366 = arith.select %ne3A_362, %add3A_363, %broadcast_in_dim3A_365 : vector<16xi1>, vector<16xi32>
        %add3A_367 = arith.constant 4096 : i32
        %add3A_368 = arith.addi %add3A_367, %mul3A_88 : i32
        %swap3A_369 = arith.index_cast %add3A_368 : i32 to index
        %swap3A_370 = tpu.vector_load %arg16[%swap3A_369] {strides = array<i32>} : memref<9216xi32, #tpu.memory_space<vmem>>, vector<16xi32>,
        %swap3A_371 = vector.shape_cast %swap3A_370 : vector<16xi32> to vector<16xi32>
        %swap3A_372 = vector.shape_cast %select_n3A_366 : vector<16xi32> to vector<16xi32>
        tpu.vector_store %arg16[%swap3A_369], %swap3A_372 {strides = array<i32>} : memref<9216xi32, #tpu.memory_space<vmem>>, vector<16xi32>,
        %mul3A_373 = arith.mulf %mul3A_198, %max3A_268 : vector<16xf32>
        %add3A_374 = arith.constant 5120 : i32
        %add3A_375 = arith.addi %add3A_374, %mul3A_88 : i32
        %swap3A_376 = arith.index_cast %add3A_375 : i32 to index
        %swap3A_377 = tpu.vector_load %arg15[%swap3A_376] {strides = array<i32>} : memref<9216xf32, #tpu.memory_space<vmem>>, vector<16xf32>,
        %swap3A_378 = vector.shape_cast %swap3A_377 : vector<16xf32> to vector<16xf32>
        %swap3A_379 = vector.shape_cast %mul3A_373 : vector<16xf32> to vector<16xf32>
        tpu.vector_store %arg15[%swap3A_376], %swap3A_379 {strides = array<i32>} : memref<9216xf32, #tpu.memory_space<vmem>>, vector<16xf32>,
        %ne3A_380 = arith.constant 0.000000e+00 : f32
        %ne3A_381 = vector.broadcast %ne3A_380 : f32 to vector<16xf32>
        %ne3A_382 = arith.cmpf one, %mul3A_373, %ne3A_381 : vector<16xf32>
        %add3A_383 = arith.addi %mul3A_201, %min3A_274 : vector<16xi32>
        %jit3A_384 = arith.constant -1 : i32
        %broadcast_in_dim3A_385 = vector.broadcast %jit3A_384 : i32 to vector<16xi32>
        %select_n3A_386 = arith.select %ne3A_382, %add3A_383, %broadcast_in_dim3A_385 : vector<16xi1>, vector<16xi32>
        %add3A_387 = arith.constant 5120 : i32
        %add3A_388 = arith.addi %add3A_387, %mul3A_88 : i32
        %swap3A_389 = arith.index_cast %add3A_388 : i32 to index
        %swap3A_390 = tpu.vector_load %arg16[%swap3A_389] {strides = array<i32>} : memref<9216xi32, #tpu.memory_space<vmem>>, vector<16xi32>,
        %swap3A_391 = vector.shape_cast %swap3A_390 : vector<16xi32> to vector<16xi32>
        %swap3A_392 = vector.shape_cast %select_n3A_386 : vector<16xi32> to vector<16xi32>
        tpu.vector_store %arg16[%swap3A_389], %swap3A_392 {strides = array<i32>} : memref<9216xi32, #tpu.memory_space<vmem>>, vector<16xi32>,
        %mul3A_393 = arith.mulf %mul3A_202, %max3A_232 : vector<16xf32>
        %add3A_394 = arith.constant 6144 : i32
        %add3A_395 = arith.addi %add3A_394, %mul3A_88 : i32
        %swap3A_396 = arith.index_cast %add3A_395 : i32 to index
        %swap3A_397 = tpu.vector_load %arg15[%swap3A_396] {strides = array<i32>} : memref<9216xf32, #tpu.memory_space<vmem>>, vector<16xf32>,
        %swap3A_398 = vector.shape_cast %swap3A_397 : vector<16xf32> to vector<16xf32>
        %swap3A_399 = vector.shape_cast %mul3A_393 : vector<16xf32> to vector<16xf32>
        tpu.vector_store %arg15[%swap3A_396], %swap3A_399 {strides = array<i32>} : memref<9216xf32, #tpu.memory_space<vmem>>, vector<16xf32>,
        %ne3A_400 = arith.constant 0.000000e+00 : f32
        %ne3A_401 = vector.broadcast %ne3A_400 : f32 to vector<16xf32>
        %ne3A_402 = arith.cmpf one, %mul3A_393, %ne3A_401 : vector<16xf32>
        %add3A_403 = arith.addi %mul3A_205, %min3A_238 : vector<16xi32>
        %jit3A_404 = arith.constant -1 : i32
        %broadcast_in_dim3A_405 = vector.broadcast %jit3A_404 : i32 to vector<16xi32>
        %select_n3A_406 = arith.select %ne3A_402, %add3A_403, %broadcast_in_dim3A_405 : vector<16xi1>, vector<16xi32>
        %add3A_407 = arith.constant 6144 : i32
        %add3A_408 = arith.addi %add3A_407, %mul3A_88 : i32
        %swap3A_409 = arith.index_cast %add3A_408 : i32 to index
        %swap3A_410 = tpu.vector_load %arg16[%swap3A_409] {strides = array<i32>} : memref<9216xi32, #tpu.memory_space<vmem>>, vector<16xi32>,
        %swap3A_411 = vector.shape_cast %swap3A_410 : vector<16xi32> to vector<16xi32>
        %swap3A_412 = vector.shape_cast %select_n3A_406 : vector<16xi32> to vector<16xi32>
        tpu.vector_store %arg16[%swap3A_409], %swap3A_412 {strides = array<i32>} : memref<9216xi32, #tpu.memory_space<vmem>>, vector<16xi32>,
        %mul3A_413 = arith.mulf %mul3A_202, %max3A_250 : vector<16xf32>
        %add3A_414 = arith.constant 7168 : i32
        %add3A_415 = arith.addi %add3A_414, %mul3A_88 : i32
        %swap3A_416 = arith.index_cast %add3A_415 : i32 to index
        %swap3A_417 = tpu.vector_load %arg15[%swap3A_416] {strides = array<i32>} : memref<9216xf32, #tpu.memory_space<vmem>>, vector<16xf32>,
        %swap3A_418 = vector.shape_cast %swap3A_417 : vector<16xf32> to vector<16xf32>
        %swap3A_419 = vector.shape_cast %mul3A_413 : vector<16xf32> to vector<16xf32>
        tpu.vector_store %arg15[%swap3A_416], %swap3A_419 {strides = array<i32>} : memref<9216xf32, #tpu.memory_space<vmem>>, vector<16xf32>,
        %ne3A_420 = arith.constant 0.000000e+00 : f32
        %ne3A_421 = vector.broadcast %ne3A_420 : f32 to vector<16xf32>
        %ne3A_422 = arith.cmpf one, %mul3A_413, %ne3A_421 : vector<16xf32>
        %add3A_423 = arith.addi %mul3A_205, %min3A_256 : vector<16xi32>
        %jit3A_424 = arith.constant -1 : i32
        %broadcast_in_dim3A_425 = vector.broadcast %jit3A_424 : i32 to vector<16xi32>
        %select_n3A_426 = arith.select %ne3A_422, %add3A_423, %broadcast_in_dim3A_425 : vector<16xi1>, vector<16xi32>
        %add3A_427 = arith.constant 7168 : i32
        %add3A_428 = arith.addi %add3A_427, %mul3A_88 : i32
        %swap3A_429 = arith.index_cast %add3A_428 : i32 to index
        %swap3A_430 = tpu.vector_load %arg16[%swap3A_429] {strides = array<i32>} : memref<9216xi32, #tpu.memory_space<vmem>>, vector<16xi32>,
        %swap3A_431 = vector.shape_cast %swap3A_430 : vector<16xi32> to vector<16xi32>
        %swap3A_432 = vector.shape_cast %select_n3A_426 : vector<16xi32> to vector<16xi32>
        tpu.vector_store %arg16[%swap3A_429], %swap3A_432 {strides = array<i32>} : memref<9216xi32, #tpu.memory_space<vmem>>, vector<16xi32>,
        %mul3A_433 = arith.mulf %mul3A_202, %max3A_268 : vector<16xf32>
        %add3A_434 = arith.constant 8192 : i32
        %add3A_435 = arith.addi %add3A_434, %mul3A_88 : i32
        %swap3A_436 = arith.index_cast %add3A_435 : i32 to index
        %swap3A_437 = tpu.vector_load %arg15[%swap3A_436] {strides = array<i32>} : memref<9216xf32, #tpu.memory_space<vmem>>, vector<16xf32>,
        %swap3A_438 = vector.shape_cast %swap3A_437 : vector<16xf32> to vector<16xf32>
        %swap3A_439 = vector.shape_cast %mul3A_433 : vector<16xf32> to vector<16xf32>
        tpu.vector_store %arg15[%swap3A_436], %swap3A_439 {strides = array<i32>} : memref<9216xf32, #tpu.memory_space<vmem>>, vector<16xf32>,
        %ne3A_440 = arith.constant 0.000000e+00 : f32
        %ne3A_441 = vector.broadcast %ne3A_440 : f32 to vector<16xf32>
        %ne3A_442 = arith.cmpf one, %mul3A_433, %ne3A_441 : vector<16xf32>
        %add3A_443 = arith.addi %mul3A_205, %min3A_274 : vector<16xi32>
        %jit3A_444 = arith.constant -1 : i32
        %broadcast_in_dim3A_445 = vector.broadcast %jit3A_444 : i32 to vector<16xi32>
        %select_n3A_446 = arith.select %ne3A_442, %add3A_443, %broadcast_in_dim3A_445 : vector<16xi1>, vector<16xi32>
        %add3A_447 = arith.constant 8192 : i32
        %add3A_448 = arith.addi %add3A_447, %mul3A_88 : i32
        %swap3A_449 = arith.index_cast %add3A_448 : i32 to index
        %swap3A_450 = tpu.vector_load %arg16[%swap3A_449] {strides = array<i32>} : memref<9216xi32, #tpu.memory_space<vmem>>, vector<16xi32>,
        %swap3A_451 = vector.shape_cast %swap3A_450 : vector<16xi32> to vector<16xi32>
        %swap3A_452 = vector.shape_cast %select_n3A_446 : vector<16xi32> to vector<16xi32>
        tpu.vector_store %arg16[%swap3A_449], %swap3A_452 {strides = array<i32>} : memref<9216xi32, #tpu.memory_space<vmem>>, vector<16xi32>,
      }
      %scan3A_80 = arith.constant 64 : i32
      %dma_wait3A_81 = arith.constant 0 : i32
      %dma_wait3A_82 = tpu.memref_slice %arg23[%dma_wait3A_81] : memref<262144xf32, #tpu.memory_space<vmem_shared>> -> memref<262144xf32, #tpu.memory_space<vmem_shared>>
      tpu.wait_indirect_dma semaphore(%arg21 : memref<!tpu.dma_semaphore, #tpu.memory_space<semaphore_mem>>) src(%arg13 : memref<9216xf32, #tpu.memory_space<vmem>>) dst(%dma_wait3A_82 : memref<262144xf32, #tpu.memory_space<vmem_shared>>)
      %dma_start3A_83 = arith.constant 0 : i32
      %dma_start3A_84 = tpu.memref_slice %arg23[%dma_start3A_83] : memref<262144xf32, #tpu.memory_space<vmem_shared>> -> memref<262144xf32, #tpu.memory_space<vmem_shared>>
      %dma_start3A_85 = arith.constant -1 : i32
      tpu.enqueue_indirect_dma source(%arg15 : memref<9216xf32, #tpu.memory_space<vmem>>) target(%dma_start3A_84 : memref<262144xf32, #tpu.memory_space<vmem_shared>>) offsets(%arg16 : memref<9216xi32, #tpu.memory_space<vmem>>) offset_filter(%dma_start3A_85) semaphore(%arg21 : memref<!tpu.dma_semaphore, #tpu.memory_space<semaphore_mem>>) {add = true}
    }
    %scan3A_23 = arith.constant 8 : i32
    %dma_wait3A = arith.constant 0 : i32
    %dma_wait3A_24 = tpu.memref_slice %arg23[%dma_wait3A] : memref<262144xf32, #tpu.memory_space<vmem_shared>> -> memref<262144xf32, #tpu.memory_space<vmem_shared>>
    tpu.wait_indirect_dma semaphore(%arg21 : memref<!tpu.dma_semaphore, #tpu.memory_space<semaphore_mem>>) src(%arg15 : memref<9216xf32, #tpu.memory_space<vmem>>) dst(%dma_wait3A_24 : memref<262144xf32, #tpu.memory_space<vmem_shared>>)
    %mul3A_25 = arith.constant 6144 : i32
    %mul3A_26 = arith.muli %add3A, %mul3A_25 : i32
    %add3A_27 = arith.constant 510000 : i32
    %add3A_28 = arith.addi %add3A_27, %mul3A_26 : i32
    %scan3A_29 = arith.constant 0 : i32
    %scan3A_30 = arith.constant 3 : i32
    %scan3A_31 = arith.addi %scan3A_29, %scan3A_30 : i32
    %scan3A_32 = arith.constant 1 : i32
    scf.for %scan3A_43 = %scan3A_29 to %scan3A_31 step %scan3A_32  : i32 {
      %mul3A_44 = arith.constant 2 : i32
      %mul3A_45 = arith.muli %mul3A_44, %scan3A_43 : i32
      %mul3A_46 = arith.constant 1024 : i32
      %mul3A_47 = arith.muli %mul3A_45, %mul3A_46 : i32
      %add3A_48 = arith.addi %add3A_28, %mul3A_47 : i32
      "tpu.region"() ({
        %run_scoped3A = tpu.sem_alloc : memref<!tpu.dma_semaphore, #tpu.memory_space<semaphore_mem>>
        %dma_start3A_86 = tpu.memref_slice %arg2[%add3A_48] : memref<1406608xf32, #tpu.memory_space<hbm>> -> memref<1024xf32, #tpu.memory_space<hbm>>
        %dma_start3A_87 = tpu.memref_slice %arg2[%add3A_48] : memref<1406608xf32, #tpu.memory_space<hbm>> -> memref<1024xf32, #tpu.memory_space<hbm>>
        tpu.enqueue_dma source(%dma_start3A_87 : memref<1024xf32, #tpu.memory_space<hbm>>) target(%arg9 : memref<1024xf32, #tpu.memory_space<vmem>>) target_semaphore(%run_scoped3A : memref<!tpu.dma_semaphore, #tpu.memory_space<semaphore_mem>>)
        %dma_wait3A_88 = tpu.memref_slice %arg2[%add3A_48] : memref<1406608xf32, #tpu.memory_space<hbm>> -> memref<1024xf32, #tpu.memory_space<hbm>>
        %dma_wait3A_89 = tpu.memref_slice %arg2[%add3A_48] : memref<1406608xf32, #tpu.memory_space<hbm>> -> memref<1024xf32, #tpu.memory_space<hbm>>
        tpu.wait_dma2 semaphore(%run_scoped3A : memref<!tpu.dma_semaphore, #tpu.memory_space<semaphore_mem>>) src(%dma_wait3A_89 : memref<1024xf32, #tpu.memory_space<hbm>>) dst(%arg9 : memref<1024xf32, #tpu.memory_space<vmem>>)
        tpu.yield
      }) : () -> ()
      %add3A_49 = arith.constant 700000 : i32
      %add3A_50 = arith.addi %add3A_49, %add3A_48 : i32
      "tpu.region"() ({
        %run_scoped3A = tpu.sem_alloc : memref<!tpu.dma_semaphore, #tpu.memory_space<semaphore_mem>>
        %dma_start3A_86 = tpu.memref_slice %arg2[%add3A_50] : memref<1406608xf32, #tpu.memory_space<hbm>> -> memref<1024xf32, #tpu.memory_space<hbm>>
        %dma_start3A_87 = tpu.memref_slice %arg2[%add3A_50] : memref<1406608xf32, #tpu.memory_space<hbm>> -> memref<1024xf32, #tpu.memory_space<hbm>>
        tpu.enqueue_dma source(%dma_start3A_87 : memref<1024xf32, #tpu.memory_space<hbm>>) target(%arg10 : memref<1024xf32, #tpu.memory_space<vmem>>) target_semaphore(%run_scoped3A : memref<!tpu.dma_semaphore, #tpu.memory_space<semaphore_mem>>)
        %dma_wait3A_88 = tpu.memref_slice %arg2[%add3A_50] : memref<1406608xf32, #tpu.memory_space<hbm>> -> memref<1024xf32, #tpu.memory_space<hbm>>
        %dma_wait3A_89 = tpu.memref_slice %arg2[%add3A_50] : memref<1406608xf32, #tpu.memory_space<hbm>> -> memref<1024xf32, #tpu.memory_space<hbm>>
        tpu.wait_dma2 semaphore(%run_scoped3A : memref<!tpu.dma_semaphore, #tpu.memory_space<semaphore_mem>>) src(%dma_wait3A_89 : memref<1024xf32, #tpu.memory_space<hbm>>) dst(%arg10 : memref<1024xf32, #tpu.memory_space<vmem>>)
        tpu.yield
      }) : () -> ()
      "tpu.region"() ({
        %run_scoped3A = tpu.sem_alloc : memref<!tpu.dma_semaphore, #tpu.memory_space<semaphore_mem>>
        %dma_start3A_86 = tpu.memref_slice %arg3[%add3A_48] : memref<706608xf32, #tpu.memory_space<hbm>> -> memref<1024xf32, #tpu.memory_space<hbm>>
        %dma_start3A_87 = tpu.memref_slice %arg3[%add3A_48] : memref<706608xf32, #tpu.memory_space<hbm>> -> memref<1024xf32, #tpu.memory_space<hbm>>
        tpu.enqueue_dma source(%dma_start3A_87 : memref<1024xf32, #tpu.memory_space<hbm>>) target(%arg11 : memref<1024xf32, #tpu.memory_space<vmem>>) target_semaphore(%run_scoped3A : memref<!tpu.dma_semaphore, #tpu.memory_space<semaphore_mem>>)
        %dma_wait3A_88 = tpu.memref_slice %arg3[%add3A_48] : memref<706608xf32, #tpu.memory_space<hbm>> -> memref<1024xf32, #tpu.memory_space<hbm>>
        %dma_wait3A_89 = tpu.memref_slice %arg3[%add3A_48] : memref<706608xf32, #tpu.memory_space<hbm>> -> memref<1024xf32, #tpu.memory_space<hbm>>
        tpu.wait_dma2 semaphore(%run_scoped3A : memref<!tpu.dma_semaphore, #tpu.memory_space<semaphore_mem>>) src(%dma_wait3A_89 : memref<1024xf32, #tpu.memory_space<hbm>>) dst(%arg11 : memref<1024xf32, #tpu.memory_space<vmem>>)
        tpu.yield
      }) : () -> ()
      "tpu.region"() ({
        %run_scoped3A = tpu.sem_alloc : memref<!tpu.dma_semaphore, #tpu.memory_space<semaphore_mem>>
        %dma_start3A_86 = tpu.memref_slice %arg4[%add3A_48] : memref<706608xf32, #tpu.memory_space<hbm>> -> memref<1024xf32, #tpu.memory_space<hbm>>
        %dma_start3A_87 = tpu.memref_slice %arg4[%add3A_48] : memref<706608xf32, #tpu.memory_space<hbm>> -> memref<1024xf32, #tpu.memory_space<hbm>>
        tpu.enqueue_dma source(%dma_start3A_87 : memref<1024xf32, #tpu.memory_space<hbm>>) target(%arg12 : memref<1024xf32, #tpu.memory_space<vmem>>) target_semaphore(%run_scoped3A : memref<!tpu.dma_semaphore, #tpu.memory_space<semaphore_mem>>)
        %dma_wait3A_88 = tpu.memref_slice %arg4[%add3A_48] : memref<706608xf32, #tpu.memory_space<hbm>> -> memref<1024xf32, #tpu.memory_space<hbm>>
        %dma_wait3A_89 = tpu.memref_slice %arg4[%add3A_48] : memref<706608xf32, #tpu.memory_space<hbm>> -> memref<1024xf32, #tpu.memory_space<hbm>>
        tpu.wait_dma2 semaphore(%run_scoped3A : memref<!tpu.dma_semaphore, #tpu.memory_space<semaphore_mem>>) src(%dma_wait3A_89 : memref<1024xf32, #tpu.memory_space<hbm>>) dst(%arg12 : memref<1024xf32, #tpu.memory_space<vmem>>)
        tpu.yield
      }) : () -> ()
      %get3A = arith.constant 0 : index
      %get3A_51 = tpu.vector_load %arg19[%get3A] {strides = array<i32>} : memref<16xf32, #tpu.memory_space<vmem>>, vector<16xf32>,
      %get3A_52 = vector.shape_cast %get3A_51 : vector<16xf32> to vector<16xf32>
      %get3A_53 = arith.constant 0 : index
      %get3A_54 = tpu.vector_load %arg20[%get3A_53] {strides = array<i32>} : memref<16xf32, #tpu.memory_space<vmem>>, vector<16xf32>,
      %get3A_55 = vector.shape_cast %get3A_54 : vector<16xf32> to vector<16xf32>
      %scan3A_56 = arith.constant 0 : i32
      %scan3A_57 = arith.constant 64 : i32
      %scan3A_58 = arith.addi %scan3A_56, %scan3A_57 : i32
      %scan3A_59 = arith.constant 1 : i32
      scf.for %scan3A_86 = %scan3A_56 to %scan3A_58 step %scan3A_59  : i32 {
        %mul3A_87 = arith.constant 16 : i32
        %mul3A_88 = arith.muli %scan3A_86, %mul3A_87 : i32
        %get3A_89 = arith.index_cast %mul3A_88 : i32 to index
        %get3A_90 = tpu.vector_load %arg9[%get3A_89] {strides = array<i32>} : memref<1024xf32, #tpu.memory_space<vmem>>, vector<16xf32>,
        %get3A_91 = vector.shape_cast %get3A_90 : vector<16xf32> to vector<16xf32>
        %get3A_92 = arith.index_cast %mul3A_88 : i32 to index
        %get3A_93 = tpu.vector_load %arg10[%get3A_92] {strides = array<i32>} : memref<1024xf32, #tpu.memory_space<vmem>>, vector<16xf32>,
        %get3A_94 = vector.shape_cast %get3A_93 : vector<16xf32> to vector<16xf32>
        %get3A_95 = arith.index_cast %mul3A_88 : i32 to index
        %get3A_96 = tpu.vector_load %arg11[%get3A_95] {strides = array<i32>} : memref<1024xf32, #tpu.memory_space<vmem>>, vector<16xf32>,
        %get3A_97 = vector.shape_cast %get3A_96 : vector<16xf32> to vector<16xf32>
        %get3A_98 = arith.index_cast %mul3A_88 : i32 to index
        %get3A_99 = tpu.vector_load %arg12[%get3A_98] {strides = array<i32>} : memref<1024xf32, #tpu.memory_space<vmem>>, vector<16xf32>,
        %get3A_100 = vector.shape_cast %get3A_99 : vector<16xf32> to vector<16xf32>
        %max3A = arith.constant 2.76213598 : f32
        %max3A_101 = vector.broadcast %max3A : f32 to vector<16xf32>
        %max3A_102 = arith.maximumf %get3A_97, %max3A_101 : vector<16xf32>
        %max3A_103 = arith.constant 2.76213598 : f32
        %max3A_104 = vector.broadcast %max3A_103 : f32 to vector<16xf32>
        %max3A_105 = arith.maximumf %get3A_100, %max3A_104 : vector<16xf32>
        %sub3A = arith.subf %get3A_97, %max3A_102 : vector<16xf32>
        %mul3A_106 = arith.constant 5.000000e-01 : f32
        %mul3A_107 = vector.broadcast %mul3A_106 : f32 to vector<16xf32>
        %mul3A_108 = arith.mulf %sub3A, %mul3A_107 : vector<16xf32>
        %add3A_109 = arith.addf %get3A_91, %mul3A_108 : vector<16xf32>
        %sub3A_110 = arith.subf %get3A_100, %max3A_105 : vector<16xf32>
        %mul3A_111 = arith.constant 5.000000e-01 : f32
        %mul3A_112 = vector.broadcast %mul3A_111 : f32 to vector<16xf32>
        %mul3A_113 = arith.mulf %sub3A_110, %mul3A_112 : vector<16xf32>
        %add3A_114 = arith.addf %get3A_94, %mul3A_113 : vector<16xf32>
        %mul3A_115 = arith.mulf %get3A_97, %get3A_100 : vector<16xf32>
        %mul3A_116 = arith.mulf %max3A_102, %max3A_105 : vector<16xf32>
        %div3A = arith.divf %mul3A_115, %mul3A_116 : vector<16xf32>
        %sub3A_117 = arith.constant 700000 : i32
        %sub3A_118 = arith.subi %sub3A_117, %add3A_48 : i32
        %sub3A_119 = arith.subi %sub3A_118, %mul3A_88 : i32
        %lt3A = vector.broadcast %sub3A_119 : i32 to vector<16xi32>
        %lt3A_120 = arith.cmpi slt, %iota3A, %lt3A : vector<16xi32>
        %jit3A = arith.constant 0.000000e+00 : f32
        %broadcast_in_dim3A = vector.broadcast %jit3A : f32 to vector<16xf32>
        %select_n3A = arith.select %lt3A_120, %div3A, %broadcast_in_dim3A : vector<16xi1>, vector<16xf32>
        %add3A_121 = arith.addf %add3A_109, %max3A_102 : vector<16xf32>
        %mul3A_122 = arith.constant 5.120000e-01 : f32
        %mul3A_123 = vector.broadcast %mul3A_122 : f32 to vector<16xf32>
        %mul3A_124 = arith.mulf %add3A_109, %mul3A_123 : vector<16xf32>
        %convert_element_type3A_125 = arith.fptosi %mul3A_124 : vector<16xf32> to vector<16xi32>
        %jit3A_126 = arith.constant 0 : i32
        %jit3A_127 = arith.constant 511 : i32
        %max3A_128 = vector.broadcast %jit3A_126 : i32 to vector<16xi32>
        %max3A_129 = arith.maxsi %max3A_128, %convert_element_type3A_125 : vector<16xi32>
        %min3A = vector.broadcast %jit3A_127 : i32 to vector<16xi32>
        %min3A_130 = arith.minsi %min3A, %max3A_129 : vector<16xi32>
        %convert_element_type3A_131 = arith.sitofp %min3A_130 : vector<16xi32> to vector<16xf32>
        %mul3A_132 = arith.constant 1.953125 : f32
        %mul3A_133 = vector.broadcast %mul3A_132 : f32 to vector<16xf32>
        %mul3A_134 = arith.mulf %convert_element_type3A_131, %mul3A_133 : vector<16xf32>
        %add3A_135 = arith.constant 0.000000e+00 : f32
        %add3A_136 = vector.broadcast %add3A_135 : f32 to vector<16xf32>
        %add3A_137 = arith.addf %mul3A_134, %add3A_136 : vector<16xf32>
        %add3A_138 = arith.constant 1.953125 : f32
        %add3A_139 = vector.broadcast %add3A_138 : f32 to vector<16xf32>
        %add3A_140 = arith.addf %add3A_137, %add3A_139 : vector<16xf32>
        %min3A_141 = arith.minimumf %add3A_121, %add3A_140 : vector<16xf32>
        %max3A_142 = arith.maximumf %add3A_109, %add3A_137 : vector<16xf32>
        %sub3A_143 = arith.subf %min3A_141, %max3A_142 : vector<16xf32>
        %max3A_144 = arith.constant 0.000000e+00 : f32
        %max3A_145 = vector.broadcast %max3A_144 : f32 to vector<16xf32>
        %max3A_146 = arith.maximumf %sub3A_143, %max3A_145 : vector<16xf32>
        %add3A_147 = arith.constant 0 : i32
        %add3A_148 = vector.broadcast %add3A_147 : i32 to vector<16xi32>
        %add3A_149 = arith.addi %min3A_130, %add3A_148 : vector<16xi32>
        %min3A_150 = arith.constant 511 : i32
        %min3A_151 = vector.broadcast %min3A_150 : i32 to vector<16xi32>
        %min3A_152 = arith.minsi %add3A_149, %min3A_151 : vector<16xi32>
        %add3A_153 = arith.constant 1.953125 : f32
        %add3A_154 = vector.broadcast %add3A_153 : f32 to vector<16xf32>
        %add3A_155 = arith.addf %mul3A_134, %add3A_154 : vector<16xf32>
        %add3A_156 = arith.constant 1.953125 : f32
        %add3A_157 = vector.broadcast %add3A_156 : f32 to vector<16xf32>
        %add3A_158 = arith.addf %add3A_155, %add3A_157 : vector<16xf32>
        %min3A_159 = arith.minimumf %add3A_121, %add3A_158 : vector<16xf32>
        %max3A_160 = arith.maximumf %add3A_109, %add3A_155 : vector<16xf32>
        %sub3A_161 = arith.subf %min3A_159, %max3A_160 : vector<16xf32>
        %max3A_162 = arith.constant 0.000000e+00 : f32
        %max3A_163 = vector.broadcast %max3A_162 : f32 to vector<16xf32>
        %max3A_164 = arith.maximumf %sub3A_161, %max3A_163 : vector<16xf32>
        %add3A_165 = arith.constant 1 : i32
        %add3A_166 = vector.broadcast %add3A_165 : i32 to vector<16xi32>
        %add3A_167 = arith.addi %min3A_130, %add3A_166 : vector<16xi32>
        %min3A_168 = arith.constant 511 : i32
        %min3A_169 = vector.broadcast %min3A_168 : i32 to vector<16xi32>
        %min3A_170 = arith.minsi %add3A_167, %min3A_169 : vector<16xi32>
        %add3A_171 = arith.constant 3.906250e+00 : f32
        %add3A_172 = vector.broadcast %add3A_171 : f32 to vector<16xf32>
        %add3A_173 = arith.addf %mul3A_134, %add3A_172 : vector<16xf32>
        %add3A_174 = arith.constant 1.953125 : f32
        %add3A_175 = vector.broadcast %add3A_174 : f32 to vector<16xf32>
        %add3A_176 = arith.addf %add3A_173, %add3A_175 : vector<16xf32>
        %min3A_177 = arith.minimumf %add3A_121, %add3A_176 : vector<16xf32>
        %max3A_178 = arith.maximumf %add3A_109, %add3A_173 : vector<16xf32>
        %sub3A_179 = arith.subf %min3A_177, %max3A_178 : vector<16xf32>
        %max3A_180 = arith.constant 0.000000e+00 : f32
        %max3A_181 = vector.broadcast %max3A_180 : f32 to vector<16xf32>
        %max3A_182 = arith.maximumf %sub3A_179, %max3A_181 : vector<16xf32>
        %add3A_183 = arith.constant 2 : i32
        %add3A_184 = vector.broadcast %add3A_183 : i32 to vector<16xi32>
        %add3A_185 = arith.addi %min3A_130, %add3A_184 : vector<16xi32>
        %min3A_186 = arith.constant 511 : i32
        %min3A_187 = vector.broadcast %min3A_186 : i32 to vector<16xi32>
        %min3A_188 = arith.minsi %add3A_185, %min3A_187 : vector<16xi32>
        %mul3A_189 = arith.mulf %max3A_146, %select_n3A : vector<16xf32>
        %mul3A_190 = arith.constant 512 : i32
        %mul3A_191 = vector.broadcast %mul3A_190 : i32 to vector<16xi32>
        %mul3A_192 = arith.muli %min3A_152, %mul3A_191 : vector<16xi32>
        %mul3A_193 = arith.mulf %max3A_164, %select_n3A : vector<16xf32>
        %mul3A_194 = arith.constant 512 : i32
        %mul3A_195 = vector.broadcast %mul3A_194 : i32 to vector<16xi32>
        %mul3A_196 = arith.muli %min3A_170, %mul3A_195 : vector<16xi32>
        %mul3A_197 = arith.mulf %max3A_182, %select_n3A : vector<16xf32>
        %mul3A_198 = arith.constant 512 : i32
        %mul3A_199 = vector.broadcast %mul3A_198 : i32 to vector<16xi32>
        %mul3A_200 = arith.muli %min3A_188, %mul3A_199 : vector<16xi32>
        %add3A_201 = arith.addf %add3A_114, %max3A_105 : vector<16xf32>
        %mul3A_202 = arith.constant 5.120000e-01 : f32
        %mul3A_203 = vector.broadcast %mul3A_202 : f32 to vector<16xf32>
        %mul3A_204 = arith.mulf %add3A_114, %mul3A_203 : vector<16xf32>
        %convert_element_type3A_205 = arith.fptosi %mul3A_204 : vector<16xf32> to vector<16xi32>
        %jit3A_206 = arith.constant 0 : i32
        %jit3A_207 = arith.constant 511 : i32
        %max3A_208 = vector.broadcast %jit3A_206 : i32 to vector<16xi32>
        %max3A_209 = arith.maxsi %max3A_208, %convert_element_type3A_205 : vector<16xi32>
        %min3A_210 = vector.broadcast %jit3A_207 : i32 to vector<16xi32>
        %min3A_211 = arith.minsi %min3A_210, %max3A_209 : vector<16xi32>
        %convert_element_type3A_212 = arith.sitofp %min3A_211 : vector<16xi32> to vector<16xf32>
        %mul3A_213 = arith.constant 1.953125 : f32
        %mul3A_214 = vector.broadcast %mul3A_213 : f32 to vector<16xf32>
        %mul3A_215 = arith.mulf %convert_element_type3A_212, %mul3A_214 : vector<16xf32>
        %add3A_216 = arith.constant 0.000000e+00 : f32
        %add3A_217 = vector.broadcast %add3A_216 : f32 to vector<16xf32>
        %add3A_218 = arith.addf %mul3A_215, %add3A_217 : vector<16xf32>
        %add3A_219 = arith.constant 1.953125 : f32
        %add3A_220 = vector.broadcast %add3A_219 : f32 to vector<16xf32>
        %add3A_221 = arith.addf %add3A_218, %add3A_220 : vector<16xf32>
        %min3A_222 = arith.minimumf %add3A_201, %add3A_221 : vector<16xf32>
        %max3A_223 = arith.maximumf %add3A_114, %add3A_218 : vector<16xf32>
        %sub3A_224 = arith.subf %min3A_222, %max3A_223 : vector<16xf32>
        %max3A_225 = arith.constant 0.000000e+00 : f32
        %max3A_226 = vector.broadcast %max3A_225 : f32 to vector<16xf32>
        %max3A_227 = arith.maximumf %sub3A_224, %max3A_226 : vector<16xf32>
        %add3A_228 = arith.constant 0 : i32
        %add3A_229 = vector.broadcast %add3A_228 : i32 to vector<16xi32>
        %add3A_230 = arith.addi %min3A_211, %add3A_229 : vector<16xi32>
        %min3A_231 = arith.constant 511 : i32
        %min3A_232 = vector.broadcast %min3A_231 : i32 to vector<16xi32>
        %min3A_233 = arith.minsi %add3A_230, %min3A_232 : vector<16xi32>
        %add3A_234 = arith.constant 1.953125 : f32
        %add3A_235 = vector.broadcast %add3A_234 : f32 to vector<16xf32>
        %add3A_236 = arith.addf %mul3A_215, %add3A_235 : vector<16xf32>
        %add3A_237 = arith.constant 1.953125 : f32
        %add3A_238 = vector.broadcast %add3A_237 : f32 to vector<16xf32>
        %add3A_239 = arith.addf %add3A_236, %add3A_238 : vector<16xf32>
        %min3A_240 = arith.minimumf %add3A_201, %add3A_239 : vector<16xf32>
        %max3A_241 = arith.maximumf %add3A_114, %add3A_236 : vector<16xf32>
        %sub3A_242 = arith.subf %min3A_240, %max3A_241 : vector<16xf32>
        %max3A_243 = arith.constant 0.000000e+00 : f32
        %max3A_244 = vector.broadcast %max3A_243 : f32 to vector<16xf32>
        %max3A_245 = arith.maximumf %sub3A_242, %max3A_244 : vector<16xf32>
        %add3A_246 = arith.constant 1 : i32
        %add3A_247 = vector.broadcast %add3A_246 : i32 to vector<16xi32>
        %add3A_248 = arith.addi %min3A_211, %add3A_247 : vector<16xi32>
        %min3A_249 = arith.constant 511 : i32
        %min3A_250 = vector.broadcast %min3A_249 : i32 to vector<16xi32>
        %min3A_251 = arith.minsi %add3A_248, %min3A_250 : vector<16xi32>
        %add3A_252 = arith.constant 3.906250e+00 : f32
        %add3A_253 = vector.broadcast %add3A_252 : f32 to vector<16xf32>
        %add3A_254 = arith.addf %mul3A_215, %add3A_253 : vector<16xf32>
        %add3A_255 = arith.constant 1.953125 : f32
        %add3A_256 = vector.broadcast %add3A_255 : f32 to vector<16xf32>
        %add3A_257 = arith.addf %add3A_254, %add3A_256 : vector<16xf32>
        %min3A_258 = arith.minimumf %add3A_201, %add3A_257 : vector<16xf32>
        %max3A_259 = arith.maximumf %add3A_114, %add3A_254 : vector<16xf32>
        %sub3A_260 = arith.subf %min3A_258, %max3A_259 : vector<16xf32>
        %max3A_261 = arith.constant 0.000000e+00 : f32
        %max3A_262 = vector.broadcast %max3A_261 : f32 to vector<16xf32>
        %max3A_263 = arith.maximumf %sub3A_260, %max3A_262 : vector<16xf32>
        %add3A_264 = arith.constant 2 : i32
        %add3A_265 = vector.broadcast %add3A_264 : i32 to vector<16xi32>
        %add3A_266 = arith.addi %min3A_211, %add3A_265 : vector<16xi32>
        %min3A_267 = arith.constant 511 : i32
        %min3A_268 = vector.broadcast %min3A_267 : i32 to vector<16xi32>
        %min3A_269 = arith.minsi %add3A_266, %min3A_268 : vector<16xi32>
        %mul3A_270 = arith.mulf %mul3A_189, %max3A_227 : vector<16xf32>
        %add3A_271 = arith.constant 0 : i32
        %add3A_272 = arith.addi %add3A_271, %mul3A_88 : i32
        %swap3A = arith.index_cast %add3A_272 : i32 to index
        %swap3A_273 = tpu.vector_load %arg13[%swap3A] {strides = array<i32>} : memref<9216xf32, #tpu.memory_space<vmem>>, vector<16xf32>,
        %swap3A_274 = vector.shape_cast %swap3A_273 : vector<16xf32> to vector<16xf32>
        %swap3A_275 = vector.shape_cast %mul3A_270 : vector<16xf32> to vector<16xf32>
        tpu.vector_store %arg13[%swap3A], %swap3A_275 {strides = array<i32>} : memref<9216xf32, #tpu.memory_space<vmem>>, vector<16xf32>,
        %ne3A = arith.constant 0.000000e+00 : f32
        %ne3A_276 = vector.broadcast %ne3A : f32 to vector<16xf32>
        %ne3A_277 = arith.cmpf one, %mul3A_270, %ne3A_276 : vector<16xf32>
        %add3A_278 = arith.addi %mul3A_192, %min3A_233 : vector<16xi32>
        %jit3A_279 = arith.constant -1 : i32
        %broadcast_in_dim3A_280 = vector.broadcast %jit3A_279 : i32 to vector<16xi32>
        %select_n3A_281 = arith.select %ne3A_277, %add3A_278, %broadcast_in_dim3A_280 : vector<16xi1>, vector<16xi32>
        %add3A_282 = arith.constant 0 : i32
        %add3A_283 = arith.addi %add3A_282, %mul3A_88 : i32
        %swap3A_284 = arith.index_cast %add3A_283 : i32 to index
        %swap3A_285 = tpu.vector_load %arg14[%swap3A_284] {strides = array<i32>} : memref<9216xi32, #tpu.memory_space<vmem>>, vector<16xi32>,
        %swap3A_286 = vector.shape_cast %swap3A_285 : vector<16xi32> to vector<16xi32>
        %swap3A_287 = vector.shape_cast %select_n3A_281 : vector<16xi32> to vector<16xi32>
        tpu.vector_store %arg14[%swap3A_284], %swap3A_287 {strides = array<i32>} : memref<9216xi32, #tpu.memory_space<vmem>>, vector<16xi32>,
        %mul3A_288 = arith.mulf %mul3A_189, %max3A_245 : vector<16xf32>
        %add3A_289 = arith.constant 1024 : i32
        %add3A_290 = arith.addi %add3A_289, %mul3A_88 : i32
        %swap3A_291 = arith.index_cast %add3A_290 : i32 to index
        %swap3A_292 = tpu.vector_load %arg13[%swap3A_291] {strides = array<i32>} : memref<9216xf32, #tpu.memory_space<vmem>>, vector<16xf32>,
        %swap3A_293 = vector.shape_cast %swap3A_292 : vector<16xf32> to vector<16xf32>
        %swap3A_294 = vector.shape_cast %mul3A_288 : vector<16xf32> to vector<16xf32>
        tpu.vector_store %arg13[%swap3A_291], %swap3A_294 {strides = array<i32>} : memref<9216xf32, #tpu.memory_space<vmem>>, vector<16xf32>,
        %ne3A_295 = arith.constant 0.000000e+00 : f32
        %ne3A_296 = vector.broadcast %ne3A_295 : f32 to vector<16xf32>
        %ne3A_297 = arith.cmpf one, %mul3A_288, %ne3A_296 : vector<16xf32>
        %add3A_298 = arith.addi %mul3A_192, %min3A_251 : vector<16xi32>
        %jit3A_299 = arith.constant -1 : i32
        %broadcast_in_dim3A_300 = vector.broadcast %jit3A_299 : i32 to vector<16xi32>
        %select_n3A_301 = arith.select %ne3A_297, %add3A_298, %broadcast_in_dim3A_300 : vector<16xi1>, vector<16xi32>
        %add3A_302 = arith.constant 1024 : i32
        %add3A_303 = arith.addi %add3A_302, %mul3A_88 : i32
        %swap3A_304 = arith.index_cast %add3A_303 : i32 to index
        %swap3A_305 = tpu.vector_load %arg14[%swap3A_304] {strides = array<i32>} : memref<9216xi32, #tpu.memory_space<vmem>>, vector<16xi32>,
        %swap3A_306 = vector.shape_cast %swap3A_305 : vector<16xi32> to vector<16xi32>
        %swap3A_307 = vector.shape_cast %select_n3A_301 : vector<16xi32> to vector<16xi32>
        tpu.vector_store %arg14[%swap3A_304], %swap3A_307 {strides = array<i32>} : memref<9216xi32, #tpu.memory_space<vmem>>, vector<16xi32>,
        %mul3A_308 = arith.mulf %mul3A_189, %max3A_263 : vector<16xf32>
        %add3A_309 = arith.constant 2048 : i32
        %add3A_310 = arith.addi %add3A_309, %mul3A_88 : i32
        %swap3A_311 = arith.index_cast %add3A_310 : i32 to index
        %swap3A_312 = tpu.vector_load %arg13[%swap3A_311] {strides = array<i32>} : memref<9216xf32, #tpu.memory_space<vmem>>, vector<16xf32>,
        %swap3A_313 = vector.shape_cast %swap3A_312 : vector<16xf32> to vector<16xf32>
        %swap3A_314 = vector.shape_cast %mul3A_308 : vector<16xf32> to vector<16xf32>
        tpu.vector_store %arg13[%swap3A_311], %swap3A_314 {strides = array<i32>} : memref<9216xf32, #tpu.memory_space<vmem>>, vector<16xf32>,
        %ne3A_315 = arith.constant 0.000000e+00 : f32
        %ne3A_316 = vector.broadcast %ne3A_315 : f32 to vector<16xf32>
        %ne3A_317 = arith.cmpf one, %mul3A_308, %ne3A_316 : vector<16xf32>
        %add3A_318 = arith.addi %mul3A_192, %min3A_269 : vector<16xi32>
        %jit3A_319 = arith.constant -1 : i32
        %broadcast_in_dim3A_320 = vector.broadcast %jit3A_319 : i32 to vector<16xi32>
        %select_n3A_321 = arith.select %ne3A_317, %add3A_318, %broadcast_in_dim3A_320 : vector<16xi1>, vector<16xi32>
        %add3A_322 = arith.constant 2048 : i32
        %add3A_323 = arith.addi %add3A_322, %mul3A_88 : i32
        %swap3A_324 = arith.index_cast %add3A_323 : i32 to index
        %swap3A_325 = tpu.vector_load %arg14[%swap3A_324] {strides = array<i32>} : memref<9216xi32, #tpu.memory_space<vmem>>, vector<16xi32>,
        %swap3A_326 = vector.shape_cast %swap3A_325 : vector<16xi32> to vector<16xi32>
        %swap3A_327 = vector.shape_cast %select_n3A_321 : vector<16xi32> to vector<16xi32>
        tpu.vector_store %arg14[%swap3A_324], %swap3A_327 {strides = array<i32>} : memref<9216xi32, #tpu.memory_space<vmem>>, vector<16xi32>,
        %mul3A_328 = arith.mulf %mul3A_193, %max3A_227 : vector<16xf32>
        %add3A_329 = arith.constant 3072 : i32
        %add3A_330 = arith.addi %add3A_329, %mul3A_88 : i32
        %swap3A_331 = arith.index_cast %add3A_330 : i32 to index
        %swap3A_332 = tpu.vector_load %arg13[%swap3A_331] {strides = array<i32>} : memref<9216xf32, #tpu.memory_space<vmem>>, vector<16xf32>,
        %swap3A_333 = vector.shape_cast %swap3A_332 : vector<16xf32> to vector<16xf32>
        %swap3A_334 = vector.shape_cast %mul3A_328 : vector<16xf32> to vector<16xf32>
        tpu.vector_store %arg13[%swap3A_331], %swap3A_334 {strides = array<i32>} : memref<9216xf32, #tpu.memory_space<vmem>>, vector<16xf32>,
        %ne3A_335 = arith.constant 0.000000e+00 : f32
        %ne3A_336 = vector.broadcast %ne3A_335 : f32 to vector<16xf32>
        %ne3A_337 = arith.cmpf one, %mul3A_328, %ne3A_336 : vector<16xf32>
        %add3A_338 = arith.addi %mul3A_196, %min3A_233 : vector<16xi32>
        %jit3A_339 = arith.constant -1 : i32
        %broadcast_in_dim3A_340 = vector.broadcast %jit3A_339 : i32 to vector<16xi32>
        %select_n3A_341 = arith.select %ne3A_337, %add3A_338, %broadcast_in_dim3A_340 : vector<16xi1>, vector<16xi32>
        %add3A_342 = arith.constant 3072 : i32
        %add3A_343 = arith.addi %add3A_342, %mul3A_88 : i32
        %swap3A_344 = arith.index_cast %add3A_343 : i32 to index
        %swap3A_345 = tpu.vector_load %arg14[%swap3A_344] {strides = array<i32>} : memref<9216xi32, #tpu.memory_space<vmem>>, vector<16xi32>,
        %swap3A_346 = vector.shape_cast %swap3A_345 : vector<16xi32> to vector<16xi32>
        %swap3A_347 = vector.shape_cast %select_n3A_341 : vector<16xi32> to vector<16xi32>
        tpu.vector_store %arg14[%swap3A_344], %swap3A_347 {strides = array<i32>} : memref<9216xi32, #tpu.memory_space<vmem>>, vector<16xi32>,
        %mul3A_348 = arith.mulf %mul3A_193, %max3A_245 : vector<16xf32>
        %add3A_349 = arith.constant 4096 : i32
        %add3A_350 = arith.addi %add3A_349, %mul3A_88 : i32
        %swap3A_351 = arith.index_cast %add3A_350 : i32 to index
        %swap3A_352 = tpu.vector_load %arg13[%swap3A_351] {strides = array<i32>} : memref<9216xf32, #tpu.memory_space<vmem>>, vector<16xf32>,
        %swap3A_353 = vector.shape_cast %swap3A_352 : vector<16xf32> to vector<16xf32>
        %swap3A_354 = vector.shape_cast %mul3A_348 : vector<16xf32> to vector<16xf32>
        tpu.vector_store %arg13[%swap3A_351], %swap3A_354 {strides = array<i32>} : memref<9216xf32, #tpu.memory_space<vmem>>, vector<16xf32>,
        %ne3A_355 = arith.constant 0.000000e+00 : f32
        %ne3A_356 = vector.broadcast %ne3A_355 : f32 to vector<16xf32>
        %ne3A_357 = arith.cmpf one, %mul3A_348, %ne3A_356 : vector<16xf32>
        %add3A_358 = arith.addi %mul3A_196, %min3A_251 : vector<16xi32>
        %jit3A_359 = arith.constant -1 : i32
        %broadcast_in_dim3A_360 = vector.broadcast %jit3A_359 : i32 to vector<16xi32>
        %select_n3A_361 = arith.select %ne3A_357, %add3A_358, %broadcast_in_dim3A_360 : vector<16xi1>, vector<16xi32>
        %add3A_362 = arith.constant 4096 : i32
        %add3A_363 = arith.addi %add3A_362, %mul3A_88 : i32
        %swap3A_364 = arith.index_cast %add3A_363 : i32 to index
        %swap3A_365 = tpu.vector_load %arg14[%swap3A_364] {strides = array<i32>} : memref<9216xi32, #tpu.memory_space<vmem>>, vector<16xi32>,
        %swap3A_366 = vector.shape_cast %swap3A_365 : vector<16xi32> to vector<16xi32>
        %swap3A_367 = vector.shape_cast %select_n3A_361 : vector<16xi32> to vector<16xi32>
        tpu.vector_store %arg14[%swap3A_364], %swap3A_367 {strides = array<i32>} : memref<9216xi32, #tpu.memory_space<vmem>>, vector<16xi32>,
        %mul3A_368 = arith.mulf %mul3A_193, %max3A_263 : vector<16xf32>
        %add3A_369 = arith.constant 5120 : i32
        %add3A_370 = arith.addi %add3A_369, %mul3A_88 : i32
        %swap3A_371 = arith.index_cast %add3A_370 : i32 to index
        %swap3A_372 = tpu.vector_load %arg13[%swap3A_371] {strides = array<i32>} : memref<9216xf32, #tpu.memory_space<vmem>>, vector<16xf32>,
        %swap3A_373 = vector.shape_cast %swap3A_372 : vector<16xf32> to vector<16xf32>
        %swap3A_374 = vector.shape_cast %mul3A_368 : vector<16xf32> to vector<16xf32>
        tpu.vector_store %arg13[%swap3A_371], %swap3A_374 {strides = array<i32>} : memref<9216xf32, #tpu.memory_space<vmem>>, vector<16xf32>,
        %ne3A_375 = arith.constant 0.000000e+00 : f32
        %ne3A_376 = vector.broadcast %ne3A_375 : f32 to vector<16xf32>
        %ne3A_377 = arith.cmpf one, %mul3A_368, %ne3A_376 : vector<16xf32>
        %add3A_378 = arith.addi %mul3A_196, %min3A_269 : vector<16xi32>
        %jit3A_379 = arith.constant -1 : i32
        %broadcast_in_dim3A_380 = vector.broadcast %jit3A_379 : i32 to vector<16xi32>
        %select_n3A_381 = arith.select %ne3A_377, %add3A_378, %broadcast_in_dim3A_380 : vector<16xi1>, vector<16xi32>
        %add3A_382 = arith.constant 5120 : i32
        %add3A_383 = arith.addi %add3A_382, %mul3A_88 : i32
        %swap3A_384 = arith.index_cast %add3A_383 : i32 to index
        %swap3A_385 = tpu.vector_load %arg14[%swap3A_384] {strides = array<i32>} : memref<9216xi32, #tpu.memory_space<vmem>>, vector<16xi32>,
        %swap3A_386 = vector.shape_cast %swap3A_385 : vector<16xi32> to vector<16xi32>
        %swap3A_387 = vector.shape_cast %select_n3A_381 : vector<16xi32> to vector<16xi32>
        tpu.vector_store %arg14[%swap3A_384], %swap3A_387 {strides = array<i32>} : memref<9216xi32, #tpu.memory_space<vmem>>, vector<16xi32>,
        %mul3A_388 = arith.mulf %mul3A_197, %max3A_227 : vector<16xf32>
        %add3A_389 = arith.constant 6144 : i32
        %add3A_390 = arith.addi %add3A_389, %mul3A_88 : i32
        %swap3A_391 = arith.index_cast %add3A_390 : i32 to index
        %swap3A_392 = tpu.vector_load %arg13[%swap3A_391] {strides = array<i32>} : memref<9216xf32, #tpu.memory_space<vmem>>, vector<16xf32>,
        %swap3A_393 = vector.shape_cast %swap3A_392 : vector<16xf32> to vector<16xf32>
        %swap3A_394 = vector.shape_cast %mul3A_388 : vector<16xf32> to vector<16xf32>
        tpu.vector_store %arg13[%swap3A_391], %swap3A_394 {strides = array<i32>} : memref<9216xf32, #tpu.memory_space<vmem>>, vector<16xf32>,
        %ne3A_395 = arith.constant 0.000000e+00 : f32
        %ne3A_396 = vector.broadcast %ne3A_395 : f32 to vector<16xf32>
        %ne3A_397 = arith.cmpf one, %mul3A_388, %ne3A_396 : vector<16xf32>
        %add3A_398 = arith.addi %mul3A_200, %min3A_233 : vector<16xi32>
        %jit3A_399 = arith.constant -1 : i32
        %broadcast_in_dim3A_400 = vector.broadcast %jit3A_399 : i32 to vector<16xi32>
        %select_n3A_401 = arith.select %ne3A_397, %add3A_398, %broadcast_in_dim3A_400 : vector<16xi1>, vector<16xi32>
        %add3A_402 = arith.constant 6144 : i32
        %add3A_403 = arith.addi %add3A_402, %mul3A_88 : i32
        %swap3A_404 = arith.index_cast %add3A_403 : i32 to index
        %swap3A_405 = tpu.vector_load %arg14[%swap3A_404] {strides = array<i32>} : memref<9216xi32, #tpu.memory_space<vmem>>, vector<16xi32>,
        %swap3A_406 = vector.shape_cast %swap3A_405 : vector<16xi32> to vector<16xi32>
        %swap3A_407 = vector.shape_cast %select_n3A_401 : vector<16xi32> to vector<16xi32>
        tpu.vector_store %arg14[%swap3A_404], %swap3A_407 {strides = array<i32>} : memref<9216xi32, #tpu.memory_space<vmem>>, vector<16xi32>,
        %mul3A_408 = arith.mulf %mul3A_197, %max3A_245 : vector<16xf32>
        %add3A_409 = arith.constant 7168 : i32
        %add3A_410 = arith.addi %add3A_409, %mul3A_88 : i32
        %swap3A_411 = arith.index_cast %add3A_410 : i32 to index
        %swap3A_412 = tpu.vector_load %arg13[%swap3A_411] {strides = array<i32>} : memref<9216xf32, #tpu.memory_space<vmem>>, vector<16xf32>,
        %swap3A_413 = vector.shape_cast %swap3A_412 : vector<16xf32> to vector<16xf32>
        %swap3A_414 = vector.shape_cast %mul3A_408 : vector<16xf32> to vector<16xf32>
        tpu.vector_store %arg13[%swap3A_411], %swap3A_414 {strides = array<i32>} : memref<9216xf32, #tpu.memory_space<vmem>>, vector<16xf32>,
        %ne3A_415 = arith.constant 0.000000e+00 : f32
        %ne3A_416 = vector.broadcast %ne3A_415 : f32 to vector<16xf32>
        %ne3A_417 = arith.cmpf one, %mul3A_408, %ne3A_416 : vector<16xf32>
        %add3A_418 = arith.addi %mul3A_200, %min3A_251 : vector<16xi32>
        %jit3A_419 = arith.constant -1 : i32
        %broadcast_in_dim3A_420 = vector.broadcast %jit3A_419 : i32 to vector<16xi32>
        %select_n3A_421 = arith.select %ne3A_417, %add3A_418, %broadcast_in_dim3A_420 : vector<16xi1>, vector<16xi32>
        %add3A_422 = arith.constant 7168 : i32
        %add3A_423 = arith.addi %add3A_422, %mul3A_88 : i32
        %swap3A_424 = arith.index_cast %add3A_423 : i32 to index
        %swap3A_425 = tpu.vector_load %arg14[%swap3A_424] {strides = array<i32>} : memref<9216xi32, #tpu.memory_space<vmem>>, vector<16xi32>,
        %swap3A_426 = vector.shape_cast %swap3A_425 : vector<16xi32> to vector<16xi32>
        %swap3A_427 = vector.shape_cast %select_n3A_421 : vector<16xi32> to vector<16xi32>
        tpu.vector_store %arg14[%swap3A_424], %swap3A_427 {strides = array<i32>} : memref<9216xi32, #tpu.memory_space<vmem>>, vector<16xi32>,
        %mul3A_428 = arith.mulf %mul3A_197, %max3A_263 : vector<16xf32>
        %add3A_429 = arith.constant 8192 : i32
        %add3A_430 = arith.addi %add3A_429, %mul3A_88 : i32
        %swap3A_431 = arith.index_cast %add3A_430 : i32 to index
        %swap3A_432 = tpu.vector_load %arg13[%swap3A_431] {strides = array<i32>} : memref<9216xf32, #tpu.memory_space<vmem>>, vector<16xf32>,
        %swap3A_433 = vector.shape_cast %swap3A_432 : vector<16xf32> to vector<16xf32>
        %swap3A_434 = vector.shape_cast %mul3A_428 : vector<16xf32> to vector<16xf32>
        tpu.vector_store %arg13[%swap3A_431], %swap3A_434 {strides = array<i32>} : memref<9216xf32, #tpu.memory_space<vmem>>, vector<16xf32>,
        %ne3A_435 = arith.constant 0.000000e+00 : f32
        %ne3A_436 = vector.broadcast %ne3A_435 : f32 to vector<16xf32>
        %ne3A_437 = arith.cmpf one, %mul3A_428, %ne3A_436 : vector<16xf32>
        %add3A_438 = arith.addi %mul3A_200, %min3A_269 : vector<16xi32>
        %jit3A_439 = arith.constant -1 : i32
        %broadcast_in_dim3A_440 = vector.broadcast %jit3A_439 : i32 to vector<16xi32>
        %select_n3A_441 = arith.select %ne3A_437, %add3A_438, %broadcast_in_dim3A_440 : vector<16xi1>, vector<16xi32>
        %add3A_442 = arith.constant 8192 : i32
        %add3A_443 = arith.addi %add3A_442, %mul3A_88 : i32
        %swap3A_444 = arith.index_cast %add3A_443 : i32 to index
        %swap3A_445 = tpu.vector_load %arg14[%swap3A_444] {strides = array<i32>} : memref<9216xi32, #tpu.memory_space<vmem>>, vector<16xi32>,
        %swap3A_446 = vector.shape_cast %swap3A_445 : vector<16xi32> to vector<16xi32>
        %swap3A_447 = vector.shape_cast %select_n3A_441 : vector<16xi32> to vector<16xi32>
        tpu.vector_store %arg14[%swap3A_444], %swap3A_447 {strides = array<i32>} : memref<9216xi32, #tpu.memory_space<vmem>>, vector<16xi32>,
      }
      %scan3A_60 = arith.constant 64 : i32
      %gt3A = arith.constant 0 : i32
      %gt3A_61 = arith.cmpi sgt, %scan3A_43, %gt3A : i32
      %convert_element_type3A = arith.extui %gt3A_61 : i1 to i32
      %cond3A = arith.constant 0 : i32
      %cond3A_62 = arith.cmpi ne, %convert_element_type3A, %cond3A : i32
      scf.if %cond3A_62 {
        %dma_wait3A_86 = arith.constant 0 : i32
        %dma_wait3A_87 = tpu.memref_slice %arg23[%dma_wait3A_86] : memref<262144xf32, #tpu.memory_space<vmem_shared>> -> memref<262144xf32, #tpu.memory_space<vmem_shared>>
        tpu.wait_indirect_dma semaphore(%arg21 : memref<!tpu.dma_semaphore, #tpu.memory_space<semaphore_mem>>) src(%arg15 : memref<9216xf32, #tpu.memory_space<vmem>>) dst(%dma_wait3A_87 : memref<262144xf32, #tpu.memory_space<vmem_shared>>)
      } else {
      }
      %dma_start3A_63 = arith.constant 0 : i32
      %dma_start3A_64 = tpu.memref_slice %arg23[%dma_start3A_63] : memref<262144xf32, #tpu.memory_space<vmem_shared>> -> memref<262144xf32, #tpu.memory_space<vmem_shared>>
      %dma_start3A_65 = arith.constant -1 : i32
      tpu.enqueue_indirect_dma source(%arg13 : memref<9216xf32, #tpu.memory_space<vmem>>) target(%dma_start3A_64 : memref<262144xf32, #tpu.memory_space<vmem_shared>>) offsets(%arg14 : memref<9216xi32, #tpu.memory_space<vmem>>) offset_filter(%dma_start3A_65) semaphore(%arg21 : memref<!tpu.dma_semaphore, #tpu.memory_space<semaphore_mem>>) {add = true}
      %add3A_66 = arith.constant 1024 : i32
      %add3A_67 = arith.addi %add3A_48, %add3A_66 : i32
      "tpu.region"() ({
        %run_scoped3A = tpu.sem_alloc : memref<!tpu.dma_semaphore, #tpu.memory_space<semaphore_mem>>
        %dma_start3A_86 = tpu.memref_slice %arg2[%add3A_67] : memref<1406608xf32, #tpu.memory_space<hbm>> -> memref<1024xf32, #tpu.memory_space<hbm>>
        %dma_start3A_87 = tpu.memref_slice %arg2[%add3A_67] : memref<1406608xf32, #tpu.memory_space<hbm>> -> memref<1024xf32, #tpu.memory_space<hbm>>
        tpu.enqueue_dma source(%dma_start3A_87 : memref<1024xf32, #tpu.memory_space<hbm>>) target(%arg9 : memref<1024xf32, #tpu.memory_space<vmem>>) target_semaphore(%run_scoped3A : memref<!tpu.dma_semaphore, #tpu.memory_space<semaphore_mem>>)
        %dma_wait3A_88 = tpu.memref_slice %arg2[%add3A_67] : memref<1406608xf32, #tpu.memory_space<hbm>> -> memref<1024xf32, #tpu.memory_space<hbm>>
        %dma_wait3A_89 = tpu.memref_slice %arg2[%add3A_67] : memref<1406608xf32, #tpu.memory_space<hbm>> -> memref<1024xf32, #tpu.memory_space<hbm>>
        tpu.wait_dma2 semaphore(%run_scoped3A : memref<!tpu.dma_semaphore, #tpu.memory_space<semaphore_mem>>) src(%dma_wait3A_89 : memref<1024xf32, #tpu.memory_space<hbm>>) dst(%arg9 : memref<1024xf32, #tpu.memory_space<vmem>>)
        tpu.yield
      }) : () -> ()
      %add3A_68 = arith.constant 700000 : i32
      %add3A_69 = arith.addi %add3A_68, %add3A_67 : i32
      "tpu.region"() ({
        %run_scoped3A = tpu.sem_alloc : memref<!tpu.dma_semaphore, #tpu.memory_space<semaphore_mem>>
        %dma_start3A_86 = tpu.memref_slice %arg2[%add3A_69] : memref<1406608xf32, #tpu.memory_space<hbm>> -> memref<1024xf32, #tpu.memory_space<hbm>>
        %dma_start3A_87 = tpu.memref_slice %arg2[%add3A_69] : memref<1406608xf32, #tpu.memory_space<hbm>> -> memref<1024xf32, #tpu.memory_space<hbm>>
        tpu.enqueue_dma source(%dma_start3A_87 : memref<1024xf32, #tpu.memory_space<hbm>>) target(%arg10 : memref<1024xf32, #tpu.memory_space<vmem>>) target_semaphore(%run_scoped3A : memref<!tpu.dma_semaphore, #tpu.memory_space<semaphore_mem>>)
        %dma_wait3A_88 = tpu.memref_slice %arg2[%add3A_69] : memref<1406608xf32, #tpu.memory_space<hbm>> -> memref<1024xf32, #tpu.memory_space<hbm>>
        %dma_wait3A_89 = tpu.memref_slice %arg2[%add3A_69] : memref<1406608xf32, #tpu.memory_space<hbm>> -> memref<1024xf32, #tpu.memory_space<hbm>>
        tpu.wait_dma2 semaphore(%run_scoped3A : memref<!tpu.dma_semaphore, #tpu.memory_space<semaphore_mem>>) src(%dma_wait3A_89 : memref<1024xf32, #tpu.memory_space<hbm>>) dst(%arg10 : memref<1024xf32, #tpu.memory_space<vmem>>)
        tpu.yield
      }) : () -> ()
      "tpu.region"() ({
        %run_scoped3A = tpu.sem_alloc : memref<!tpu.dma_semaphore, #tpu.memory_space<semaphore_mem>>
        %dma_start3A_86 = tpu.memref_slice %arg3[%add3A_67] : memref<706608xf32, #tpu.memory_space<hbm>> -> memref<1024xf32, #tpu.memory_space<hbm>>
        %dma_start3A_87 = tpu.memref_slice %arg3[%add3A_67] : memref<706608xf32, #tpu.memory_space<hbm>> -> memref<1024xf32, #tpu.memory_space<hbm>>
        tpu.enqueue_dma source(%dma_start3A_87 : memref<1024xf32, #tpu.memory_space<hbm>>) target(%arg11 : memref<1024xf32, #tpu.memory_space<vmem>>) target_semaphore(%run_scoped3A : memref<!tpu.dma_semaphore, #tpu.memory_space<semaphore_mem>>)
        %dma_wait3A_88 = tpu.memref_slice %arg3[%add3A_67] : memref<706608xf32, #tpu.memory_space<hbm>> -> memref<1024xf32, #tpu.memory_space<hbm>>
        %dma_wait3A_89 = tpu.memref_slice %arg3[%add3A_67] : memref<706608xf32, #tpu.memory_space<hbm>> -> memref<1024xf32, #tpu.memory_space<hbm>>
        tpu.wait_dma2 semaphore(%run_scoped3A : memref<!tpu.dma_semaphore, #tpu.memory_space<semaphore_mem>>) src(%dma_wait3A_89 : memref<1024xf32, #tpu.memory_space<hbm>>) dst(%arg11 : memref<1024xf32, #tpu.memory_space<vmem>>)
        tpu.yield
      }) : () -> ()
      "tpu.region"() ({
        %run_scoped3A = tpu.sem_alloc : memref<!tpu.dma_semaphore, #tpu.memory_space<semaphore_mem>>
        %dma_start3A_86 = tpu.memref_slice %arg4[%add3A_67] : memref<706608xf32, #tpu.memory_space<hbm>> -> memref<1024xf32, #tpu.memory_space<hbm>>
        %dma_start3A_87 = tpu.memref_slice %arg4[%add3A_67] : memref<706608xf32, #tpu.memory_space<hbm>> -> memref<1024xf32, #tpu.memory_space<hbm>>
        tpu.enqueue_dma source(%dma_start3A_87 : memref<1024xf32, #tpu.memory_space<hbm>>) target(%arg12 : memref<1024xf32, #tpu.memory_space<vmem>>) target_semaphore(%run_scoped3A : memref<!tpu.dma_semaphore, #tpu.memory_space<semaphore_mem>>)
        %dma_wait3A_88 = tpu.memref_slice %arg4[%add3A_67] : memref<706608xf32, #tpu.memory_space<hbm>> -> memref<1024xf32, #tpu.memory_space<hbm>>
        %dma_wait3A_89 = tpu.memref_slice %arg4[%add3A_67] : memref<706608xf32, #tpu.memory_space<hbm>> -> memref<1024xf32, #tpu.memory_space<hbm>>
        tpu.wait_dma2 semaphore(%run_scoped3A : memref<!tpu.dma_semaphore, #tpu.memory_space<semaphore_mem>>) src(%dma_wait3A_89 : memref<1024xf32, #tpu.memory_space<hbm>>) dst(%arg12 : memref<1024xf32, #tpu.memory_space<vmem>>)
        tpu.yield
      }) : () -> ()
      %get3A_70 = arith.constant 0 : index
      %get3A_71 = tpu.vector_load %arg19[%get3A_70] {strides = array<i32>} : memref<16xf32, #tpu.memory_space<vmem>>, vector<16xf32>,
      %get3A_72 = vector.shape_cast %get3A_71 : vector<16xf32> to vector<16xf32>
      %get3A_73 = arith.constant 0 : index
      %get3A_74 = tpu.vector_load %arg20[%get3A_73] {strides = array<i32>} : memref<16xf32, #tpu.memory_space<vmem>>, vector<16xf32>,
      %get3A_75 = vector.shape_cast %get3A_74 : vector<16xf32> to vector<16xf32>
      %scan3A_76 = arith.constant 0 : i32
      %scan3A_77 = arith.constant 64 : i32
      %scan3A_78 = arith.addi %scan3A_76, %scan3A_77 : i32
      %scan3A_79 = arith.constant 1 : i32
      scf.for %scan3A_86 = %scan3A_76 to %scan3A_78 step %scan3A_79  : i32 {
        %mul3A_87 = arith.constant 16 : i32
        %mul3A_88 = arith.muli %scan3A_86, %mul3A_87 : i32
        %get3A_89 = arith.index_cast %mul3A_88 : i32 to index
        %get3A_90 = tpu.vector_load %arg9[%get3A_89] {strides = array<i32>} : memref<1024xf32, #tpu.memory_space<vmem>>, vector<16xf32>,
        %get3A_91 = vector.shape_cast %get3A_90 : vector<16xf32> to vector<16xf32>
        %get3A_92 = arith.index_cast %mul3A_88 : i32 to index
        %get3A_93 = tpu.vector_load %arg10[%get3A_92] {strides = array<i32>} : memref<1024xf32, #tpu.memory_space<vmem>>, vector<16xf32>,
        %get3A_94 = vector.shape_cast %get3A_93 : vector<16xf32> to vector<16xf32>
        %get3A_95 = arith.index_cast %mul3A_88 : i32 to index
        %get3A_96 = tpu.vector_load %arg11[%get3A_95] {strides = array<i32>} : memref<1024xf32, #tpu.memory_space<vmem>>, vector<16xf32>,
        %get3A_97 = vector.shape_cast %get3A_96 : vector<16xf32> to vector<16xf32>
        %get3A_98 = arith.index_cast %mul3A_88 : i32 to index
        %get3A_99 = tpu.vector_load %arg12[%get3A_98] {strides = array<i32>} : memref<1024xf32, #tpu.memory_space<vmem>>, vector<16xf32>,
        %get3A_100 = vector.shape_cast %get3A_99 : vector<16xf32> to vector<16xf32>
        %max3A = arith.constant 2.76213598 : f32
        %max3A_101 = vector.broadcast %max3A : f32 to vector<16xf32>
        %max3A_102 = arith.maximumf %get3A_97, %max3A_101 : vector<16xf32>
        %max3A_103 = arith.constant 2.76213598 : f32
        %max3A_104 = vector.broadcast %max3A_103 : f32 to vector<16xf32>
        %max3A_105 = arith.maximumf %get3A_100, %max3A_104 : vector<16xf32>
        %sub3A = arith.subf %get3A_97, %max3A_102 : vector<16xf32>
        %mul3A_106 = arith.constant 5.000000e-01 : f32
        %mul3A_107 = vector.broadcast %mul3A_106 : f32 to vector<16xf32>
        %mul3A_108 = arith.mulf %sub3A, %mul3A_107 : vector<16xf32>
        %add3A_109 = arith.addf %get3A_91, %mul3A_108 : vector<16xf32>
        %sub3A_110 = arith.subf %get3A_100, %max3A_105 : vector<16xf32>
        %mul3A_111 = arith.constant 5.000000e-01 : f32
        %mul3A_112 = vector.broadcast %mul3A_111 : f32 to vector<16xf32>
        %mul3A_113 = arith.mulf %sub3A_110, %mul3A_112 : vector<16xf32>
        %add3A_114 = arith.addf %get3A_94, %mul3A_113 : vector<16xf32>
        %mul3A_115 = arith.mulf %get3A_97, %get3A_100 : vector<16xf32>
        %mul3A_116 = arith.mulf %max3A_102, %max3A_105 : vector<16xf32>
        %div3A = arith.divf %mul3A_115, %mul3A_116 : vector<16xf32>
        %sub3A_117 = arith.constant 700000 : i32
        %sub3A_118 = arith.subi %sub3A_117, %add3A_67 : i32
        %sub3A_119 = arith.subi %sub3A_118, %mul3A_88 : i32
        %lt3A = vector.broadcast %sub3A_119 : i32 to vector<16xi32>
        %lt3A_120 = arith.cmpi slt, %iota3A, %lt3A : vector<16xi32>
        %jit3A = arith.constant 0.000000e+00 : f32
        %broadcast_in_dim3A = vector.broadcast %jit3A : f32 to vector<16xf32>
        %select_n3A = arith.select %lt3A_120, %div3A, %broadcast_in_dim3A : vector<16xi1>, vector<16xf32>
        %add3A_121 = arith.addf %add3A_109, %max3A_102 : vector<16xf32>
        %mul3A_122 = arith.constant 5.120000e-01 : f32
        %mul3A_123 = vector.broadcast %mul3A_122 : f32 to vector<16xf32>
        %mul3A_124 = arith.mulf %add3A_109, %mul3A_123 : vector<16xf32>
        %convert_element_type3A_125 = arith.fptosi %mul3A_124 : vector<16xf32> to vector<16xi32>
        %jit3A_126 = arith.constant 0 : i32
        %jit3A_127 = arith.constant 511 : i32
        %max3A_128 = vector.broadcast %jit3A_126 : i32 to vector<16xi32>
        %max3A_129 = arith.maxsi %max3A_128, %convert_element_type3A_125 : vector<16xi32>
        %min3A = vector.broadcast %jit3A_127 : i32 to vector<16xi32>
        %min3A_130 = arith.minsi %min3A, %max3A_129 : vector<16xi32>
        %convert_element_type3A_131 = arith.sitofp %min3A_130 : vector<16xi32> to vector<16xf32>
        %mul3A_132 = arith.constant 1.953125 : f32
        %mul3A_133 = vector.broadcast %mul3A_132 : f32 to vector<16xf32>
        %mul3A_134 = arith.mulf %convert_element_type3A_131, %mul3A_133 : vector<16xf32>
        %add3A_135 = arith.constant 0.000000e+00 : f32
        %add3A_136 = vector.broadcast %add3A_135 : f32 to vector<16xf32>
        %add3A_137 = arith.addf %mul3A_134, %add3A_136 : vector<16xf32>
        %add3A_138 = arith.constant 1.953125 : f32
        %add3A_139 = vector.broadcast %add3A_138 : f32 to vector<16xf32>
        %add3A_140 = arith.addf %add3A_137, %add3A_139 : vector<16xf32>
        %min3A_141 = arith.minimumf %add3A_121, %add3A_140 : vector<16xf32>
        %max3A_142 = arith.maximumf %add3A_109, %add3A_137 : vector<16xf32>
        %sub3A_143 = arith.subf %min3A_141, %max3A_142 : vector<16xf32>
        %max3A_144 = arith.constant 0.000000e+00 : f32
        %max3A_145 = vector.broadcast %max3A_144 : f32 to vector<16xf32>
        %max3A_146 = arith.maximumf %sub3A_143, %max3A_145 : vector<16xf32>
        %add3A_147 = arith.constant 0 : i32
        %add3A_148 = vector.broadcast %add3A_147 : i32 to vector<16xi32>
        %add3A_149 = arith.addi %min3A_130, %add3A_148 : vector<16xi32>
        %min3A_150 = arith.constant 511 : i32
        %min3A_151 = vector.broadcast %min3A_150 : i32 to vector<16xi32>
        %min3A_152 = arith.minsi %add3A_149, %min3A_151 : vector<16xi32>
        %add3A_153 = arith.constant 1.953125 : f32
        %add3A_154 = vector.broadcast %add3A_153 : f32 to vector<16xf32>
        %add3A_155 = arith.addf %mul3A_134, %add3A_154 : vector<16xf32>
        %add3A_156 = arith.constant 1.953125 : f32
        %add3A_157 = vector.broadcast %add3A_156 : f32 to vector<16xf32>
        %add3A_158 = arith.addf %add3A_155, %add3A_157 : vector<16xf32>
        %min3A_159 = arith.minimumf %add3A_121, %add3A_158 : vector<16xf32>
        %max3A_160 = arith.maximumf %add3A_109, %add3A_155 : vector<16xf32>
        %sub3A_161 = arith.subf %min3A_159, %max3A_160 : vector<16xf32>
        %max3A_162 = arith.constant 0.000000e+00 : f32
        %max3A_163 = vector.broadcast %max3A_162 : f32 to vector<16xf32>
        %max3A_164 = arith.maximumf %sub3A_161, %max3A_163 : vector<16xf32>
        %add3A_165 = arith.constant 1 : i32
        %add3A_166 = vector.broadcast %add3A_165 : i32 to vector<16xi32>
        %add3A_167 = arith.addi %min3A_130, %add3A_166 : vector<16xi32>
        %min3A_168 = arith.constant 511 : i32
        %min3A_169 = vector.broadcast %min3A_168 : i32 to vector<16xi32>
        %min3A_170 = arith.minsi %add3A_167, %min3A_169 : vector<16xi32>
        %add3A_171 = arith.constant 3.906250e+00 : f32
        %add3A_172 = vector.broadcast %add3A_171 : f32 to vector<16xf32>
        %add3A_173 = arith.addf %mul3A_134, %add3A_172 : vector<16xf32>
        %add3A_174 = arith.constant 1.953125 : f32
        %add3A_175 = vector.broadcast %add3A_174 : f32 to vector<16xf32>
        %add3A_176 = arith.addf %add3A_173, %add3A_175 : vector<16xf32>
        %min3A_177 = arith.minimumf %add3A_121, %add3A_176 : vector<16xf32>
        %max3A_178 = arith.maximumf %add3A_109, %add3A_173 : vector<16xf32>
        %sub3A_179 = arith.subf %min3A_177, %max3A_178 : vector<16xf32>
        %max3A_180 = arith.constant 0.000000e+00 : f32
        %max3A_181 = vector.broadcast %max3A_180 : f32 to vector<16xf32>
        %max3A_182 = arith.maximumf %sub3A_179, %max3A_181 : vector<16xf32>
        %add3A_183 = arith.constant 2 : i32
        %add3A_184 = vector.broadcast %add3A_183 : i32 to vector<16xi32>
        %add3A_185 = arith.addi %min3A_130, %add3A_184 : vector<16xi32>
        %min3A_186 = arith.constant 511 : i32
        %min3A_187 = vector.broadcast %min3A_186 : i32 to vector<16xi32>
        %min3A_188 = arith.minsi %add3A_185, %min3A_187 : vector<16xi32>
        %mul3A_189 = arith.mulf %max3A_146, %select_n3A : vector<16xf32>
        %mul3A_190 = arith.constant 512 : i32
        %mul3A_191 = vector.broadcast %mul3A_190 : i32 to vector<16xi32>
        %mul3A_192 = arith.muli %min3A_152, %mul3A_191 : vector<16xi32>
        %mul3A_193 = arith.mulf %max3A_164, %select_n3A : vector<16xf32>
        %mul3A_194 = arith.constant 512 : i32
        %mul3A_195 = vector.broadcast %mul3A_194 : i32 to vector<16xi32>
        %mul3A_196 = arith.muli %min3A_170, %mul3A_195 : vector<16xi32>
        %mul3A_197 = arith.mulf %max3A_182, %select_n3A : vector<16xf32>
        %mul3A_198 = arith.constant 512 : i32
        %mul3A_199 = vector.broadcast %mul3A_198 : i32 to vector<16xi32>
        %mul3A_200 = arith.muli %min3A_188, %mul3A_199 : vector<16xi32>
        %add3A_201 = arith.addf %add3A_114, %max3A_105 : vector<16xf32>
        %mul3A_202 = arith.constant 5.120000e-01 : f32
        %mul3A_203 = vector.broadcast %mul3A_202 : f32 to vector<16xf32>
        %mul3A_204 = arith.mulf %add3A_114, %mul3A_203 : vector<16xf32>
        %convert_element_type3A_205 = arith.fptosi %mul3A_204 : vector<16xf32> to vector<16xi32>
        %jit3A_206 = arith.constant 0 : i32
        %jit3A_207 = arith.constant 511 : i32
        %max3A_208 = vector.broadcast %jit3A_206 : i32 to vector<16xi32>
        %max3A_209 = arith.maxsi %max3A_208, %convert_element_type3A_205 : vector<16xi32>
        %min3A_210 = vector.broadcast %jit3A_207 : i32 to vector<16xi32>
        %min3A_211 = arith.minsi %min3A_210, %max3A_209 : vector<16xi32>
        %convert_element_type3A_212 = arith.sitofp %min3A_211 : vector<16xi32> to vector<16xf32>
        %mul3A_213 = arith.constant 1.953125 : f32
        %mul3A_214 = vector.broadcast %mul3A_213 : f32 to vector<16xf32>
        %mul3A_215 = arith.mulf %convert_element_type3A_212, %mul3A_214 : vector<16xf32>
        %add3A_216 = arith.constant 0.000000e+00 : f32
        %add3A_217 = vector.broadcast %add3A_216 : f32 to vector<16xf32>
        %add3A_218 = arith.addf %mul3A_215, %add3A_217 : vector<16xf32>
        %add3A_219 = arith.constant 1.953125 : f32
        %add3A_220 = vector.broadcast %add3A_219 : f32 to vector<16xf32>
        %add3A_221 = arith.addf %add3A_218, %add3A_220 : vector<16xf32>
        %min3A_222 = arith.minimumf %add3A_201, %add3A_221 : vector<16xf32>
        %max3A_223 = arith.maximumf %add3A_114, %add3A_218 : vector<16xf32>
        %sub3A_224 = arith.subf %min3A_222, %max3A_223 : vector<16xf32>
        %max3A_225 = arith.constant 0.000000e+00 : f32
        %max3A_226 = vector.broadcast %max3A_225 : f32 to vector<16xf32>
        %max3A_227 = arith.maximumf %sub3A_224, %max3A_226 : vector<16xf32>
        %add3A_228 = arith.constant 0 : i32
        %add3A_229 = vector.broadcast %add3A_228 : i32 to vector<16xi32>
        %add3A_230 = arith.addi %min3A_211, %add3A_229 : vector<16xi32>
        %min3A_231 = arith.constant 511 : i32
        %min3A_232 = vector.broadcast %min3A_231 : i32 to vector<16xi32>
        %min3A_233 = arith.minsi %add3A_230, %min3A_232 : vector<16xi32>
        %add3A_234 = arith.constant 1.953125 : f32
        %add3A_235 = vector.broadcast %add3A_234 : f32 to vector<16xf32>
        %add3A_236 = arith.addf %mul3A_215, %add3A_235 : vector<16xf32>
        %add3A_237 = arith.constant 1.953125 : f32
        %add3A_238 = vector.broadcast %add3A_237 : f32 to vector<16xf32>
        %add3A_239 = arith.addf %add3A_236, %add3A_238 : vector<16xf32>
        %min3A_240 = arith.minimumf %add3A_201, %add3A_239 : vector<16xf32>
        %max3A_241 = arith.maximumf %add3A_114, %add3A_236 : vector<16xf32>
        %sub3A_242 = arith.subf %min3A_240, %max3A_241 : vector<16xf32>
        %max3A_243 = arith.constant 0.000000e+00 : f32
        %max3A_244 = vector.broadcast %max3A_243 : f32 to vector<16xf32>
        %max3A_245 = arith.maximumf %sub3A_242, %max3A_244 : vector<16xf32>
        %add3A_246 = arith.constant 1 : i32
        %add3A_247 = vector.broadcast %add3A_246 : i32 to vector<16xi32>
        %add3A_248 = arith.addi %min3A_211, %add3A_247 : vector<16xi32>
        %min3A_249 = arith.constant 511 : i32
        %min3A_250 = vector.broadcast %min3A_249 : i32 to vector<16xi32>
        %min3A_251 = arith.minsi %add3A_248, %min3A_250 : vector<16xi32>
        %add3A_252 = arith.constant 3.906250e+00 : f32
        %add3A_253 = vector.broadcast %add3A_252 : f32 to vector<16xf32>
        %add3A_254 = arith.addf %mul3A_215, %add3A_253 : vector<16xf32>
        %add3A_255 = arith.constant 1.953125 : f32
        %add3A_256 = vector.broadcast %add3A_255 : f32 to vector<16xf32>
        %add3A_257 = arith.addf %add3A_254, %add3A_256 : vector<16xf32>
        %min3A_258 = arith.minimumf %add3A_201, %add3A_257 : vector<16xf32>
        %max3A_259 = arith.maximumf %add3A_114, %add3A_254 : vector<16xf32>
        %sub3A_260 = arith.subf %min3A_258, %max3A_259 : vector<16xf32>
        %max3A_261 = arith.constant 0.000000e+00 : f32
        %max3A_262 = vector.broadcast %max3A_261 : f32 to vector<16xf32>
        %max3A_263 = arith.maximumf %sub3A_260, %max3A_262 : vector<16xf32>
        %add3A_264 = arith.constant 2 : i32
        %add3A_265 = vector.broadcast %add3A_264 : i32 to vector<16xi32>
        %add3A_266 = arith.addi %min3A_211, %add3A_265 : vector<16xi32>
        %min3A_267 = arith.constant 511 : i32
        %min3A_268 = vector.broadcast %min3A_267 : i32 to vector<16xi32>
        %min3A_269 = arith.minsi %add3A_266, %min3A_268 : vector<16xi32>
        %mul3A_270 = arith.mulf %mul3A_189, %max3A_227 : vector<16xf32>
        %add3A_271 = arith.constant 0 : i32
        %add3A_272 = arith.addi %add3A_271, %mul3A_88 : i32
        %swap3A = arith.index_cast %add3A_272 : i32 to index
        %swap3A_273 = tpu.vector_load %arg15[%swap3A] {strides = array<i32>} : memref<9216xf32, #tpu.memory_space<vmem>>, vector<16xf32>,
        %swap3A_274 = vector.shape_cast %swap3A_273 : vector<16xf32> to vector<16xf32>
        %swap3A_275 = vector.shape_cast %mul3A_270 : vector<16xf32> to vector<16xf32>
        tpu.vector_store %arg15[%swap3A], %swap3A_275 {strides = array<i32>} : memref<9216xf32, #tpu.memory_space<vmem>>, vector<16xf32>,
        %ne3A = arith.constant 0.000000e+00 : f32
        %ne3A_276 = vector.broadcast %ne3A : f32 to vector<16xf32>
        %ne3A_277 = arith.cmpf one, %mul3A_270, %ne3A_276 : vector<16xf32>
        %add3A_278 = arith.addi %mul3A_192, %min3A_233 : vector<16xi32>
        %jit3A_279 = arith.constant -1 : i32
        %broadcast_in_dim3A_280 = vector.broadcast %jit3A_279 : i32 to vector<16xi32>
        %select_n3A_281 = arith.select %ne3A_277, %add3A_278, %broadcast_in_dim3A_280 : vector<16xi1>, vector<16xi32>
        %add3A_282 = arith.constant 0 : i32
        %add3A_283 = arith.addi %add3A_282, %mul3A_88 : i32
        %swap3A_284 = arith.index_cast %add3A_283 : i32 to index
        %swap3A_285 = tpu.vector_load %arg16[%swap3A_284] {strides = array<i32>} : memref<9216xi32, #tpu.memory_space<vmem>>, vector<16xi32>,
        %swap3A_286 = vector.shape_cast %swap3A_285 : vector<16xi32> to vector<16xi32>
        %swap3A_287 = vector.shape_cast %select_n3A_281 : vector<16xi32> to vector<16xi32>
        tpu.vector_store %arg16[%swap3A_284], %swap3A_287 {strides = array<i32>} : memref<9216xi32, #tpu.memory_space<vmem>>, vector<16xi32>,
        %mul3A_288 = arith.mulf %mul3A_189, %max3A_245 : vector<16xf32>
        %add3A_289 = arith.constant 1024 : i32
        %add3A_290 = arith.addi %add3A_289, %mul3A_88 : i32
        %swap3A_291 = arith.index_cast %add3A_290 : i32 to index
        %swap3A_292 = tpu.vector_load %arg15[%swap3A_291] {strides = array<i32>} : memref<9216xf32, #tpu.memory_space<vmem>>, vector<16xf32>,
        %swap3A_293 = vector.shape_cast %swap3A_292 : vector<16xf32> to vector<16xf32>
        %swap3A_294 = vector.shape_cast %mul3A_288 : vector<16xf32> to vector<16xf32>
        tpu.vector_store %arg15[%swap3A_291], %swap3A_294 {strides = array<i32>} : memref<9216xf32, #tpu.memory_space<vmem>>, vector<16xf32>,
        %ne3A_295 = arith.constant 0.000000e+00 : f32
        %ne3A_296 = vector.broadcast %ne3A_295 : f32 to vector<16xf32>
        %ne3A_297 = arith.cmpf one, %mul3A_288, %ne3A_296 : vector<16xf32>
        %add3A_298 = arith.addi %mul3A_192, %min3A_251 : vector<16xi32>
        %jit3A_299 = arith.constant -1 : i32
        %broadcast_in_dim3A_300 = vector.broadcast %jit3A_299 : i32 to vector<16xi32>
        %select_n3A_301 = arith.select %ne3A_297, %add3A_298, %broadcast_in_dim3A_300 : vector<16xi1>, vector<16xi32>
        %add3A_302 = arith.constant 1024 : i32
        %add3A_303 = arith.addi %add3A_302, %mul3A_88 : i32
        %swap3A_304 = arith.index_cast %add3A_303 : i32 to index
        %swap3A_305 = tpu.vector_load %arg16[%swap3A_304] {strides = array<i32>} : memref<9216xi32, #tpu.memory_space<vmem>>, vector<16xi32>,
        %swap3A_306 = vector.shape_cast %swap3A_305 : vector<16xi32> to vector<16xi32>
        %swap3A_307 = vector.shape_cast %select_n3A_301 : vector<16xi32> to vector<16xi32>
        tpu.vector_store %arg16[%swap3A_304], %swap3A_307 {strides = array<i32>} : memref<9216xi32, #tpu.memory_space<vmem>>, vector<16xi32>,
        %mul3A_308 = arith.mulf %mul3A_189, %max3A_263 : vector<16xf32>
        %add3A_309 = arith.constant 2048 : i32
        %add3A_310 = arith.addi %add3A_309, %mul3A_88 : i32
        %swap3A_311 = arith.index_cast %add3A_310 : i32 to index
        %swap3A_312 = tpu.vector_load %arg15[%swap3A_311] {strides = array<i32>} : memref<9216xf32, #tpu.memory_space<vmem>>, vector<16xf32>,
        %swap3A_313 = vector.shape_cast %swap3A_312 : vector<16xf32> to vector<16xf32>
        %swap3A_314 = vector.shape_cast %mul3A_308 : vector<16xf32> to vector<16xf32>
        tpu.vector_store %arg15[%swap3A_311], %swap3A_314 {strides = array<i32>} : memref<9216xf32, #tpu.memory_space<vmem>>, vector<16xf32>,
        %ne3A_315 = arith.constant 0.000000e+00 : f32
        %ne3A_316 = vector.broadcast %ne3A_315 : f32 to vector<16xf32>
        %ne3A_317 = arith.cmpf one, %mul3A_308, %ne3A_316 : vector<16xf32>
        %add3A_318 = arith.addi %mul3A_192, %min3A_269 : vector<16xi32>
        %jit3A_319 = arith.constant -1 : i32
        %broadcast_in_dim3A_320 = vector.broadcast %jit3A_319 : i32 to vector<16xi32>
        %select_n3A_321 = arith.select %ne3A_317, %add3A_318, %broadcast_in_dim3A_320 : vector<16xi1>, vector<16xi32>
        %add3A_322 = arith.constant 2048 : i32
        %add3A_323 = arith.addi %add3A_322, %mul3A_88 : i32
        %swap3A_324 = arith.index_cast %add3A_323 : i32 to index
        %swap3A_325 = tpu.vector_load %arg16[%swap3A_324] {strides = array<i32>} : memref<9216xi32, #tpu.memory_space<vmem>>, vector<16xi32>,
        %swap3A_326 = vector.shape_cast %swap3A_325 : vector<16xi32> to vector<16xi32>
        %swap3A_327 = vector.shape_cast %select_n3A_321 : vector<16xi32> to vector<16xi32>
        tpu.vector_store %arg16[%swap3A_324], %swap3A_327 {strides = array<i32>} : memref<9216xi32, #tpu.memory_space<vmem>>, vector<16xi32>,
        %mul3A_328 = arith.mulf %mul3A_193, %max3A_227 : vector<16xf32>
        %add3A_329 = arith.constant 3072 : i32
        %add3A_330 = arith.addi %add3A_329, %mul3A_88 : i32
        %swap3A_331 = arith.index_cast %add3A_330 : i32 to index
        %swap3A_332 = tpu.vector_load %arg15[%swap3A_331] {strides = array<i32>} : memref<9216xf32, #tpu.memory_space<vmem>>, vector<16xf32>,
        %swap3A_333 = vector.shape_cast %swap3A_332 : vector<16xf32> to vector<16xf32>
        %swap3A_334 = vector.shape_cast %mul3A_328 : vector<16xf32> to vector<16xf32>
        tpu.vector_store %arg15[%swap3A_331], %swap3A_334 {strides = array<i32>} : memref<9216xf32, #tpu.memory_space<vmem>>, vector<16xf32>,
        %ne3A_335 = arith.constant 0.000000e+00 : f32
        %ne3A_336 = vector.broadcast %ne3A_335 : f32 to vector<16xf32>
        %ne3A_337 = arith.cmpf one, %mul3A_328, %ne3A_336 : vector<16xf32>
        %add3A_338 = arith.addi %mul3A_196, %min3A_233 : vector<16xi32>
        %jit3A_339 = arith.constant -1 : i32
        %broadcast_in_dim3A_340 = vector.broadcast %jit3A_339 : i32 to vector<16xi32>
        %select_n3A_341 = arith.select %ne3A_337, %add3A_338, %broadcast_in_dim3A_340 : vector<16xi1>, vector<16xi32>
        %add3A_342 = arith.constant 3072 : i32
        %add3A_343 = arith.addi %add3A_342, %mul3A_88 : i32
        %swap3A_344 = arith.index_cast %add3A_343 : i32 to index
        %swap3A_345 = tpu.vector_load %arg16[%swap3A_344] {strides = array<i32>} : memref<9216xi32, #tpu.memory_space<vmem>>, vector<16xi32>,
        %swap3A_346 = vector.shape_cast %swap3A_345 : vector<16xi32> to vector<16xi32>
        %swap3A_347 = vector.shape_cast %select_n3A_341 : vector<16xi32> to vector<16xi32>
        tpu.vector_store %arg16[%swap3A_344], %swap3A_347 {strides = array<i32>} : memref<9216xi32, #tpu.memory_space<vmem>>, vector<16xi32>,
        %mul3A_348 = arith.mulf %mul3A_193, %max3A_245 : vector<16xf32>
        %add3A_349 = arith.constant 4096 : i32
        %add3A_350 = arith.addi %add3A_349, %mul3A_88 : i32
        %swap3A_351 = arith.index_cast %add3A_350 : i32 to index
        %swap3A_352 = tpu.vector_load %arg15[%swap3A_351] {strides = array<i32>} : memref<9216xf32, #tpu.memory_space<vmem>>, vector<16xf32>,
        %swap3A_353 = vector.shape_cast %swap3A_352 : vector<16xf32> to vector<16xf32>
        %swap3A_354 = vector.shape_cast %mul3A_348 : vector<16xf32> to vector<16xf32>
        tpu.vector_store %arg15[%swap3A_351], %swap3A_354 {strides = array<i32>} : memref<9216xf32, #tpu.memory_space<vmem>>, vector<16xf32>,
        %ne3A_355 = arith.constant 0.000000e+00 : f32
        %ne3A_356 = vector.broadcast %ne3A_355 : f32 to vector<16xf32>
        %ne3A_357 = arith.cmpf one, %mul3A_348, %ne3A_356 : vector<16xf32>
        %add3A_358 = arith.addi %mul3A_196, %min3A_251 : vector<16xi32>
        %jit3A_359 = arith.constant -1 : i32
        %broadcast_in_dim3A_360 = vector.broadcast %jit3A_359 : i32 to vector<16xi32>
        %select_n3A_361 = arith.select %ne3A_357, %add3A_358, %broadcast_in_dim3A_360 : vector<16xi1>, vector<16xi32>
        %add3A_362 = arith.constant 4096 : i32
        %add3A_363 = arith.addi %add3A_362, %mul3A_88 : i32
        %swap3A_364 = arith.index_cast %add3A_363 : i32 to index
        %swap3A_365 = tpu.vector_load %arg16[%swap3A_364] {strides = array<i32>} : memref<9216xi32, #tpu.memory_space<vmem>>, vector<16xi32>,
        %swap3A_366 = vector.shape_cast %swap3A_365 : vector<16xi32> to vector<16xi32>
        %swap3A_367 = vector.shape_cast %select_n3A_361 : vector<16xi32> to vector<16xi32>
        tpu.vector_store %arg16[%swap3A_364], %swap3A_367 {strides = array<i32>} : memref<9216xi32, #tpu.memory_space<vmem>>, vector<16xi32>,
        %mul3A_368 = arith.mulf %mul3A_193, %max3A_263 : vector<16xf32>
        %add3A_369 = arith.constant 5120 : i32
        %add3A_370 = arith.addi %add3A_369, %mul3A_88 : i32
        %swap3A_371 = arith.index_cast %add3A_370 : i32 to index
        %swap3A_372 = tpu.vector_load %arg15[%swap3A_371] {strides = array<i32>} : memref<9216xf32, #tpu.memory_space<vmem>>, vector<16xf32>,
        %swap3A_373 = vector.shape_cast %swap3A_372 : vector<16xf32> to vector<16xf32>
        %swap3A_374 = vector.shape_cast %mul3A_368 : vector<16xf32> to vector<16xf32>
        tpu.vector_store %arg15[%swap3A_371], %swap3A_374 {strides = array<i32>} : memref<9216xf32, #tpu.memory_space<vmem>>, vector<16xf32>,
        %ne3A_375 = arith.constant 0.000000e+00 : f32
        %ne3A_376 = vector.broadcast %ne3A_375 : f32 to vector<16xf32>
        %ne3A_377 = arith.cmpf one, %mul3A_368, %ne3A_376 : vector<16xf32>
        %add3A_378 = arith.addi %mul3A_196, %min3A_269 : vector<16xi32>
        %jit3A_379 = arith.constant -1 : i32
        %broadcast_in_dim3A_380 = vector.broadcast %jit3A_379 : i32 to vector<16xi32>
        %select_n3A_381 = arith.select %ne3A_377, %add3A_378, %broadcast_in_dim3A_380 : vector<16xi1>, vector<16xi32>
        %add3A_382 = arith.constant 5120 : i32
        %add3A_383 = arith.addi %add3A_382, %mul3A_88 : i32
        %swap3A_384 = arith.index_cast %add3A_383 : i32 to index
        %swap3A_385 = tpu.vector_load %arg16[%swap3A_384] {strides = array<i32>} : memref<9216xi32, #tpu.memory_space<vmem>>, vector<16xi32>,
        %swap3A_386 = vector.shape_cast %swap3A_385 : vector<16xi32> to vector<16xi32>
        %swap3A_387 = vector.shape_cast %select_n3A_381 : vector<16xi32> to vector<16xi32>
        tpu.vector_store %arg16[%swap3A_384], %swap3A_387 {strides = array<i32>} : memref<9216xi32, #tpu.memory_space<vmem>>, vector<16xi32>,
        %mul3A_388 = arith.mulf %mul3A_197, %max3A_227 : vector<16xf32>
        %add3A_389 = arith.constant 6144 : i32
        %add3A_390 = arith.addi %add3A_389, %mul3A_88 : i32
        %swap3A_391 = arith.index_cast %add3A_390 : i32 to index
        %swap3A_392 = tpu.vector_load %arg15[%swap3A_391] {strides = array<i32>} : memref<9216xf32, #tpu.memory_space<vmem>>, vector<16xf32>,
        %swap3A_393 = vector.shape_cast %swap3A_392 : vector<16xf32> to vector<16xf32>
        %swap3A_394 = vector.shape_cast %mul3A_388 : vector<16xf32> to vector<16xf32>
        tpu.vector_store %arg15[%swap3A_391], %swap3A_394 {strides = array<i32>} : memref<9216xf32, #tpu.memory_space<vmem>>, vector<16xf32>,
        %ne3A_395 = arith.constant 0.000000e+00 : f32
        %ne3A_396 = vector.broadcast %ne3A_395 : f32 to vector<16xf32>
        %ne3A_397 = arith.cmpf one, %mul3A_388, %ne3A_396 : vector<16xf32>
        %add3A_398 = arith.addi %mul3A_200, %min3A_233 : vector<16xi32>
        %jit3A_399 = arith.constant -1 : i32
        %broadcast_in_dim3A_400 = vector.broadcast %jit3A_399 : i32 to vector<16xi32>
        %select_n3A_401 = arith.select %ne3A_397, %add3A_398, %broadcast_in_dim3A_400 : vector<16xi1>, vector<16xi32>
        %add3A_402 = arith.constant 6144 : i32
        %add3A_403 = arith.addi %add3A_402, %mul3A_88 : i32
        %swap3A_404 = arith.index_cast %add3A_403 : i32 to index
        %swap3A_405 = tpu.vector_load %arg16[%swap3A_404] {strides = array<i32>} : memref<9216xi32, #tpu.memory_space<vmem>>, vector<16xi32>,
        %swap3A_406 = vector.shape_cast %swap3A_405 : vector<16xi32> to vector<16xi32>
        %swap3A_407 = vector.shape_cast %select_n3A_401 : vector<16xi32> to vector<16xi32>
        tpu.vector_store %arg16[%swap3A_404], %swap3A_407 {strides = array<i32>} : memref<9216xi32, #tpu.memory_space<vmem>>, vector<16xi32>,
        %mul3A_408 = arith.mulf %mul3A_197, %max3A_245 : vector<16xf32>
        %add3A_409 = arith.constant 7168 : i32
        %add3A_410 = arith.addi %add3A_409, %mul3A_88 : i32
        %swap3A_411 = arith.index_cast %add3A_410 : i32 to index
        %swap3A_412 = tpu.vector_load %arg15[%swap3A_411] {strides = array<i32>} : memref<9216xf32, #tpu.memory_space<vmem>>, vector<16xf32>,
        %swap3A_413 = vector.shape_cast %swap3A_412 : vector<16xf32> to vector<16xf32>
        %swap3A_414 = vector.shape_cast %mul3A_408 : vector<16xf32> to vector<16xf32>
        tpu.vector_store %arg15[%swap3A_411], %swap3A_414 {strides = array<i32>} : memref<9216xf32, #tpu.memory_space<vmem>>, vector<16xf32>,
        %ne3A_415 = arith.constant 0.000000e+00 : f32
        %ne3A_416 = vector.broadcast %ne3A_415 : f32 to vector<16xf32>
        %ne3A_417 = arith.cmpf one, %mul3A_408, %ne3A_416 : vector<16xf32>
        %add3A_418 = arith.addi %mul3A_200, %min3A_251 : vector<16xi32>
        %jit3A_419 = arith.constant -1 : i32
        %broadcast_in_dim3A_420 = vector.broadcast %jit3A_419 : i32 to vector<16xi32>
        %select_n3A_421 = arith.select %ne3A_417, %add3A_418, %broadcast_in_dim3A_420 : vector<16xi1>, vector<16xi32>
        %add3A_422 = arith.constant 7168 : i32
        %add3A_423 = arith.addi %add3A_422, %mul3A_88 : i32
        %swap3A_424 = arith.index_cast %add3A_423 : i32 to index
        %swap3A_425 = tpu.vector_load %arg16[%swap3A_424] {strides = array<i32>} : memref<9216xi32, #tpu.memory_space<vmem>>, vector<16xi32>,
        %swap3A_426 = vector.shape_cast %swap3A_425 : vector<16xi32> to vector<16xi32>
        %swap3A_427 = vector.shape_cast %select_n3A_421 : vector<16xi32> to vector<16xi32>
        tpu.vector_store %arg16[%swap3A_424], %swap3A_427 {strides = array<i32>} : memref<9216xi32, #tpu.memory_space<vmem>>, vector<16xi32>,
        %mul3A_428 = arith.mulf %mul3A_197, %max3A_263 : vector<16xf32>
        %add3A_429 = arith.constant 8192 : i32
        %add3A_430 = arith.addi %add3A_429, %mul3A_88 : i32
        %swap3A_431 = arith.index_cast %add3A_430 : i32 to index
        %swap3A_432 = tpu.vector_load %arg15[%swap3A_431] {strides = array<i32>} : memref<9216xf32, #tpu.memory_space<vmem>>, vector<16xf32>,
        %swap3A_433 = vector.shape_cast %swap3A_432 : vector<16xf32> to vector<16xf32>
        %swap3A_434 = vector.shape_cast %mul3A_428 : vector<16xf32> to vector<16xf32>
        tpu.vector_store %arg15[%swap3A_431], %swap3A_434 {strides = array<i32>} : memref<9216xf32, #tpu.memory_space<vmem>>, vector<16xf32>,
        %ne3A_435 = arith.constant 0.000000e+00 : f32
        %ne3A_436 = vector.broadcast %ne3A_435 : f32 to vector<16xf32>
        %ne3A_437 = arith.cmpf one, %mul3A_428, %ne3A_436 : vector<16xf32>
        %add3A_438 = arith.addi %mul3A_200, %min3A_269 : vector<16xi32>
        %jit3A_439 = arith.constant -1 : i32
        %broadcast_in_dim3A_440 = vector.broadcast %jit3A_439 : i32 to vector<16xi32>
        %select_n3A_441 = arith.select %ne3A_437, %add3A_438, %broadcast_in_dim3A_440 : vector<16xi1>, vector<16xi32>
        %add3A_442 = arith.constant 8192 : i32
        %add3A_443 = arith.addi %add3A_442, %mul3A_88 : i32
        %swap3A_444 = arith.index_cast %add3A_443 : i32 to index
        %swap3A_445 = tpu.vector_load %arg16[%swap3A_444] {strides = array<i32>} : memref<9216xi32, #tpu.memory_space<vmem>>, vector<16xi32>,
        %swap3A_446 = vector.shape_cast %swap3A_445 : vector<16xi32> to vector<16xi32>
        %swap3A_447 = vector.shape_cast %select_n3A_441 : vector<16xi32> to vector<16xi32>
        tpu.vector_store %arg16[%swap3A_444], %swap3A_447 {strides = array<i32>} : memref<9216xi32, #tpu.memory_space<vmem>>, vector<16xi32>,
      }
      %scan3A_80 = arith.constant 64 : i32
      %dma_wait3A_81 = arith.constant 0 : i32
      %dma_wait3A_82 = tpu.memref_slice %arg23[%dma_wait3A_81] : memref<262144xf32, #tpu.memory_space<vmem_shared>> -> memref<262144xf32, #tpu.memory_space<vmem_shared>>
      tpu.wait_indirect_dma semaphore(%arg21 : memref<!tpu.dma_semaphore, #tpu.memory_space<semaphore_mem>>) src(%arg13 : memref<9216xf32, #tpu.memory_space<vmem>>) dst(%dma_wait3A_82 : memref<262144xf32, #tpu.memory_space<vmem_shared>>)
      %dma_start3A_83 = arith.constant 0 : i32
      %dma_start3A_84 = tpu.memref_slice %arg23[%dma_start3A_83] : memref<262144xf32, #tpu.memory_space<vmem_shared>> -> memref<262144xf32, #tpu.memory_space<vmem_shared>>
      %dma_start3A_85 = arith.constant -1 : i32
      tpu.enqueue_indirect_dma source(%arg15 : memref<9216xf32, #tpu.memory_space<vmem>>) target(%dma_start3A_84 : memref<262144xf32, #tpu.memory_space<vmem_shared>>) offsets(%arg16 : memref<9216xi32, #tpu.memory_space<vmem>>) offset_filter(%dma_start3A_85) semaphore(%arg21 : memref<!tpu.dma_semaphore, #tpu.memory_space<semaphore_mem>>) {add = true}
    }
    %scan3A_33 = arith.constant 3 : i32
    %dma_wait3A_34 = arith.constant 0 : i32
    %dma_wait3A_35 = tpu.memref_slice %arg23[%dma_wait3A_34] : memref<262144xf32, #tpu.memory_space<vmem_shared>> -> memref<262144xf32, #tpu.memory_space<vmem_shared>>
    tpu.wait_indirect_dma semaphore(%arg21 : memref<!tpu.dma_semaphore, #tpu.memory_space<semaphore_mem>>) src(%arg15 : memref<9216xf32, #tpu.memory_space<vmem>>) dst(%dma_wait3A_35 : memref<262144xf32, #tpu.memory_space<vmem_shared>>)
    %dma_wait3A_36 = arith.constant 0 : i32
    %dma_wait3A_37 = tpu.memref_slice %arg23[%dma_wait3A_36] : memref<262144xf32, #tpu.memory_space<vmem_shared>> -> memref<262144xf32, #tpu.memory_space<vmem_shared>>
    tpu.wait_indirect_dma semaphore(%arg22 : memref<!tpu.dma_semaphore, #tpu.memory_space<semaphore_mem>>) src(%arg17 : memref<20480xf32, #tpu.memory_space<vmem>>) dst(%dma_wait3A_37 : memref<262144xf32, #tpu.memory_space<vmem_shared>>)
    %barrier3A_38 = arith.constant 0 : index
    tpu.barrier barrier_id(%barrier3A_38)
    %mul3A_39 = arith.constant 16384 : i32
    %mul3A_40 = arith.muli %arg1, %mul3A_39 : i32
    %mul3A_41 = arith.constant 16384 : i32
    %mul3A_42 = arith.muli %arg1, %mul3A_41 : i32
    "tpu.region"() ({
      %run_scoped3A = tpu.sem_alloc : memref<!tpu.dma_semaphore, #tpu.memory_space<semaphore_mem>>
      %dma_start3A_43 = tpu.memref_slice %arg8[%arg0, %mul3A_42] : memref<2x262144xf32, #tpu.memory_space<hbm>> -> memref<1x16384xf32, #tpu.memory_space<hbm>>
      %dma_start3A_44 = tpu.memref_squeeze %dma_start3A_43 : memref<1x16384xf32, #tpu.memory_space<hbm>> -> memref<16384xf32, #tpu.memory_space<hbm>>
      %dma_start3A_45 = tpu.memref_slice %arg23[%mul3A_40] : memref<262144xf32, #tpu.memory_space<vmem_shared>> -> memref<16384xf32, #tpu.memory_space<vmem_shared>>
      tpu.enqueue_dma source(%dma_start3A_45 : memref<16384xf32, #tpu.memory_space<vmem_shared>>) target(%dma_start3A_44 : memref<16384xf32, #tpu.memory_space<hbm>>) target_semaphore(%run_scoped3A : memref<!tpu.dma_semaphore, #tpu.memory_space<semaphore_mem>>)
      %dma_wait3A_46 = tpu.memref_slice %arg8[%arg0, %mul3A_42] : memref<2x262144xf32, #tpu.memory_space<hbm>> -> memref<1x16384xf32, #tpu.memory_space<hbm>>
      %dma_wait3A_47 = tpu.memref_squeeze %dma_wait3A_46 : memref<1x16384xf32, #tpu.memory_space<hbm>> -> memref<16384xf32, #tpu.memory_space<hbm>>
      %dma_wait3A_48 = tpu.memref_slice %arg23[%mul3A_40] : memref<262144xf32, #tpu.memory_space<vmem_shared>> -> memref<16384xf32, #tpu.memory_space<vmem_shared>>
      tpu.wait_dma2 semaphore(%run_scoped3A : memref<!tpu.dma_semaphore, #tpu.memory_space<semaphore_mem>>) src(%dma_wait3A_48 : memref<16384xf32, #tpu.memory_space<vmem_shared>>) dst(%dma_wait3A_47 : memref<16384xf32, #tpu.memory_space<hbm>>)
      tpu.yield
    }) : () -> ()
    return
  }
}

module attributes {stable_mosaic.version = 14 : i64} {
  func.func @_reduce_kernel(%arg0: memref<1024x512xf32, #tpu.memory_space<vmem>>, %arg1: memref<1x1xf32, #tpu.memory_space<vmem>>, %arg2: memref<1x1xf32, #tpu.memory_space<vmem>>) attributes {dimension_semantics = [], scalar_prefetch = 0 : i64, scratch_operands = 0 : i64, tpu.core_type = #tpu.core_type<tc>} {
    %get3A = arith.constant 0 : index
    %get3A_0 = arith.constant 0 : index
    %get3A_1 = vector.load %arg0[%get3A, %get3A_0] : memref<1024x512xf32, #tpu.memory_space<vmem>>, vector<1024x512xf32>
    %slice3A = vector.extract_strided_slice %get3A_1 {offsets = [0, 0], sizes = [512, 512], strides = [1, 1]} : vector<1024x512xf32> to vector<512x512xf32>
    %slice3A_2 = vector.extract_strided_slice %get3A_1 {offsets = [512, 0], sizes = [512, 512], strides = [1, 1]} : vector<1024x512xf32> to vector<512x512xf32>
    %add3A = arith.addf %slice3A, %slice3A_2 : vector<512x512xf32>
    %sub3A = arith.constant 3.43322754 : f32
    %sub3A_3 = vector.broadcast %sub3A : f32 to vector<512x512xf32>
    %sub3A_4 = arith.subf %add3A, %sub3A_3 : vector<512x512xf32>
    %max3A = arith.constant 0.000000e+00 : f32
    %max3A_5 = vector.broadcast %max3A : f32 to vector<512x512xf32>
    %max3A_6 = arith.maximumf %sub3A_4, %max3A_5 : vector<512x512xf32>
    %reduce_sum3A = vector.shape_cast %max3A_6 : vector<512x512xf32> to vector<1x512x512xf32>
    %reduce_sum3A_7 = arith.constant dense<0.000000e+00> : vector<1xf32>
    %reduce_sum3A_8 = vector.multi_reduction <add>, %reduce_sum3A, %reduce_sum3A_7 [1, 2] : vector<1x512x512xf32> to vector<1xf32>
    %reduce_sum3A_9 = vector.shape_cast %reduce_sum3A_8 : vector<1xf32> to vector<1x1x1xf32>
    %reduce_sum3A_10 = vector.extract %reduce_sum3A_9[0, 0, 0] : f32 from vector<1x1x1xf32>
    %broadcast_in_dim3A = vector.broadcast %reduce_sum3A_10 : f32 to vector<1x1xf32>
    %swap3A = arith.constant 0 : index
    %swap3A_11 = arith.constant 0 : index
    %swap3A_12 = vector.load %arg1[%swap3A, %swap3A_11] : memref<1x1xf32, #tpu.memory_space<vmem>>, vector<1x1xf32>
    tpu.vector_store %arg1[%swap3A, %swap3A_11], %broadcast_in_dim3A {strides = array<i32>} : memref<1x1xf32, #tpu.memory_space<vmem>>, vector<1x1xf32>,
    %reduce_max3A = vector.shape_cast %add3A : vector<512x512xf32> to vector<1x512x512xf32>
    %reduce_max3A_13 = arith.constant dense<0xFF800000> : vector<1xf32>
    %reduce_max3A_14 = vector.multi_reduction <maximumf>, %reduce_max3A, %reduce_max3A_13 [1, 2] : vector<1x512x512xf32> to vector<1xf32>
    %reduce_max3A_15 = vector.shape_cast %reduce_max3A_14 : vector<1xf32> to vector<1x1x1xf32>
    %reduce_max3A_16 = vector.extract %reduce_max3A_15[0, 0, 0] : f32 from vector<1x1x1xf32>
    %broadcast_in_dim3A_17 = vector.broadcast %reduce_max3A_16 : f32 to vector<1x1xf32>
    %div3A = arith.constant 3.81469727 : f32
    %div3A_18 = vector.broadcast %div3A : f32 to vector<1x1xf32>
    %div3A_19 = arith.divf %broadcast_in_dim3A_17, %div3A_18 : vector<1x1xf32>
    %swap3A_20 = arith.constant 0 : index
    %swap3A_21 = arith.constant 0 : index
    %swap3A_22 = vector.load %arg2[%swap3A_20, %swap3A_21] : memref<1x1xf32, #tpu.memory_space<vmem>>, vector<1x1xf32>
    tpu.vector_store %arg2[%swap3A_20, %swap3A_21], %div3A_19 {strides = array<i32>} : memref<1x1xf32, #tpu.memory_space<vmem>>, vector<1x1xf32>,
    return
  }
}

</mosaic_0001>

<sc_bundles>
// kernel: kernel.4.cloned.1.call-start
scs
__scs_entry_jumppad:
0x0: {  	(pc) =	sbr.rel $0x88, $3  }
0x1: {  	(tag) =	ssettag $0x0;
	lr =	simm.s32 $0x1  }
0x2: {  	[smem:$0x3F9E] =	sst lr;
	_ =	strace $0xD0000000  }
0x3: {  	_ = 	snop  }
0x4: {  	_ = 	snop  }
0x5: {  	_ = 	snop  }
0x6: {  	_ = 	snop  }
0x7: {  	_ = 	snop  }
__scs_overlays_trampoline_lowered:
0x8: {  	[smem:$0x3FAD] =	sst s0  }
0x9: {  	[smem:$0x3FAE] =	sst s1  }
0xa: {  	[smem:$0x3FAF] =	sst s2  }
0xb: {  	[smem:$0x3FB0] =	sst s3  }
0xc: {  	[smem:$0x3FB1] =	sst s4  }
0xd: {  	[smem:$0x3FB2] =	sst s5  }
0xe: {  	[smem:$0x3FB3] =	sst s6  }
0xf: {  	[smem:$0x3FB4] =	sst s7  }
0x10: {  	[smem:$0x3FB5] =	sst s8  }
0x11: {  	[smem:$0x3FB6] =	sst s9;
	s0 =	simm.s32 @!p0 $0x0  }
0x12: {  	s1 =	sld [smem:$0x3F9C];
	s0 =	simm.s32 @p0 $0x1  }
0x13: {  	[smem:$0x3FB7] =	sst s0;
	s0 =	simm.s32 @!p1 $0x0  }
0x14: {  	s2 =	sld [smem:$0x3F9B];
	s0 =	simm.s32 @p1 $0x1  }
0x15: {  	[smem:$0x3FB8] =	sst s0;
	s0 =	simm.s32 @!p2 $0x0  }
0x16: {  	s3 =	sld [smem:$0x3FDB];
	s0 =	simm.s32 @p2 $0x1  }
0x17: {  	s4 =	simm.s32 $0x1BF5;
	[smem:$0x3FBA] =	sst s0  }
0x18: {  	s0 =	sld [smem:$0x3F9D];
	_ =	swait.ge [sflag:s4], $0x0  }
0x19: {  	s7 =	sld [smem:$0x3F9E]  }
0x1a: {  	s8 =	sadd.s32 $0xFFFFE003, lr  }
0x1b: {  	s9 =	sadd.s32 $0xFFFFFEF7, lr;
	s5 =	simm.s32 $0xFFFFFFFF;
	p2 =	slt.u32 s8, $0xFFFFF086  }
0x1c: {  	p1 =	slt.u32 s9, $0xF7A;
	s5 =	simm.s32 @!p2 $0x0  }
0x1d: {  	s5 =	simm.s32 @p1 $0x1;
	p0 =	seq.s32 s7, s2  }
0x1e: {  	s7 =	smul.u32 @!p0 $0xF7A, s2;
	p2 =	seq.s32 @!p0 s5, $0x0  }
0x1f: {  	s9 =	smul.u32 $0xF7A, s1;
	s8 =	simm.s32 @!p0 $0x1BF5;
	p2 =	por !p2, p0  }
0x20: {  	[sflag:s8] =	ssyncset.s32 @!p0 $0xFFFFF086;
	s6 =	sadd.s32 @!p0 s3, s7;
	s7 =	simm.s32 @!p0 $0x108  }
0x21: {  	s3 =	sadd.s32 s3, s9;
	s6 =	sadd.s32 @!p0 $0x88, s6;
	s7 =	simm.s32 @p2 $0x1082  }
0x22: {  	[simem:s7], [sflag:s8] =	dma.local @!p0 [hbm:s6], $0xF7A  }
0x23: {  	s9 =	sor.u32 $0xD0000000, s2;
	s6 =	simm.s32 $0x108;
	_ =	swait.ge @!p0 [sflag:s8], $0x0  }
0x24: {  	s3 =	sadd.s32 $0x88, s3;
	s6 =	simm.s32 @!p1 $0x1082;
	[sflag:s4] =	ssyncset.s32 $0xFFFFF086  }
0x25: {  	[simem:s6], [sflag:s4] =	dma.local [hbm:s3], $0xF7A  }
0x26: {  	[smem:$0x3F9E] =	sst s1;
	(tag) =	ssettag s2;
	_ =	strace s9  }
0x27: {  	s1 =	sld [smem:$0x3FAE]  }
0x28: {  	s2 =	sld [smem:$0x3FAF]  }
0x29: {  	s4 =	sld [smem:$0x3FB1]  }
0x2a: {  	p0 =	seq.s32 s5, $0x0;
	s5 =	sld [smem:$0x3FB2]  }
0x2b: {  	s6 =	sld [smem:$0x3FB3]  }
0x2c: {  	s7 =	sld [smem:$0x3FB4]  }
0x2d: {  	s3 =	simm.s32 $0x108;
	s8 =	sld [smem:$0x3FB5]  }
0x2e: {  	s3 =	simm.s32 @!p0 $0x1082;
	s9 =	sld [smem:$0x3FB6]  }
0x2f: {  	lr =	sadd.s32 s0, s3;
	s0 =	sld [smem:$0x3FAD]  }
0x30: {  	s3 =	sld [smem:$0x3FB0]  }
0x31: {  	[smem:$0x3FB9] =	sst s10  }
0x32: {  	s10 =	sld [smem:$0x3FB7];
	_ =	sdelay $0x3  }
0x33: {  	p0 =	seq.s32 s10, $0x1;
	s10 =	sld [smem:$0x3FB9];
	_ =	sdelay $0x3  }
0x34: {  	[smem:$0x3FB9] =	sst s10  }
0x35: {  	s10 =	sld [smem:$0x3FB8];
	_ =	sdelay $0x3  }
0x36: {  	p1 =	seq.s32 s10, $0x1;
	s10 =	sld [smem:$0x3FB9];
	_ =	sdelay $0x3  }
0x37: {  	[smem:$0x3FB9] =	sst s10  }
0x38: {  	s10 =	sld [smem:$0x3FBA]  }
0x39: {  	_ = 	snop;
	(pc) =	sbr.ind lr, $3  }
0x3a: {  	_ = 	snop  }
0x3b: {  	_ = 	snop  }
0x3c: {  	p2 =	seq.s32 s10, $0x1;
	s10 =	sld [smem:$0x3FB9]  }
0x3d: {  	_ =	shalt  }
0x3e: {  	_ =	shalt  }
0x3f: {  	_ =	shalt  }
0x40: {  	_ =	shalt  }
0x41: {  	_ =	shalt  }
0x42: {  	_ =	shalt  }
0x43: {  	_ =	shalt  }
0x44: {  	_ =	shalt  }
0x45: {  	_ =	shalt  }
0x46: {  	_ =	shalt  }
0x47: {  	_ =	shalt  }
0x48: {  	_ =	shalt  }
0x49: {  	_ =	shalt  }
0x4a: {  	_ =	shalt  }
0x4b: {  	_ =	shalt  }
0x4c: {  	_ =	shalt  }
0x4d: {  	_ =	shalt  }
0x4e: {  	_ =	shalt  }
0x4f: {  	_ =	shalt  }
0x50: {  	_ =	shalt  }
0x51: {  	_ =	shalt  }
0x52: {  	_ =	shalt  }
0x53: {  	_ =	shalt  }
0x54: {  	_ =	shalt  }
0x55: {  	_ =	shalt  }
0x56: {  	_ =	shalt  }
0x57: {  	_ =	shalt  }
0x58: {  	_ =	shalt  }
0x59: {  	_ =	shalt  }
0x5a: {  	_ =	shalt  }
0x5b: {  	_ =	shalt  }
0x5c: {  	_ =	shalt  }
0x5d: {  	_ =	shalt  }
0x5e: {  	_ =	shalt  }
0x5f: {  	_ =	shalt  }
0x60: {  	_ =	shalt  }
0x61: {  	_ =	shalt  }
0x62: {  	_ =	shalt  }
0x63: {  	_ =	shalt  }
0x64: {  	_ =	shalt  }
0x65: {  	_ =	shalt  }
0x66: {  	_ =	shalt  }
0x67: {  	_ =	shalt  }
0x68: {  	_ =	shalt  }
0x69: {  	_ =	shalt  }
0x6a: {  	_ =	shalt  }
0x6b: {  	_ =	shalt  }
0x6c: {  	_ =	shalt  }
0x6d: {  	_ =	shalt  }
0x6e: {  	_ =	shalt  }
0x6f: {  	_ =	shalt  }
0x70: {  	_ =	shalt  }
0x71: {  	_ =	shalt  }
0x72: {  	_ =	shalt  }
0x73: {  	_ =	shalt  }
0x74: {  	_ =	shalt  }
0x75: {  	_ =	shalt  }
0x76: {  	_ =	shalt  }
0x77: {  	_ =	shalt  }
0x78: {  	_ =	shalt  }
0x79: {  	_ =	shalt  }
0x7a: {  	_ =	shalt  }
0x7b: {  	_ =	shalt  }
0x7c: {  	_ =	shalt  }
0x7d: {  	_ =	shalt  }
0x7e: {  	_ =	shalt  }
0x7f: {  	_ =	shalt  }
0x80: {  	_ =	shalt  }
0x81: {  	_ =	shalt  }
0x82: {  	_ =	shalt  }
0x83: {  	_ =	shalt  }
0x84: {  	_ =	shalt  }
0x85: {  	_ =	shalt  }
0x86: {  	_ =	shalt  }
0x87: {  	_ =	shalt  }
.Lfunc_end0:
.L_simem_size_0:
called_computation_lowered:
.L_overlay_start_0:
0x88: {  	s2 =	sld [smem:$0x3FD9]  }
0x89: {  	s3 =	sld [smem:$0x3FFE];
	_ =	sdelay $0x1  }
0x8a: {  	s1 =	srdreg.scid  }
0x8b: {  	s0 =	sand.u32 $0x1, s1  }
0x8c: {  	s14 =	sshll.u32 s0, $0xA;
	s2 =	sadd.s32 s3, s2  }
0x8d: {  	s2 =	sadd.s32 s2, s14  }
0x8e: {  	[smem:$0x3FC5] =	sst s2  }
0x8f: {  	_ = 	snop  }
0x90: {  	s2 =	sld [smem:$0x3FD0];
	_ =	sdelay $0x2  }
0x91: {  	s15 =	simm.s32 $0xA;
	s4 =	simm.s32 $0x10  }
0x92: {  	[smem:s4], [sflag:s15] =	dma.local [hbm:s2], $0x1  }
0x93: {  	_ =	swait.eq [sflag:s15], $0x1  }
0x94: {  	[sflag:s15] =	ssyncset.done $0x0  }
0x95: {  	s16 =	sld [smem:$0x10];
	[sflag:s15] =	ssyncadd.s32 $0xFFFFFFFF  }
0x96: {  	s17 =	sld [smem:$0x11];
	(tm) =	ssettm $0x1  }
0x97: {  	s18 =	sld [smem:$0x3FFB];
	_ =	sdelay $0x3  }
0x98: {  	_ =	strace s18  }
0x99: {  	s4 =	sld [smem:$0x3FFC];
	_ =	sdelay $0x3  }
0x9a: {  	_ =	strace s4  }
0x9b: {  	s4 =	sld [smem:$0x3FFD];
	_ =	sdelay $0x3  }
0x9c: {  	_ =	strace s4  }
0x9d: {  	_ =	strace $0x8FFFFFFF  }
0x9e: {  	s19 =	sld [smem:$0x3FDB];
	_ =	sdelay $0x1  }
0x9f: {  	s5 =	simm.s32 $_scs_section_size  }
0xa0: {  	s6 =	simm.s32 $_size__tile_overlayer_lowered;
	s7 =	simm.s32 $_tile_overlayer_lowered  }
0xa1: {  	s22 =	simm.s32 $0x1BFF;
	s21 =	sshll.u32 s7, $0x1;
	s4 =	sadd.s32 s5, s19  }
0xa2: {  	s8 =	simm.s32 $0x0;
	s20 =	sshll.u32 s6, $0x1;
	s6 =	sadd.s32 s21, s4  }
0xa3: {  	[timem:s8], [sflag:s22] =	dma.local [hbm:s6], s20  }
0xa4: {  	_ =	swait.ge [sflag:s22], s20  }
0xa5: {  	s5 =	ssub.s32 $0x0, s20;
	[sflag:s22] =	ssyncset.done $0x0  }
0xa6: {  	[sflag:s22] =	ssyncadd.s32 s5;
	_ =	sdelay $0x1  }
0xa7: {  	s23 =	simm.s32 $0x1B8B  }
0xa8: {  	_ =	swait.ge [sflag:s23], $0x1  }
0xa9: {  	[sflag:s23] =	ssyncset.done $0x0  }
0xaa: {  	s25 =	simm.s32 $0x1B8E;
	s24 =	sld [smem:$0x3FFE];
	[sflag:s23] =	ssyncadd.s32 $0xFFFFFFFF  }
0xab: {  	s26 =	simm.s32 $execute0_lowered;
	[smem:$0x3FD2] =	sst s25  }
0xac: {  	s6 =	sshll.u32 s26, $0x1;
	_ =	strace $0x80000046;
	[dreg:$0x1] =	wrdreg $0xFFFFFFFF  }
0xad: {  	s28 =	simm.s32 $_size_execute0_lowered;
	s4 =	sadd.s32 s4, s6;
	[dreg:$0x0] =	wrdreg $0x0  }
0xae: {  	s6 =	sshll.u32 s28, $0x1;
	[dreg:$0x2] =	wrdreg s4  }
0xaf: {  	[dreg:$0x3] =	wrdreg s6  }
0xb0: {  	[dreg:$0x4] =	wrdreg $0xC0  }
0xb1: {  	_ =	task [dreg:s8], $0x5FFFF  }
0xb2: {  	[dreg:$0x1] =	wrdreg $0xFFFFFFFF  }
0xb3: {  	[dreg:$0x0] =	wrdreg $0x60  }
0xb4: {  	[dreg:$0x2] =	wrdreg s24  }
0xb5: {  	[dreg:$0x3] =	wrdreg s17  }
0xb6: {  	[dreg:$0x4] =	wrdreg s16  }
0xb7: {  	[dreg:$0x5] =	wrdreg $0x141000  }
0xb8: {  	[dreg:$0x6] =	wrdreg $0x9  }
0xb9: {  	_ =	task.clear_ibuf [dreg:s8], $0x7FFFF;
	_ =	strace $0x90000046  }
0xba: {  	s29 =	simm.s32 $0x9;
	_ =	strace $0x80000048  }
0xbb: {  	_ =	swait.ge [sflag:s29], $0x1  }
0xbc: {  	[sflag:s29] =	ssyncadd.s32 $0xFFFFFFFF  }
0xbd: {  	_ =	strace $0x90000048  }
0xbe: {  	_ =	sfence  }
0xbf: {  	s30 =	sld [smem:$0x0];
	_ =	sdelay $0x2  }
0xc0: {  	s31 =	sshll.u32 s1, $0xD;
	s1 =	sshrl.u32 s1, $0x2  }
0xc1: {  	s3 =	sand.u32 $0x4000, s31;
	s1 =	sadd.s32 s1, s30  }
0xc2: {  	s0 =	sor.u32 s3, s0;
	s1 =	sshll.u32 s1, $0x11  }
0xc3: {  	s0 =	sor.u32 s1, s0  }
0xc4: {  	s0 =	sadd.s32 $0x8F2B, s0  }
0xc5: {  	[sflag:s0] =	ssyncadd.remote.s32 $0x1  }
0xc6: {  	_ =	sfence.sel $0xFFFF  }
0xc7: {  	[dreg:$0x0] =	wrdreg $0xFFFFFFFF;
	(pc) =	sbr.abs _section_cstart, $3  }
0xc8: {  	[dreg:$0x1] =	wrdreg $0xFFFFFFFF  }
0xc9: {  	_ =	task.clear_ibuf [dreg:s8], $0x2FFFF;
	_ =	strace $0x9FFFFFFF  }
0xca: {  	(tm) =	ssettm $0x7FFFFFFF  }
0xcb: {  	_ =	shalt  }
tec
execute0_lowered:
.L_overlay_start_1:
0x0: {  	(tag) =	ssettag $0x1  }
0x1: {  	s0 =	rddreg [dreg:$0x0]  }
0x2: {  	s3 =	rddreg [dreg:$0x3]  }
0x3: {  	s5 =	simm.s32 $0x0;
	s14 =	stileid.u32;
	s1 =	srdreg.scid  }
0x4: {  	s29 =	simm.s32 $0x400;
	s30 =	simm.s32 $0x800;
	s31 =	simm.s32 $0xC00  }
0x5: {  	s28 =	simm.s32 $0x1000;
	[smem:$0x7FF] =	sst s5;
	s6 =	sadd.s32 $0x2B800, s0  }
0x6: {  	s7 =	sadd.s32 $0x400, s0;
	s2 =	sshll.u32 s14, $0xB;
	s1 =	sand.u32 $0x1, s1  }
0x7: {  	s8 =	sadd.s32 $0x15E00, s0;
	s12 =	sshll.u32 s14, $0xE;
	s22 =	smul.u32 $0x140, s14  }
0x8: {  	s26 =	sshll.u32 s14, $0xC;
	s17 =	sshll.u32 s14, $0x6;
	s24 =	smul.u32 $0x1800, s14  }
0x9: {  	_ =	strace $0x80000047;
	s2 =	sadd.s32 s2, s0;
	s4 =	sshll.u32 s1, $0x4  }
0xa: {  	s9 =	ssub.s32 $0x2, s1;
	s13 =	sadd.s32 s12, s3;
	s23 =	smul.u32 $0x1400, s1  }
0xb: {  	s25 =	sshll.u32 s1, $0x12;
	s1 =	smul.u32 $0x18000, s1;
	s0 =	sadd.s32 s4, s0  }
0xc: {  	s4 =	sor.u32 s14, s4;
	s10 =	sshrl.u32 s9, $0x1;
	[dreg:$0x5] =	wrdreg s13  }
0xd: {  	s2 =	sadd.s32 $0x56800, s2;
	s11 =	smul.u32 $0x140, s4;
	s9 =	ssub.s32 s9, s10  }
0xe: {  	[dreg:$0x6] =	wrdreg s2;
	s20 =	smul.u32 $0x1800, s4;
	s16 =	sshll.u32 s4, $0xE  }
0xf: {  	s0 =	sadd.s32 s26, s0;
	s26 =	sor.u32 s25, s12;
	s25 =	simm.s32 $0x3  }
0x10: {  	s10 =	simm.s32 $0x0;
	s0 =	sadd.s32 $0x5E800, s0;
	s9 =	smax.u32 s9, $0x1  }
0x11: {  	s4 =	ssub.s32 $0x7A120, s26;
	s18 =	sshrl.u32 s11, $0x3;
	[dreg:$0xb] =	wrdreg s0  }
0x12: {  	s11 =	sor.u32 $0x1C03, s17;
	[dreg:$0xc] =	wrdreg s9;
	s0 =	sadd.s32 s1, s24  }
0x13: {  	s17 =	sadd.s32 $0x7C830, s20;
	[dreg:$0xe] =	wrdreg s4;
	s1 =	ssub.s32 $0x2E630, s0  }
0x14: {  	s19 =	sadd.s32 $0xF424, s18;
	s0 =	ssub.s32 $0x2E230, s0;
	[dreg:$0x10] =	wrdreg s1  }
0x15: {  	s13 =	sadd.s32 s6, s18;
	s15 =	sadd.s32 s6, s19;
	[dreg:$0x11] =	wrdreg s0  }
0x16: {  	s4 =	simm.s32 $0x7C00;
	s13 =	sadd.s32 $0x249F0, s13;
	[dreg:$0x7] =	wrdreg s15  }
0x17: {  	s9 =	simm.s32 $0x2;
	s2 =	sadd.s32 s8, s19;
	[dreg:$0x8] =	wrdreg s13  }
0x18: {  	s21 =	sadd.s32 s7, s19;
	[dreg:$0xa] =	wrdreg s2;
	s2 =	sadd.s32 s23, s22  }
0x19: {  	s0 =	simm.s32 $0x1;
	[dreg:$0x9] =	wrdreg s21;
	s2 =	ssub.s32 $0x2710, s2  }
0x1a: {  	s1 =	simm.s32 $0x5800;
	[dreg:$0xd] =	wrdreg s2;
	s2 =	ssub.s32 $0x79D20, s26  }
0x1b: {  	v0 =	vlaneseq.u32;
	v1 =	vimm.f32 $0.0e+00;
	s26 =	simm.s32 $0x3400;
	[dreg:$0xf] =	wrdreg s2;
	s2 =	simm.s32 $0x2400  }
.LBB2_1:
0x1c: {  	s12 =	rddreg [dreg:$0x5]  }
0x1d: {  	s13 =	rddreg [dreg:$0x6];
	s12 =	sshrl.u32 s12, $0x3  }
0x1e: {  	[spmem:s12], [sflag:s11] =	dma.local [hbm:s13], $0x800  }
0x1f: {  	_ =	swait.ge [sflag:s25], $0x800  }
0x20: {  	[sflag:s25] =	ssyncset.done $0x0  }
0x21: {  	[sflag:s25] =	ssyncadd.s32 $0xFFFFF800  }
0x22: {  	s14 =	simm.s32 $0x14000;
	s18 =	rddreg [dreg:$0x1]  }
0x23: {  	[tilespmem:s14], [sflag:$0x3] =	stream.linear.gather [hbm4b:s18+s5], $0x80, $0x38;
	[tilespmem:$0x18100] =	vst v63  }
0x24: {  	_ =	swait.ge [sflag:s25], $0x80  }
0x25: {  	[sflag:s25] =	ssyncset.done $0x0  }
0x26: {  	[sflag:s25] =	ssyncadd.s32 $0xFFFFFF80  }
0x27: {  	s20 =	simm.s32 $0x14080;
	s19 =	rddreg [dreg:$0x2]  }
0x28: {  	[tilespmem:s20], [sflag:$0x3] =	stream.linear.gather [hbm4b:s19+s5], $0x80, $0x38;
	[tilespmem:$0x18100] =	vst v63  }
0x29: {  	_ =	swait.ge [sflag:s25], $0x80  }
0x2a: {  	[sflag:s25] =	ssyncset.done $0x0  }
0x2b: {  	[sflag:s25] =	ssyncadd.s32 $0xFFFFFF80  }
0x2c: {  	[bflag:$0x0] =	sbarrier.arrive $0xFFFF  }
0x2d: {  	s21 =	rddreg [dreg:$0x7]  }
0x2e: {  	[tilespmem:s5], [sflag:$0x3] =	stream.linear.gather [hbm4b:s21+s5], $0x140, $0x38;
	[tilespmem:$0x18100] =	vst v63  }
0x2f: {  	_ =	swait.ge [sflag:s25], $0x140  }
0x30: {  	[sflag:s25] =	ssyncset.done $0x0  }
0x31: {  	s22 =	rddreg [dreg:$0x8];
	[sflag:s25] =	ssyncadd.s32 $0xFFFFFEC0  }
0x32: {  	[tilespmem:s29], [sflag:$0x3] =	stream.linear.gather [hbm4b:s22+s5], $0x140, $0x38;
	[tilespmem:$0x18100] =	vst v63  }
0x33: {  	_ =	swait.ge [sflag:s25], $0x140  }
0x34: {  	[sflag:s25] =	ssyncset.done $0x0  }
0x35: {  	s23 =	rddreg [dreg:$0x9];
	[sflag:s25] =	ssyncadd.s32 $0xFFFFFEC0  }
0x36: {  	[tilespmem:s30], [sflag:$0x3] =	stream.linear.gather [hbm4b:s23+s5], $0x140, $0x38;
	[tilespmem:$0x18100] =	vst v63  }
0x37: {  	_ =	swait.ge [sflag:s25], $0x140  }
0x38: {  	[sflag:s25] =	ssyncset.done $0x0  }
0x39: {  	s24 =	rddreg [dreg:$0xa];
	[sflag:s25] =	ssyncadd.s32 $0xFFFFFEC0  }
0x3a: {  	[tilespmem:s31], [sflag:$0x3] =	stream.linear.gather [hbm4b:s24+s5], $0x140, $0x38;
	[tilespmem:$0x18100] =	vst v63  }
0x3b: {  	_ =	swait.ge [sflag:s25], $0x140  }
0x3c: {  	s13 =	simm.s32 $0x0;
	[sflag:s25] =	ssyncset.done $0x0  }
0x3d: {  	s21 =	simm.s32 $0x0;
	s18 =	rddreg [dreg:$0xd];
	[sflag:s25] =	ssyncadd.s32 $0xFFFFFEC0  }
.LBB2_2:
0x3e: {  	s22 =	sshra.s32 s21, $0x2  }
0x3f: {  	v2 =	vld [tilespmem:s22+$0x0];
	_ =	sdelay $0x4  }
0x40: {  	v21 =	vld [tilespmem:s22+$0x400];
	v3 =	vmul.f32 $5.120000240e-01, v2;
	_ =	sdelay $0x1  }
0x41: {  	v4 =	vld [tilespmem:s22+$0x800];
	v3 =	vtrunc.f32 v3  }
0x42: {  	v3 =	vcvt.f32.s32 v3  }
0x43: {  	v7 =	vmov s18  }
0x44: {  	vm8 =	vgt.s32 v7, v0;
	v56 =	vmul.f32 $5.120000240e-01, v21;
	vm0 =	vgt.s32 v3, $0x0  }
0x45: {  	v12 =	vsel vm8, $0x3F666666, v1;
	v3 =	vnsel vm0, $0x0, v3  }
0x46: {  	v4 =	vadd.f32 v4, v2;
	v58 =	vtrunc.f32 v56;
	v5 =	vmin.u32 v3, $0x1FF  }
0x47: {  	v15 =	vmin.u32 v3, $0x1FE;
	v16 =	vmin.u32 v3, $0x1FD;
	v17 =	vmin.u32 v3, $0x1FC  }
0x48: {  	v19 =	vmin.u32 v3, $0x1FB;
	v60 =	vmin.u32 v3, $0x1FA;
	v61 =	vmin.u32 v3, $0x1F9  }
0x49: {  	v3 =	vmin.u32 v3, $0x1F8;
	v6 =	vcvt.s32.f32 v5;
	v32 =	vshll.u32 v5, $0x9  }
0x4a: {  	v62 =	vshll.u32 v15, $0x9;
	v16 =	vshll.u32 v16, $0x9;
	v23 =	vshll.u32 v19, $0x9  }
0x4b: {  	v36 =	vshll.u32 v60, $0x9;
	v38 =	vshll.u32 v61, $0x9;
	v6 =	vmul.f32 $1.953125000e+00, v6  }
0x4c: {  	v3 =	vshll.u32 v3, $0x9;
	v30 =	vadd.s32 $0x200, v62;
	v28 =	vadd.s32 $0x400, v16  }
0x4d: {  	v24 =	vadd.s32 $0x800, v23;
	v8 =	vadd.f32 $1.953125000e+00, v6;
	v45 =	vadd.f32 $3.906250000e+00, v6  }
0x4e: {  	v5 =	vadd.s32 $0xC00, v38;
	v13 =	vadd.f32 $5.859375000e+00, v6;
	v14 =	vadd.f32 $7.812500000e+00, v6  }
0x4f: {  	v10 =	vmax.f32 v2, v6;
	v53 =	vadd.f32 $9.765625000e+00, v6;
	v54 =	vadd.f32 $1.171875000e+01, v6  }
0x50: {  	v6 =	vadd.f32 $1.367187500e+01, v6;
	v9 =	vmin.f32 v4, v8;
	v11 =	vadd.f32 $1.953125000e+00, v8  }
0x51: {  	v46 =	vadd.f32 $1.953125000e+00, v45;
	v8 =	vmax.f32 v2, v8;
	v7 =	vmax.f32 v2, v45  }
0x52: {  	v47 =	vadd.f32 $1.953125000e+00, v13;
	v49 =	vmax.f32 v2, v13;
	v50 =	vadd.f32 $1.953125000e+00, v14  }
0x53: {  	v52 =	vmax.f32 v2, v14;
	v18 =	vadd.f32 $1.953125000e+00, v53;
	v20 =	vadd.f32 $1.953125000e+00, v54  }
0x54: {  	v14 =	vmax.f32 v2, v53;
	v22 =	vadd.f32 $1.953125000e+00, v6;
	v13 =	vmax.f32 v2, v54  }
0x55: {  	v2 =	vmax.f32 v2, v6;
	v9 =	vsub.f32 v9, v10;
	v11 =	vmin.f32 v4, v11  }
0x56: {  	v10 =	vmin.f32 v4, v46;
	v48 =	vmin.f32 v4, v47;
	v51 =	vmin.f32 v4, v50  }
0x57: {  	v63 =	vld [tilespmem:s22+$0xC00];
	v18 =	vmin.f32 v4, v18;
	v55 =	vmin.f32 v4, v20;
	v8 =	vsub.f32 v11, v8  }
0x58: {  	v4 =	vmin.f32 v4, v22;
	v7 =	vsub.f32 v10, v7;
	v10 =	vsub.f32 v48, v49  }
0x59: {  	v22 =	vshll.u32 v17, $0x9;
	v11 =	vsub.f32 v51, v52;
	v14 =	vsub.f32 v18, v14  }
0x5a: {  	v9 =	vmax.f32 v9, $0.0e+00;
	v57 =	vsub.f32 v55, v13;
	v2 =	vsub.f32 v4, v2  }
0x5b: {  	v4 =	vcvt.f32.s32 v58;
	v26 =	vadd.s32 $0x600, v22;
	v22 =	vadd.s32 $0xA00, v36  }
0x5c: {  	v13 =	vadd.f32 v63, v21;
	v33 =	vmul.f32 v9, v12;
	v8 =	vmax.f32 v8, $0.0e+00  }
0x5d: {  	v7 =	vmax.f32 v7, $0.0e+00;
	v10 =	vmax.f32 v10, $0.0e+00;
	v11 =	vmax.f32 v11, $0.0e+00  }
0x5e: {  	v59 =	vmax.f32 v14, $0.0e+00;
	v6 =	vmax.f32 v57, $0.0e+00;
	vm9 =	vgt.s32 v4, $0x0  }
0x5f: {  	v34 =	vnsel vm9, $0x0, v4;
	v31 =	vmul.f32 v8, v12;
	v29 =	vmul.f32 v7, v12  }
0x60: {  	v27 =	vmul.f32 v10, v12;
	v25 =	vmul.f32 v11, v12;
	v4 =	vmin.u32 v34, $0x1FF  }
0x61: {  	v2 =	vmax.f32 v2, $0.0e+00;
	v23 =	vmul.f32 v59, v12;
	v20 =	vcvt.s32.f32 v4  }
0x62: {  	v14 =	vmul.f32 v6, v12;
	v2 =	vmul.f32 v2, v12;
	v45 =	vmin.u32 v34, $0x1FE  }
0x63: {  	v50 =	vmin.u32 v34, $0x1FD;
	v58 =	vmin.u32 v34, $0x1FC;
	v35 =	vmul.f32 $1.953125000e+00, v20  }
0x64: {  	v61 =	vmin.u32 v34, $0x1FB;
	v63 =	vmin.u32 v34, $0x1FA;
	v10 =	vadd.s32 $0x1, v45  }
0x65: {  	v9 =	vadd.s32 $0x3, v58;
	v37 =	vadd.f32 $1.953125000e+00, v35;
	v42 =	vadd.f32 $3.906250000e+00, v35  }
0x66: {  	v11 =	vadd.s32 $0x4, v61;
	v44 =	vadd.f32 $5.859375000e+00, v35;
	v48 =	vadd.f32 $7.812500000e+00, v35  }
0x67: {  	v41 =	vmax.f32 v21, v35;
	v57 =	vadd.f32 $9.765625000e+00, v35;
	v60 =	vadd.f32 $1.171875000e+01, v35  }
0x68: {  	v15 =	vadd.f32 $1.367187500e+01, v35;
	v39 =	vadd.f32 $1.953125000e+00, v37;
	v40 =	vmin.f32 v13, v37  }
0x69: {  	v7 =	vmax.f32 v21, v37;
	v43 =	vadd.f32 $1.953125000e+00, v42;
	v46 =	vmax.f32 v21, v42  }
0x6a: {  	v47 =	vadd.f32 $1.953125000e+00, v44;
	v52 =	vmax.f32 v21, v44;
	v53 =	vadd.f32 $1.953125000e+00, v48  }
0x6b: {  	v56 =	vmax.f32 v21, v48;
	v59 =	vadd.f32 $1.953125000e+00, v57;
	v35 =	vmax.f32 v21, v57  }
0x6c: {  	v36 =	vadd.f32 $1.953125000e+00, v60;
	v62 =	vadd.f32 $1.953125000e+00, v15;
	v12 =	vmax.f32 v21, v60  }
0x6d: {  	v15 =	vmax.f32 v21, v15;
	v42 =	vmin.u32 v34, $0x1F8;
	v44 =	vor.u32 v4, v32  }
0x6e: {  	v8 =	vsub.f32 v40, v41;
	v40 =	vmin.u32 v34, $0x1F9;
	v6 =	vmin.f32 v13, v39  }
0x6f: {  	v51 =	vmin.f32 v13, v47;
	v55 =	vmin.f32 v13, v53;
	v36 =	vmin.f32 v13, v36  }
0x70: {  	v6 =	vsub.f32 v6, v7;
	v20 =	vmax.f32 v8, $0.0e+00;
	v7 =	vmin.f32 v13, v43  }
0x71: {  	v8 =	vadd.s32 $0x2, v50;
	v54 =	vsub.f32 v51, v52;
	v12 =	vsub.f32 v36, v12  }
0x72: {  	v51 =	vadd.s32 v32, v9;
	v49 =	vsub.f32 v7, v46;
	v7 =	vsub.f32 v55, v56  }
0x73: {  	v41 =	vmul.f32 v20, v33;
	v46 =	vadd.s32 v32, v10;
	v60 =	vmul.f32 v31, v20  }
0x74: {  	v16 =	vmax.f32 v6, $0.0e+00;
	v18 =	vmax.f32 v54, $0.0e+00;
	v6 =	vmin.f32 v13, v59  }
0x75: {  	v54 =	vadd.s32 v32, v11;
	v19 =	vmax.f32 v49, $0.0e+00;
	v17 =	vmax.f32 v7, $0.0e+00  }
0x76: {  	v6 =	vsub.f32 v6, v35;
	v7 =	vmin.f32 v13, v62;
	v13 =	vadd.s32 $0x5, v63  }
0x77: {  	vm10 =	vlt.f32 v41, $0.0e+00;
	vm1 =	vgt.f32 v41, $0.0e+00;
	v43 =	vmul.f32 v16, v33  }
0x78: {  	v47 =	vmul.f32 v18, v33;
	v49 =	vadd.s32 v32, v8;
	v62 =	vmul.f32 v16, v31  }
0x79: {  	v63 =	vor.u32 v4, v30;
	v39 =	vsub.f32 v7, v15;
	vm0 =	vmor vm1, vm10  }
0x7a: {  	[tilespmem:s22+$0xA000] =	vst v41;
	v37 =	vmul.f32 v19, v33;
	vm11 =	vlt.f32 v43, $0.0e+00;
	vm2 =	vgt.f32 v43, $0.0e+00  }
0x7b: {  	v15 =	vmax.f32 v12, $0.0e+00;
	v45 =	vnsel vm0, $0xFFFFFFFF, v44;
	[tilespmem:s22+$0xA140] =	vst v43;
	vm12 =	vmor vm2, vm11  }
0x7c: {  	[tilespmem:s22+$0xF000] =	vst v45;
	vm13 =	vlt.f32 v37, $0.0e+00;
	vm14 =	vgt.f32 v37, $0.0e+00;
	v48 =	vnsel vm12, $0xFFFFFFFF, v46  }
0x7d: {  	s19 =	sand.u32 $0x1F0, s13;
	v7 =	vadd.s32 $0x6, v40;
	v50 =	vmul.f32 v17, v33;
	vm15 =	vmor vm14, vm13;
	[tilespmem:s22+$0xF140] =	vst v48  }
0x7e: {  	vm4 =	vlt.f32 v47, $0.0e+00;
	vm5 =	vgt.f32 v47, $0.0e+00;
	v36 =	vnsel vm15, $0xFFFFFFFF, v49;
	[tilespmem:s19+$0xA280] =	vst v37  }
0x7f: {  	v21 =	vmax.f32 v6, $0.0e+00;
	vm6 =	vmor vm5, vm4;
	vm7 =	vlt.f32 v50, $0.0e+00;
	[tilespmem:s19+$0xF280] =	vst v36  }
0x80: {  	vm8 =	vgt.f32 v50, $0.0e+00;
	v52 =	vmul.f32 v21, v33;
	v53 =	vnsel vm6, $0xFFFFFFFF, v51;
	[tilespmem:s22+$0xA3C0] =	vst v47  }
0x81: {  	v57 =	vadd.s32 v32, v13;
	v55 =	vmul.f32 v15, v33;
	vm9 =	vmor vm8, vm7;
	[tilespmem:s22+$0xF3C0] =	vst v53  }
0x82: {  	vm10 =	vlt.f32 v52, $0.0e+00;
	vm11 =	vgt.f32 v52, $0.0e+00;
	v56 =	vnsel vm9, $0xFFFFFFFF, v54;
	[tilespmem:s19+$0xA500] =	vst v50  }
0x83: {  	v12 =	vmax.f32 v39, $0.0e+00;
	vm13 =	vlt.f32 v55, $0.0e+00;
	vm12 =	vmor vm11, vm10;
	[tilespmem:s19+$0xF500] =	vst v56  }
0x84: {  	vm14 =	vgt.f32 v55, $0.0e+00;
	v33 =	vmul.f32 v12, v33;
	v58 =	vnsel vm12, $0xFFFFFFFF, v57;
	[tilespmem:s22+$0xA640] =	vst v52  }
0x85: {  	v6 =	vadd.s32 $0x7, v42;
	v59 =	vadd.s32 v32, v7;
	vm15 =	vmor vm14, vm13;
	[tilespmem:s22+$0xF640] =	vst v58  }
0x86: {  	vm4 =	vlt.f32 v33, $0.0e+00;
	vm5 =	vgt.f32 v33, $0.0e+00;
	v61 =	vnsel vm15, $0xFFFFFFFF, v59;
	[tilespmem:s19+$0xA780] =	vst v55  }
0x87: {  	v38 =	vmul.f32 v18, v31;
	v32 =	vadd.s32 v32, v6;
	vm6 =	vmor vm5, vm4;
	[tilespmem:s19+$0xF780] =	vst v61  }
0x88: {  	v35 =	vmul.f32 v18, v25;
	vm7 =	vlt.f32 v60, $0.0e+00;
	v32 =	vnsel vm6, $0xFFFFFFFF, v32;
	[tilespmem:s22+$0xA8C0] =	vst v33  }
0x89: {  	vm8 =	vgt.f32 v60, $0.0e+00;
	vm10 =	vlt.f32 v62, $0.0e+00;
	vm11 =	vgt.f32 v62, $0.0e+00;
	[tilespmem:s22+$0xF8C0] =	vst v32  }
0x8a: {  	v36 =	vmul.f32 v19, v31;
	v37 =	vadd.s32 v10, v30;
	vm12 =	vmor vm11, vm10;
	[tilespmem:s22+$0xAA00] =	vst v60  }
0x8b: {  	v40 =	vmul.f32 v17, v31;
	vm9 =	vmor vm8, vm7;
	v34 =	vnsel vm12, $0xFFFFFFFF, v37;
	[tilespmem:s22+$0xAB40] =	vst v62  }
0x8c: {  	vm13 =	vlt.f32 v36, $0.0e+00;
	vm14 =	vgt.f32 v36, $0.0e+00;
	v33 =	vnsel vm9, $0xFFFFFFFF, v63;
	[tilespmem:s22+$0xFB40] =	vst v34  }
0x8d: {  	v42 =	vadd.s32 v9, v30;
	v39 =	vadd.s32 v8, v30;
	vm15 =	vmor vm14, vm13;
	[tilespmem:s22+$0xFA00] =	vst v33  }
0x8e: {  	vm4 =	vlt.f32 v38, $0.0e+00;
	vm5 =	vgt.f32 v38, $0.0e+00;
	v41 =	vnsel vm15, $0xFFFFFFFF, v39;
	[tilespmem:s19+$0xAC80] =	vst v36  }
0x8f: {  	v43 =	vmul.f32 v21, v31;
	v45 =	vadd.s32 v11, v30;
	vm6 =	vmor vm5, vm4;
	[tilespmem:s19+$0xFC80] =	vst v41  }
0x90: {  	vm7 =	vlt.f32 v40, $0.0e+00;
	vm8 =	vgt.f32 v40, $0.0e+00;
	v44 =	vnsel vm6, $0xFFFFFFFF, v42;
	[tilespmem:s22+$0xADC0] =	vst v38  }
0x91: {  	v46 =	vmul.f32 v15, v31;
	v51 =	vmul.f32 v29, v20;
	vm9 =	vmor vm8, vm7;
	[tilespmem:s22+$0xFDC0] =	vst v44  }
0x92: {  	vm10 =	vlt.f32 v43, $0.0e+00;
	vm11 =	vgt.f32 v43, $0.0e+00;
	v47 =	vnsel vm9, $0xFFFFFFFF, v45;
	[tilespmem:s19+$0xAF00] =	vst v40  }
0x93: {  	v48 =	vadd.s32 v13, v30;
	v31 =	vmul.f32 v12, v31;
	vm12 =	vmor vm11, vm10;
	[tilespmem:s19+$0xFF00] =	vst v47  }
0x94: {  	vm13 =	vlt.f32 v46, $0.0e+00;
	vm14 =	vgt.f32 v46, $0.0e+00;
	v49 =	vnsel vm12, $0xFFFFFFFF, v48;
	[tilespmem:s22+$0xB040] =	vst v43  }
0x95: {  	v54 =	vor.u32 v4, v28;
	v50 =	vadd.s32 v7, v30;
	vm15 =	vmor vm14, vm13;
	[tilespmem:s22+$0x10040] =	vst v49  }
0x96: {  	vm4 =	vlt.f32 v31, $0.0e+00;
	vm5 =	vgt.f32 v31, $0.0e+00;
	v52 =	vnsel vm15, $0xFFFFFFFF, v50;
	[tilespmem:s19+$0xB180] =	vst v46  }
0x97: {  	v53 =	vmul.f32 v16, v29;
	v30 =	vadd.s32 v6, v30;
	vm6 =	vmor vm5, vm4;
	[tilespmem:s19+$0x10180] =	vst v52  }
0x98: {  	v59 =	vmul.f32 v17, v29;
	v56 =	vadd.s32 v10, v28;
	v30 =	vnsel vm6, $0xFFFFFFFF, v30;
	[tilespmem:s22+$0xB2C0] =	vst v31  }
0x99: {  	vm10 =	vlt.f32 v53, $0.0e+00;
	vm11 =	vgt.f32 v53, $0.0e+00;
	v55 =	vmul.f32 v19, v29;
	[tilespmem:s22+$0x102C0] =	vst v30  }
0x9a: {  	vm12 =	vmor vm11, vm10;
	vm7 =	vlt.f32 v51, $0.0e+00;
	vm8 =	vgt.f32 v51, $0.0e+00;
	[tilespmem:s22+$0xB400] =	vst v51  }
0x9b: {  	v57 =	vmul.f32 v18, v29;
	v32 =	vnsel vm12, $0xFFFFFFFF, v56;
	vm9 =	vmor vm8, vm7;
	[tilespmem:s22+$0xB540] =	vst v53  }
0x9c: {  	vm13 =	vlt.f32 v55, $0.0e+00;
	vm14 =	vgt.f32 v55, $0.0e+00;
	v31 =	vnsel vm9, $0xFFFFFFFF, v54;
	[tilespmem:s22+$0x10540] =	vst v32  }
0x9d: {  	v37 =	vmul.f32 v15, v29;
	v58 =	vadd.s32 v8, v28;
	vm15 =	vmor vm14, vm13;
	[tilespmem:s22+$0x10400] =	vst v31  }
0x9e: {  	vm4 =	vlt.f32 v57, $0.0e+00;
	vm5 =	vgt.f32 v57, $0.0e+00;
	v60 =	vnsel vm15, $0xFFFFFFFF, v58;
	[tilespmem:s19+$0xB680] =	vst v55  }
0x9f: {  	vm6 =	vmor vm5, vm4;
	v61 =	vadd.s32 v9, v28;
	v62 =	vmul.f32 v21, v29;
	[tilespmem:s19+$0x10680] =	vst v60  }
0xa0: {  	v63 =	vnsel vm6, $0xFFFFFFFF, v61;
	vm7 =	vlt.f32 v59, $0.0e+00;
	vm8 =	vgt.f32 v59, $0.0e+00;
	[tilespmem:s22+$0xB7C0] =	vst v57  }
0xa1: {  	v42 =	vmul.f32 v27, v20;
	v36 =	vadd.s32 v11, v28;
	vm9 =	vmor vm8, vm7;
	[tilespmem:s22+$0x107C0] =	vst v63  }
0xa2: {  	vm10 =	vlt.f32 v62, $0.0e+00;
	vm11 =	vgt.f32 v62, $0.0e+00;
	v38 =	vnsel vm9, $0xFFFFFFFF, v36;
	[tilespmem:s19+$0xB900] =	vst v59  }
0xa3: {  	v39 =	vadd.s32 v13, v28;
	v29 =	vmul.f32 v12, v29;
	vm12 =	vmor vm11, vm10;
	[tilespmem:s19+$0x10900] =	vst v38  }
0xa4: {  	vm13 =	vlt.f32 v37, $0.0e+00;
	vm14 =	vgt.f32 v37, $0.0e+00;
	v40 =	vnsel vm12, $0xFFFFFFFF, v39;
	[tilespmem:s22+$0xBA40] =	vst v62  }
0xa5: {  	v48 =	vmul.f32 v18, v27;
	v41 =	vadd.s32 v7, v28;
	vm15 =	vmor vm14, vm13;
	[tilespmem:s22+$0x10A40] =	vst v40  }
0xa6: {  	vm4 =	vlt.f32 v29, $0.0e+00;
	vm5 =	vgt.f32 v29, $0.0e+00;
	v43 =	vnsel vm15, $0xFFFFFFFF, v41;
	[tilespmem:s19+$0xBB80] =	vst v37  }
0xa7: {  	v28 =	vadd.s32 v6, v28;
	vm6 =	vmor vm5, vm4;
	v44 =	vmul.f32 v16, v27;
	[tilespmem:s19+$0x10B80] =	vst v43  }
0xa8: {  	v50 =	vmul.f32 v17, v27;
	v28 =	vnsel vm6, $0xFFFFFFFF, v28;
	v47 =	vadd.s32 v10, v26;
	[tilespmem:s22+$0xBCC0] =	vst v29  }
0xa9: {  	vm10 =	vlt.f32 v44, $0.0e+00;
	vm11 =	vgt.f32 v44, $0.0e+00;
	v46 =	vmul.f32 v19, v27;
	[tilespmem:s22+$0x10CC0] =	vst v28  }
0xaa: {  	vm12 =	vmor vm11, vm10;
	vm7 =	vlt.f32 v42, $0.0e+00;
	vm8 =	vgt.f32 v42, $0.0e+00;
	[tilespmem:s22+$0xBE00] =	vst v42  }
0xab: {  	v45 =	vor.u32 v4, v26;
	v30 =	vnsel vm12, $0xFFFFFFFF, v47;
	vm9 =	vmor vm8, vm7;
	[tilespmem:s22+$0xBF40] =	vst v44  }
0xac: {  	vm13 =	vlt.f32 v46, $0.0e+00;
	vm14 =	vgt.f32 v46, $0.0e+00;
	v29 =	vnsel vm9, $0xFFFFFFFF, v45;
	[tilespmem:s22+$0x10F40] =	vst v30  }
0xad: {  	v56 =	vmul.f32 v15, v27;
	v49 =	vadd.s32 v8, v26;
	vm15 =	vmor vm14, vm13;
	[tilespmem:s22+$0x10E00] =	vst v29  }
0xae: {  	vm4 =	vlt.f32 v48, $0.0e+00;
	vm5 =	vgt.f32 v48, $0.0e+00;
	v51 =	vnsel vm15, $0xFFFFFFFF, v49;
	[tilespmem:s19+$0xC080] =	vst v46  }
0xaf: {  	vm6 =	vmor vm5, vm4;
	v52 =	vadd.s32 v9, v26;
	v53 =	vmul.f32 v21, v27;
	[tilespmem:s19+$0x11080] =	vst v51  }
0xb0: {  	v54 =	vnsel vm6, $0xFFFFFFFF, v52;
	vm7 =	vlt.f32 v50, $0.0e+00;
	vm8 =	vgt.f32 v50, $0.0e+00;
	[tilespmem:s22+$0xC1C0] =	vst v48  }
0xb1: {  	v61 =	vmul.f32 v25, v20;
	v55 =	vadd.s32 v11, v26;
	vm9 =	vmor vm8, vm7;
	[tilespmem:s22+$0x111C0] =	vst v54  }
0xb2: {  	vm10 =	vlt.f32 v53, $0.0e+00;
	vm11 =	vgt.f32 v53, $0.0e+00;
	v57 =	vnsel vm9, $0xFFFFFFFF, v55;
	[tilespmem:s19+$0xC300] =	vst v50  }
0xb3: {  	v58 =	vadd.s32 v13, v26;
	v27 =	vmul.f32 v12, v27;
	vm12 =	vmor vm11, vm10;
	[tilespmem:s19+$0x11300] =	vst v57  }
0xb4: {  	vm13 =	vlt.f32 v56, $0.0e+00;
	vm14 =	vgt.f32 v56, $0.0e+00;
	v59 =	vnsel vm12, $0xFFFFFFFF, v58;
	[tilespmem:s22+$0xC440] =	vst v53  }
0xb5: {  	v34 =	vadd.s32 v10, v24;
	v60 =	vadd.s32 v7, v26;
	vm15 =	vmor vm14, vm13;
	[tilespmem:s22+$0x11440] =	vst v59  }
0xb6: {  	vm4 =	vlt.f32 v27, $0.0e+00;
	vm5 =	vgt.f32 v27, $0.0e+00;
	v62 =	vnsel vm15, $0xFFFFFFFF, v60;
	[tilespmem:s19+$0xC580] =	vst v56  }
0xb7: {  	v26 =	vadd.s32 v6, v26;
	vm6 =	vmor vm5, vm4;
	v63 =	vmul.f32 v16, v25;
	[tilespmem:s19+$0x11580] =	vst v62  }
0xb8: {  	v33 =	vmul.f32 v19, v25;
	v39 =	vadd.s32 v9, v24;
	v26 =	vnsel vm6, $0xFFFFFFFF, v26;
	[tilespmem:s22+$0xC6C0] =	vst v27  }
0xb9: {  	v32 =	vor.u32 v4, v24;
	vm10 =	vlt.f32 v63, $0.0e+00;
	vm11 =	vgt.f32 v63, $0.0e+00;
	[tilespmem:s22+$0x116C0] =	vst v26  }
0xba: {  	vm12 =	vmor vm11, vm10;
	vm7 =	vlt.f32 v61, $0.0e+00;
	vm8 =	vgt.f32 v61, $0.0e+00;
	[tilespmem:s22+$0xC800] =	vst v61  }
0xbb: {  	v47 =	vadd.s32 v7, v24;
	v28 =	vnsel vm12, $0xFFFFFFFF, v34;
	vm9 =	vmor vm8, vm7;
	[tilespmem:s22+$0xC940] =	vst v63  }
0xbc: {  	vm13 =	vlt.f32 v33, $0.0e+00;
	vm14 =	vgt.f32 v33, $0.0e+00;
	v27 =	vnsel vm9, $0xFFFFFFFF, v32;
	[tilespmem:s22+$0x11940] =	vst v28  }
0xbd: {  	v36 =	vadd.s32 v8, v24;
	vm4 =	vlt.f32 v35, $0.0e+00;
	vm15 =	vmor vm14, vm13;
	[tilespmem:s22+$0x11800] =	vst v27  }
0xbe: {  	vm5 =	vgt.f32 v35, $0.0e+00;
	v37 =	vmul.f32 v17, v25;
	v38 =	vnsel vm15, $0xFFFFFFFF, v36;
	[tilespmem:s19+$0xCA80] =	vst v33  }
0xbf: {  	v52 =	vmul.f32 v19, v23;
	vm6 =	vmor vm5, vm4;
	v40 =	vmul.f32 v21, v25;
	[tilespmem:s19+$0x11A80] =	vst v38  }
0xc0: {  	v41 =	vnsel vm6, $0xFFFFFFFF, v39;
	vm7 =	vlt.f32 v37, $0.0e+00;
	vm8 =	vgt.f32 v37, $0.0e+00;
	[tilespmem:s22+$0xCBC0] =	vst v35  }
0xc1: {  	v43 =	vmul.f32 v15, v25;
	v42 =	vadd.s32 v11, v24;
	vm9 =	vmor vm8, vm7;
	[tilespmem:s22+$0x11BC0] =	vst v41  }
0xc2: {  	vm10 =	vlt.f32 v40, $0.0e+00;
	vm11 =	vgt.f32 v40, $0.0e+00;
	v44 =	vnsel vm9, $0xFFFFFFFF, v42;
	[tilespmem:s19+$0xCD00] =	vst v37  }
0xc3: {  	v25 =	vmul.f32 v12, v25;
	v45 =	vadd.s32 v13, v24;
	vm12 =	vmor vm11, vm10;
	[tilespmem:s19+$0x11D00] =	vst v44  }
0xc4: {  	vm13 =	vlt.f32 v43, $0.0e+00;
	vm14 =	vgt.f32 v43, $0.0e+00;
	v46 =	vnsel vm12, $0xFFFFFFFF, v45;
	[tilespmem:s22+$0xCE40] =	vst v40  }
0xc5: {  	v24 =	vadd.s32 v6, v24;
	vm4 =	vlt.f32 v25, $0.0e+00;
	vm15 =	vmor vm14, vm13;
	[tilespmem:s22+$0x11E40] =	vst v46  }
0xc6: {  	vm5 =	vgt.f32 v25, $0.0e+00;
	v55 =	vadd.s32 v8, v22;
	v49 =	vnsel vm15, $0xFFFFFFFF, v47;
	[tilespmem:s19+$0xCF80] =	vst v43  }
0xc7: {  	vm6 =	vmor vm5, vm4;
	v51 =	vor.u32 v4, v22;
	v50 =	vmul.f32 v16, v23;
	[tilespmem:s19+$0x11F80] =	vst v49  }
0xc8: {  	vm13 =	vlt.f32 v52, $0.0e+00;
	v48 =	vmul.f32 v23, v20;
	v24 =	vnsel vm6, $0xFFFFFFFF, v24;
	[tilespmem:s22+$0xD0C0] =	vst v25  }
0xc9: {  	v53 =	vadd.s32 v10, v22;
	vm10 =	vlt.f32 v50, $0.0e+00;
	vm11 =	vgt.f32 v50, $0.0e+00;
	[tilespmem:s22+$0x120C0] =	vst v24  }
0xca: {  	vm7 =	vlt.f32 v48, $0.0e+00;
	vm8 =	vgt.f32 v48, $0.0e+00;
	vm12 =	vmor vm11, vm10;
	[tilespmem:s22+$0xD200] =	vst v48  }
0xcb: {  	vm14 =	vgt.f32 v52, $0.0e+00;
	vm9 =	vmor vm8, vm7;
	v26 =	vnsel vm12, $0xFFFFFFFF, v53;
	[tilespmem:s22+$0xD340] =	vst v50  }
0xcc: {  	v54 =	vmul.f32 v18, v23;
	vm15 =	vmor vm14, vm13;
	v25 =	vnsel vm9, $0xFFFFFFFF, v51;
	[tilespmem:s22+$0x12340] =	vst v26  }
0xcd: {  	v3 =	vadd.s32 $0xE00, v3;
	v57 =	vnsel vm15, $0xFFFFFFFF, v55;
	[tilespmem:s22+$0x12200] =	vst v25  }
0xce: {  	vm4 =	vlt.f32 v54, $0.0e+00;
	vm5 =	vgt.f32 v54, $0.0e+00;
	v56 =	vmul.f32 v17, v23;
	[tilespmem:s19+$0xD480] =	vst v52  }
0xcf: {  	v58 =	vadd.s32 v9, v22;
	v59 =	vmul.f32 v21, v23;
	vm6 =	vmor vm5, vm4;
	[tilespmem:s19+$0x12480] =	vst v57  }
0xd0: {  	v60 =	vnsel vm6, $0xFFFFFFFF, v58;
	vm7 =	vlt.f32 v56, $0.0e+00;
	vm8 =	vgt.f32 v56, $0.0e+00;
	[tilespmem:s22+$0xD5C0] =	vst v54  }
0xd1: {  	v62 =	vmul.f32 v15, v23;
	v61 =	vadd.s32 v11, v22;
	vm9 =	vmor vm8, vm7;
	[tilespmem:s22+$0x125C0] =	vst v60  }
0xd2: {  	vm10 =	vlt.f32 v59, $0.0e+00;
	vm11 =	vgt.f32 v59, $0.0e+00;
	v63 =	vnsel vm9, $0xFFFFFFFF, v61;
	[tilespmem:s19+$0xD700] =	vst v56  }
0xd3: {  	v30 =	vadd.s32 v13, v22;
	v23 =	vmul.f32 v12, v23;
	vm12 =	vmor vm11, vm10;
	[tilespmem:s19+$0x12700] =	vst v63  }
0xd4: {  	vm13 =	vlt.f32 v62, $0.0e+00;
	vm14 =	vgt.f32 v62, $0.0e+00;
	v31 =	vnsel vm12, $0xFFFFFFFF, v30;
	[tilespmem:s22+$0xD840] =	vst v59  }
0xd5: {  	v39 =	vmul.f32 v18, v14;
	v32 =	vadd.s32 v7, v22;
	vm15 =	vmor vm14, vm13;
	[tilespmem:s22+$0x12840] =	vst v31  }
0xd6: {  	vm4 =	vlt.f32 v23, $0.0e+00;
	vm5 =	vgt.f32 v23, $0.0e+00;
	v34 =	vnsel vm15, $0xFFFFFFFF, v32;
	[tilespmem:s19+$0xD980] =	vst v62  }
0xd7: {  	v22 =	vadd.s32 v6, v22;
	vm6 =	vmor vm5, vm4;
	v35 =	vmul.f32 v16, v14;
	[tilespmem:s19+$0x12980] =	vst v34  }
0xd8: {  	v33 =	vmul.f32 v14, v20;
	v38 =	vadd.s32 v10, v5;
	v22 =	vnsel vm6, $0xFFFFFFFF, v22;
	[tilespmem:s22+$0xDAC0] =	vst v23  }
0xd9: {  	v37 =	vmul.f32 v19, v14;
	vm10 =	vlt.f32 v35, $0.0e+00;
	vm11 =	vgt.f32 v35, $0.0e+00;
	[tilespmem:s22+$0x12AC0] =	vst v22  }
0xda: {  	vm12 =	vmor vm11, vm10;
	vm7 =	vlt.f32 v33, $0.0e+00;
	vm8 =	vgt.f32 v33, $0.0e+00;
	[tilespmem:s22+$0xDC00] =	vst v33  }
0xdb: {  	v36 =	vor.u32 v4, v5;
	v24 =	vnsel vm12, $0xFFFFFFFF, v38;
	vm9 =	vmor vm8, vm7;
	[tilespmem:s22+$0xDD40] =	vst v35  }
0xdc: {  	vm13 =	vlt.f32 v37, $0.0e+00;
	vm14 =	vgt.f32 v37, $0.0e+00;
	v23 =	vnsel vm9, $0xFFFFFFFF, v36;
	[tilespmem:s22+$0x12D40] =	vst v24  }
0xdd: {  	vm4 =	vlt.f32 v39, $0.0e+00;
	v40 =	vadd.s32 v8, v5;
	vm15 =	vmor vm14, vm13;
	[tilespmem:s22+$0x12C00] =	vst v23  }
0xde: {  	vm5 =	vgt.f32 v39, $0.0e+00;
	v41 =	vmul.f32 v17, v14;
	v42 =	vnsel vm15, $0xFFFFFFFF, v40;
	[tilespmem:s19+$0xDE80] =	vst v37  }
0xdf: {  	vm6 =	vmor vm5, vm4;
	v44 =	vmul.f32 v21, v14;
	v43 =	vadd.s32 v9, v5;
	[tilespmem:s19+$0x12E80] =	vst v42  }
0xe0: {  	v45 =	vnsel vm6, $0xFFFFFFFF, v43;
	vm7 =	vlt.f32 v41, $0.0e+00;
	vm8 =	vgt.f32 v41, $0.0e+00;
	[tilespmem:s22+$0xDFC0] =	vst v39  }
0xe1: {  	v47 =	vmul.f32 v15, v14;
	v46 =	vadd.s32 v11, v5;
	vm9 =	vmor vm8, vm7;
	[tilespmem:s22+$0x12FC0] =	vst v45  }
0xe2: {  	vm10 =	vlt.f32 v44, $0.0e+00;
	vm11 =	vgt.f32 v44, $0.0e+00;
	v48 =	vnsel vm9, $0xFFFFFFFF, v46;
	[tilespmem:s19+$0xE100] =	vst v41  }
0xe3: {  	v14 =	vmul.f32 v12, v14;
	v49 =	vadd.s32 v13, v5;
	vm12 =	vmor vm11, vm10;
	[tilespmem:s19+$0x13100] =	vst v48  }
0xe4: {  	vm13 =	vlt.f32 v47, $0.0e+00;
	vm14 =	vgt.f32 v47, $0.0e+00;
	v50 =	vnsel vm12, $0xFFFFFFFF, v49;
	[tilespmem:s22+$0xE240] =	vst v44  }
0xe5: {  	v20 =	vmul.f32 v2, v20;
	v51 =	vadd.s32 v7, v5;
	vm15 =	vmor vm14, vm13;
	[tilespmem:s22+$0x13240] =	vst v50  }
0xe6: {  	vm4 =	vlt.f32 v14, $0.0e+00;
	vm5 =	vgt.f32 v14, $0.0e+00;
	v52 =	vnsel vm15, $0xFFFFFFFF, v51;
	[tilespmem:s19+$0xE380] =	vst v47  }
0xe7: {  	v16 =	vmul.f32 v16, v2;
	vm6 =	vmor vm5, vm4;
	v5 =	vadd.s32 v6, v5;
	[tilespmem:s19+$0x13380] =	vst v52  }
0xe8: {  	v5 =	vnsel vm6, $0xFFFFFFFF, v5;
	vm7 =	vlt.f32 v20, $0.0e+00;
	vm8 =	vgt.f32 v20, $0.0e+00;
	[tilespmem:s22+$0xE4C0] =	vst v14  }
0xe9: {  	v4 =	vor.u32 v4, v3;
	v53 =	vmul.f32 v19, v2;
	vm9 =	vmor vm8, vm7;
	[tilespmem:s22+$0x134C0] =	vst v5  }
0xea: {  	vm10 =	vlt.f32 v16, $0.0e+00;
	vm11 =	vgt.f32 v16, $0.0e+00;
	v4 =	vnsel vm9, $0xFFFFFFFF, v4;
	[tilespmem:s22+$0xE600] =	vst v20  }
0xeb: {  	v10 =	vadd.s32 v10, v3;
	vm12 =	vmor vm11, vm10;
	vm13 =	vlt.f32 v53, $0.0e+00;
	[tilespmem:s22+$0x13600] =	vst v4  }
0xec: {  	vm14 =	vgt.f32 v53, $0.0e+00;
	v10 =	vnsel vm12, $0xFFFFFFFF, v10;
	v54 =	vmul.f32 v18, v2;
	[tilespmem:s22+$0xE740] =	vst v16  }
0xed: {  	v55 =	vmul.f32 v17, v2;
	v8 =	vadd.s32 v8, v3;
	vm15 =	vmor vm14, vm13;
	[tilespmem:s22+$0x13740] =	vst v10  }
0xee: {  	v56 =	vnsel vm15, $0xFFFFFFFF, v8;
	vm4 =	vlt.f32 v54, $0.0e+00;
	vm5 =	vgt.f32 v54, $0.0e+00;
	[tilespmem:s19+$0xE880] =	vst v53  }
0xef: {  	v58 =	vmul.f32 v21, v2;
	v57 =	vadd.s32 v9, v3;
	vm6 =	vmor vm5, vm4;
	[tilespmem:s19+$0x13880] =	vst v56  }
0xf0: {  	v8 =	vnsel vm6, $0xFFFFFFFF, v57;
	vm7 =	vlt.f32 v55, $0.0e+00;
	vm8 =	vgt.f32 v55, $0.0e+00;
	[tilespmem:s22+$0xE9C0] =	vst v54  }
0xf1: {  	v61 =	vmul.f32 v15, v2;
	v59 =	vadd.s32 v11, v3;
	vm9 =	vmor vm8, vm7;
	[tilespmem:s22+$0x139C0] =	vst v8  }
0xf2: {  	vm10 =	vlt.f32 v58, $0.0e+00;
	vm11 =	vgt.f32 v58, $0.0e+00;
	v4 =	vnsel vm9, $0xFFFFFFFF, v59;
	[tilespmem:s19+$0xEB00] =	vst v55  }
0xf3: {  	vm0 =	vmor vm11, vm10;
	v60 =	vadd.s32 v13, v3;
	vm12 =	vlt.f32 v61, $0.0e+00;
	[tilespmem:s19+$0x13B00] =	vst v4  }
0xf4: {  	p0 =	sne.s32 s21, $0x4C0;
	vm13 =	vgt.f32 v61, $0.0e+00;
	v2 =	vmul.f32 v12, v2;
	v62 =	vnsel vm0, $0xFFFFFFFF, v60;
	[tilespmem:s22+$0xEC40] =	vst v58  }
.Ltmp0:
0xf5: {  	v63 =	vadd.s32 v7, v3;
	vm0 =	vmor vm13, vm12;
	[tilespmem:s22+$0x13C40] =	vst v62;
	(pc) =	sbr.rel @p0 .LBB2_2-.Ltmp0, $4  }
0xf6: {  	vm14 =	vlt.f32 v2, $0.0e+00;
	vm15 =	vgt.f32 v2, $0.0e+00;
	v4 =	vnsel vm0, $0xFFFFFFFF, v63;
	[tilespmem:s19+$0xED80] =	vst v61  }
0xf7: {  	v3 =	vadd.s32 v6, v3;
	vm0 =	vmor vm15, vm14;
	[tilespmem:s19+$0x13D80] =	vst v4  }
0xf8: {  	[tilespmem:s22+$0xEEC0] =	vst v2;
	v2 =	vnsel vm0, $0xFFFFFFFF, v3  }
0xf9: {  	s18 =	sadd.s32 $0xFFFFFFF0, s18;
	s13 =	sadd.s32 $0x10, s13;
	s21 =	sadd.s32 $0x40, s21;
	[tilespmem:s22+$0x13EC0] =	vst v2  }
0xfa: {  	(ifvalue) =	ssetifvalue $0xFFFFFFFF;
	s13 =	simm.s32 $0x5000  }
0xfb: {  	s14 =	simm.s32 $0xF000;
	s15 =	simm.s32 $0xA000;
	s22 =	rddreg [dreg:$0xf]  }
0xfc: {  	[spmem:s3] =	stream.indirect.scatter.add.f32 [tilespmem:s15], [sflag:$0x2], $0x1, s14, s13, $0x40b8;
	[tilespmem:$0x18100] =	vst v63  }
0xfd: {  	s23 =	rddreg [dreg:$0xe];
	s18 =	simm.s32 $0x0;
	s13 =	simm.s32 $0x0  }
.LBB2_4:
0xfe: {  	s14 =	sshll.u32 s18, $0xB  }
0xff: {  	s14 =	sadd.s32 s16, s14  }
0x100: {  	s20 =	sshrl.u32 s14, $0x3  }
0x101: {  	s19 =	sadd.s32 s6, s20  }
0x102: {  	[tilespmem:s13], [sflag:$0x3] =	stream.linear.gather [hbm4b:s19+s13], $0x400, $0x38;
	[tilespmem:$0x18100] =	vst v63  }
0x103: {  	_ =	swait.ge [sflag:s25], $0x400  }
0x104: {  	[sflag:s25] =	ssyncset.done $0x0  }
0x105: {  	s15 =	sadd.s32 $0x155CC, s19;
	[sflag:s25] =	ssyncadd.s32 $0xFFFFFC00  }
0x106: {  	[tilespmem:s29], [sflag:$0x3] =	stream.linear.gather [hbm4b:s15+s13], $0x400, $0x38;
	[tilespmem:$0x18100] =	vst v63  }
0x107: {  	_ =	swait.ge [sflag:s25], $0x400  }
0x108: {  	[sflag:s25] =	ssyncset.done $0x0  }
0x109: {  	s21 =	sadd.s32 s7, s20;
	[sflag:s25] =	ssyncadd.s32 $0xFFFFFC00  }
0x10a: {  	[tilespmem:s30], [sflag:$0x3] =	stream.linear.gather [hbm4b:s21+s13], $0x400, $0x38;
	[tilespmem:$0x18100] =	vst v63  }
0x10b: {  	_ =	swait.ge [sflag:s25], $0x400  }
0x10c: {  	[sflag:s25] =	ssyncset.done $0x0  }
0x10d: {  	s24 =	sadd.s32 s8, s20;
	[sflag:s25] =	ssyncadd.s32 $0xFFFFFC00  }
0x10e: {  	[tilespmem:s31], [sflag:$0x3] =	stream.linear.gather [hbm4b:s24+s13], $0x400, $0x38;
	[tilespmem:$0x18100] =	vst v63  }
0x10f: {  	_ =	swait.ge [sflag:s25], $0x400  }
0x110: {  	[sflag:s25] =	ssyncset.done $0x0  }
0x111: {  	s15 =	simm.s32 $0x0;
	[sflag:s25] =	ssyncadd.s32 $0xFFFFFC00  }
0x112: {  	v7 =	vld [tilespmem:s15+$0x800];
	_ =	sdelay $0x1  }
0x113: {  	v8 =	vld [tilespmem:s15+$0xC00];
	_ =	sdelay $0x2  }
0x114: {  	v2 =	vld [tilespmem:s15+$0x0];
	v9 =	vmax.f32 v7, $2.762135980e+00  }
0x115: {  	v3 =	vsub.f32 v7, v9  }
0x116: {  	v4 =	vld [tilespmem:s15+$0x400];
	v10 =	vmax.f32 v8, $2.762135980e+00  }
0x117: {  	v5 =	vsub.f32 v8, v10;
	v3 =	vmul.f32 $5.000000000e-01, v3;
	_ =	sdelay $0x1  }
0x118: {  	v11 =	vadd.f32 v3, v2;
	v2 =	vmul.f32 $5.000000000e-01, v5;
	_ =	sdelay $0x1  }
0x119: {  	v12 =	vadd.f32 v2, v4;
	v2 =	vmul.f32 $5.120000240e-01, v11;
	_ =	sdelay $0x1  }
0x11a: {  	v4 =	vmul.f32 v10, v9;
	v2 =	vtrunc.f32 v2  }
0x11b: {  	v3 =	vmul.f32 $5.120000240e-01, v12;
	v2 =	vcvt.f32.s32 v2  }
0x11c: {  	(erf) = vrcp.f32 v4  }
0x11d: {  	v3 =	vtrunc.f32 v3;
	vm0 =	vgt.s32 v2, $0x0  }
0x11e: {  	v3 =	vcvt.f32.s32 v3;
	v15 =	vnsel vm0, $0x0, v2  }
0x11f: {  	v7 =	vmul.f32 v8, v7;
	v9 =	vadd.f32 v11, v9;
	v4 =	vmin.u32 v15, $0x1FF  }
0x120: {  	v2 =	vmin.u32 v15, $0x1FE;
	vm11 =	vgt.s32 v3, $0x0;
	v5 =	vcvt.s32.f32 v4  }
0x121: {  	v10 =	vadd.f32 v12, v10;
	v2 =	vshll.u32 v2, $0x9;
	v16 =	vnsel vm11, $0x0, v3;
	v3 =	vld [tilespmem:$0x14080]  }
0x122: {  	v17 =	vadd.s32 $0x200, v2;
	v18 =	vmin.u32 v16, $0x1FF;
	v2 =	vld [tilespmem:$0x14000];
	v19 =	vmul.f32 $1.953125000e+00, v5  }
0x123: {  	v6 =	vmin.u32 v16, $0x1FE;
	v5 =	vshll.u32 v4, $0x9;
	v13 =	vcvt.s32.f32 v18  }
0x124: {  	v6 =	vadd.s32 $0x1, v6;
	v4 =	vor.u32 v18, v5;
	v14 =	vadd.f32 $3.906250000e+00, v19  }
0x125: {  	v23 =	vpop (erf);
	v20 =	vadd.f32 $1.953125000e+00, v19;
	v21 =	vmul.f32 $1.953125000e+00, v13;
	v13 =	vmov s23  }
0x126: {  	v23 =	vmul.f32 v23, v7;
	vm12 =	vgt.f32 v8, v3;
	vm13 =	vgt.s32 v13, v0  }
0x127: {  	v22 =	vadd.f32 $1.953125000e+00, v14;
	v8 =	vadd.f32 $3.906250000e+00, v21;
	vm1 =	vgt.f32 v7, v2  }
0x128: {  	v14 =	vmax.f32 v11, v14;
	v24 =	vadd.f32 $1.953125000e+00, v21;
	v25 =	vmin.f32 v9, v20  }
0x129: {  	vm0 =	vmand vm12, vm1;
	v7 =	vmin.f32 v9, v22;
	v22 =	vadd.f32 $1.953125000e+00, v8  }
0x12a: {  	v13 =	vsel vm0, $0x3F666666, v23;
	v8 =	vmax.f32 v12, v8;
	v23 =	vadd.f32 $1.953125000e+00, v20  }
0x12b: {  	v20 =	vmax.f32 v11, v20;
	v11 =	vmax.f32 v11, v19;
	v7 =	vsub.f32 v7, v14  }
0x12c: {  	v19 =	vmin.f32 v10, v24;
	v11 =	vsub.f32 v25, v11;
	v14 =	vmin.f32 v10, v22  }
0x12d: {  	v22 =	vnsel vm13, $0x0, v13;
	v9 =	vmin.f32 v9, v23;
	v7 =	vmax.f32 v7, $0.0e+00  }
0x12e: {  	v8 =	vsub.f32 v14, v8;
	v9 =	vsub.f32 v9, v20;
	v11 =	vmax.f32 v11, $0.0e+00  }
0x12f: {  	v13 =	vmul.f32 v7, v22;
	v7 =	vmin.u32 v15, $0x1FD;
	v15 =	vadd.f32 $1.953125000e+00, v24  }
0x130: {  	v14 =	vmax.f32 v8, $0.0e+00;
	v8 =	vmin.u32 v16, $0x1FD;
	v7 =	vshll.u32 v7, $0x9  }
0x131: {  	v9 =	vmax.f32 v9, $0.0e+00;
	v16 =	vmul.f32 v14, v13;
	v8 =	vadd.s32 $0x2, v8  }
0x132: {  	v23 =	vadd.s32 $0x400, v7;
	v7 =	vor.u32 v18, v17;
	v10 =	vmin.f32 v10, v15  }
0x133: {  	v15 =	vmax.f32 v12, v21;
	v12 =	vmax.f32 v12, v24;
	v26 =	vadd.s32 v8, v23  }
0x134: {  	v19 =	vsub.f32 v19, v15;
	v10 =	vsub.f32 v10, v12;
	v15 =	vmul.f32 v11, v22  }
0x135: {  	v12 =	vmul.f32 v9, v22;
	vm14 =	vlt.f32 v16, $0.0e+00;
	vm15 =	vgt.f32 v16, $0.0e+00  }
0x136: {  	v9 =	vadd.s32 v6, v17;
	v11 =	vor.u32 v18, v23;
	vm0 =	vmor vm15, vm14  }
0x137: {  	v21 =	vmax.f32 v19, $0.0e+00;
	v19 =	vmax.f32 v10, $0.0e+00;
	v10 =	vadd.s32 v8, v17  }
0x138: {  	[tilespmem:s15+$0x3000] =	vst v16;
	v18 =	vmul.f32 v14, v12;
	v26 =	vnsel vm0, $0xFFFFFFFF, v26;
	v20 =	vmul.f32 v12, v21  }
0x139: {  	s14 =	simm.s32 $0x10;
	s21 =	smov.u32 s23;
	s24 =	simm.s32 $0x80;
	v16 =	vmul.f32 v19, v12;
	v17 =	vmul.f32 v13, v21;
	v12 =	vadd.s32 v6, v23;
	[tilespmem:s15+$0x5400] =	vst v26  }
.LBB2_5:
0x13a: {  	p0 =	sne.s32 s24, $0xFC0;
	v22 =	vld [tilespmem:s14+$0x800];
	v21 =	vmul.f32 v21, v15;
	[tilespmem:s15+$0x1C00] =	vst v20;
	vm0 =	vlt.f32 v20, $0.0e+00;
	v13 =	vmul.f32 v19, v13  }
0x13b: {  	v19 =	vmul.f32 v19, v15;
	v14 =	vmul.f32 v14, v15;
	vm1 =	vgt.f32 v20, $0.0e+00;
	[tilespmem:s15+$0x2000] =	vst v16  }
0x13c: {  	vm2 =	vlt.f32 v16, $0.0e+00;
	vm3 =	vgt.f32 v16, $0.0e+00;
	vm4 =	vlt.f32 v18, $0.0e+00;
	v15 =	vld [tilespmem:s14+$0xC00];
	[tilespmem:s15+$0x2400] =	vst v18  }
0x13d: {  	vm5 =	vgt.f32 v18, $0.0e+00;
	vm6 =	vlt.f32 v17, $0.0e+00;
	vm7 =	vgt.f32 v17, $0.0e+00;
	[tilespmem:s15+$0x2800] =	vst v17  }
0x13e: {  	vm8 =	vlt.f32 v21, $0.0e+00;
	vm9 =	vlt.f32 v13, $0.0e+00;
	vm10 =	vgt.f32 v13, $0.0e+00;
	[tilespmem:s15+$0x2C00] =	vst v13  }
0x13f: {  	vm11 =	vgt.f32 v21, $0.0e+00;
	vm12 =	vlt.f32 v19, $0.0e+00;
	v13 =	vld [tilespmem:s14+$0x0];
	v16 =	vmax.f32 v22, $2.762135980e+00;
	[tilespmem:s15+$0x1000] =	vst v21  }
0x140: {  	vm13 =	vgt.f32 v19, $0.0e+00;
	vm14 =	vlt.f32 v14, $0.0e+00;
	v17 =	vsub.f32 v22, v16;
	[tilespmem:s15+$0x1400] =	vst v19  }
0x141: {  	vm0 =	vmor vm1, vm0;
	vm15 =	vgt.f32 v14, $0.0e+00;
	v18 =	vld [tilespmem:s14+$0x400];
	v19 =	vmax.f32 v15, $2.762135980e+00;
	[tilespmem:s15+$0x1800] =	vst v14  }
0x142: {  	vm1 =	vmor vm3, vm2;
	v14 =	vmul.f32 $5.000000000e-01, v17;
	v17 =	vsub.f32 v15, v19  }
0x143: {  	vm2 =	vmor vm5, vm4;
	vm3 =	vmor vm7, vm6;
	vm4 =	vmor vm10, vm9  }
0x144: {  	vm5 =	vmor vm11, vm8;
	v20 =	vadd.f32 v14, v13;
	v13 =	vmul.f32 $5.000000000e-01, v17  }
0x145: {  	v6 =	vadd.s32 v5, v6;
	vm6 =	vmor vm13, vm12;
	vm7 =	vmor vm15, vm14  }
0x146: {  	v5 =	vadd.s32 v5, v8;
	v17 =	vadd.f32 v13, v18;
	v13 =	vmul.f32 $5.120000240e-01, v20  }
0x147: {  	v7 =	vnsel vm0, $0xFFFFFFFF, v7;
	v8 =	vnsel vm1, $0xFFFFFFFF, v9;
	v9 =	vnsel vm2, $0xFFFFFFFF, v10  }
0x148: {  	v10 =	vtrunc.f32 v13;
	v13 =	vmul.f32 $5.120000240e-01, v17;
	[tilespmem:s15+$0x4000] =	vst v7;
	v7 =	vnsel vm3, $0xFFFFFFFF, v11  }
0x149: {  	v11 =	vmul.f32 v19, v16;
	v10 =	vcvt.f32.s32 v10;
	[tilespmem:s15+$0x4400] =	vst v8;
	v8 =	vnsel vm4, $0xFFFFFFFF, v12  }
0x14a: {  	v4 =	vnsel vm5, $0xFFFFFFFF, v4;
	v6 =	vnsel vm6, $0xFFFFFFFF, v6;
	v12 =	vtrunc.f32 v13;
	[tilespmem:s15+$0x4800] =	vst v9  }
0x14b: {  	vm0 =	vgt.s32 v10, $0x0;
	v9 =	vcvt.f32.s32 v12;
	(erf) = vrcp.f32 v11;
	[tilespmem:s15+$0x4C00] =	vst v7  }
0x14c: {  	v5 =	vnsel vm7, $0xFFFFFFFF, v5;
	v10 =	vnsel vm0, $0x0, v10;
	[tilespmem:s15+$0x5000] =	vst v8  }
0x14d: {  	v7 =	vmin.u32 v10, $0x1FF;
	v8 =	vmin.u32 v10, $0x1FE;
	vm0 =	vgt.s32 v9, $0x0;
	[tilespmem:s15+$0x3400] =	vst v4  }
0x14e: {  	v4 =	vcvt.s32.f32 v7;
	v8 =	vshll.u32 v8, $0x9;
	v9 =	vnsel vm0, $0x0, v9;
	[tilespmem:s15+$0x3800] =	vst v6  }
0x14f: {  	v11 =	vadd.s32 $0x200, v8;
	v12 =	vmin.u32 v9, $0x1FF;
	v6 =	vmin.u32 v9, $0x1FE;
	[tilespmem:s15+$0x3C00] =	vst v5;
	s15 =	smov.u32 s14  }
0x150: {  	v5 =	vshll.u32 v7, $0x9;
	v18 =	vmul.f32 $1.953125000e+00, v4;
	v8 =	vcvt.s32.f32 v12  }
0x151: {  	v6 =	vadd.s32 $0x1, v6;
	v4 =	vor.u32 v12, v5;
	v7 =	vor.u32 v12, v11  }
0x152: {  	s21 =	sadd.s32 $0xFFFFFFF0, s21;
	v14 =	vadd.f32 $1.953125000e+00, v18;
	v13 =	vadd.f32 $3.906250000e+00, v18;
	v21 =	vmul.f32 $1.953125000e+00, v8  }
0x153: {  	v16 =	vadd.f32 v20, v16;
	v8 =	vmul.f32 v15, v22;
	v22 =	vmov s21  }
0x154: {  	vm0 =	vgt.f32 v15, v3;
	v15 =	vadd.f32 $1.953125000e+00, v13;
	v23 =	vadd.f32 $3.906250000e+00, v21;
	v24 =	vpop (erf)  }
0x155: {  	v19 =	vadd.f32 v17, v19;
	vm1 =	vgt.f32 v8, v2;
	v24 =	vmul.f32 v24, v8  }
0x156: {  	v13 =	vmax.f32 v20, v13;
	v8 =	vmin.f32 v16, v15;
	v15 =	vadd.f32 $1.953125000e+00, v23  }
0x157: {  	vm0 =	vmand vm0, vm1;
	vm1 =	vgt.s32 v22, v0;
	v8 =	vsub.f32 v8, v13  }
0x158: {  	v22 =	vmax.f32 v17, v23;
	v13 =	vsel vm0, $0x3F666666, v24;
	v15 =	vmin.f32 v19, v15  }
0x159: {  	v23 =	vnsel vm1, $0x0, v13;
	v8 =	vmax.f32 v8, $0.0e+00;
	v15 =	vsub.f32 v15, v22  }
0x15a: {  	v24 =	vadd.f32 $1.953125000e+00, v21;
	v22 =	vadd.f32 $1.953125000e+00, v14;
	v13 =	vmul.f32 v8, v23  }
0x15b: {  	v25 =	vmin.f32 v16, v14;
	v26 =	vmax.f32 v20, v14;
	v14 =	vmax.f32 v15, $0.0e+00  }
0x15c: {  	v9 =	vmin.u32 v9, $0x1FD;
	v8 =	vmin.u32 v10, $0x1FD;
	v10 =	vmul.f32 v14, v13  }
0x15d: {  	v15 =	vmin.f32 v16, v22;
	v16 =	vshll.u32 v8, $0x9;
	v8 =	vadd.s32 $0x2, v9  }
0x15e: {  	v22 =	vadd.s32 $0x400, v16;
	[tilespmem:s15+$0x3000] =	vst v10;
	vm0 =	vlt.f32 v10, $0.0e+00;
	vm1 =	vgt.f32 v10, $0.0e+00  }
0x15f: {  	v9 =	vadd.f32 $1.953125000e+00, v24;
	v10 =	vadd.s32 v8, v22;
	vm0 =	vmor vm1, vm0  }
0x160: {  	v16 =	vmax.f32 v20, v18;
	v15 =	vsub.f32 v15, v26;
	v10 =	vnsel vm0, $0xFFFFFFFF, v10  }
0x161: {  	v18 =	vmin.f32 v19, v24;
	v16 =	vsub.f32 v25, v16;
	v9 =	vmin.f32 v19, v9;
	[tilespmem:s15+$0x5400] =	vst v10  }
0x162: {  	v10 =	vmax.f32 v15, $0.0e+00;
	v15 =	vmax.f32 v17, v21;
	v17 =	vmax.f32 v17, v24  }
.Ltmp1:
0x163: {  	v16 =	vmax.f32 v16, $0.0e+00;
	v18 =	vsub.f32 v18, v15;
	v17 =	vsub.f32 v9, v17;
	(pc) =	sbr.rel @p0 .LBB2_5-.Ltmp1, $4  }
0x164: {  	v15 =	vmul.f32 v16, v23;
	v23 =	vmul.f32 v10, v23;
	v9 =	vadd.s32 v6, v11  }
0x165: {  	v10 =	vadd.s32 v8, v11;
	v21 =	vmax.f32 v18, $0.0e+00;
	v19 =	vmax.f32 v17, $0.0e+00  }
0x166: {  	v11 =	vor.u32 v12, v22;
	v20 =	vmul.f32 v23, v21;
	v16 =	vmul.f32 v19, v23  }
0x167: {  	s14 =	sshra.s32 s24, $0x2;
	s24 =	sadd.s32 $0x40, s24;
	v12 =	vadd.s32 v6, v22;
	v18 =	vmul.f32 v14, v23;
	v17 =	vmul.f32 v13, v21  }
0x168: {  	v21 =	vmul.f32 v21, v15;
	vm0 =	vlt.f32 v20, $0.0e+00;
	v13 =	vmul.f32 v19, v13  }
0x169: {  	v19 =	vmul.f32 v19, v15;
	v14 =	vmul.f32 v14, v15;
	vm1 =	vgt.f32 v20, $0.0e+00  }
0x16a: {  	v22 =	vld [tilespmem:s14+$0x800];
	[tilespmem:s15+$0x1C00] =	vst v20;
	vm2 =	vlt.f32 v16, $0.0e+00;
	vm3 =	vgt.f32 v16, $0.0e+00;
	v6 =	vadd.s32 v5, v6  }
0x16b: {  	[tilespmem:s15+$0x2000] =	vst v16;
	v5 =	vadd.s32 v5, v8;
	vm4 =	vlt.f32 v18, $0.0e+00;
	vm5 =	vgt.f32 v18, $0.0e+00  }
0x16c: {  	s21 =	sadd.s32 $0xFFFFFFF0, s21;
	v23 =	vld [tilespmem:s14+$0xC00];
	[tilespmem:s15+$0x2400] =	vst v18;
	vm6 =	vlt.f32 v17, $0.0e+00;
	vm7 =	vgt.f32 v17, $0.0e+00;
	vm0 =	vmor vm1, vm0  }
0x16d: {  	[tilespmem:s15+$0x2800] =	vst v17;
	vm2 =	vmor vm3, vm2;
	v29 =	vmov s21;
	vm8 =	vlt.f32 v21, $0.0e+00  }
0x16e: {  	[tilespmem:s15+$0x2C00] =	vst v13;
	vm9 =	vlt.f32 v13, $0.0e+00;
	vm10 =	vgt.f32 v13, $0.0e+00;
	vm11 =	vgt.f32 v21, $0.0e+00  }
0x16f: {  	vm12 =	vlt.f32 v19, $0.0e+00;
	vm13 =	vgt.f32 v19, $0.0e+00;
	v15 =	vld [tilespmem:s14+$0x0];
	[tilespmem:s15+$0x1000] =	vst v21;
	v16 =	vmax.f32 v22, $2.762135980e+00  }
0x170: {  	vm1 =	vlt.f32 v14, $0.0e+00;
	vm3 =	vgt.f32 v14, $0.0e+00;
	[tilespmem:s15+$0x1400] =	vst v19;
	v13 =	vsub.f32 v22, v16  }
0x171: {  	vm4 =	vmor vm5, vm4;
	vm5 =	vmor vm7, vm6;
	v17 =	vld [tilespmem:s14+$0x400];
	v18 =	vmax.f32 v23, $2.762135980e+00  }
0x172: {  	v7 =	vnsel vm0, $0xFFFFFFFF, v7;
	v19 =	vsub.f32 v23, v18;
	v13 =	vmul.f32 $5.000000000e-01, v13  }
0x173: {  	v9 =	vnsel vm2, $0xFFFFFFFF, v9;
	vm6 =	vmor vm10, vm9;
	vm14 =	vmor vm11, vm8  }
0x174: {  	vm15 =	vmor vm13, vm12;
	v13 =	vadd.f32 v13, v15;
	v15 =	vmul.f32 $5.000000000e-01, v19  }
0x175: {  	vm1 =	vmor vm3, vm1;
	v10 =	vnsel vm4, $0xFFFFFFFF, v10;
	v11 =	vnsel vm5, $0xFFFFFFFF, v11  }
0x176: {  	vm12 =	vgt.s32 v29, v0;
	v15 =	vadd.f32 v15, v17;
	v17 =	vmul.f32 $5.120000240e-01, v13  }
0x177: {  	v12 =	vnsel vm6, $0xFFFFFFFF, v12;
	v22 =	vmul.f32 v23, v22;
	v19 =	vmul.f32 v18, v16  }
0x178: {  	v6 =	vnsel vm15, $0xFFFFFFFF, v6;
	v8 =	vtrunc.f32 v17;
	v17 =	vmul.f32 $5.120000240e-01, v15  }
0x179: {  	v5 =	vnsel vm1, $0xFFFFFFFF, v5;
	(erf) = vrcp.f32 v19;
	v8 =	vcvt.f32.s32 v8  }
0x17a: {  	vm10 =	vgt.f32 v23, v3;
	vm11 =	vgt.f32 v22, v2;
	v17 =	vtrunc.f32 v17  }
0x17b: {  	vm0 =	vmand vm10, vm11;
	vm5 =	vgt.s32 v8, $0x0;
	v17 =	vcvt.f32.s32 v17  }
0x17c: {  	v19 =	vnsel vm14, $0xFFFFFFFF, v4;
	v16 =	vadd.f32 v13, v16;
	v8 =	vnsel vm5, $0x0, v8  }
0x17d: {  	v2 =	vadd.f32 v15, v18;
	v4 =	vmin.u32 v8, $0x1FF;
	vm9 =	vgt.s32 v17, $0x0  }
0x17e: {  	v20 =	vmin.u32 v8, $0x1FE;
	v8 =	vmin.u32 v8, $0x1FD;
	v21 =	vcvt.s32.f32 v4  }
0x17f: {  	v17 =	vnsel vm9, $0x0, v17;
	v20 =	vshll.u32 v20, $0x9;
	v4 =	vshll.u32 v4, $0x9  }
0x180: {  	v8 =	vshll.u32 v8, $0x9;
	v24 =	vmin.u32 v17, $0x1FF;
	v25 =	vmin.u32 v17, $0x1FE  }
0x181: {  	v20 =	vadd.s32 $0x200, v20;
	v17 =	vmin.u32 v17, $0x1FD;
	v21 =	vmul.f32 $1.953125000e+00, v21  }
0x182: {  	[tilespmem:s15+$0x4400] =	vst v9;
	v30 =	vpop (erf);
	v8 =	vadd.s32 $0x400, v8;
	v26 =	vcvt.s32.f32 v24;
	v25 =	vadd.s32 $0x1, v25  }
0x183: {  	[tilespmem:s15+$0x4800] =	vst v10;
	v30 =	vmul.f32 v30, v22;
	v9 =	vadd.s32 $0x2, v17;
	v28 =	vadd.f32 $3.906250000e+00, v21  }
0x184: {  	[tilespmem:s15+$0x3C00] =	vst v5;
	v5 =	vor.u32 v24, v20;
	v27 =	vadd.f32 $1.953125000e+00, v21;
	v26 =	vmul.f32 $1.953125000e+00, v26  }
0x185: {  	[tilespmem:s15+$0x4C00] =	vst v11;
	v11 =	vadd.s32 v9, v8;
	v10 =	vmax.f32 v13, v21;
	v3 =	vadd.f32 $1.953125000e+00, v28  }
0x186: {  	v23 =	vadd.f32 $3.906250000e+00, v26;
	v18 =	vmax.f32 v13, v28;
	v58 =	vadd.f32 $1.953125000e+00, v27  }
0x187: {  	[tilespmem:s15+$0x4000] =	vst v7;
	v59 =	vadd.f32 $1.953125000e+00, v26;
	v60 =	vmin.f32 v16, v27;
	v7 =	vmax.f32 v13, v27  }
0x188: {  	v3 =	vmin.f32 v16, v3;
	v22 =	vadd.f32 $1.953125000e+00, v23;
	v23 =	vmax.f32 v15, v23  }
0x189: {  	[tilespmem:s15+$0x1800] =	vst v14;
	v14 =	vmin.f32 v16, v58;
	v13 =	vadd.f32 $1.953125000e+00, v59;
	v3 =	vsub.f32 v3, v18  }
0x18a: {  	[tilespmem:s15+$0x5000] =	vst v12;
	v12 =	vmin.f32 v2, v59;
	v18 =	vsel vm0, $0x3F666666, v30;
	v22 =	vmin.f32 v2, v22  }
0x18b: {  	v18 =	vnsel vm12, $0x0, v18;
	v3 =	vmax.f32 v3, $0.0e+00;
	v22 =	vsub.f32 v22, v23  }
0x18c: {  	v7 =	vsub.f32 v14, v7;
	v14 =	vmax.f32 v15, v59;
	v3 =	vmul.f32 v3, v18  }
0x18d: {  	v2 =	vmin.f32 v2, v13;
	v13 =	vmax.f32 v15, v26;
	v22 =	vmax.f32 v22, $0.0e+00  }
0x18e: {  	v7 =	vmax.f32 v7, $0.0e+00;
	v2 =	vsub.f32 v2, v14;
	v16 =	vmul.f32 v22, v3  }
0x18f: {  	[tilespmem:s15+$0x3800] =	vst v6;
	v6 =	vsub.f32 v60, v10;
	v12 =	vsub.f32 v12, v13;
	v7 =	vmul.f32 v7, v18  }
0x190: {  	v2 =	vmax.f32 v2, $0.0e+00;
	vm13 =	vlt.f32 v16, $0.0e+00;
	vm14 =	vgt.f32 v16, $0.0e+00  }
0x191: {  	[tilespmem:s15+$0x3400] =	vst v19;
	v6 =	vmax.f32 v6, $0.0e+00;
	v13 =	vmul.f32 v2, v7;
	vm0 =	vmor vm14, vm13  }
0x192: {  	v15 =	vor.u32 v24, v8;
	[tilespmem:s14+$0x3000] =	vst v16;
	v10 =	vnsel vm0, $0xFFFFFFFF, v11;
	v11 =	vmax.f32 v12, $0.0e+00  }
0x193: {  	v8 =	vadd.s32 v25, v8;
	v23 =	vor.u32 v24, v4;
	[tilespmem:s14+$0x2000] =	vst v13;
	v12 =	vmul.f32 v7, v11  }
0x194: {  	v6 =	vmul.f32 v6, v18;
	v14 =	vadd.s32 v9, v20;
	[tilespmem:s14+$0x5400] =	vst v10;
	v7 =	vmul.f32 v22, v7  }
0x195: {  	vm2 =	vlt.f32 v13, $0.0e+00;
	vm3 =	vgt.f32 v13, $0.0e+00;
	v16 =	vmul.f32 v3, v11;
	[tilespmem:s14+$0x1C00] =	vst v12  }
0x196: {  	vm2 =	vmor vm3, vm2;
	v11 =	vmul.f32 v11, v6;
	v3 =	vmul.f32 v2, v3;
	[tilespmem:s14+$0x2400] =	vst v7  }
0x197: {  	v10 =	vadd.s32 v25, v20;
	v2 =	vmul.f32 v2, v6;
	v6 =	vmul.f32 v22, v6;
	[tilespmem:s14+$0x2800] =	vst v16  }
0x198: {  	vm0 =	vlt.f32 v12, $0.0e+00;
	vm1 =	vgt.f32 v12, $0.0e+00;
	vm4 =	vlt.f32 v7, $0.0e+00;
	[tilespmem:s14+$0x2C00] =	vst v3  }
0x199: {  	vm15 =	vgt.f32 v7, $0.0e+00;
	vm12 =	vlt.f32 v16, $0.0e+00;
	vm13 =	vgt.f32 v16, $0.0e+00;
	[tilespmem:s14+$0x1000] =	vst v11  }
0x19a: {  	vm8 =	vlt.f32 v11, $0.0e+00;
	vm9 =	vlt.f32 v3, $0.0e+00;
	[tilespmem:s14+$0x1400] =	vst v2;
	vm0 =	vmor vm1, vm0  }
0x19b: {  	vm14 =	vgt.f32 v3, $0.0e+00;
	[tilespmem:s14+$0x1800] =	vst v6;
	vm11 =	vgt.f32 v2, $0.0e+00;
	v3 =	vnsel vm0, $0xFFFFFFFF, v5  }
0x19c: {  	vm1 =	vgt.f32 v11, $0.0e+00;
	vm15 =	vmor vm15, vm4;
	v5 =	vnsel vm2, $0xFFFFFFFF, v10;
	[tilespmem:s14+$0x4000] =	vst v3  }
0x19d: {  	vm12 =	vmor vm13, vm12;
	vm0 =	vlt.f32 v2, $0.0e+00;
	v2 =	vnsel vm15, $0xFFFFFFFF, v14;
	[tilespmem:s14+$0x4400] =	vst v5  }
0x19e: {  	vm13 =	vlt.f32 v6, $0.0e+00;
	vm14 =	vmor vm14, vm9;
	v3 =	vnsel vm12, $0xFFFFFFFF, v15;
	[tilespmem:s14+$0x4800] =	vst v2  }
0x19f: {  	vm15 =	vgt.f32 v6, $0.0e+00;
	vm1 =	vmor vm1, vm8;
	v2 =	vnsel vm14, $0xFFFFFFFF, v8;
	[tilespmem:s14+$0x4C00] =	vst v3  }
0x1a0: {  	vm0 =	vmor vm11, vm0;
	v5 =	vnsel vm1, $0xFFFFFFFF, v23;
	v3 =	vadd.s32 v4, v25;
	[tilespmem:s14+$0x5000] =	vst v2  }
0x1a1: {  	vm8 =	vmor vm15, vm13;
	v2 =	vadd.s32 v4, v9;
	[tilespmem:s14+$0x3400] =	vst v5;
	v3 =	vnsel vm0, $0xFFFFFFFF, v3  }
0x1a2: {  	p0 =	seq.s32 s18, $0x0;
	v2 =	vnsel vm8, $0xFFFFFFFF, v2;
	[tilespmem:s14+$0x3800] =	vst v3  }
0x1a3: {  	[tilespmem:s14+$0x3C00] =	vst v2;
	s14 =	simm.s32 @!p0 $0x1  }
0x1a4: {  	_ =	swait.ge @!p0 [sflag:s14], $0x2400  }
0x1a5: {  	[sflag:s14] =	ssyncset.done @!p0 $0x0  }
0x1a6: {  	[sflag:s14] =	ssyncadd.s32 @!p0 $0xFFFFDC00;
	(ifvalue) =	ssetifvalue $0xFFFFFFFF  }
0x1a7: {  	[spmem:s3] =	stream.indirect.scatter.add.f32 [tilespmem:s28], [sflag:$0x1], $0x1, s26, s2, $0x40b8;
	[tilespmem:$0x18100] =	vst v63  }
0x1a8: {  	s14 =	sor.u32 $0x80, s20  }
0x1a9: {  	s20 =	simm.s32 $0x0;
	s24 =	sadd.s32 s6, s14  }
0x1aa: {  	[tilespmem:s20], [sflag:$0x3] =	stream.linear.gather [hbm4b:s24+s20], $0x400, $0x38;
	[tilespmem:$0x18100] =	vst v63  }
0x1ab: {  	_ =	swait.ge [sflag:s25], $0x400  }
0x1ac: {  	[sflag:s25] =	ssyncset.done $0x0  }
0x1ad: {  	s21 =	sadd.s32 $0x1564C, s19;
	[sflag:s25] =	ssyncadd.s32 $0xFFFFFC00  }
0x1ae: {  	[tilespmem:s29], [sflag:$0x3] =	stream.linear.gather [hbm4b:s21+s20], $0x400, $0x38;
	[tilespmem:$0x18100] =	vst v63  }
0x1af: {  	_ =	swait.ge [sflag:s25], $0x400  }
0x1b0: {  	[sflag:s25] =	ssyncset.done $0x0  }
0x1b1: {  	s24 =	sadd.s32 s7, s14;
	[sflag:s25] =	ssyncadd.s32 $0xFFFFFC00  }
0x1b2: {  	[tilespmem:s30], [sflag:$0x3] =	stream.linear.gather [hbm4b:s24+s20], $0x400, $0x38;
	[tilespmem:$0x18100] =	vst v63  }
0x1b3: {  	_ =	swait.ge [sflag:s25], $0x400  }
0x1b4: {  	[sflag:s25] =	ssyncset.done $0x0  }
0x1b5: {  	s14 =	sadd.s32 s8, s14;
	[sflag:s25] =	ssyncadd.s32 $0xFFFFFC00  }
0x1b6: {  	[tilespmem:s31], [sflag:$0x3] =	stream.linear.gather [hbm4b:s14+s20], $0x400, $0x38;
	[tilespmem:$0x18100] =	vst v63  }
0x1b7: {  	_ =	swait.ge [sflag:s25], $0x400  }
0x1b8: {  	[sflag:s25] =	ssyncset.done $0x0  }
0x1b9: {  	s15 =	simm.s32 $0x0;
	[sflag:s25] =	ssyncadd.s32 $0xFFFFFC00  }
0x1ba: {  	v7 =	vld [tilespmem:s15+$0x800];
	_ =	sdelay $0x1  }
0x1bb: {  	v8 =	vld [tilespmem:s15+$0xC00];
	_ =	sdelay $0x2  }
0x1bc: {  	v2 =	vld [tilespmem:s15+$0x0];
	v9 =	vmax.f32 v7, $2.762135980e+00  }
0x1bd: {  	v3 =	vsub.f32 v7, v9  }
0x1be: {  	v4 =	vld [tilespmem:s15+$0x400];
	v10 =	vmax.f32 v8, $2.762135980e+00  }
0x1bf: {  	v5 =	vsub.f32 v8, v10;
	v3 =	vmul.f32 $5.000000000e-01, v3;
	_ =	sdelay $0x1  }
0x1c0: {  	v11 =	vadd.f32 v3, v2;
	v2 =	vmul.f32 $5.000000000e-01, v5;
	_ =	sdelay $0x1  }
0x1c1: {  	v12 =	vadd.f32 v2, v4;
	v2 =	vmul.f32 $5.120000240e-01, v11;
	_ =	sdelay $0x1  }
0x1c2: {  	v4 =	vmul.f32 v10, v9;
	v2 =	vtrunc.f32 v2  }
0x1c3: {  	v3 =	vmul.f32 $5.120000240e-01, v12;
	v2 =	vcvt.f32.s32 v2  }
0x1c4: {  	(erf) = vrcp.f32 v4  }
0x1c5: {  	v3 =	vtrunc.f32 v3;
	vm9 =	vgt.s32 v2, $0x0  }
0x1c6: {  	v3 =	vcvt.f32.s32 v3;
	v15 =	vnsel vm9, $0x0, v2  }
0x1c7: {  	v7 =	vmul.f32 v8, v7;
	v9 =	vadd.f32 v11, v9;
	v4 =	vmin.u32 v15, $0x1FF  }
0x1c8: {  	v2 =	vmin.u32 v15, $0x1FE;
	vm10 =	vgt.s32 v3, $0x0;
	v5 =	vcvt.s32.f32 v4  }
0x1c9: {  	v10 =	vadd.f32 v12, v10;
	v2 =	vshll.u32 v2, $0x9;
	v16 =	vnsel vm10, $0x0, v3;
	v3 =	vld [tilespmem:$0x14080]  }
0x1ca: {  	v17 =	vadd.s32 $0x200, v2;
	v18 =	vmin.u32 v16, $0x1FF;
	v2 =	vld [tilespmem:$0x14000];
	v19 =	vmul.f32 $1.953125000e+00, v5  }
0x1cb: {  	v6 =	vmin.u32 v16, $0x1FE;
	v5 =	vshll.u32 v4, $0x9;
	v13 =	vcvt.s32.f32 v18  }
0x1cc: {  	v6 =	vadd.s32 $0x1, v6;
	v4 =	vor.u32 v18, v5;
	v14 =	vadd.f32 $3.906250000e+00, v19  }
0x1cd: {  	v23 =	vpop (erf);
	v20 =	vadd.f32 $1.953125000e+00, v19;
	v21 =	vmul.f32 $1.953125000e+00, v13;
	v13 =	vmov s22  }
0x1ce: {  	v23 =	vmul.f32 v23, v7;
	vm11 =	vgt.f32 v8, v3;
	vm13 =	vgt.s32 v13, v0  }
0x1cf: {  	v22 =	vadd.f32 $1.953125000e+00, v14;
	v8 =	vadd.f32 $3.906250000e+00, v21;
	vm12 =	vgt.f32 v7, v2  }
0x1d0: {  	v14 =	vmax.f32 v11, v14;
	v61 =	vadd.f32 $1.953125000e+00, v21;
	v62 =	vmin.f32 v9, v20  }
0x1d1: {  	vm0 =	vmand vm11, vm12;
	v7 =	vmin.f32 v9, v22;
	v22 =	vadd.f32 $1.953125000e+00, v8  }
0x1d2: {  	v13 =	vsel vm0, $0x3F666666, v23;
	v8 =	vmax.f32 v12, v8;
	v23 =	vadd.f32 $1.953125000e+00, v20  }
0x1d3: {  	v20 =	vmax.f32 v11, v20;
	v11 =	vmax.f32 v11, v19;
	v7 =	vsub.f32 v7, v14  }
0x1d4: {  	v19 =	vmin.f32 v10, v61;
	v11 =	vsub.f32 v62, v11;
	v14 =	vmin.f32 v10, v22  }
0x1d5: {  	v22 =	vnsel vm13, $0x0, v13;
	v9 =	vmin.f32 v9, v23;
	v7 =	vmax.f32 v7, $0.0e+00  }
0x1d6: {  	v8 =	vsub.f32 v14, v8;
	v9 =	vsub.f32 v9, v20;
	v11 =	vmax.f32 v11, $0.0e+00  }
0x1d7: {  	v13 =	vmul.f32 v7, v22;
	v7 =	vmin.u32 v15, $0x1FD;
	v15 =	vadd.f32 $1.953125000e+00, v61  }
0x1d8: {  	v14 =	vmax.f32 v8, $0.0e+00;
	v8 =	vmin.u32 v16, $0x1FD;
	v7 =	vshll.u32 v7, $0x9  }
0x1d9: {  	v9 =	vmax.f32 v9, $0.0e+00;
	v16 =	vmul.f32 v14, v13;
	v8 =	vadd.s32 $0x2, v8  }
0x1da: {  	v23 =	vadd.s32 $0x400, v7;
	v7 =	vor.u32 v18, v17;
	v10 =	vmin.f32 v10, v15  }
0x1db: {  	v15 =	vmax.f32 v12, v21;
	v12 =	vmax.f32 v12, v61;
	v63 =	vadd.s32 v8, v23  }
0x1dc: {  	v19 =	vsub.f32 v19, v15;
	v10 =	vsub.f32 v10, v12;
	v15 =	vmul.f32 v11, v22  }
0x1dd: {  	v12 =	vmul.f32 v9, v22;
	vm14 =	vlt.f32 v16, $0.0e+00;
	vm15 =	vgt.f32 v16, $0.0e+00  }
0x1de: {  	v9 =	vadd.s32 v6, v17;
	v11 =	vor.u32 v18, v23;
	vm0 =	vmor vm15, vm14  }
0x1df: {  	v21 =	vmax.f32 v19, $0.0e+00;
	v19 =	vmax.f32 v10, $0.0e+00;
	v10 =	vadd.s32 v8, v17  }
0x1e0: {  	[tilespmem:s15+$0x7800] =	vst v16;
	v18 =	vmul.f32 v14, v12;
	v26 =	vnsel vm0, $0xFFFFFFFF, v63;
	v20 =	vmul.f32 v12, v21  }
0x1e1: {  	s19 =	smov.u32 s22;
	s14 =	simm.s32 $0x10;
	s20 =	simm.s32 $0x80;
	v16 =	vmul.f32 v19, v12;
	v17 =	vmul.f32 v13, v21;
	v12 =	vadd.s32 v6, v23;
	[tilespmem:s15+$0x9C00] =	vst v26  }
.LBB2_7:
0x1e2: {  	p0 =	sne.s32 s20, $0xFC0;
	v22 =	vld [tilespmem:s14+$0x800];
	v21 =	vmul.f32 v21, v15;
	[tilespmem:s15+$0x6400] =	vst v20;
	vm0 =	vlt.f32 v20, $0.0e+00;
	v13 =	vmul.f32 v19, v13  }
0x1e3: {  	v19 =	vmul.f32 v19, v15;
	v14 =	vmul.f32 v14, v15;
	vm1 =	vgt.f32 v20, $0.0e+00;
	[tilespmem:s15+$0x6800] =	vst v16  }
0x1e4: {  	vm2 =	vlt.f32 v16, $0.0e+00;
	vm3 =	vgt.f32 v16, $0.0e+00;
	vm4 =	vlt.f32 v18, $0.0e+00;
	v15 =	vld [tilespmem:s14+$0xC00];
	[tilespmem:s15+$0x6C00] =	vst v18  }
0x1e5: {  	vm5 =	vgt.f32 v18, $0.0e+00;
	vm6 =	vlt.f32 v17, $0.0e+00;
	vm7 =	vgt.f32 v17, $0.0e+00;
	[tilespmem:s15+$0x7000] =	vst v17  }
0x1e6: {  	vm8 =	vlt.f32 v21, $0.0e+00;
	vm9 =	vlt.f32 v13, $0.0e+00;
	vm10 =	vgt.f32 v13, $0.0e+00;
	[tilespmem:s15+$0x7400] =	vst v13  }
0x1e7: {  	vm11 =	vgt.f32 v21, $0.0e+00;
	vm12 =	vlt.f32 v19, $0.0e+00;
	v13 =	vld [tilespmem:s14+$0x0];
	v16 =	vmax.f32 v22, $2.762135980e+00;
	[tilespmem:s15+$0x5800] =	vst v21  }
0x1e8: {  	vm13 =	vgt.f32 v19, $0.0e+00;
	vm14 =	vlt.f32 v14, $0.0e+00;
	v17 =	vsub.f32 v22, v16;
	[tilespmem:s15+$0x5C00] =	vst v19  }
0x1e9: {  	vm0 =	vmor vm1, vm0;
	vm15 =	vgt.f32 v14, $0.0e+00;
	v18 =	vld [tilespmem:s14+$0x400];
	v19 =	vmax.f32 v15, $2.762135980e+00;
	[tilespmem:s15+$0x6000] =	vst v14  }
0x1ea: {  	vm1 =	vmor vm3, vm2;
	v14 =	vmul.f32 $5.000000000e-01, v17;
	v17 =	vsub.f32 v15, v19  }
0x1eb: {  	vm2 =	vmor vm5, vm4;
	vm3 =	vmor vm7, vm6;
	vm4 =	vmor vm10, vm9  }
0x1ec: {  	vm5 =	vmor vm11, vm8;
	v20 =	vadd.f32 v14, v13;
	v13 =	vmul.f32 $5.000000000e-01, v17  }
0x1ed: {  	v6 =	vadd.s32 v5, v6;
	vm6 =	vmor vm13, vm12;
	vm7 =	vmor vm15, vm14  }
0x1ee: {  	v5 =	vadd.s32 v5, v8;
	v17 =	vadd.f32 v13, v18;
	v13 =	vmul.f32 $5.120000240e-01, v20  }
0x1ef: {  	v7 =	vnsel vm0, $0xFFFFFFFF, v7;
	v8 =	vnsel vm1, $0xFFFFFFFF, v9;
	v9 =	vnsel vm2, $0xFFFFFFFF, v10  }
0x1f0: {  	v10 =	vtrunc.f32 v13;
	v13 =	vmul.f32 $5.120000240e-01, v17;
	[tilespmem:s15+$0x8800] =	vst v7;
	v7 =	vnsel vm3, $0xFFFFFFFF, v11  }
0x1f1: {  	v11 =	vmul.f32 v19, v16;
	v10 =	vcvt.f32.s32 v10;
	[tilespmem:s15+$0x8C00] =	vst v8;
	v8 =	vnsel vm4, $0xFFFFFFFF, v12  }
0x1f2: {  	v4 =	vnsel vm5, $0xFFFFFFFF, v4;
	v6 =	vnsel vm6, $0xFFFFFFFF, v6;
	v12 =	vtrunc.f32 v13;
	[tilespmem:s15+$0x9000] =	vst v9  }
0x1f3: {  	vm0 =	vgt.s32 v10, $0x0;
	v9 =	vcvt.f32.s32 v12;
	(erf) = vrcp.f32 v11;
	[tilespmem:s15+$0x9400] =	vst v7  }
0x1f4: {  	v5 =	vnsel vm7, $0xFFFFFFFF, v5;
	v10 =	vnsel vm0, $0x0, v10;
	[tilespmem:s15+$0x9800] =	vst v8  }
0x1f5: {  	v7 =	vmin.u32 v10, $0x1FF;
	v8 =	vmin.u32 v10, $0x1FE;
	vm0 =	vgt.s32 v9, $0x0;
	[tilespmem:s15+$0x7C00] =	vst v4  }
0x1f6: {  	v4 =	vcvt.s32.f32 v7;
	v8 =	vshll.u32 v8, $0x9;
	v9 =	vnsel vm0, $0x0, v9;
	[tilespmem:s15+$0x8000] =	vst v6  }
0x1f7: {  	v11 =	vadd.s32 $0x200, v8;
	v12 =	vmin.u32 v9, $0x1FF;
	v6 =	vmin.u32 v9, $0x1FE;
	[tilespmem:s15+$0x8400] =	vst v5;
	s15 =	smov.u32 s14  }
0x1f8: {  	v5 =	vshll.u32 v7, $0x9;
	v18 =	vmul.f32 $1.953125000e+00, v4;
	v8 =	vcvt.s32.f32 v12  }
0x1f9: {  	v6 =	vadd.s32 $0x1, v6;
	v4 =	vor.u32 v12, v5;
	v7 =	vor.u32 v12, v11  }
0x1fa: {  	s19 =	sadd.s32 $0xFFFFFFF0, s19;
	v14 =	vadd.f32 $1.953125000e+00, v18;
	v13 =	vadd.f32 $3.906250000e+00, v18;
	v21 =	vmul.f32 $1.953125000e+00, v8  }
0x1fb: {  	v16 =	vadd.f32 v20, v16;
	v8 =	vmul.f32 v15, v22;
	v22 =	vmov s19  }
0x1fc: {  	vm0 =	vgt.f32 v15, v3;
	v15 =	vadd.f32 $1.953125000e+00, v13;
	v23 =	vadd.f32 $3.906250000e+00, v21;
	v24 =	vpop (erf)  }
0x1fd: {  	v19 =	vadd.f32 v17, v19;
	vm1 =	vgt.f32 v8, v2;
	v24 =	vmul.f32 v24, v8  }
0x1fe: {  	v13 =	vmax.f32 v20, v13;
	v8 =	vmin.f32 v16, v15;
	v15 =	vadd.f32 $1.953125000e+00, v23  }
0x1ff: {  	vm0 =	vmand vm0, vm1;
	vm1 =	vgt.s32 v22, v0;
	v8 =	vsub.f32 v8, v13  }
0x200: {  	v22 =	vmax.f32 v17, v23;
	v13 =	vsel vm0, $0x3F666666, v24;
	v15 =	vmin.f32 v19, v15  }
0x201: {  	v23 =	vnsel vm1, $0x0, v13;
	v8 =	vmax.f32 v8, $0.0e+00;
	v15 =	vsub.f32 v15, v22  }
0x202: {  	v24 =	vadd.f32 $1.953125000e+00, v21;
	v22 =	vadd.f32 $1.953125000e+00, v14;
	v13 =	vmul.f32 v8, v23  }
0x203: {  	v25 =	vmin.f32 v16, v14;
	v26 =	vmax.f32 v20, v14;
	v14 =	vmax.f32 v15, $0.0e+00  }
0x204: {  	v9 =	vmin.u32 v9, $0x1FD;
	v8 =	vmin.u32 v10, $0x1FD;
	v10 =	vmul.f32 v14, v13  }
0x205: {  	v15 =	vmin.f32 v16, v22;
	v16 =	vshll.u32 v8, $0x9;
	v8 =	vadd.s32 $0x2, v9  }
0x206: {  	v22 =	vadd.s32 $0x400, v16;
	[tilespmem:s15+$0x7800] =	vst v10;
	vm0 =	vlt.f32 v10, $0.0e+00;
	vm1 =	vgt.f32 v10, $0.0e+00  }
0x207: {  	v9 =	vadd.f32 $1.953125000e+00, v24;
	v10 =	vadd.s32 v8, v22;
	vm0 =	vmor vm1, vm0  }
0x208: {  	v16 =	vmax.f32 v20, v18;
	v15 =	vsub.f32 v15, v26;
	v10 =	vnsel vm0, $0xFFFFFFFF, v10  }
0x209: {  	v18 =	vmin.f32 v19, v24;
	v16 =	vsub.f32 v25, v16;
	v9 =	vmin.f32 v19, v9;
	[tilespmem:s15+$0x9C00] =	vst v10  }
0x20a: {  	v10 =	vmax.f32 v15, $0.0e+00;
	v15 =	vmax.f32 v17, v21;
	v17 =	vmax.f32 v17, v24  }
.Ltmp2:
0x20b: {  	v16 =	vmax.f32 v16, $0.0e+00;
	v18 =	vsub.f32 v18, v15;
	v17 =	vsub.f32 v9, v17;
	(pc) =	sbr.rel @p0 .LBB2_7-.Ltmp2, $4  }
0x20c: {  	v15 =	vmul.f32 v16, v23;
	v23 =	vmul.f32 v10, v23;
	v9 =	vadd.s32 v6, v11  }
0x20d: {  	v10 =	vadd.s32 v8, v11;
	v21 =	vmax.f32 v18, $0.0e+00;
	v19 =	vmax.f32 v17, $0.0e+00  }
0x20e: {  	v11 =	vor.u32 v12, v22;
	v20 =	vmul.f32 v23, v21;
	v16 =	vmul.f32 v19, v23  }
0x20f: {  	s14 =	sshra.s32 s20, $0x2;
	s20 =	sadd.s32 $0x40, s20;
	v12 =	vadd.s32 v6, v22;
	v18 =	vmul.f32 v14, v23;
	v17 =	vmul.f32 v13, v21  }
0x210: {  	v21 =	vmul.f32 v21, v15;
	vm0 =	vlt.f32 v20, $0.0e+00;
	v13 =	vmul.f32 v19, v13  }
0x211: {  	v50 =	vmul.f32 v19, v15;
	v14 =	vmul.f32 v14, v15;
	vm1 =	vgt.f32 v20, $0.0e+00  }
0x212: {  	v22 =	vld [tilespmem:s14+$0x800];
	[tilespmem:s15+$0x6400] =	vst v20;
	vm2 =	vlt.f32 v16, $0.0e+00;
	vm3 =	vgt.f32 v16, $0.0e+00;
	v6 =	vadd.s32 v5, v6  }
0x213: {  	[tilespmem:s15+$0x6800] =	vst v16;
	v59 =	vadd.s32 v5, v8;
	vm4 =	vlt.f32 v18, $0.0e+00;
	vm5 =	vgt.f32 v18, $0.0e+00  }
0x214: {  	s19 =	sadd.s32 $0xFFFFFFF0, s19;
	v23 =	vld [tilespmem:s14+$0xC00];
	[tilespmem:s15+$0x6C00] =	vst v18;
	vm6 =	vlt.f32 v17, $0.0e+00;
	vm7 =	vgt.f32 v17, $0.0e+00;
	vm0 =	vmor vm1, vm0  }
0x215: {  	[tilespmem:s15+$0x7000] =	vst v17;
	vm2 =	vmor vm3, vm2;
	v29 =	vmov s19;
	vm8 =	vlt.f32 v21, $0.0e+00  }
0x216: {  	[tilespmem:s15+$0x7400] =	vst v13;
	vm9 =	vlt.f32 v13, $0.0e+00;
	vm10 =	vgt.f32 v13, $0.0e+00;
	vm11 =	vgt.f32 v21, $0.0e+00  }
0x217: {  	vm12 =	vlt.f32 v50, $0.0e+00;
	vm13 =	vgt.f32 v50, $0.0e+00;
	v51 =	vld [tilespmem:s14+$0x0];
	[tilespmem:s15+$0x5800] =	vst v21;
	v52 =	vmax.f32 v22, $2.762135980e+00  }
0x218: {  	vm1 =	vlt.f32 v14, $0.0e+00;
	vm3 =	vgt.f32 v14, $0.0e+00;
	[tilespmem:s15+$0x5C00] =	vst v50;
	v53 =	vsub.f32 v22, v52  }
0x219: {  	vm4 =	vmor vm5, vm4;
	vm5 =	vmor vm7, vm6;
	v54 =	vld [tilespmem:s14+$0x400];
	v55 =	vmax.f32 v23, $2.762135980e+00  }
0x21a: {  	v56 =	vsub.f32 v23, v55;
	v62 =	vmul.f32 v55, v52;
	v13 =	vmul.f32 $5.000000000e-01, v53  }
0x21b: {  	v7 =	vnsel vm0, $0xFFFFFFFF, v7;
	v9 =	vnsel vm2, $0xFFFFFFFF, v9;
	vm6 =	vmor vm10, vm9  }
0x21c: {  	v57 =	vmul.f32 $5.000000000e-01, v56;
	(erf) = vrcp.f32 v62;
	v13 =	vadd.f32 v13, v51  }
0x21d: {  	vm14 =	vmor vm11, vm8;
	vm15 =	vmor vm13, vm12;
	vm1 =	vmor vm3, vm1  }
0x21e: {  	v10 =	vnsel vm4, $0xFFFFFFFF, v10;
	v15 =	vadd.f32 v57, v54;
	v58 =	vmul.f32 $5.120000240e-01, v13  }
0x21f: {  	v11 =	vnsel vm5, $0xFFFFFFFF, v11;
	vm11 =	vgt.s32 v29, v0;
	v12 =	vnsel vm6, $0xFFFFFFFF, v12  }
0x220: {  	v63 =	vnsel vm14, $0xFFFFFFFF, v4;
	v61 =	vmul.f32 $5.120000240e-01, v15;
	v60 =	vtrunc.f32 v58  }
0x221: {  	v6 =	vnsel vm15, $0xFFFFFFFF, v6;
	v22 =	vmul.f32 v23, v22;
	v8 =	vcvt.f32.s32 v60  }
0x222: {  	v5 =	vnsel vm1, $0xFFFFFFFF, v59;
	vm9 =	vgt.f32 v23, v3;
	v17 =	vtrunc.f32 v61  }
0x223: {  	vm10 =	vgt.f32 v22, v2;
	v17 =	vcvt.f32.s32 v17;
	vm5 =	vgt.s32 v8, $0x0  }
0x224: {  	vm0 =	vmand vm9, vm10;
	v16 =	vadd.f32 v13, v52;
	v8 =	vnsel vm5, $0x0, v8  }
0x225: {  	v2 =	vadd.f32 v15, v55;
	vm8 =	vgt.s32 v17, $0x0;
	v30 =	vpop (erf);
	v33 =	vmin.u32 v8, $0x1FF  }
0x226: {  	v34 =	vmin.u32 v8, $0x1FE;
	v17 =	vnsel vm8, $0x0, v17;
	v30 =	vmul.f32 v30, v22  }
0x227: {  	v8 =	vmin.u32 v8, $0x1FD;
	v35 =	vcvt.s32.f32 v33;
	v20 =	vshll.u32 v34, $0x9  }
0x228: {  	v24 =	vmin.u32 v17, $0x1FF;
	v25 =	vmin.u32 v17, $0x1FE;
	v4 =	vshll.u32 v33, $0x9  }
0x229: {  	v17 =	vmin.u32 v17, $0x1FD;
	v8 =	vshll.u32 v8, $0x9;
	v26 =	vcvt.s32.f32 v24  }
0x22a: {  	v20 =	vadd.s32 $0x200, v20;
	v25 =	vadd.s32 $0x1, v25;
	v39 =	vsel vm0, $0x3F666666, v30  }
0x22b: {  	v40 =	vor.u32 v24, v4;
	v47 =	vadd.s32 $0x2, v17;
	v21 =	vmul.f32 $1.953125000e+00, v35  }
0x22c: {  	v8 =	vadd.s32 $0x400, v8;
	v18 =	vnsel vm11, $0x0, v39;
	v26 =	vmul.f32 $1.953125000e+00, v26  }
0x22d: {  	v50 =	vadd.s32 v47, v8;
	v56 =	vor.u32 v24, v20;
	v28 =	vadd.f32 $3.906250000e+00, v21  }
0x22e: {  	v27 =	vadd.f32 $1.953125000e+00, v21;
	v48 =	vmax.f32 v13, v21;
	v36 =	vadd.f32 $3.906250000e+00, v26  }
0x22f: {  	v42 =	vadd.f32 $1.953125000e+00, v26;
	v52 =	vmax.f32 v15, v26;
	v3 =	vadd.f32 $1.953125000e+00, v28  }
0x230: {  	v37 =	vmax.f32 v13, v28;
	v41 =	vadd.f32 $1.953125000e+00, v27;
	v43 =	vmin.f32 v16, v27  }
0x231: {  	[tilespmem:s15+$0x6000] =	vst v14;
	v46 =	vmax.f32 v13, v27;
	v38 =	vadd.f32 $1.953125000e+00, v36;
	v23 =	vmax.f32 v15, v36  }
0x232: {  	[tilespmem:s15+$0x8800] =	vst v7;
	v49 =	vadd.f32 $1.953125000e+00, v42;
	v53 =	vmax.f32 v15, v42;
	v3 =	vmin.f32 v16, v3  }
0x233: {  	[tilespmem:s15+$0x8C00] =	vst v9;
	v54 =	vsub.f32 v43, v48;
	v44 =	vmin.f32 v16, v41;
	v3 =	vsub.f32 v3, v37  }
0x234: {  	[tilespmem:s15+$0x9000] =	vst v10;
	v22 =	vmin.f32 v2, v38;
	v7 =	vsub.f32 v44, v46;
	v51 =	vmin.f32 v2, v49  }
0x235: {  	[tilespmem:s15+$0x9400] =	vst v11;
	v2 =	vmin.f32 v2, v42;
	v22 =	vsub.f32 v22, v23;
	v3 =	vmax.f32 v3, $0.0e+00  }
0x236: {  	[tilespmem:s15+$0x9800] =	vst v12;
	v2 =	vsub.f32 v2, v52;
	v7 =	vmax.f32 v7, $0.0e+00;
	v3 =	vmul.f32 v3, v18  }
0x237: {  	[tilespmem:s15+$0x7C00] =	vst v63;
	v55 =	vsub.f32 v51, v53;
	v22 =	vmax.f32 v22, $0.0e+00;
	v7 =	vmul.f32 v7, v18  }
0x238: {  	[tilespmem:s15+$0x8000] =	vst v6;
	v58 =	vadd.s32 v25, v20;
	v2 =	vmax.f32 v2, $0.0e+00;
	v45 =	vmul.f32 v22, v3  }
0x239: {  	[tilespmem:s15+$0x8400] =	vst v5;
	v6 =	vmax.f32 v54, $0.0e+00;
	v10 =	vmax.f32 v55, $0.0e+00;
	v57 =	vmul.f32 v7, v2  }
0x23a: {  	v60 =	vadd.s32 v47, v20;
	v6 =	vmul.f32 v6, v18;
	v59 =	vmul.f32 v10, v7;
	[tilespmem:s14+$0x7800] =	vst v45  }
0x23b: {  	v61 =	vor.u32 v24, v8;
	v7 =	vmul.f32 v22, v7;
	v62 =	vmul.f32 v3, v2;
	[tilespmem:s14+$0x6400] =	vst v57  }
0x23c: {  	v8 =	vadd.s32 v25, v8;
	v2 =	vmul.f32 v2, v6;
	v3 =	vmul.f32 v10, v3;
	[tilespmem:s14+$0x6800] =	vst v59  }
0x23d: {  	v10 =	vmul.f32 v10, v6;
	v6 =	vmul.f32 v22, v6;
	vm12 =	vlt.f32 v45, $0.0e+00;
	[tilespmem:s14+$0x6C00] =	vst v7  }
0x23e: {  	vm13 =	vgt.f32 v45, $0.0e+00;
	vm1 =	vgt.f32 v57, $0.0e+00;
	vm2 =	vlt.f32 v59, $0.0e+00;
	[tilespmem:s14+$0x7000] =	vst v62  }
0x23f: {  	vm3 =	vgt.f32 v59, $0.0e+00;
	vm14 =	vlt.f32 v7, $0.0e+00;
	vm15 =	vgt.f32 v7, $0.0e+00;
	[tilespmem:s14+$0x7400] =	vst v3  }
0x240: {  	vm6 =	vlt.f32 v62, $0.0e+00;
	vm8 =	vlt.f32 v2, $0.0e+00;
	[tilespmem:s14+$0x5800] =	vst v2;
	vm9 =	vlt.f32 v3, $0.0e+00  }
0x241: {  	[tilespmem:s14+$0x5C00] =	vst v10;
	vm0 =	vmor vm13, vm12;
	vm12 =	vgt.f32 v62, $0.0e+00;
	vm13 =	vgt.f32 v3, $0.0e+00  }
0x242: {  	[tilespmem:s14+$0x6000] =	vst v6;
	vm2 =	vmor vm3, vm2;
	vm14 =	vmor vm15, vm14;
	v11 =	vnsel vm0, $0xFFFFFFFF, v50  }
0x243: {  	vm0 =	vlt.f32 v57, $0.0e+00;
	v3 =	vnsel vm2, $0xFFFFFFFF, v58;
	vm11 =	vmor vm12, vm6;
	[tilespmem:s14+$0x9C00] =	vst v11  }
0x244: {  	vm15 =	vgt.f32 v10, $0.0e+00;
	vm0 =	vmor vm1, vm0;
	[tilespmem:s14+$0x8C00] =	vst v3;
	v3 =	vnsel vm11, $0xFFFFFFFF, v61  }
0x245: {  	vm12 =	vlt.f32 v6, $0.0e+00;
	vm1 =	vgt.f32 v2, $0.0e+00;
	v2 =	vnsel vm0, $0xFFFFFFFF, v56;
	[tilespmem:s14+$0x9400] =	vst v3  }
0x246: {  	vm13 =	vmor vm13, vm9;
	vm1 =	vmor vm1, vm8;
	[tilespmem:s14+$0x8800] =	vst v2;
	v2 =	vnsel vm14, $0xFFFFFFFF, v60  }
0x247: {  	vm0 =	vlt.f32 v10, $0.0e+00;
	v3 =	vadd.s32 v4, v25;
	v63 =	vnsel vm1, $0xFFFFFFFF, v40;
	[tilespmem:s14+$0x9000] =	vst v2  }
0x248: {  	vm14 =	vgt.f32 v6, $0.0e+00;
	vm0 =	vmor vm15, vm0;
	v2 =	vnsel vm13, $0xFFFFFFFF, v8;
	[tilespmem:s14+$0x7C00] =	vst v63  }
0x249: {  	s18 =	sadd.s32 $0x1, s18;
	vm15 =	vmor vm14, vm12;
	v3 =	vnsel vm0, $0xFFFFFFFF, v3;
	[tilespmem:s14+$0x9800] =	vst v2;
	v2 =	vadd.s32 v4, v47  }
0x24a: {  	p0 =	sne.s32 s18, $0x8;
	[tilespmem:s14+$0x8000] =	vst v3;
	v2 =	vnsel vm15, $0xFFFFFFFF, v2  }
.Ltmp3:
0x24b: {  	[tilespmem:s14+$0x8400] =	vst v2;
	(pc) =	sbr.rel @p0 .LBB2_4-.Ltmp3, $4  }
0x24c: {  	_ =	swait.ge [sflag:s0], $0x2400  }
0x24d: {  	s23 =	sadd.s32 $0xFFFFF800, s23;
	[sflag:s0] =	ssyncset.done $0x0  }
0x24e: {  	s22 =	sadd.s32 $0xFFFFF800, s22;
	[sflag:s0] =	ssyncadd.s32 $0xFFFFDC00;
	(ifvalue) =	ssetifvalue $0xFFFFFFFF  }
0x24f: {  	[spmem:s3] =	stream.indirect.scatter.add.f32 [tilespmem:s1], [sflag:$0x1], $0x1, s4, s2, $0x40b8;
	[tilespmem:$0x18100] =	vst v63  }
0x250: {  	_ =	swait.ge [sflag:s0], $0x2400  }
0x251: {  	s13 =	simm.s32 $0x0;
	[sflag:s0] =	ssyncset.done $0x0;
	s18 =	rddreg [dreg:$0x11]  }
0x252: {  	s22 =	simm.s32 $0x0;
	s21 =	rddreg [dreg:$0x10];
	[sflag:s0] =	ssyncadd.s32 $0xFFFFDC00  }
.LBB2_10:
0x253: {  	s14 =	sshll.u32 s22, $0xB  }
0x254: {  	s14 =	sadd.s32 s14, s17  }
0x255: {  	s20 =	sshrl.u32 s14, $0x3  }
0x256: {  	s19 =	sadd.s32 s6, s20  }
0x257: {  	[tilespmem:s13], [sflag:$0x3] =	stream.linear.gather [hbm4b:s19+s13], $0x400, $0x38;
	[tilespmem:$0x18100] =	vst v63  }
0x258: {  	_ =	swait.ge [sflag:s25], $0x400  }
0x259: {  	[sflag:s25] =	ssyncset.done $0x0  }
0x25a: {  	s15 =	sadd.s32 $0x155CC, s19;
	[sflag:s25] =	ssyncadd.s32 $0xFFFFFC00  }
0x25b: {  	[tilespmem:s29], [sflag:$0x3] =	stream.linear.gather [hbm4b:s15+s13], $0x400, $0x38;
	[tilespmem:$0x18100] =	vst v63  }
0x25c: {  	_ =	swait.ge [sflag:s25], $0x400  }
0x25d: {  	[sflag:s25] =	ssyncset.done $0x0  }
0x25e: {  	s23 =	sadd.s32 s7, s20;
	[sflag:s25] =	ssyncadd.s32 $0xFFFFFC00  }
0x25f: {  	[tilespmem:s30], [sflag:$0x3] =	stream.linear.gather [hbm4b:s23+s13], $0x400, $0x38;
	[tilespmem:$0x18100] =	vst v63  }
0x260: {  	_ =	swait.ge [sflag:s25], $0x400  }
0x261: {  	[sflag:s25] =	ssyncset.done $0x0  }
0x262: {  	s24 =	sadd.s32 s8, s20;
	[sflag:s25] =	ssyncadd.s32 $0xFFFFFC00  }
0x263: {  	[tilespmem:s31], [sflag:$0x3] =	stream.linear.gather [hbm4b:s24+s13], $0x400, $0x38;
	[tilespmem:$0x18100] =	vst v63  }
0x264: {  	_ =	swait.ge [sflag:s25], $0x400  }
0x265: {  	[sflag:s25] =	ssyncset.done $0x0  }
0x266: {  	s15 =	simm.s32 $0x0;
	[sflag:s25] =	ssyncadd.s32 $0xFFFFFC00  }
0x267: {  	v6 =	vld [tilespmem:s15+$0x800];
	_ =	sdelay $0x1  }
0x268: {  	v7 =	vld [tilespmem:s15+$0xC00];
	_ =	sdelay $0x2  }
0x269: {  	v2 =	vld [tilespmem:s15+$0x0];
	v5 =	vmax.f32 v6, $2.762135980e+00  }
0x26a: {  	v3 =	vsub.f32 v6, v5  }
0x26b: {  	v4 =	vld [tilespmem:s15+$0x400];
	v8 =	vmax.f32 v7, $2.762135980e+00  }
0x26c: {  	v9 =	vsub.f32 v7, v8;
	v3 =	vmul.f32 $5.000000000e-01, v3;
	_ =	sdelay $0x1  }
0x26d: {  	v10 =	vadd.f32 v3, v2;
	v2 =	vmul.f32 $5.000000000e-01, v9;
	_ =	sdelay $0x1  }
0x26e: {  	v9 =	vadd.f32 v2, v4;
	v2 =	vmul.f32 $5.120000240e-01, v10;
	_ =	sdelay $0x1  }
0x26f: {  	v2 =	vtrunc.f32 v2;
	v3 =	vmul.f32 $5.120000240e-01, v9  }
0x270: {  	v4 =	vmul.f32 v8, v5;
	v2 =	vcvt.f32.s32 v2  }
0x271: {  	v60 =	vmov s21;
	v3 =	vtrunc.f32 v3  }
0x272: {  	(erf) = vrcp.f32 v4;
	vm0 =	vgt.s32 v2, $0x0;
	v3 =	vcvt.f32.s32 v3  }
0x273: {  	vm14 =	vgt.s32 v60, v0;
	v13 =	vnsel vm0, $0x0, v2  }
0x274: {  	v6 =	vmul.f32 v7, v6;
	v2 =	vmin.u32 v13, $0x1FF;
	vm13 =	vgt.s32 v3, $0x0  }
0x275: {  	v19 =	vadd.f32 v10, v5;
	v4 =	vcvt.s32.f32 v2;
	v14 =	vnsel vm13, $0x0, v3  }
0x276: {  	v8 =	vadd.f32 v9, v8;
	v11 =	vmin.u32 v13, $0x1FE;
	v15 =	vmin.u32 v14, $0x1FF  }
0x277: {  	v3 =	vshll.u32 v11, $0x9;
	v12 =	vmul.f32 $1.953125000e+00, v4;
	v17 =	vcvt.s32.f32 v15  }
0x278: {  	v2 =	vshll.u32 v2, $0x9;
	v11 =	vmin.u32 v14, $0x1FE;
	v16 =	vadd.s32 $0x200, v3  }
0x279: {  	v4 =	vadd.s32 $0x1, v11;
	v18 =	vadd.f32 $3.906250000e+00, v12;
	v17 =	vmul.f32 $1.953125000e+00, v17  }
0x27a: {  	v3 =	vor.u32 v15, v16;
	v5 =	vadd.s32 v4, v16;
	v11 =	vadd.f32 $1.953125000e+00, v12  }
0x27b: {  	v23 =	vpop (erf);
	v20 =	vmax.f32 v10, v12;
	v12 =	vadd.f32 $1.953125000e+00, v18;
	v22 =	vadd.f32 $3.906250000e+00, v17  }
0x27c: {  	v6 =	vmul.f32 v23, v6;
	v21 =	vmax.f32 v10, v11;
	v7 =	vadd.f32 $1.953125000e+00, v11  }
0x27d: {  	v10 =	vmax.f32 v10, v18;
	v12 =	vmin.f32 v19, v12;
	v18 =	vadd.f32 $1.953125000e+00, v22  }
0x27e: {  	v61 =	vnsel vm14, $0x0, v6;
	v7 =	vmin.f32 v19, v7;
	v10 =	vsub.f32 v12, v10  }
0x27f: {  	v7 =	vsub.f32 v7, v21;
	v12 =	vmin.f32 v8, v18;
	v18 =	vmax.f32 v9, v22  }
0x280: {  	v19 =	vmin.f32 v19, v11;
	v6 =	vmax.f32 v10, $0.0e+00;
	v10 =	vsub.f32 v12, v18  }
0x281: {  	v18 =	vadd.f32 $1.953125000e+00, v17;
	v7 =	vmax.f32 v7, $0.0e+00;
	v17 =	vmax.f32 v9, v17  }
0x282: {  	v12 =	vmul.f32 v6, v61;
	v6 =	vmin.u32 v13, $0x1FD;
	v11 =	vmax.f32 v10, $0.0e+00  }
0x283: {  	v10 =	vmin.u32 v14, $0x1FD;
	v13 =	vshll.u32 v6, $0x9;
	v62 =	vadd.f32 $1.953125000e+00, v18  }
0x284: {  	v9 =	vmax.f32 v9, v18;
	v14 =	vmul.f32 v11, v12;
	v6 =	vadd.s32 $0x2, v10  }
0x285: {  	v10 =	vadd.s32 $0x400, v13;
	v13 =	vsub.f32 v19, v20;
	v20 =	vmin.f32 v8, v18  }
0x286: {  	v19 =	vadd.s32 v6, v10;
	v8 =	vmin.f32 v8, v62;
	v17 =	vsub.f32 v20, v17  }
0x287: {  	v20 =	vmul.f32 v7, v61;
	v7 =	vadd.s32 v6, v16;
	vm15 =	vlt.f32 v14, $0.0e+00  }
0x288: {  	vm1 =	vgt.f32 v14, $0.0e+00;
	v13 =	vmax.f32 v13, $0.0e+00;
	v8 =	vsub.f32 v8, v9  }
0x289: {  	v9 =	vadd.s32 v4, v10;
	vm0 =	vmor vm1, vm15;
	v13 =	vmul.f32 v13, v61  }
0x28a: {  	v16 =	vmul.f32 v11, v20;
	v63 =	vnsel vm0, $0xFFFFFFFF, v19;
	v19 =	vmax.f32 v17, $0.0e+00  }
0x28b: {  	[tilespmem:s15+$0x3000] =	vst v14;
	v18 =	vmax.f32 v8, $0.0e+00;
	v8 =	vor.u32 v15, v10;
	v17 =	vmul.f32 v20, v19  }
0x28c: {  	s14 =	simm.s32 $0x10;
	s23 =	smov.u32 s21;
	s24 =	simm.s32 $0x80;
	v10 =	vor.u32 v15, v2;
	v14 =	vmul.f32 v18, v20;
	[tilespmem:s15+$0x5400] =	vst v63;
	v15 =	vmul.f32 v12, v19  }
.LBB2_11:
0x28d: {  	p0 =	sne.s32 s24, $0xFC0;
	v20 =	vld [tilespmem:s14+$0x800];
	v19 =	vmul.f32 v19, v13;
	[tilespmem:s15+$0x1C00] =	vst v17;
	vm0 =	vlt.f32 v17, $0.0e+00;
	v12 =	vmul.f32 v18, v12  }
0x28e: {  	v18 =	vmul.f32 v18, v13;
	v11 =	vmul.f32 v11, v13;
	vm1 =	vgt.f32 v17, $0.0e+00;
	[tilespmem:s15+$0x2000] =	vst v14  }
0x28f: {  	vm2 =	vlt.f32 v14, $0.0e+00;
	vm3 =	vgt.f32 v14, $0.0e+00;
	vm4 =	vlt.f32 v16, $0.0e+00;
	v13 =	vld [tilespmem:s14+$0xC00];
	[tilespmem:s15+$0x2400] =	vst v16  }
0x290: {  	vm5 =	vgt.f32 v16, $0.0e+00;
	vm6 =	vlt.f32 v15, $0.0e+00;
	vm7 =	vgt.f32 v15, $0.0e+00;
	[tilespmem:s15+$0x2800] =	vst v15  }
0x291: {  	vm8 =	vlt.f32 v19, $0.0e+00;
	vm9 =	vlt.f32 v12, $0.0e+00;
	vm10 =	vgt.f32 v12, $0.0e+00;
	[tilespmem:s15+$0x2C00] =	vst v12  }
0x292: {  	vm11 =	vgt.f32 v19, $0.0e+00;
	vm12 =	vlt.f32 v18, $0.0e+00;
	v12 =	vld [tilespmem:s14+$0x0];
	v14 =	vmax.f32 v20, $2.762135980e+00;
	[tilespmem:s15+$0x1000] =	vst v19  }
0x293: {  	vm13 =	vgt.f32 v18, $0.0e+00;
	vm14 =	vlt.f32 v11, $0.0e+00;
	v15 =	vsub.f32 v20, v14;
	[tilespmem:s15+$0x1400] =	vst v18  }
0x294: {  	vm0 =	vmor vm1, vm0;
	vm15 =	vgt.f32 v11, $0.0e+00;
	v16 =	vld [tilespmem:s14+$0x400];
	v17 =	vmax.f32 v13, $2.762135980e+00;
	[tilespmem:s15+$0x1800] =	vst v11  }
0x295: {  	vm1 =	vmor vm3, vm2;
	v11 =	vmul.f32 $5.000000000e-01, v15;
	v15 =	vsub.f32 v13, v17  }
0x296: {  	vm2 =	vmor vm5, vm4;
	vm3 =	vmor vm7, vm6;
	vm4 =	vmor vm10, vm9  }
0x297: {  	vm5 =	vmor vm11, vm8;
	v11 =	vadd.f32 v11, v12;
	v12 =	vmul.f32 $5.000000000e-01, v15  }
0x298: {  	v4 =	vadd.s32 v2, v4;
	vm6 =	vmor vm13, vm12;
	vm7 =	vmor vm15, vm14  }
0x299: {  	v2 =	vadd.s32 v2, v6;
	v15 =	vadd.f32 v12, v16;
	v12 =	vmul.f32 $5.120000240e-01, v11  }
0x29a: {  	v3 =	vnsel vm0, $0xFFFFFFFF, v3;
	v5 =	vnsel vm1, $0xFFFFFFFF, v5;
	v6 =	vnsel vm2, $0xFFFFFFFF, v7  }
0x29b: {  	v7 =	vtrunc.f32 v12;
	v12 =	vmul.f32 $5.120000240e-01, v15;
	[tilespmem:s15+$0x4000] =	vst v3;
	v3 =	vnsel vm3, $0xFFFFFFFF, v8  }
0x29c: {  	v8 =	vnsel vm5, $0xFFFFFFFF, v10;
	v7 =	vcvt.f32.s32 v7;
	[tilespmem:s15+$0x4400] =	vst v5;
	v5 =	vnsel vm4, $0xFFFFFFFF, v9  }
0x29d: {  	v4 =	vnsel vm6, $0xFFFFFFFF, v4;
	v2 =	vnsel vm7, $0xFFFFFFFF, v2;
	v9 =	vtrunc.f32 v12;
	[tilespmem:s15+$0x4800] =	vst v6  }
0x29e: {  	v6 =	vmul.f32 v17, v14;
	vm0 =	vgt.s32 v7, $0x0;
	v9 =	vcvt.f32.s32 v9;
	[tilespmem:s15+$0x4C00] =	vst v3  }
0x29f: {  	v7 =	vnsel vm0, $0x0, v7;
	[tilespmem:s15+$0x5000] =	vst v5  }
0x2a0: {  	v3 =	vmin.u32 v7, $0x1FF;
	vm0 =	vgt.s32 v9, $0x0;
	(erf) = vrcp.f32 v6;
	[tilespmem:s15+$0x3400] =	vst v8  }
0x2a1: {  	v6 =	vmin.u32 v7, $0x1FE;
	v5 =	vcvt.s32.f32 v3;
	v8 =	vnsel vm0, $0x0, v9;
	[tilespmem:s15+$0x3800] =	vst v4  }
0x2a2: {  	v4 =	vshll.u32 v6, $0x9;
	v10 =	vmin.u32 v8, $0x1FF;
	v6 =	vmin.u32 v8, $0x1FE;
	[tilespmem:s15+$0x3C00] =	vst v2;
	s15 =	smov.u32 s14  }
0x2a3: {  	v9 =	vadd.s32 $0x200, v4;
	v5 =	vmul.f32 $1.953125000e+00, v5;
	v12 =	vcvt.s32.f32 v10  }
0x2a4: {  	v2 =	vshll.u32 v3, $0x9;
	v4 =	vadd.s32 $0x1, v6;
	v3 =	vor.u32 v10, v9  }
0x2a5: {  	v6 =	vadd.f32 $1.953125000e+00, v5;
	v16 =	vadd.f32 $3.906250000e+00, v5;
	v18 =	vmul.f32 $1.953125000e+00, v12  }
0x2a6: {  	v14 =	vadd.f32 v11, v14;
	v19 =	vmax.f32 v11, v5;
	v5 =	vadd.s32 v4, v9  }
0x2a7: {  	v21 =	vmax.f32 v11, v6;
	v12 =	vadd.f32 $1.953125000e+00, v16;
	v22 =	vadd.f32 $3.906250000e+00, v18  }
0x2a8: {  	v13 =	vmul.f32 v13, v20;
	v17 =	vadd.f32 v15, v17;
	v20 =	vadd.f32 $1.953125000e+00, v6  }
0x2a9: {  	s23 =	sadd.s32 $0xFFFFFFF0, s23;
	v11 =	vmax.f32 v11, v16;
	v12 =	vmin.f32 v14, v12;
	v16 =	vadd.f32 $1.953125000e+00, v22;
	v23 =	vpop (erf)  }
0x2aa: {  	v13 =	vmul.f32 v23, v13;
	v23 =	vmov s23;
	v11 =	vsub.f32 v12, v11  }
0x2ab: {  	vm0 =	vgt.s32 v23, v0;
	v12 =	vmin.f32 v17, v16;
	v16 =	vmax.f32 v15, v22  }
0x2ac: {  	v22 =	vnsel vm0, $0x0, v13;
	v11 =	vmax.f32 v11, $0.0e+00;
	v13 =	vsub.f32 v12, v16  }
0x2ad: {  	v16 =	vmin.f32 v14, v20;
	v20 =	vadd.f32 $1.953125000e+00, v18;
	v12 =	vmul.f32 v11, v22  }
0x2ae: {  	v14 =	vmin.f32 v14, v6;
	v16 =	vsub.f32 v16, v21;
	v11 =	vmax.f32 v13, $0.0e+00  }
0x2af: {  	v6 =	vmin.u32 v7, $0x1FD;
	v7 =	vmin.u32 v8, $0x1FD;
	v8 =	vmul.f32 v11, v12  }
0x2b0: {  	v13 =	vshll.u32 v6, $0x9;
	v21 =	vadd.f32 $1.953125000e+00, v20;
	v6 =	vadd.s32 $0x2, v7  }
0x2b1: {  	v23 =	vadd.s32 $0x400, v13;
	[tilespmem:s15+$0x3000] =	vst v8;
	vm0 =	vlt.f32 v8, $0.0e+00;
	vm1 =	vgt.f32 v8, $0.0e+00  }
0x2b2: {  	v7 =	vsub.f32 v14, v19;
	v8 =	vadd.s32 v6, v23;
	vm0 =	vmor vm1, vm0  }
0x2b3: {  	v13 =	vmin.f32 v17, v20;
	v14 =	vmin.f32 v17, v21;
	v8 =	vnsel vm0, $0xFFFFFFFF, v8  }
0x2b4: {  	v16 =	vmax.f32 v16, $0.0e+00;
	v17 =	vmax.f32 v15, v18;
	v15 =	vmax.f32 v15, v20;
	[tilespmem:s15+$0x5400] =	vst v8  }
.Ltmp4:
0x2b5: {  	v7 =	vmax.f32 v7, $0.0e+00;
	v14 =	vsub.f32 v14, v15;
	v8 =	vsub.f32 v13, v17;
	(pc) =	sbr.rel @p0 .LBB2_11-.Ltmp4, $4  }
0x2b6: {  	v15 =	vmul.f32 v16, v22;
	v13 =	vmul.f32 v7, v22;
	v7 =	vadd.s32 v6, v9  }
0x2b7: {  	v18 =	vmax.f32 v14, $0.0e+00;
	v19 =	vmax.f32 v8, $0.0e+00;
	v8 =	vor.u32 v10, v23  }
0x2b8: {  	v14 =	vmul.f32 v18, v15;
	v9 =	vadd.s32 v4, v23;
	v17 =	vmul.f32 v15, v19  }
0x2b9: {  	s14 =	sshra.s32 s24, $0x2;
	s24 =	sadd.s32 $0x40, s24;
	v16 =	vmul.f32 v11, v15;
	v10 =	vor.u32 v10, v2;
	v15 =	vmul.f32 v12, v19  }
0x2ba: {  	v12 =	vmul.f32 v18, v12;
	v19 =	vmul.f32 v19, v13  }
0x2bb: {  	v20 =	vld [tilespmem:s14+$0x800];
	[tilespmem:s15+$0x1C00] =	vst v17;
	v18 =	vmul.f32 v18, v13;
	vm0 =	vlt.f32 v17, $0.0e+00;
	v11 =	vmul.f32 v11, v13  }
0x2bc: {  	[tilespmem:s15+$0x2000] =	vst v14;
	vm1 =	vgt.f32 v17, $0.0e+00;
	vm2 =	vlt.f32 v14, $0.0e+00;
	vm3 =	vgt.f32 v14, $0.0e+00  }
0x2bd: {  	v4 =	vadd.s32 v2, v4;
	v2 =	vadd.s32 v2, v6;
	v21 =	vld [tilespmem:s14+$0xC00];
	[tilespmem:s15+$0x2400] =	vst v16;
	vm4 =	vlt.f32 v16, $0.0e+00  }
0x2be: {  	s23 =	sadd.s32 $0xFFFFFFF0, s23;
	[tilespmem:s15+$0x2800] =	vst v15;
	vm5 =	vgt.f32 v16, $0.0e+00;
	vm6 =	vlt.f32 v15, $0.0e+00;
	vm7 =	vgt.f32 v15, $0.0e+00  }
0x2bf: {  	vm0 =	vmor vm1, vm0;
	vm1 =	vmor vm3, vm2;
	v52 =	vmov s23;
	[tilespmem:s15+$0x2C00] =	vst v12  }
0x2c0: {  	vm8 =	vlt.f32 v19, $0.0e+00;
	vm9 =	vlt.f32 v12, $0.0e+00;
	v22 =	vld [tilespmem:s14+$0x0];
	[tilespmem:s15+$0x1000] =	vst v19;
	v23 =	vmax.f32 v20, $2.762135980e+00  }
0x2c1: {  	vm10 =	vgt.f32 v12, $0.0e+00;
	vm11 =	vgt.f32 v19, $0.0e+00;
	[tilespmem:s15+$0x1400] =	vst v18;
	v24 =	vsub.f32 v20, v23  }
0x2c2: {  	vm12 =	vlt.f32 v18, $0.0e+00;
	vm13 =	vgt.f32 v18, $0.0e+00;
	v13 =	vld [tilespmem:s14+$0x400];
	v17 =	vmax.f32 v21, $2.762135980e+00  }
0x2c3: {  	v14 =	vsub.f32 v21, v17;
	v15 =	vmul.f32 v17, v23;
	v24 =	vmul.f32 $5.000000000e-01, v24  }
0x2c4: {  	vm14 =	vlt.f32 v11, $0.0e+00;
	vm2 =	vmor vm5, vm4;
	vm3 =	vmor vm7, vm6  }
0x2c5: {  	v14 =	vmul.f32 $5.000000000e-01, v14;
	(erf) = vrcp.f32 v15;
	v16 =	vadd.f32 v24, v22  }
0x2c6: {  	vm5 =	vgt.f32 v11, $0.0e+00;
	v3 =	vnsel vm0, $0xFFFFFFFF, v3;
	v5 =	vnsel vm1, $0xFFFFFFFF, v5  }
0x2c7: {  	vm4 =	vmor vm10, vm9;
	v13 =	vadd.f32 v14, v13;
	v12 =	vmul.f32 $5.120000240e-01, v16  }
0x2c8: {  	vm6 =	vmor vm11, vm8;
	vm5 =	vmor vm5, vm14;
	v7 =	vnsel vm2, $0xFFFFFFFF, v7  }
0x2c9: {  	v8 =	vnsel vm3, $0xFFFFFFFF, v8;
	v14 =	vmul.f32 $5.120000240e-01, v13;
	v12 =	vtrunc.f32 v12  }
0x2ca: {  	vm9 =	vgt.s32 v52, v0;
	v10 =	vnsel vm6, $0xFFFFFFFF, v10;
	v12 =	vcvt.f32.s32 v12  }
0x2cb: {  	v9 =	vnsel vm4, $0xFFFFFFFF, v9;
	v2 =	vnsel vm5, $0xFFFFFFFF, v2;
	v14 =	vtrunc.f32 v14  }
0x2cc: {  	v20 =	vmul.f32 v21, v20;
	v14 =	vcvt.f32.s32 v14;
	vm15 =	vgt.s32 v12, $0x0  }
0x2cd: {  	v23 =	vadd.f32 v16, v23;
	v17 =	vadd.f32 v13, v17;
	v12 =	vnsel vm15, $0x0, v12  }
0x2ce: {  	vm7 =	vgt.s32 v14, $0x0;
	vm15 =	vmor vm13, vm12;
	v50 =	vpop (erf);
	v18 =	vmin.u32 v12, $0x1FF  }
0x2cf: {  	v14 =	vnsel vm7, $0x0, v14;
	v4 =	vnsel vm15, $0xFFFFFFFF, v4;
	v20 =	vmul.f32 v50, v20  }
0x2d0: {  	v54 =	vmin.u32 v12, $0x1FE;
	v15 =	vcvt.s32.f32 v18;
	v19 =	vmin.u32 v14, $0x1FF  }
0x2d1: {  	[tilespmem:s15+$0x4000] =	vst v3;
	v3 =	vmin.u32 v12, $0x1FD;
	v56 =	vmin.u32 v14, $0x1FE;
	v6 =	vcvt.s32.f32 v19  }
0x2d2: {  	v18 =	vshll.u32 v18, $0x9;
	v14 =	vmin.u32 v14, $0x1FD;
	v15 =	vmul.f32 $1.953125000e+00, v15  }
0x2d3: {  	v3 =	vshll.u32 v3, $0x9;
	v20 =	vnsel vm9, $0x0, v20;
	v6 =	vmul.f32 $1.953125000e+00, v6  }
0x2d4: {  	[tilespmem:s15+$0x4C00] =	vst v8;
	v24 =	vadd.s32 $0x1, v56;
	v8 =	vadd.s32 $0x2, v14;
	v47 =	vadd.f32 $3.906250000e+00, v15  }
0x2d5: {  	v3 =	vadd.s32 $0x400, v3;
	v14 =	vor.u32 v19, v18;
	v25 =	vadd.f32 $3.906250000e+00, v6  }
0x2d6: {  	[tilespmem:s15+$0x3800] =	vst v4;
	v4 =	vadd.s32 v8, v3;
	v51 =	vadd.f32 $1.953125000e+00, v15;
	v48 =	vadd.f32 $1.953125000e+00, v47  }
0x2d7: {  	v15 =	vmax.f32 v16, v15;
	v22 =	vmax.f32 v16, v47;
	v26 =	vadd.f32 $1.953125000e+00, v25  }
0x2d8: {  	v55 =	vadd.f32 $1.953125000e+00, v51;
	v16 =	vmax.f32 v16, v51;
	v49 =	vmin.f32 v23, v48  }
0x2d9: {  	v25 =	vmax.f32 v13, v25;
	v21 =	vsub.f32 v49, v22;
	v53 =	vmin.f32 v17, v26  }
0x2da: {  	[tilespmem:s15+$0x1800] =	vst v11;
	v26 =	vshll.u32 v54, $0x9;
	v22 =	vsub.f32 v53, v25;
	v25 =	vmin.f32 v23, v55  }
0x2db: {  	[tilespmem:s15+$0x4400] =	vst v5;
	v23 =	vmin.f32 v23, v51;
	v26 =	vadd.s32 $0x200, v26;
	v11 =	vsub.f32 v25, v16  }
0x2dc: {  	[tilespmem:s15+$0x4800] =	vst v7;
	v21 =	vmax.f32 v21, $0.0e+00;
	v16 =	vadd.f32 $1.953125000e+00, v6;
	v12 =	vsub.f32 v23, v15  }
0x2dd: {  	[tilespmem:s15+$0x5000] =	vst v9;
	v5 =	vor.u32 v19, v26;
	v6 =	vmax.f32 v13, v6;
	v21 =	vmul.f32 v21, v20  }
0x2de: {  	[tilespmem:s15+$0x3C00] =	vst v2;
	v2 =	vadd.s32 v24, v26;
	v22 =	vmax.f32 v22, $0.0e+00;
	v7 =	vadd.f32 $1.953125000e+00, v16  }
0x2df: {  	[tilespmem:s15+$0x3400] =	vst v10;
	v9 =	vmin.f32 v17, v16;
	v10 =	vmax.f32 v11, $0.0e+00;
	v15 =	vmul.f32 v22, v21  }
0x2e0: {  	v11 =	vmax.f32 v13, v16;
	v6 =	vsub.f32 v9, v6;
	v9 =	vmul.f32 v10, v20  }
0x2e1: {  	v7 =	vmin.f32 v17, v7;
	vm10 =	vlt.f32 v15, $0.0e+00;
	vm11 =	vgt.f32 v15, $0.0e+00  }
0x2e2: {  	v7 =	vsub.f32 v7, v11;
	v6 =	vmax.f32 v6, $0.0e+00;
	vm0 =	vmor vm11, vm10  }
0x2e3: {  	v13 =	vor.u32 v19, v3;
	[tilespmem:s14+$0x3000] =	vst v15;
	v11 =	vmul.f32 v9, v6;
	v4 =	vnsel vm0, $0xFFFFFFFF, v4  }
0x2e4: {  	v10 =	vmax.f32 v12, $0.0e+00;
	v15 =	vmul.f32 v21, v6;
	v7 =	vmax.f32 v7, $0.0e+00;
	[tilespmem:s14+$0x5400] =	vst v4  }
0x2e5: {  	v3 =	vadd.s32 v24, v3;
	v4 =	vmul.f32 v10, v20;
	v12 =	vmul.f32 v7, v9;
	[tilespmem:s14+$0x1C00] =	vst v11  }
0x2e6: {  	v9 =	vmul.f32 v22, v9;
	vm0 =	vlt.f32 v11, $0.0e+00;
	v16 =	vmul.f32 v7, v21;
	[tilespmem:s14+$0x2800] =	vst v15  }
0x2e7: {  	vm1 =	vgt.f32 v11, $0.0e+00;
	vm13 =	vlt.f32 v15, $0.0e+00;
	vm14 =	vgt.f32 v15, $0.0e+00;
	[tilespmem:s14+$0x2000] =	vst v12  }
0x2e8: {  	v10 =	vadd.s32 v8, v26;
	vm0 =	vmor vm1, vm0;
	vm13 =	vmor vm14, vm13;
	[tilespmem:s14+$0x2400] =	vst v9  }
0x2e9: {  	v6 =	vmul.f32 v6, v4;
	v7 =	vmul.f32 v7, v4;
	[tilespmem:s14+$0x2C00] =	vst v16;
	v5 =	vnsel vm0, $0xFFFFFFFF, v5  }
0x2ea: {  	v4 =	vmul.f32 v22, v4;
	vm2 =	vlt.f32 v12, $0.0e+00;
	vm3 =	vgt.f32 v12, $0.0e+00;
	[tilespmem:s14+$0x4000] =	vst v5  }
0x2eb: {  	vm4 =	vlt.f32 v9, $0.0e+00;
	vm12 =	vgt.f32 v9, $0.0e+00;
	vm9 =	vlt.f32 v16, $0.0e+00;
	[tilespmem:s14+$0x1000] =	vst v6  }
0x2ec: {  	vm15 =	vgt.f32 v16, $0.0e+00;
	vm2 =	vmor vm3, vm2;
	vm11 =	vmor vm12, vm4;
	[tilespmem:s14+$0x1400] =	vst v7  }
0x2ed: {  	vm15 =	vmor vm15, vm9;
	vm8 =	vlt.f32 v6, $0.0e+00;
	[tilespmem:s14+$0x1800] =	vst v4;
	v2 =	vnsel vm2, $0xFFFFFFFF, v2  }
0x2ee: {  	vm1 =	vgt.f32 v6, $0.0e+00;
	vm0 =	vlt.f32 v7, $0.0e+00;
	v5 =	vnsel vm11, $0xFFFFFFFF, v10;
	[tilespmem:s14+$0x4400] =	vst v2  }
0x2ef: {  	vm12 =	vgt.f32 v7, $0.0e+00;
	vm14 =	vlt.f32 v4, $0.0e+00;
	v3 =	vnsel vm15, $0xFFFFFFFF, v3;
	[tilespmem:s14+$0x4800] =	vst v5  }
0x2f0: {  	vm9 =	vgt.f32 v4, $0.0e+00;
	v2 =	vnsel vm13, $0xFFFFFFFF, v13;
	vm1 =	vmor vm1, vm8;
	[tilespmem:s14+$0x5000] =	vst v3  }
0x2f1: {  	vm10 =	vmor vm9, vm14;
	v3 =	vadd.s32 v18, v8;
	[tilespmem:s14+$0x4C00] =	vst v2;
	v4 =	vnsel vm1, $0xFFFFFFFF, v14  }
0x2f2: {  	vm0 =	vmor vm12, vm0;
	v2 =	vadd.s32 v18, v24;
	v3 =	vnsel vm10, $0xFFFFFFFF, v3;
	[tilespmem:s14+$0x3400] =	vst v4  }
0x2f3: {  	p0 =	seq.s32 s22, $0x0;
	v2 =	vnsel vm0, $0xFFFFFFFF, v2;
	[tilespmem:s14+$0x3C00] =	vst v3  }
0x2f4: {  	[tilespmem:s14+$0x3800] =	vst v2;
	s14 =	simm.s32 @!p0 $0x1  }
0x2f5: {  	_ =	swait.ge @!p0 [sflag:s14], $0x2400  }
0x2f6: {  	[sflag:s14] =	ssyncset.done @!p0 $0x0  }
0x2f7: {  	[sflag:s14] =	ssyncadd.s32 @!p0 $0xFFFFDC00;
	(ifvalue) =	ssetifvalue $0xFFFFFFFF  }
0x2f8: {  	[spmem:s3] =	stream.indirect.scatter.add.f32 [tilespmem:s28], [sflag:$0x1], $0x1, s26, s2, $0x40b8;
	[tilespmem:$0x18100] =	vst v63  }
0x2f9: {  	s14 =	sor.u32 $0x80, s20  }
0x2fa: {  	s20 =	simm.s32 $0x0;
	s24 =	sadd.s32 s6, s14  }
0x2fb: {  	[tilespmem:s20], [sflag:$0x3] =	stream.linear.gather [hbm4b:s24+s20], $0x400, $0x38;
	[tilespmem:$0x18100] =	vst v63  }
0x2fc: {  	_ =	swait.ge [sflag:s25], $0x400  }
0x2fd: {  	[sflag:s25] =	ssyncset.done $0x0  }
0x2fe: {  	s23 =	sadd.s32 $0x1564C, s19;
	[sflag:s25] =	ssyncadd.s32 $0xFFFFFC00  }
0x2ff: {  	[tilespmem:s29], [sflag:$0x3] =	stream.linear.gather [hbm4b:s23+s20], $0x400, $0x38;
	[tilespmem:$0x18100] =	vst v63  }
0x300: {  	_ =	swait.ge [sflag:s25], $0x400  }
0x301: {  	[sflag:s25] =	ssyncset.done $0x0  }
0x302: {  	s24 =	sadd.s32 s7, s14;
	[sflag:s25] =	ssyncadd.s32 $0xFFFFFC00  }
0x303: {  	[tilespmem:s30], [sflag:$0x3] =	stream.linear.gather [hbm4b:s24+s20], $0x400, $0x38;
	[tilespmem:$0x18100] =	vst v63  }
0x304: {  	_ =	swait.ge [sflag:s25], $0x400  }
0x305: {  	[sflag:s25] =	ssyncset.done $0x0  }
0x306: {  	s14 =	sadd.s32 s8, s14;
	[sflag:s25] =	ssyncadd.s32 $0xFFFFFC00  }
0x307: {  	[tilespmem:s31], [sflag:$0x3] =	stream.linear.gather [hbm4b:s14+s20], $0x400, $0x38;
	[tilespmem:$0x18100] =	vst v63  }
0x308: {  	_ =	swait.ge [sflag:s25], $0x400  }
0x309: {  	[sflag:s25] =	ssyncset.done $0x0  }
0x30a: {  	s15 =	simm.s32 $0x0;
	[sflag:s25] =	ssyncadd.s32 $0xFFFFFC00  }
0x30b: {  	v6 =	vld [tilespmem:s15+$0x800];
	_ =	sdelay $0x1  }
0x30c: {  	v7 =	vld [tilespmem:s15+$0xC00];
	_ =	sdelay $0x2  }
0x30d: {  	v2 =	vld [tilespmem:s15+$0x0];
	v5 =	vmax.f32 v6, $2.762135980e+00  }
0x30e: {  	v3 =	vsub.f32 v6, v5  }
0x30f: {  	v4 =	vld [tilespmem:s15+$0x400];
	v8 =	vmax.f32 v7, $2.762135980e+00  }
0x310: {  	v9 =	vsub.f32 v7, v8;
	v3 =	vmul.f32 $5.000000000e-01, v3;
	_ =	sdelay $0x1  }
0x311: {  	v10 =	vadd.f32 v3, v2;
	v2 =	vmul.f32 $5.000000000e-01, v9;
	_ =	sdelay $0x1  }
0x312: {  	v9 =	vadd.f32 v2, v4;
	v2 =	vmul.f32 $5.120000240e-01, v10;
	_ =	sdelay $0x1  }
0x313: {  	v2 =	vtrunc.f32 v2;
	v3 =	vmul.f32 $5.120000240e-01, v9  }
0x314: {  	v4 =	vmul.f32 v8, v5;
	v2 =	vcvt.f32.s32 v2  }
0x315: {  	v60 =	vmov s18;
	v3 =	vtrunc.f32 v3  }
0x316: {  	(erf) = vrcp.f32 v4;
	vm11 =	vgt.s32 v2, $0x0;
	v3 =	vcvt.f32.s32 v3  }
0x317: {  	vm13 =	vgt.s32 v60, v0;
	v13 =	vnsel vm11, $0x0, v2  }
0x318: {  	v6 =	vmul.f32 v7, v6;
	v2 =	vmin.u32 v13, $0x1FF;
	vm12 =	vgt.s32 v3, $0x0  }
0x319: {  	v19 =	vadd.f32 v10, v5;
	v4 =	vcvt.s32.f32 v2;
	v14 =	vnsel vm12, $0x0, v3  }
0x31a: {  	v8 =	vadd.f32 v9, v8;
	v11 =	vmin.u32 v13, $0x1FE;
	v15 =	vmin.u32 v14, $0x1FF  }
0x31b: {  	v3 =	vshll.u32 v11, $0x9;
	v12 =	vmul.f32 $1.953125000e+00, v4;
	v17 =	vcvt.s32.f32 v15  }
0x31c: {  	v2 =	vshll.u32 v2, $0x9;
	v11 =	vmin.u32 v14, $0x1FE;
	v16 =	vadd.s32 $0x200, v3  }
0x31d: {  	v4 =	vadd.s32 $0x1, v11;
	v18 =	vadd.f32 $3.906250000e+00, v12;
	v17 =	vmul.f32 $1.953125000e+00, v17  }
0x31e: {  	v3 =	vor.u32 v15, v16;
	v5 =	vadd.s32 v4, v16;
	v11 =	vadd.f32 $1.953125000e+00, v12  }
0x31f: {  	v59 =	vpop (erf);
	v20 =	vmax.f32 v10, v12;
	v12 =	vadd.f32 $1.953125000e+00, v18;
	v58 =	vadd.f32 $3.906250000e+00, v17  }
0x320: {  	v6 =	vmul.f32 v59, v6;
	v57 =	vmax.f32 v10, v11;
	v7 =	vadd.f32 $1.953125000e+00, v11  }
0x321: {  	v10 =	vmax.f32 v10, v18;
	v12 =	vmin.f32 v19, v12;
	v18 =	vadd.f32 $1.953125000e+00, v58  }
0x322: {  	v61 =	vnsel vm13, $0x0, v6;
	v7 =	vmin.f32 v19, v7;
	v10 =	vsub.f32 v12, v10  }
0x323: {  	v7 =	vsub.f32 v7, v57;
	v12 =	vmin.f32 v8, v18;
	v18 =	vmax.f32 v9, v58  }
0x324: {  	v19 =	vmin.f32 v19, v11;
	v6 =	vmax.f32 v10, $0.0e+00;
	v10 =	vsub.f32 v12, v18  }
0x325: {  	v18 =	vadd.f32 $1.953125000e+00, v17;
	v7 =	vmax.f32 v7, $0.0e+00;
	v17 =	vmax.f32 v9, v17  }
0x326: {  	v12 =	vmul.f32 v6, v61;
	v6 =	vmin.u32 v13, $0x1FD;
	v11 =	vmax.f32 v10, $0.0e+00  }
0x327: {  	v10 =	vmin.u32 v14, $0x1FD;
	v13 =	vshll.u32 v6, $0x9;
	v62 =	vadd.f32 $1.953125000e+00, v18  }
0x328: {  	v9 =	vmax.f32 v9, v18;
	v14 =	vmul.f32 v11, v12;
	v6 =	vadd.s32 $0x2, v10  }
0x329: {  	v10 =	vadd.s32 $0x400, v13;
	v13 =	vsub.f32 v19, v20;
	v20 =	vmin.f32 v8, v18  }
0x32a: {  	v19 =	vadd.s32 v6, v10;
	v8 =	vmin.f32 v8, v62;
	v17 =	vsub.f32 v20, v17  }
0x32b: {  	v20 =	vmul.f32 v7, v61;
	v7 =	vadd.s32 v6, v16;
	vm14 =	vlt.f32 v14, $0.0e+00  }
0x32c: {  	vm15 =	vgt.f32 v14, $0.0e+00;
	v13 =	vmax.f32 v13, $0.0e+00;
	v8 =	vsub.f32 v8, v9  }
0x32d: {  	v9 =	vadd.s32 v4, v10;
	vm0 =	vmor vm15, vm14;
	v13 =	vmul.f32 v13, v61  }
0x32e: {  	v16 =	vmul.f32 v11, v20;
	v63 =	vnsel vm0, $0xFFFFFFFF, v19;
	v19 =	vmax.f32 v17, $0.0e+00  }
0x32f: {  	[tilespmem:s15+$0x7800] =	vst v14;
	v18 =	vmax.f32 v8, $0.0e+00;
	v8 =	vor.u32 v15, v10;
	v17 =	vmul.f32 v20, v19  }
0x330: {  	s19 =	smov.u32 s18;
	s14 =	simm.s32 $0x10;
	s20 =	simm.s32 $0x80;
	v10 =	vor.u32 v15, v2;
	v14 =	vmul.f32 v18, v20;
	[tilespmem:s15+$0x9C00] =	vst v63;
	v15 =	vmul.f32 v12, v19  }
.LBB2_13:
0x331: {  	p0 =	sne.s32 s20, $0xFC0;
	v20 =	vld [tilespmem:s14+$0x800];
	v19 =	vmul.f32 v19, v13;
	[tilespmem:s15+$0x6400] =	vst v17;
	vm0 =	vlt.f32 v17, $0.0e+00;
	v12 =	vmul.f32 v18, v12  }
0x332: {  	v18 =	vmul.f32 v18, v13;
	v11 =	vmul.f32 v11, v13;
	vm1 =	vgt.f32 v17, $0.0e+00;
	[tilespmem:s15+$0x6800] =	vst v14  }
0x333: {  	vm2 =	vlt.f32 v14, $0.0e+00;
	vm3 =	vgt.f32 v14, $0.0e+00;
	vm4 =	vlt.f32 v16, $0.0e+00;
	v13 =	vld [tilespmem:s14+$0xC00];
	[tilespmem:s15+$0x6C00] =	vst v16  }
0x334: {  	vm5 =	vgt.f32 v16, $0.0e+00;
	vm6 =	vlt.f32 v15, $0.0e+00;
	vm7 =	vgt.f32 v15, $0.0e+00;
	[tilespmem:s15+$0x7000] =	vst v15  }
0x335: {  	vm8 =	vlt.f32 v19, $0.0e+00;
	vm9 =	vlt.f32 v12, $0.0e+00;
	vm10 =	vgt.f32 v12, $0.0e+00;
	[tilespmem:s15+$0x7400] =	vst v12  }
0x336: {  	vm11 =	vgt.f32 v19, $0.0e+00;
	vm12 =	vlt.f32 v18, $0.0e+00;
	v12 =	vld [tilespmem:s14+$0x0];
	v14 =	vmax.f32 v20, $2.762135980e+00;
	[tilespmem:s15+$0x5800] =	vst v19  }
0x337: {  	vm13 =	vgt.f32 v18, $0.0e+00;
	vm14 =	vlt.f32 v11, $0.0e+00;
	v15 =	vsub.f32 v20, v14;
	[tilespmem:s15+$0x5C00] =	vst v18  }
0x338: {  	vm0 =	vmor vm1, vm0;
	vm15 =	vgt.f32 v11, $0.0e+00;
	v16 =	vld [tilespmem:s14+$0x400];
	v17 =	vmax.f32 v13, $2.762135980e+00;
	[tilespmem:s15+$0x6000] =	vst v11  }
0x339: {  	vm1 =	vmor vm3, vm2;
	v11 =	vmul.f32 $5.000000000e-01, v15;
	v15 =	vsub.f32 v13, v17  }
0x33a: {  	vm2 =	vmor vm5, vm4;
	vm3 =	vmor vm7, vm6;
	vm4 =	vmor vm10, vm9  }
0x33b: {  	vm5 =	vmor vm11, vm8;
	v11 =	vadd.f32 v11, v12;
	v12 =	vmul.f32 $5.000000000e-01, v15  }
0x33c: {  	v4 =	vadd.s32 v2, v4;
	vm6 =	vmor vm13, vm12;
	vm7 =	vmor vm15, vm14  }
0x33d: {  	v2 =	vadd.s32 v2, v6;
	v15 =	vadd.f32 v12, v16;
	v12 =	vmul.f32 $5.120000240e-01, v11  }
0x33e: {  	v3 =	vnsel vm0, $0xFFFFFFFF, v3;
	v5 =	vnsel vm1, $0xFFFFFFFF, v5;
	v6 =	vnsel vm2, $0xFFFFFFFF, v7  }
0x33f: {  	v7 =	vtrunc.f32 v12;
	v12 =	vmul.f32 $5.120000240e-01, v15;
	[tilespmem:s15+$0x8800] =	vst v3;
	v3 =	vnsel vm3, $0xFFFFFFFF, v8  }
0x340: {  	v8 =	vnsel vm5, $0xFFFFFFFF, v10;
	v7 =	vcvt.f32.s32 v7;
	[tilespmem:s15+$0x8C00] =	vst v5;
	v5 =	vnsel vm4, $0xFFFFFFFF, v9  }
0x341: {  	v4 =	vnsel vm6, $0xFFFFFFFF, v4;
	v2 =	vnsel vm7, $0xFFFFFFFF, v2;
	v9 =	vtrunc.f32 v12;
	[tilespmem:s15+$0x9000] =	vst v6  }
0x342: {  	v6 =	vmul.f32 v17, v14;
	vm0 =	vgt.s32 v7, $0x0;
	v9 =	vcvt.f32.s32 v9;
	[tilespmem:s15+$0x9400] =	vst v3  }
0x343: {  	v7 =	vnsel vm0, $0x0, v7;
	[tilespmem:s15+$0x9800] =	vst v5  }
0x344: {  	v3 =	vmin.u32 v7, $0x1FF;
	vm0 =	vgt.s32 v9, $0x0;
	(erf) = vrcp.f32 v6;
	[tilespmem:s15+$0x7C00] =	vst v8  }
0x345: {  	v6 =	vmin.u32 v7, $0x1FE;
	v5 =	vcvt.s32.f32 v3;
	v8 =	vnsel vm0, $0x0, v9;
	[tilespmem:s15+$0x8000] =	vst v4  }
0x346: {  	v4 =	vshll.u32 v6, $0x9;
	v10 =	vmin.u32 v8, $0x1FF;
	v6 =	vmin.u32 v8, $0x1FE;
	[tilespmem:s15+$0x8400] =	vst v2;
	s15 =	smov.u32 s14  }
0x347: {  	v9 =	vadd.s32 $0x200, v4;
	v5 =	vmul.f32 $1.953125000e+00, v5;
	v12 =	vcvt.s32.f32 v10  }
0x348: {  	v2 =	vshll.u32 v3, $0x9;
	v4 =	vadd.s32 $0x1, v6;
	v3 =	vor.u32 v10, v9  }
0x349: {  	v6 =	vadd.f32 $1.953125000e+00, v5;
	v16 =	vadd.f32 $3.906250000e+00, v5;
	v18 =	vmul.f32 $1.953125000e+00, v12  }
0x34a: {  	v14 =	vadd.f32 v11, v14;
	v19 =	vmax.f32 v11, v5;
	v5 =	vadd.s32 v4, v9  }
0x34b: {  	v21 =	vmax.f32 v11, v6;
	v12 =	vadd.f32 $1.953125000e+00, v16;
	v22 =	vadd.f32 $3.906250000e+00, v18  }
0x34c: {  	v13 =	vmul.f32 v13, v20;
	v17 =	vadd.f32 v15, v17;
	v20 =	vadd.f32 $1.953125000e+00, v6  }
0x34d: {  	s19 =	sadd.s32 $0xFFFFFFF0, s19;
	v11 =	vmax.f32 v11, v16;
	v12 =	vmin.f32 v14, v12;
	v16 =	vadd.f32 $1.953125000e+00, v22;
	v23 =	vpop (erf)  }
0x34e: {  	v13 =	vmul.f32 v23, v13;
	v23 =	vmov s19;
	v11 =	vsub.f32 v12, v11  }
0x34f: {  	vm0 =	vgt.s32 v23, v0;
	v12 =	vmin.f32 v17, v16;
	v16 =	vmax.f32 v15, v22  }
0x350: {  	v22 =	vnsel vm0, $0x0, v13;
	v11 =	vmax.f32 v11, $0.0e+00;
	v13 =	vsub.f32 v12, v16  }
0x351: {  	v16 =	vmin.f32 v14, v20;
	v20 =	vadd.f32 $1.953125000e+00, v18;
	v12 =	vmul.f32 v11, v22  }
0x352: {  	v14 =	vmin.f32 v14, v6;
	v16 =	vsub.f32 v16, v21;
	v11 =	vmax.f32 v13, $0.0e+00  }
0x353: {  	v6 =	vmin.u32 v7, $0x1FD;
	v7 =	vmin.u32 v8, $0x1FD;
	v8 =	vmul.f32 v11, v12  }
0x354: {  	v13 =	vshll.u32 v6, $0x9;
	v21 =	vadd.f32 $1.953125000e+00, v20;
	v6 =	vadd.s32 $0x2, v7  }
0x355: {  	v23 =	vadd.s32 $0x400, v13;
	[tilespmem:s15+$0x7800] =	vst v8;
	vm0 =	vlt.f32 v8, $0.0e+00;
	vm1 =	vgt.f32 v8, $0.0e+00  }
0x356: {  	v7 =	vsub.f32 v14, v19;
	v8 =	vadd.s32 v6, v23;
	vm0 =	vmor vm1, vm0  }
0x357: {  	v13 =	vmin.f32 v17, v20;
	v14 =	vmin.f32 v17, v21;
	v8 =	vnsel vm0, $0xFFFFFFFF, v8  }
0x358: {  	v16 =	vmax.f32 v16, $0.0e+00;
	v17 =	vmax.f32 v15, v18;
	v15 =	vmax.f32 v15, v20;
	[tilespmem:s15+$0x9C00] =	vst v8  }
.Ltmp5:
0x359: {  	v7 =	vmax.f32 v7, $0.0e+00;
	v14 =	vsub.f32 v14, v15;
	v8 =	vsub.f32 v13, v17;
	(pc) =	sbr.rel @p0 .LBB2_13-.Ltmp5, $4  }
0x35a: {  	v15 =	vmul.f32 v16, v22;
	v13 =	vmul.f32 v7, v22;
	v7 =	vadd.s32 v6, v9  }
0x35b: {  	v18 =	vmax.f32 v14, $0.0e+00;
	v19 =	vmax.f32 v8, $0.0e+00;
	v8 =	vor.u32 v10, v23  }
0x35c: {  	v14 =	vmul.f32 v18, v15;
	v9 =	vadd.s32 v4, v23;
	v17 =	vmul.f32 v15, v19  }
0x35d: {  	s14 =	sshra.s32 s20, $0x2;
	s20 =	sadd.s32 $0x40, s20;
	v16 =	vmul.f32 v11, v15;
	v10 =	vor.u32 v10, v2;
	v15 =	vmul.f32 v12, v19  }
0x35e: {  	v12 =	vmul.f32 v18, v12;
	v19 =	vmul.f32 v19, v13  }
0x35f: {  	v20 =	vld [tilespmem:s14+$0x800];
	[tilespmem:s15+$0x6400] =	vst v17;
	v56 =	vmul.f32 v18, v13;
	vm0 =	vlt.f32 v17, $0.0e+00;
	v11 =	vmul.f32 v11, v13  }
0x360: {  	[tilespmem:s15+$0x6800] =	vst v14;
	vm1 =	vgt.f32 v17, $0.0e+00;
	vm2 =	vlt.f32 v14, $0.0e+00;
	vm3 =	vgt.f32 v14, $0.0e+00  }
0x361: {  	v4 =	vadd.s32 v2, v4;
	v2 =	vadd.s32 v2, v6;
	v21 =	vld [tilespmem:s14+$0xC00];
	[tilespmem:s15+$0x6C00] =	vst v16;
	vm4 =	vlt.f32 v16, $0.0e+00  }
0x362: {  	s19 =	sadd.s32 $0xFFFFFFF0, s19;
	[tilespmem:s15+$0x7000] =	vst v15;
	vm5 =	vgt.f32 v16, $0.0e+00;
	vm6 =	vlt.f32 v15, $0.0e+00;
	vm7 =	vgt.f32 v15, $0.0e+00  }
0x363: {  	vm0 =	vmor vm1, vm0;
	vm1 =	vmor vm3, vm2;
	v36 =	vmov s19;
	[tilespmem:s15+$0x7400] =	vst v12  }
0x364: {  	vm8 =	vlt.f32 v19, $0.0e+00;
	vm9 =	vlt.f32 v12, $0.0e+00;
	v22 =	vld [tilespmem:s14+$0x0];
	[tilespmem:s15+$0x5800] =	vst v19;
	v23 =	vmax.f32 v20, $2.762135980e+00  }
0x365: {  	vm10 =	vgt.f32 v12, $0.0e+00;
	vm11 =	vgt.f32 v19, $0.0e+00;
	[tilespmem:s15+$0x5C00] =	vst v56;
	v24 =	vsub.f32 v20, v23  }
0x366: {  	vm12 =	vlt.f32 v56, $0.0e+00;
	vm13 =	vgt.f32 v56, $0.0e+00;
	v57 =	vld [tilespmem:s14+$0x400];
	v58 =	vmax.f32 v21, $2.762135980e+00  }
0x367: {  	v59 =	vsub.f32 v21, v58;
	v62 =	vmul.f32 v58, v23;
	v24 =	vmul.f32 $5.000000000e-01, v24  }
0x368: {  	vm14 =	vlt.f32 v11, $0.0e+00;
	vm2 =	vmor vm5, vm4;
	vm3 =	vmor vm7, vm6  }
0x369: {  	v14 =	vmul.f32 $5.000000000e-01, v59;
	(erf) = vrcp.f32 v62;
	v60 =	vadd.f32 v24, v22  }
0x36a: {  	vm5 =	vgt.f32 v11, $0.0e+00;
	v3 =	vnsel vm0, $0xFFFFFFFF, v3;
	v5 =	vnsel vm1, $0xFFFFFFFF, v5  }
0x36b: {  	vm4 =	vmor vm10, vm9;
	v13 =	vadd.f32 v14, v57;
	v61 =	vmul.f32 $5.120000240e-01, v60  }
0x36c: {  	vm6 =	vmor vm11, vm8;
	vm5 =	vmor vm5, vm14;
	v7 =	vnsel vm2, $0xFFFFFFFF, v7  }
0x36d: {  	v8 =	vnsel vm3, $0xFFFFFFFF, v8;
	v14 =	vmul.f32 $5.120000240e-01, v13;
	v12 =	vtrunc.f32 v61  }
0x36e: {  	vm11 =	vgt.s32 v36, v0;
	v10 =	vnsel vm6, $0xFFFFFFFF, v10;
	v12 =	vcvt.f32.s32 v12  }
0x36f: {  	v9 =	vnsel vm4, $0xFFFFFFFF, v9;
	v2 =	vnsel vm5, $0xFFFFFFFF, v2;
	v14 =	vtrunc.f32 v14  }
0x370: {  	v20 =	vmul.f32 v21, v20;
	v14 =	vcvt.f32.s32 v14;
	vm15 =	vgt.s32 v12, $0x0  }
0x371: {  	v23 =	vadd.f32 v60, v23;
	v17 =	vadd.f32 v13, v58;
	v12 =	vnsel vm15, $0x0, v12  }
0x372: {  	vm7 =	vgt.s32 v14, $0x0;
	vm15 =	vmor vm13, vm12;
	v34 =	vpop (erf);
	v63 =	vmin.u32 v12, $0x1FF  }
0x373: {  	v14 =	vnsel vm7, $0x0, v14;
	v4 =	vnsel vm15, $0xFFFFFFFF, v4;
	v20 =	vmul.f32 v34, v20  }
0x374: {  	[tilespmem:s15+$0x8800] =	vst v3;
	v38 =	vmin.u32 v12, $0x1FE;
	v3 =	vmin.u32 v12, $0x1FD;
	v28 =	vcvt.s32.f32 v63  }
0x375: {  	v29 =	vmin.u32 v14, $0x1FF;
	v40 =	vmin.u32 v14, $0x1FE;
	v18 =	vshll.u32 v63, $0x9  }
0x376: {  	v14 =	vmin.u32 v14, $0x1FD;
	v3 =	vshll.u32 v3, $0x9;
	v30 =	vcvt.s32.f32 v29  }
0x377: {  	v20 =	vnsel vm11, $0x0, v20;
	v24 =	vadd.s32 $0x1, v40;
	v47 =	vadd.s32 $0x2, v14  }
0x378: {  	v3 =	vadd.s32 $0x400, v3;
	v59 =	vor.u32 v29, v18;
	v15 =	vmul.f32 $1.953125000e+00, v28  }
0x379: {  	v51 =	vadd.s32 v47, v3;
	v58 =	vor.u32 v29, v3;
	v6 =	vmul.f32 $1.953125000e+00, v30  }
0x37a: {  	v3 =	vadd.s32 v24, v3;
	v31 =	vadd.f32 $3.906250000e+00, v15;
	v35 =	vadd.f32 $1.953125000e+00, v15  }
0x37b: {  	v15 =	vmax.f32 v60, v15;
	v25 =	vadd.f32 $3.906250000e+00, v6;
	v42 =	vadd.f32 $1.953125000e+00, v6  }
0x37c: {  	v6 =	vmax.f32 v13, v6;
	v32 =	vadd.f32 $1.953125000e+00, v31;
	v22 =	vmax.f32 v60, v31  }
0x37d: {  	v39 =	vadd.f32 $1.953125000e+00, v35;
	v16 =	vmax.f32 v60, v35;
	v26 =	vadd.f32 $1.953125000e+00, v25  }
0x37e: {  	v25 =	vmax.f32 v13, v25;
	v46 =	vadd.f32 $1.953125000e+00, v42;
	v48 =	vmin.f32 v17, v42  }
0x37f: {  	[tilespmem:s15+$0x6000] =	vst v11;
	v50 =	vmax.f32 v13, v42;
	v33 =	vmin.f32 v23, v32;
	v6 =	vsub.f32 v48, v6  }
0x380: {  	[tilespmem:s15+$0x8C00] =	vst v5;
	v21 =	vsub.f32 v33, v22;
	v37 =	vmin.f32 v17, v26;
	v26 =	vshll.u32 v38, $0x9  }
0x381: {  	[tilespmem:s15+$0x9000] =	vst v7;
	v7 =	vmin.f32 v17, v46;
	v22 =	vsub.f32 v37, v25;
	v25 =	vmin.f32 v23, v39  }
0x382: {  	[tilespmem:s15+$0x9400] =	vst v8;
	v23 =	vmin.f32 v23, v35;
	v26 =	vadd.s32 $0x200, v26;
	v21 =	vmax.f32 v21, $0.0e+00  }
0x383: {  	[tilespmem:s15+$0x9800] =	vst v9;
	v7 =	vsub.f32 v7, v50;
	v41 =	vsub.f32 v25, v16;
	v21 =	vmul.f32 v21, v20  }
0x384: {  	[tilespmem:s15+$0x7C00] =	vst v10;
	v6 =	vmax.f32 v6, $0.0e+00;
	v43 =	vsub.f32 v23, v15;
	v22 =	vmax.f32 v22, $0.0e+00  }
0x385: {  	[tilespmem:s15+$0x8400] =	vst v2;
	v45 =	vor.u32 v29, v26;
	v49 =	vmax.f32 v41, $0.0e+00;
	v44 =	vmul.f32 v22, v21  }
0x386: {  	[tilespmem:s15+$0x8000] =	vst v4;
	v7 =	vmax.f32 v7, $0.0e+00;
	v52 =	vmul.f32 v49, v20;
	v60 =	vmul.f32 v21, v6  }
0x387: {  	v2 =	vadd.s32 v24, v26;
	v53 =	vmax.f32 v43, $0.0e+00;
	v61 =	vmul.f32 v7, v21;
	[tilespmem:s14+$0x7800] =	vst v44  }
0x388: {  	v56 =	vadd.s32 v47, v26;
	v55 =	vmul.f32 v53, v20;
	v54 =	vmul.f32 v52, v6;
	[tilespmem:s14+$0x7000] =	vst v60  }
0x389: {  	vm12 =	vlt.f32 v44, $0.0e+00;
	v57 =	vmul.f32 v7, v52;
	v9 =	vmul.f32 v22, v52;
	[tilespmem:s14+$0x7400] =	vst v61  }
0x38a: {  	vm13 =	vgt.f32 v44, $0.0e+00;
	v6 =	vmul.f32 v6, v55;
	v7 =	vmul.f32 v7, v55;
	[tilespmem:s14+$0x6400] =	vst v54  }
0x38b: {  	vm6 =	vlt.f32 v60, $0.0e+00;
	vm9 =	vlt.f32 v61, $0.0e+00;
	vm0 =	vmor vm13, vm12;
	[tilespmem:s14+$0x6800] =	vst v57  }
0x38c: {  	vm12 =	vgt.f32 v60, $0.0e+00;
	vm13 =	vgt.f32 v61, $0.0e+00;
	v4 =	vnsel vm0, $0xFFFFFFFF, v51;
	[tilespmem:s14+$0x6C00] =	vst v9  }
0x38d: {  	vm0 =	vlt.f32 v54, $0.0e+00;
	vm1 =	vgt.f32 v54, $0.0e+00;
	vm2 =	vlt.f32 v57, $0.0e+00;
	[tilespmem:s14+$0x5800] =	vst v6  }
0x38e: {  	vm3 =	vgt.f32 v57, $0.0e+00;
	vm14 =	vlt.f32 v9, $0.0e+00;
	[tilespmem:s14+$0x5C00] =	vst v7;
	vm13 =	vmor vm13, vm9  }
0x38f: {  	vm15 =	vgt.f32 v9, $0.0e+00;
	[tilespmem:s14+$0x9C00] =	vst v4;
	v4 =	vmul.f32 v22, v55;
	v3 =	vnsel vm13, $0xFFFFFFFF, v3  }
0x390: {  	vm8 =	vlt.f32 v6, $0.0e+00;
	vm11 =	vmor vm12, vm6;
	vm0 =	vmor vm1, vm0;
	[tilespmem:s14+$0x9800] =	vst v3  }
0x391: {  	vm1 =	vgt.f32 v6, $0.0e+00;
	vm2 =	vmor vm3, vm2;
	v5 =	vnsel vm0, $0xFFFFFFFF, v45;
	[tilespmem:s14+$0x6000] =	vst v4  }
0x392: {  	vm14 =	vmor vm15, vm14;
	vm15 =	vgt.f32 v7, $0.0e+00;
	v2 =	vnsel vm2, $0xFFFFFFFF, v2;
	[tilespmem:s14+$0x8800] =	vst v5  }
0x393: {  	vm0 =	vlt.f32 v7, $0.0e+00;
	v62 =	vnsel vm14, $0xFFFFFFFF, v56;
	vm1 =	vmor vm1, vm8;
	[tilespmem:s14+$0x8C00] =	vst v2  }
0x394: {  	vm12 =	vlt.f32 v4, $0.0e+00;
	v2 =	vnsel vm11, $0xFFFFFFFF, v58;
	[tilespmem:s14+$0x9000] =	vst v62;
	vm14 =	vgt.f32 v4, $0.0e+00  }
0x395: {  	vm0 =	vmor vm15, vm0;
	v63 =	vnsel vm1, $0xFFFFFFFF, v59;
	[tilespmem:s14+$0x9400] =	vst v2;
	v2 =	vadd.s32 v18, v24  }
0x396: {  	s22 =	sadd.s32 $0x1, s22;
	v3 =	vadd.s32 v18, v47;
	vm15 =	vmor vm14, vm12;
	[tilespmem:s14+$0x7C00] =	vst v63;
	v2 =	vnsel vm0, $0xFFFFFFFF, v2  }
0x397: {  	p0 =	sne.s32 s22, $0x3;
	v3 =	vnsel vm15, $0xFFFFFFFF, v3;
	[tilespmem:s14+$0x8000] =	vst v2  }
.Ltmp6:
0x398: {  	[tilespmem:s14+$0x8400] =	vst v3;
	(pc) =	sbr.rel @p0 .LBB2_10-.Ltmp6, $4  }
0x399: {  	_ =	swait.ge [sflag:s0], $0x2400  }
0x39a: {  	s21 =	sadd.s32 $0xFFFFF800, s21;
	[sflag:s0] =	ssyncset.done $0x0  }
0x39b: {  	s18 =	sadd.s32 $0xFFFFF800, s18;
	[sflag:s0] =	ssyncadd.s32 $0xFFFFDC00;
	(ifvalue) =	ssetifvalue $0xFFFFFFFF  }
0x39c: {  	[spmem:s3] =	stream.indirect.scatter.add.f32 [tilespmem:s1], [sflag:$0x1], $0x1, s4, s2, $0x40b8;
	[tilespmem:$0x18100] =	vst v63  }
0x39d: {  	_ =	swait.ge [sflag:s0], $0x2400  }
0x39e: {  	[sflag:s0] =	ssyncset.done $0x0  }
0x39f: {  	[sflag:s0] =	ssyncadd.s32 $0xFFFFDC00  }
0x3a0: {  	_ =	swait.ge [sflag:s9], $0x5000  }
0x3a1: {  	[sflag:s9] =	ssyncset.done $0x0  }
0x3a2: {  	[sflag:s9] =	ssyncadd.s32 $0xFFFFB000  }
0x3a3: {  	[bflag:$0x0] =	sbarrier.arrive $0xFFFF  }
0x3a4: {  	s14 =	simm.s32 $0x20;
	s15 =	simm.s32 $0x10;
	s13 =	rddreg [dreg:$0xb]  }
0x3a5: {  	[hbm:s13@s14], [sflag:s11] =	dma.strided [spmem:s12@s15], $0x800, s0, $0x10   }
0x3a6: {  	_ =	swait.ge [sflag:s25], $0x800  }
0x3a7: {  	s10 =	sadd.s32 $0x1, s10;
	s24 =	rddreg [dreg:$0xc]  }
0x3a8: {  	p0 =	sne.s32 s10, s24  }
.Ltmp7:
0x3a9: {  	_ = 	snop;
	(pc) =	sbr.rel @p0 .LBB2_1-.Ltmp7, $3  }
0x3aa: {  	_ =	sdelay $0x1  }
0x3ab: {  	[sflag:s25] =	ssyncset.done $0x0  }
0x3ac: {  	[sflag:s25] =	ssyncadd.s32 $0xFFFFF800  }
0x3ad: {  	_ =	sfence.sel $0x180000  }
0x3ae: {  	[bflag:$0x0] =	sbarrier.arrive $0xFFFF  }
0x3af: {  	_ =	strace $0x90000047  }
0x3b0: {  	s0 =	stileid.u32;
	[bflag:$0x2] =	sbarrier.arrive $0xFFFF  }
0x3b1: {  	p0 =	sne.s32 s0, $0x0;
	s0 =	rddreg [dreg:$0x4]  }
0x3b2: {  	s0 =	sadd.s32 @!p0 $0x100000, s0  }
0x3b3: {  	[sflag:s0] =	ssyncadd.tile.s32 @!p0 $0x1;
	_ =	shalt  }
.Lfunc_end2:
_tile_overlayer_lowered:
.L_overlay_start_2:
0x3b4: {  	(tag) =	ssettag $0x2  }
0x3b5: {  	s0 =	rddreg [dreg:$0x0];
	s2 =	stileid.u32  }
0x3b6: {  	s1 =	rddreg [dreg:$0x1];
	p0 =	sne.s32 s2, $0x0  }
0x3b7: {  	s3 =	rddreg [dreg:$0x2];
	[bflag:$0x3] =	sbarrier.arrive $0xFFFF;
	s2 =	simm.s32 @!p0 $0x1C03  }
0x3b8: {  	[timem:s3], [sflag:s2] =	dma.local @!p0 [hbm:s0], s1  }
0x3b9: {  	s0 =	simm.s32 @!p0 $0x3  }
0x3ba: {  	_ =	swait.ge @!p0 [sflag:s0], s1  }
0x3bb: {  	s1 =	ssub.s32 @!p0 $0x0, s1;
	[sflag:s0] =	ssyncset.done @!p0 $0x0  }
0x3bc: {  	[sflag:s0] =	ssyncadd.s32 @!p0 s1  }
0x3bd: {  	[bflag:$0x3] =	sbarrier.arrive $0xFFFF  }
0x3be: {  	_ =	shalt  }

</sc_bundles>
